<compile_context>
chip_gen: v7x
topology: tpu7x:2x2x1
jax: 0.10.2.dev20260603
libtpu: 0.0.44.dev20260713+nightly
codegen_flags: <defaults>
</compile_context>

<pallas_src>
import jax
import jax.numpy as jnp
from jax import lax
from jax.experimental import pallas as pl
from jax.experimental.pallas import tpu as pltpu
from jax.experimental.pallas import tpu_sc as plsc

N_CH = 5000
N_PAD = 5120
N_SEND = 50000
N_SEND_PAD = 50048
HID = 128
T_STEPS = 5000
E = 150000
NT = 16
BLK = 64
EB = 152
E_TILE = EB * BLK
E_PAD = NT * E_TILE
GRP = 8
NGRP = EB // GRP


def _deg_body(idx_send, idx_recv, zeros_big, ones_rows,
              hist_send, hist_recv,
              spm_s, spm_r, zbuf, sidx_v, ridx_v, ones_v, sem_s, sem_r):
    cid = lax.axis_index("c")
    sid = lax.axis_index("s")
    rb = N_SEND_PAD // NT
    rc = N_PAD // NT
    pltpu.sync_copy(zeros_big, zbuf)
    pltpu.sync_copy(zbuf, spm_s.at[pl.ds(sid * rb, rb)])
    pltpu.sync_copy(zbuf.at[pl.ds(0, rc)], spm_r.at[pl.ds(sid * rc, rc)])
    pltpu.sync_copy(ones_rows, ones_v)
    pltpu.sync_copy(idx_send.at[cid, sid], sidx_v)
    pltpu.sync_copy(idx_recv.at[cid, sid], ridx_v)
    plsc.subcore_barrier()

    def grp(g, carry):
        hs = []
        for b in range(GRP):
            j = g * GRP + b
            hs.append(pltpu.async_copy(ones_v, spm_s.at[sidx_v.at[j]],
                                       sem_s, add=True))
            hs.append(pltpu.async_copy(ones_v, spm_r.at[ridx_v.at[j]],
                                       sem_r, add=True))
        for h in hs:
            h.wait()
        return carry

    lax.fori_loop(0, NGRP, grp, 0)
    plsc.subcore_barrier()
    pltpu.sync_copy(spm_s.at[pl.ds(sid * rb, rb)], zbuf)
    pltpu.sync_copy(zbuf, hist_send.at[cid, pl.ds(sid * rb, rb)])
    pltpu.sync_copy(spm_r.at[pl.ds(sid * rc, rc)], zbuf.at[pl.ds(0, rc)])
    pltpu.sync_copy(zbuf.at[pl.ds(0, rc)],
                    hist_recv.at[cid, pl.ds(sid * rc, rc)])


def _run_degrees(idx_send2, idx_recv2):
    mesh = plsc.VectorSubcoreMesh(core_axis_name="c", subcore_axis_name="s")
    ones_rows = jnp.zeros((BLK, 16), jnp.float32).at[:, 0].set(1.0)
    rb = N_SEND_PAD // NT
    return pl.kernel(
        _deg_body,
        out_type=[jax.ShapeDtypeStruct((2, N_SEND_PAD, 16), jnp.float32),
                  jax.ShapeDtypeStruct((2, N_PAD, 16), jnp.float32)],
        mesh=mesh,
        compiler_params=pltpu.CompilerParams(use_tc_tiling_on_sc=False),
        scratch_types=[
            pltpu.VMEM_SHARED((N_SEND_PAD, 16), jnp.float32),
            pltpu.VMEM_SHARED((N_PAD, 16), jnp.float32),
            pltpu.VMEM((rb, 16), jnp.float32),
            pltpu.VMEM((EB, BLK), jnp.int32),
            pltpu.VMEM((EB, BLK), jnp.int32),
            pltpu.VMEM((BLK, 16), jnp.float32),
            pltpu.SemaphoreType.DMA,
            pltpu.SemaphoreType.DMA,
        ],
    )(idx_send2, idx_recv2, jnp.zeros((rb, 16), jnp.float32), ones_rows)


def _agg_body(h_a, h_b, idx_send, idx_recv, zeros_acc,
              acc_a, acc_b,
              spm_acc, sidx_v, ridx_v,
              buf0, buf1, buf2, buf3, buf4, buf5, buf6, buf7,
              sg0, sg1, sg2, sg3, sg4, sg5, sg6, sg7,
              ss0, ss1, ss2, ss3, ss4, ss5, ss6, ss7):
    cid = lax.axis_index("c")
    sid = lax.axis_index("s")
    rc = N_PAD // NT
    bufs = (buf0, buf1, buf2, buf3, buf4, buf5, buf6, buf7)
    sgs = (sg0, sg1, sg2, sg3, sg4, sg5, sg6, sg7)
    sss = (ss0, ss1, ss2, ss3, ss4, ss5, ss6, ss7)
    pltpu.sync_copy(zeros_acc, buf0)
    for k in range(rc // 64):
        pltpu.sync_copy(buf0, spm_acc.at[pl.ds(sid * rc + k * 64, 64)])
    pltpu.sync_copy(idx_send.at[cid, sid], sidx_v)
    pltpu.sync_copy(idx_recv.at[cid, sid], ridx_v)
    plsc.subcore_barrier()

    def run(h_table):
        for b in range(GRP):
            pltpu.async_copy(h_table.at[sidx_v.at[b]], bufs[b], sgs[b])

        def grp(g, carry):
            for b in range(GRP):
                j = g * GRP + b
                pltpu.make_async_copy(h_table.at[sidx_v.at[0]],
                                      bufs[b], sgs[b]).wait()
                pltpu.async_copy(bufs[b], spm_acc.at[ridx_v.at[j]],
                                 sss[b], add=True)
            for b in range(GRP):
                pltpu.make_async_copy(bufs[b], spm_acc.at[ridx_v.at[0]],
                                      sss[b]).wait()

            @pl.when(g < NGRP - 1)
            def _():
                for b in range(GRP):
                    jn = (g + 1) * GRP + b
                    pltpu.async_copy(h_table.at[sidx_v.at[jn]],
                                     bufs[b], sgs[b])
            return carry

        lax.fori_loop(0, NGRP, grp, 0)

    @pl.when(cid == 0)
    def _():
        run(h_a)

    @pl.when(cid == 1)
    def _():
        run(h_b)

    plsc.subcore_barrier()

    def export(out_ref):
        for k in range(rc // 64):
            pltpu.sync_copy(spm_acc.at[pl.ds(sid * rc + k * 64, 64)], buf0)
            pltpu.sync_copy(buf0, out_ref.at[pl.ds(sid * rc + k * 64, 64)])

    @pl.when(cid == 0)
    def _():
        export(acc_a)

    @pl.when(cid == 1)
    def _():
        export(acc_b)


def _run_agg(h_a, h_b, idx_send2, idx_recv2):
    mesh = plsc.VectorSubcoreMesh(core_axis_name="c", subcore_axis_name="s")
    sems = [pltpu.SemaphoreType.DMA] * (2 * GRP)
    return pl.kernel(
        _agg_body,
        out_type=[jax.ShapeDtypeStruct((N_PAD, HID), jnp.float32),
                  jax.ShapeDtypeStruct((N_PAD, HID), jnp.float32)],
        mesh=mesh,
        compiler_params=pltpu.CompilerParams(use_tc_tiling_on_sc=False),
        scratch_types=[
            pltpu.VMEM_SHARED((N_PAD, HID), jnp.float32),
            pltpu.VMEM((EB, BLK), jnp.int32),
            pltpu.VMEM((EB, BLK), jnp.int32),
        ] + [pltpu.VMEM((BLK, HID), jnp.float32)] * GRP + sems,
    )(h_a, h_b, idx_send2, idx_recv2,
      jnp.zeros((64, HID), jnp.float32))


def _h_kernel(x_ref, w_ref, hist_ref, o_ref):
    rs = lax.rsqrt(jnp.maximum(hist_ref[...][:, 0:1], 1.0))
    o_ref[...] = jnp.dot(x_ref[...], w_ref[...],
                         preferred_element_type=jnp.float32) * rs


def _scaled_h(x_pad, w, hist):
    blk = N_SEND_PAD // 8
    return pl.pallas_call(
        _h_kernel,
        grid=(8,),
        in_specs=[pl.BlockSpec((blk, HID), lambda i: (i, 0)),
                  pl.BlockSpec((HID, HID), lambda i: (0, 0)),
                  pl.BlockSpec((blk, 16), lambda i: (i, 0))],
        out_specs=pl.BlockSpec((blk, HID), lambda i: (i, 0)),
        out_shape=jax.ShapeDtypeStruct((N_SEND_PAD, HID), jnp.float32),
    )(x_pad, w, hist)


def _head_kernel(acc_a_ref, acc_b_ref, hist_a_ref, hist_b_ref,
                 b_a_ref, b_b_ref,
                 wih0t_ref, bih0_ref, bhh0_ref,
                 wbig_ref, bih1_ref, bhh1_ref,
                 out_ref, gx_ref):
    rs_a = lax.rsqrt(jnp.maximum(hist_a_ref[...][:, 0:1], 1.0))
    rs_b = lax.rsqrt(jnp.maximum(hist_b_ref[...][:, 0:1], 1.0))
    h_ch = ((acc_a_ref[...] * rs_a + b_a_ref[...])
            + (acc_b_ref[...] * rs_b + b_b_ref[...]))
    gx_ref[...] = jnp.dot(h_ch, wih0t_ref[...],
                          preferred_element_type=jnp.float32) + bih0_ref[...]

    wbig = wbig_ref[...]
    bhh0 = bhh0_ref[...]
    bih1 = bih1_ref[...]
    bhh1 = bhh1_ref[...]

    def cell(g, c):
        sg = jax.nn.sigmoid(g[:, :3 * HID])
        gg = jnp.tanh(g[:, 3 * HID:])
        i = sg[:, :HID]
        f = sg[:, HID:2 * HID]
        o = sg[:, 2 * HID:3 * HID]
        c2 = f * c + i * gg
        return o * jnp.tanh(c2), c2

    h1, c1 = cell(gx_ref[pl.ds(0, 1), :] + bhh0, jnp.zeros((1, HID), jnp.float32))
    h2 = jnp.zeros((1, HID), jnp.float32)
    c2 = jnp.zeros((1, HID), jnp.float32)

    def step(t, h1, c1, h2, c2):
        hh = jnp.concatenate([h1, h2], axis=1)
        z = jnp.dot(hh, wbig, preferred_element_type=jnp.float32)
        g1 = (gx_ref[pl.ds(t, 1), :] + z[:, :4 * HID]) + bhh0
        h1n, c1n = cell(g1, c1)
        g2 = ((z[:, 4 * HID:8 * HID] + bih1) + z[:, 8 * HID:]) + bhh1
        h2n, c2n = cell(g2, c2)
        return h1n, c1n, h2n, c2n

    def body(tt, carry):
        t = 2 * tt + 1
        carry = step(t, *carry)
        carry = step(t + 1, *carry)
        return carry

    h1, c1, h2, c2 = lax.fori_loop(0, T_STEPS // 2, body, (h1, c1, h2, c2))
    out_ref[...] = h2


def _run_head(acc_a, acc_b, hist_a, hist_b, b_a, b_b,
              W_ih0, W_hh0, b_ih0, b_hh0, W_ih1, W_hh1, b_ih1, b_hh1,
              fc1_w, fc1_b, fc2_w, fc2_b):
    perm = jnp.concatenate([jnp.arange(0, 2 * HID), jnp.arange(3 * HID, 4 * HID),
                            jnp.arange(2 * HID, 3 * HID)])
    W_ih0 = W_ih0[perm]
    W_hh0 = W_hh0[perm]
    b_ih0 = b_ih0[perm]
    b_hh0 = b_hh0[perm]
    W_ih1 = W_ih1[perm]
    W_hh1 = W_hh1[perm]
    b_ih1 = b_ih1[perm]
    b_hh1 = b_hh1[perm]
    zblk = jnp.zeros((HID, 4 * HID), jnp.float32)
    wbig = jnp.concatenate([
        jnp.concatenate([W_hh0.T, W_ih1.T, zblk], axis=1),
        jnp.concatenate([zblk, zblk, W_hh1.T], axis=1),
    ], axis=0)
    h2 = pl.pallas_call(
        _head_kernel,
        out_shape=jax.ShapeDtypeStruct((1, HID), jnp.float32),
        scratch_shapes=[pltpu.VMEM((N_PAD, 4 * HID), jnp.float32)],
    )(acc_a, acc_b, hist_a, hist_b, b_a[None, :], b_b[None, :],
      W_ih0.T, b_ih0[None, :], b_hh0[None, :],
      wbig, b_ih1[None, :], b_hh1[None, :])
    last = h2[0]
    z = jnp.maximum(last @ fc1_w.T + fc1_b, 0.0)
    return (z @ fc2_w.T + fc2_b)[None, :]


def _prep_idx(idx, fill):
    pad = jnp.full((E_PAD - E,), fill, jnp.int32)
    return jnp.concatenate([idx, pad]).reshape(NT, EB, BLK)


def kernel(x_hru, x_ws, x_gw, x_channel,
           ei_climate_src, ei_climate_dst, ei_swgw_src, ei_swgw_dst,
           ei_gwsw_src, ei_gwsw_dst, ei_sw_src, ei_sw_dst,
           W_climate, b_climate, W_swgw, b_swgw, W_gwsw, b_gwsw, W_sw, b_sw,
           W_ih0, W_hh0, b_ih0, b_hh0, W_ih1, W_hh1, b_ih1, b_hh1,
           fc1_w, fc1_b, fc2_w, fc2_b):
    idx_send2 = jnp.stack([_prep_idx(ei_gwsw_dst, N_SEND),
                           _prep_idx(ei_sw_dst, N_SEND)])
    idx_recv2 = jnp.stack([_prep_idx(ei_gwsw_src, N_CH),
                           _prep_idx(ei_sw_src, N_CH)])

    hist_send, hist_recv = _run_degrees(idx_send2, idx_recv2)

    x_a = jnp.pad(x_gw, ((0, N_SEND_PAD - N_SEND), (0, 0)))
    x_b = jnp.pad(x_hru, ((0, N_SEND_PAD - N_SEND), (0, 0)))
    h_a = _scaled_h(x_a, W_gwsw, hist_send[0])
    h_b = _scaled_h(x_b, W_sw, hist_send[1])

    acc_a, acc_b = _run_agg(h_a, h_b, idx_send2, idx_recv2)

    return _run_head(acc_a, acc_b, hist_recv[0], hist_recv[1], b_gwsw, b_sw,
                     W_ih0, W_hh0, b_ih0, b_hh0,
                     W_ih1, W_hh1, b_ih1, b_hh1,
                     fc1_w, fc1_b, fc2_w, fc2_b)

# --- scband reference (transcript-rebuilt; emitter-appended) ---
"""Pipeline reference for scband-hetero-gnn-lstm-49752901157181 (READ-ONLY COPY).

The authoritative reference and input builder live on the scoring server;
editing this copy changes nothing except your own understanding.
"""

import jax, jax.numpy as jnp
import numpy as np

N_HRU = 50000
N_WS = 10000
N_GW = 50000
N_CH = 5000
E = 150000
D_IN = 128
HID = 128
OUT = 1


def _gcn(x_send, W, b, send_idx, recv_idx, n_recv):
    # GCNConv(add_self_loops=False): symmetric degree normalization over the edge set
    h = x_send @ W  # [N_send, HID]
    deg_s = jnp.zeros((x_send.shape[0],), jnp.float32).at[send_idx].add(1.0)
    deg_r = jnp.zeros((n_recv,), jnp.float32).at[recv_idx].add(1.0)
    norm = jax.lax.rsqrt(jnp.maximum(deg_s[send_idx], 1.0)) * jax.lax.rsqrt(jnp.maximum(deg_r[recv_idx], 1.0))
    msg = h[send_idx] * norm[:, None]
    out = jnp.zeros((n_recv, W.shape[1]), x_send.dtype).at[recv_idx].add(msg)
    return out + b


def _lstm_layer(x, Wih, Whh, bih, bhh):
    # PyTorch LSTM gate order: i, f, g, o
    Hd = Whh.shape[1]
    gx = x @ Wih.T + bih  # [T, 4H]
    def step(carry, g_in):
        h, c = carry
        g = g_in + Whh @ h + bhh
        i = jax.nn.sigmoid(g[:Hd])
        f = jax.nn.sigmoid(g[Hd:2 * Hd])
        gg = jnp.tanh(g[2 * Hd:3 * Hd])
        o = jax.nn.sigmoid(g[3 * Hd:])
        c2 = f * c + i * gg
        h2 = o * jnp.tanh(c2)
        return (h2, c2), h2
    init = (jnp.zeros((Hd,), x.dtype), jnp.zeros((Hd,), x.dtype))
    _, ys = jax.lax.scan(step, init, gx)
    return ys


def setup_inputs(seed: int = 0):
    key = jax.random.key(seed)
    ks = jax.random.split(key, 40)
    s = 0.05
    inp = {}
    inp['x_hru'] = jax.random.normal(ks[0], (N_HRU, D_IN), jnp.float32)
    inp['x_ws'] = jax.random.normal(ks[1], (N_WS, D_IN), jnp.float32)
    inp['x_gw'] = jax.random.normal(ks[2], (N_GW, D_IN), jnp.float32)
    inp['x_channel'] = jax.random.normal(ks[3], (N_CH, D_IN), jnp.float32)
    inp['ei_climate_src'] = jax.random.randint(ks[4], (E,), 0, N_HRU, dtype=jnp.int32)
    inp['ei_climate_dst'] = jax.random.randint(ks[5], (E,), 0, N_WS, dtype=jnp.int32)
    inp['ei_swgw_src'] = jax.random.randint(ks[6], (E,), 0, N_GW, dtype=jnp.int32)
    inp['ei_swgw_dst'] = jax.random.randint(ks[7], (E,), 0, N_HRU, dtype=jnp.int32)
    inp['ei_gwsw_src'] = jax.random.randint(ks[8], (E,), 0, N_CH, dtype=jnp.int32)
    inp['ei_gwsw_dst'] = jax.random.randint(ks[9], (E,), 0, N_GW, dtype=jnp.int32)
    inp['ei_sw_src'] = jax.random.randint(ks[10], (E,), 0, N_CH, dtype=jnp.int32)
    inp['ei_sw_dst'] = jax.random.randint(ks[11], (E,), 0, N_HRU, dtype=jnp.int32)
    inp['W_climate'] = jax.random.normal(ks[12], (D_IN, HID), jnp.float32) * s
    inp['b_climate'] = jnp.zeros((HID,), jnp.float32)
    inp['W_swgw'] = jax.random.normal(ks[13], (D_IN, HID), jnp.float32) * s
    inp['b_swgw'] = jnp.zeros((HID,), jnp.float32)
    inp['W_gwsw'] = jax.random.normal(ks[14], (D_IN, HID), jnp.float32) * s
    inp['b_gwsw'] = jnp.zeros((HID,), jnp.float32)
    inp['W_sw'] = jax.random.normal(ks[15], (D_IN, HID), jnp.float32) * s
    inp['b_sw'] = jnp.zeros((HID,), jnp.float32)
    inp['W_ih0'] = jax.random.normal(ks[16], (4 * HID, HID), jnp.float32) * s
    inp['W_hh0'] = jax.random.normal(ks[17], (4 * HID, HID), jnp.float32) * s
    inp['b_ih0'] = jnp.zeros((4 * HID,), jnp.float32)
    inp['b_hh0'] = jnp.zeros((4 * HID,), jnp.float32)
    inp['W_ih1'] = jax.random.normal(ks[18], (4 * HID, HID), jnp.float32) * s
    inp['W_hh1'] = jax.random.normal(ks[19], (4 * HID, HID), jnp.float32) * s
    inp['b_ih1'] = jnp.zeros((4 * HID,), jnp.float32)
    inp['b_hh1'] = jnp.zeros((4 * HID,), jnp.float32)
    inp['fc1_w'] = jax.random.normal(ks[20], (HID // 2, HID), jnp.float32) * s
    inp['fc1_b'] = jnp.zeros((HID // 2,), jnp.float32)
    inp['fc2_w'] = jax.random.normal(ks[21], (OUT, HID // 2), jnp.float32) * s
    inp['fc2_b'] = jnp.zeros((OUT,), jnp.float32)
    return inp


def reference(x_hru, x_ws, x_gw, x_channel,
              ei_climate_src, ei_climate_dst, ei_swgw_src, ei_swgw_dst,
              ei_gwsw_src, ei_gwsw_dst, ei_sw_src, ei_sw_dst,
              W_climate, b_climate, W_swgw, b_swgw, W_gwsw, b_gwsw, W_sw, b_sw,
              W_ih0, W_hh0, b_ih0, b_hh0, W_ih1, W_hh1, b_ih1, b_hh1,
              fc1_w, fc1_b, fc2_w, fc2_b):
    # HeteroConv with author-intended flow: first node type in each edge tuple receives
    # messages from the last node type (so 'channel' exists in the output dict).
    h_hru = _gcn(x_ws, W_climate, b_climate, ei_climate_dst, ei_climate_src, N_HRU)
    h_gw = _gcn(x_hru, W_swgw, b_swgw, ei_swgw_dst, ei_swgw_src, N_GW)
    h_ch = (_gcn(x_gw, W_gwsw, b_gwsw, ei_gwsw_dst, ei_gwsw_src, N_CH)
            + _gcn(x_hru, W_sw, b_sw, ei_sw_dst, ei_sw_src, N_CH))  # aggr='sum'
    _ = (h_hru, h_gw)  # computed by HeteroConv but unused (forward selects 'channel')
    # x.unsqueeze(0) -> batch of 1, sequence over channel nodes
    y = _lstm_layer(h_ch, W_ih0, W_hh0, b_ih0, b_hh0)
    y = _lstm_layer(y, W_ih1, W_hh1, b_ih1, b_hh1)
    last = y[-1]  # x[:, -1, :] with batch 1
    z = jnp.maximum(last @ fc1_w.T + fc1_b, 0.0)
    # dropout inactive in eval mode
    out = z @ fc2_w.T + fc2_b
    return out[None, :]  # [1, OUT]

if __name__ == "__main__":
    import jax
    _d = setup_inputs()
    print(jax.jit(kernel)(*tuple(_d.values())))

</pallas_src>

<mosaic_0001>
#map = affine_map<(d0, d1) -> (0, 0, 0, 0)>
#map1 = affine_map<(d0, d1) -> (0, 0)>
#map2 = affine_map<(d0, d1) -> (0, 0, 0)>
module attributes {stable_mosaic.version = 14 : i64} {
  func.func @_deg_body(%arg0: i32, %arg1: i32, %arg2: memref<2x16x152x64xi32, #tpu.memory_space<hbm>>, %arg3: memref<2x16x152x64xi32, #tpu.memory_space<hbm>>, %arg4: memref<3128x16xf32, #tpu.memory_space<hbm>>, %arg5: memref<64x16xf32, #tpu.memory_space<hbm>>, %arg6: memref<2x50048x16xf32, #tpu.memory_space<hbm>>, %arg7: memref<2x5120x16xf32, #tpu.memory_space<hbm>>, %arg8: memref<50048x16xf32, #tpu.memory_space<vmem_shared>>, %arg9: memref<5120x16xf32, #tpu.memory_space<vmem_shared>>, %arg10: memref<3128x16xf32, #tpu.memory_space<vmem>>, %arg11: memref<152x64xi32, #tpu.memory_space<vmem>>, %arg12: memref<152x64xi32, #tpu.memory_space<vmem>>, %arg13: memref<64x16xf32, #tpu.memory_space<vmem>>, %arg14: memref<!tpu.dma_semaphore, #tpu.memory_space<semaphore_mem>>, %arg15: memref<!tpu.dma_semaphore, #tpu.memory_space<semaphore_mem>>) attributes {dimension_semantics = [#tpu.dimension_semantics<core_parallel>, #tpu.dimension_semantics<subcore_parallel>], iteration_bounds = array<i64: 2, 16>, scalar_prefetch = 0 : i64, scratch_operands = 8 : i64, tpu.core_type = #tpu.core_type<sc_vector_subcore>, window_params = [{transform_indices = #map}, {transform_indices = #map}, {transform_indices = #map1}, {transform_indices = #map1}, {transform_indices = #map2}, {transform_indices = #map2}]} {
    "tpu.region"() ({
      %run_scoped3A = tpu.sem_alloc : memref<!tpu.dma_semaphore, #tpu.memory_space<semaphore_mem>>
      tpu.enqueue_dma source(%arg4 : memref<3128x16xf32, #tpu.memory_space<hbm>>) target(%arg10 : memref<3128x16xf32, #tpu.memory_space<vmem>>) target_semaphore(%run_scoped3A : memref<!tpu.dma_semaphore, #tpu.memory_space<semaphore_mem>>)
      tpu.wait_dma2 semaphore(%run_scoped3A : memref<!tpu.dma_semaphore, #tpu.memory_space<semaphore_mem>>) src(%arg4 : memref<3128x16xf32, #tpu.memory_space<hbm>>) dst(%arg10 : memref<3128x16xf32, #tpu.memory_space<vmem>>)
      tpu.yield
    }) : () -> ()
    %mul3A = arith.constant 3128 : i32
    %mul3A_0 = arith.muli %arg1, %mul3A : i32
    "tpu.region"() ({
      %run_scoped3A = tpu.sem_alloc : memref<!tpu.dma_semaphore, #tpu.memory_space<semaphore_mem>>
      %dma_start3A = arith.constant 0 : i32
      %dma_start3A_17 = tpu.memref_slice %arg8[%mul3A_0, %dma_start3A] : memref<50048x16xf32, #tpu.memory_space<vmem_shared>> -> memref<3128x16xf32, #tpu.memory_space<vmem_shared>>
      %dma_start3A_18 = arith.constant 0 : i32
      %dma_start3A_19 = tpu.memref_slice %arg8[%mul3A_0, %dma_start3A_18] : memref<50048x16xf32, #tpu.memory_space<vmem_shared>> -> memref<3128x16xf32, #tpu.memory_space<vmem_shared>>
      tpu.enqueue_dma source(%arg10 : memref<3128x16xf32, #tpu.memory_space<vmem>>) target(%dma_start3A_19 : memref<3128x16xf32, #tpu.memory_space<vmem_shared>>) target_semaphore(%run_scoped3A : memref<!tpu.dma_semaphore, #tpu.memory_space<semaphore_mem>>)
      %dma_wait3A = arith.constant 0 : i32
      %dma_wait3A_20 = tpu.memref_slice %arg8[%mul3A_0, %dma_wait3A] : memref<50048x16xf32, #tpu.memory_space<vmem_shared>> -> memref<3128x16xf32, #tpu.memory_space<vmem_shared>>
      %dma_wait3A_21 = arith.constant 0 : i32
      %dma_wait3A_22 = tpu.memref_slice %arg8[%mul3A_0, %dma_wait3A_21] : memref<50048x16xf32, #tpu.memory_space<vmem_shared>> -> memref<3128x16xf32, #tpu.memory_space<vmem_shared>>
      tpu.wait_dma2 semaphore(%run_scoped3A : memref<!tpu.dma_semaphore, #tpu.memory_space<semaphore_mem>>) src(%arg10 : memref<3128x16xf32, #tpu.memory_space<vmem>>) dst(%dma_wait3A_22 : memref<3128x16xf32, #tpu.memory_space<vmem_shared>>)
      tpu.yield
    }) : () -> ()
    %mul3A_1 = arith.constant 320 : i32
    %mul3A_2 = arith.muli %arg1, %mul3A_1 : i32
    "tpu.region"() ({
      %run_scoped3A = tpu.sem_alloc : memref<!tpu.dma_semaphore, #tpu.memory_space<semaphore_mem>>
      %dma_start3A = arith.constant 0 : i32
      %dma_start3A_17 = arith.constant 0 : i32
      %dma_start3A_18 = tpu.memref_slice %arg10[%dma_start3A, %dma_start3A_17] : memref<3128x16xf32, #tpu.memory_space<vmem>> -> memref<320x16xf32, #tpu.memory_space<vmem>>
      %dma_start3A_19 = arith.constant 0 : i32
      %dma_start3A_20 = tpu.memref_slice %arg9[%mul3A_2, %dma_start3A_19] : memref<5120x16xf32, #tpu.memory_space<vmem_shared>> -> memref<320x16xf32, #tpu.memory_space<vmem_shared>>
      %dma_start3A_21 = arith.constant 0 : i32
      %dma_start3A_22 = tpu.memref_slice %arg9[%mul3A_2, %dma_start3A_21] : memref<5120x16xf32, #tpu.memory_space<vmem_shared>> -> memref<320x16xf32, #tpu.memory_space<vmem_shared>>
      %dma_start3A_23 = arith.constant 0 : i32
      %dma_start3A_24 = arith.constant 0 : i32
      %dma_start3A_25 = tpu.memref_slice %arg10[%dma_start3A_23, %dma_start3A_24] : memref<3128x16xf32, #tpu.memory_space<vmem>> -> memref<320x16xf32, #tpu.memory_space<vmem>>
      tpu.enqueue_dma source(%dma_start3A_25 : memref<320x16xf32, #tpu.memory_space<vmem>>) target(%dma_start3A_22 : memref<320x16xf32, #tpu.memory_space<vmem_shared>>) target_semaphore(%run_scoped3A : memref<!tpu.dma_semaphore, #tpu.memory_space<semaphore_mem>>)
      %dma_wait3A = arith.constant 0 : i32
      %dma_wait3A_26 = arith.constant 0 : i32
      %dma_wait3A_27 = tpu.memref_slice %arg10[%dma_wait3A, %dma_wait3A_26] : memref<3128x16xf32, #tpu.memory_space<vmem>> -> memref<320x16xf32, #tpu.memory_space<vmem>>
      %dma_wait3A_28 = arith.constant 0 : i32
      %dma_wait3A_29 = tpu.memref_slice %arg9[%mul3A_2, %dma_wait3A_28] : memref<5120x16xf32, #tpu.memory_space<vmem_shared>> -> memref<320x16xf32, #tpu.memory_space<vmem_shared>>
      %dma_wait3A_30 = arith.constant 0 : i32
      %dma_wait3A_31 = tpu.memref_slice %arg9[%mul3A_2, %dma_wait3A_30] : memref<5120x16xf32, #tpu.memory_space<vmem_shared>> -> memref<320x16xf32, #tpu.memory_space<vmem_shared>>
      %dma_wait3A_32 = arith.constant 0 : i32
      %dma_wait3A_33 = arith.constant 0 : i32
      %dma_wait3A_34 = tpu.memref_slice %arg10[%dma_wait3A_32, %dma_wait3A_33] : memref<3128x16xf32, #tpu.memory_space<vmem>> -> memref<320x16xf32, #tpu.memory_space<vmem>>
      tpu.wait_dma2 semaphore(%run_scoped3A : memref<!tpu.dma_semaphore, #tpu.memory_space<semaphore_mem>>) src(%dma_wait3A_34 : memref<320x16xf32, #tpu.memory_space<vmem>>) dst(%dma_wait3A_31 : memref<320x16xf32, #tpu.memory_space<vmem_shared>>)
      tpu.yield
    }) : () -> ()
    "tpu.region"() ({
      %run_scoped3A = tpu.sem_alloc : memref<!tpu.dma_semaphore, #tpu.memory_space<semaphore_mem>>
      tpu.enqueue_dma source(%arg5 : memref<64x16xf32, #tpu.memory_space<hbm>>) target(%arg13 : memref<64x16xf32, #tpu.memory_space<vmem>>) target_semaphore(%run_scoped3A : memref<!tpu.dma_semaphore, #tpu.memory_space<semaphore_mem>>)
      tpu.wait_dma2 semaphore(%run_scoped3A : memref<!tpu.dma_semaphore, #tpu.memory_space<semaphore_mem>>) src(%arg5 : memref<64x16xf32, #tpu.memory_space<hbm>>) dst(%arg13 : memref<64x16xf32, #tpu.memory_space<vmem>>)
      tpu.yield
    }) : () -> ()
    "tpu.region"() ({
      %run_scoped3A = tpu.sem_alloc : memref<!tpu.dma_semaphore, #tpu.memory_space<semaphore_mem>>
      %dma_start3A = arith.constant 0 : i32
      %dma_start3A_17 = arith.constant 0 : i32
      %dma_start3A_18 = tpu.memref_slice %arg2[%arg0, %arg1, %dma_start3A, %dma_start3A_17] : memref<2x16x152x64xi32, #tpu.memory_space<hbm>> -> memref<1x1x152x64xi32, #tpu.memory_space<hbm>>
      %dma_start3A_19 = tpu.memref_squeeze %dma_start3A_18 : memref<1x1x152x64xi32, #tpu.memory_space<hbm>> -> memref<152x64xi32, #tpu.memory_space<hbm>>
      %dma_start3A_20 = arith.constant 0 : i32
      %dma_start3A_21 = arith.constant 0 : i32
      %dma_start3A_22 = tpu.memref_slice %arg2[%arg0, %arg1, %dma_start3A_20, %dma_start3A_21] : memref<2x16x152x64xi32, #tpu.memory_space<hbm>> -> memref<1x1x152x64xi32, #tpu.memory_space<hbm>>
      %dma_start3A_23 = tpu.memref_squeeze %dma_start3A_22 : memref<1x1x152x64xi32, #tpu.memory_space<hbm>> -> memref<152x64xi32, #tpu.memory_space<hbm>>
      tpu.enqueue_dma source(%dma_start3A_23 : memref<152x64xi32, #tpu.memory_space<hbm>>) target(%arg11 : memref<152x64xi32, #tpu.memory_space<vmem>>) target_semaphore(%run_scoped3A : memref<!tpu.dma_semaphore, #tpu.memory_space<semaphore_mem>>)
      %dma_wait3A = arith.constant 0 : i32
      %dma_wait3A_24 = arith.constant 0 : i32
      %dma_wait3A_25 = tpu.memref_slice %arg2[%arg0, %arg1, %dma_wait3A, %dma_wait3A_24] : memref<2x16x152x64xi32, #tpu.memory_space<hbm>> -> memref<1x1x152x64xi32, #tpu.memory_space<hbm>>
      %dma_wait3A_26 = tpu.memref_squeeze %dma_wait3A_25 : memref<1x1x152x64xi32, #tpu.memory_space<hbm>> -> memref<152x64xi32, #tpu.memory_space<hbm>>
      %dma_wait3A_27 = arith.constant 0 : i32
      %dma_wait3A_28 = arith.constant 0 : i32
      %dma_wait3A_29 = tpu.memref_slice %arg2[%arg0, %arg1, %dma_wait3A_27, %dma_wait3A_28] : memref<2x16x152x64xi32, #tpu.memory_space<hbm>> -> memref<1x1x152x64xi32, #tpu.memory_space<hbm>>
      %dma_wait3A_30 = tpu.memref_squeeze %dma_wait3A_29 : memref<1x1x152x64xi32, #tpu.memory_space<hbm>> -> memref<152x64xi32, #tpu.memory_space<hbm>>
      tpu.wait_dma2 semaphore(%run_scoped3A : memref<!tpu.dma_semaphore, #tpu.memory_space<semaphore_mem>>) src(%dma_wait3A_30 : memref<152x64xi32, #tpu.memory_space<hbm>>) dst(%arg11 : memref<152x64xi32, #tpu.memory_space<vmem>>)
      tpu.yield
    }) : () -> ()
    "tpu.region"() ({
      %run_scoped3A = tpu.sem_alloc : memref<!tpu.dma_semaphore, #tpu.memory_space<semaphore_mem>>
      %dma_start3A = arith.constant 0 : i32
      %dma_start3A_17 = arith.constant 0 : i32
      %dma_start3A_18 = tpu.memref_slice %arg3[%arg0, %arg1, %dma_start3A, %dma_start3A_17] : memref<2x16x152x64xi32, #tpu.memory_space<hbm>> -> memref<1x1x152x64xi32, #tpu.memory_space<hbm>>
      %dma_start3A_19 = tpu.memref_squeeze %dma_start3A_18 : memref<1x1x152x64xi32, #tpu.memory_space<hbm>> -> memref<152x64xi32, #tpu.memory_space<hbm>>
      %dma_start3A_20 = arith.constant 0 : i32
      %dma_start3A_21 = arith.constant 0 : i32
      %dma_start3A_22 = tpu.memref_slice %arg3[%arg0, %arg1, %dma_start3A_20, %dma_start3A_21] : memref<2x16x152x64xi32, #tpu.memory_space<hbm>> -> memref<1x1x152x64xi32, #tpu.memory_space<hbm>>
      %dma_start3A_23 = tpu.memref_squeeze %dma_start3A_22 : memref<1x1x152x64xi32, #tpu.memory_space<hbm>> -> memref<152x64xi32, #tpu.memory_space<hbm>>
      tpu.enqueue_dma source(%dma_start3A_23 : memref<152x64xi32, #tpu.memory_space<hbm>>) target(%arg12 : memref<152x64xi32, #tpu.memory_space<vmem>>) target_semaphore(%run_scoped3A : memref<!tpu.dma_semaphore, #tpu.memory_space<semaphore_mem>>)
      %dma_wait3A = arith.constant 0 : i32
      %dma_wait3A_24 = arith.constant 0 : i32
      %dma_wait3A_25 = tpu.memref_slice %arg3[%arg0, %arg1, %dma_wait3A, %dma_wait3A_24] : memref<2x16x152x64xi32, #tpu.memory_space<hbm>> -> memref<1x1x152x64xi32, #tpu.memory_space<hbm>>
      %dma_wait3A_26 = tpu.memref_squeeze %dma_wait3A_25 : memref<1x1x152x64xi32, #tpu.memory_space<hbm>> -> memref<152x64xi32, #tpu.memory_space<hbm>>
      %dma_wait3A_27 = arith.constant 0 : i32
      %dma_wait3A_28 = arith.constant 0 : i32
      %dma_wait3A_29 = tpu.memref_slice %arg3[%arg0, %arg1, %dma_wait3A_27, %dma_wait3A_28] : memref<2x16x152x64xi32, #tpu.memory_space<hbm>> -> memref<1x1x152x64xi32, #tpu.memory_space<hbm>>
      %dma_wait3A_30 = tpu.memref_squeeze %dma_wait3A_29 : memref<1x1x152x64xi32, #tpu.memory_space<hbm>> -> memref<152x64xi32, #tpu.memory_space<hbm>>
      tpu.wait_dma2 semaphore(%run_scoped3A : memref<!tpu.dma_semaphore, #tpu.memory_space<semaphore_mem>>) src(%dma_wait3A_30 : memref<152x64xi32, #tpu.memory_space<hbm>>) dst(%arg12 : memref<152x64xi32, #tpu.memory_space<vmem>>)
      tpu.yield
    }) : () -> ()
    %barrier3A = arith.constant 0 : index
    tpu.barrier barrier_id(%barrier3A)
    %scan3A = arith.constant 0 : i32
    %scan3A_3 = arith.constant 0 : i32
    %scan3A_4 = arith.constant 19 : i32
    %scan3A_5 = arith.addi %scan3A_3, %scan3A_4 : i32
    %scan3A_6 = arith.constant 1 : i32
    scf.for %scan3A_17 = %scan3A_3 to %scan3A_5 step %scan3A_6  : i32 {
      %mul3A_18 = arith.constant 8 : i32
      %mul3A_19 = arith.muli %scan3A_17, %mul3A_18 : i32
      %add3A = arith.constant 0 : i32
      %add3A_20 = arith.addi %mul3A_19, %add3A : i32
      %dma_start3A = arith.constant 0 : i32
      %dma_start3A_21 = tpu.memref_slice %arg11[%add3A_20, %dma_start3A] : memref<152x64xi32, #tpu.memory_space<vmem>> -> memref<1x64xi32, #tpu.memory_space<vmem>>
      %dma_start3A_22 = tpu.memref_squeeze %dma_start3A_21 : memref<1x64xi32, #tpu.memory_space<vmem>> -> memref<64xi32, #tpu.memory_space<vmem>>
      %dma_start3A_23 = arith.constant 0 : i32
      %dma_start3A_24 = arith.constant 0 : i32
      %dma_start3A_25 = tpu.memref_slice %arg8[%dma_start3A_23, %dma_start3A_24] : memref<50048x16xf32, #tpu.memory_space<vmem_shared>> -> memref<50048x16xf32, #tpu.memory_space<vmem_shared>>
      tpu.enqueue_indirect_dma source(%arg13 : memref<64x16xf32, #tpu.memory_space<vmem>>) target(%dma_start3A_25 : memref<50048x16xf32, #tpu.memory_space<vmem_shared>>) offsets(%dma_start3A_22 : memref<64xi32, #tpu.memory_space<vmem>>) semaphore(%arg14 : memref<!tpu.dma_semaphore, #tpu.memory_space<semaphore_mem>>) {add = true}
      %dma_start3A_26 = arith.constant 0 : i32
      %dma_start3A_27 = tpu.memref_slice %arg12[%add3A_20, %dma_start3A_26] : memref<152x64xi32, #tpu.memory_space<vmem>> -> memref<1x64xi32, #tpu.memory_space<vmem>>
      %dma_start3A_28 = tpu.memref_squeeze %dma_start3A_27 : memref<1x64xi32, #tpu.memory_space<vmem>> -> memref<64xi32, #tpu.memory_space<vmem>>
      %dma_start3A_29 = arith.constant 0 : i32
      %dma_start3A_30 = arith.constant 0 : i32
      %dma_start3A_31 = tpu.memref_slice %arg9[%dma_start3A_29, %dma_start3A_30] : memref<5120x16xf32, #tpu.memory_space<vmem_shared>> -> memref<5120x16xf32, #tpu.memory_space<vmem_shared>>
      tpu.enqueue_indirect_dma source(%arg13 : memref<64x16xf32, #tpu.memory_space<vmem>>) target(%dma_start3A_31 : memref<5120x16xf32, #tpu.memory_space<vmem_shared>>) offsets(%dma_start3A_28 : memref<64xi32, #tpu.memory_space<vmem>>) semaphore(%arg15 : memref<!tpu.dma_semaphore, #tpu.memory_space<semaphore_mem>>) {add = true}
      %mul3A_32 = arith.constant 8 : i32
      %mul3A_33 = arith.muli %scan3A_17, %mul3A_32 : i32
      %add3A_34 = arith.constant 1 : i32
      %add3A_35 = arith.addi %mul3A_33, %add3A_34 : i32
      %dma_start3A_36 = arith.constant 0 : i32
      %dma_start3A_37 = tpu.memref_slice %arg11[%add3A_35, %dma_start3A_36] : memref<152x64xi32, #tpu.memory_space<vmem>> -> memref<1x64xi32, #tpu.memory_space<vmem>>
      %dma_start3A_38 = tpu.memref_squeeze %dma_start3A_37 : memref<1x64xi32, #tpu.memory_space<vmem>> -> memref<64xi32, #tpu.memory_space<vmem>>
      %dma_start3A_39 = arith.constant 0 : i32
      %dma_start3A_40 = arith.constant 0 : i32
      %dma_start3A_41 = tpu.memref_slice %arg8[%dma_start3A_39, %dma_start3A_40] : memref<50048x16xf32, #tpu.memory_space<vmem_shared>> -> memref<50048x16xf32, #tpu.memory_space<vmem_shared>>
      tpu.enqueue_indirect_dma source(%arg13 : memref<64x16xf32, #tpu.memory_space<vmem>>) target(%dma_start3A_41 : memref<50048x16xf32, #tpu.memory_space<vmem_shared>>) offsets(%dma_start3A_38 : memref<64xi32, #tpu.memory_space<vmem>>) semaphore(%arg14 : memref<!tpu.dma_semaphore, #tpu.memory_space<semaphore_mem>>) {add = true}
      %dma_start3A_42 = arith.constant 0 : i32
      %dma_start3A_43 = tpu.memref_slice %arg12[%add3A_35, %dma_start3A_42] : memref<152x64xi32, #tpu.memory_space<vmem>> -> memref<1x64xi32, #tpu.memory_space<vmem>>
      %dma_start3A_44 = tpu.memref_squeeze %dma_start3A_43 : memref<1x64xi32, #tpu.memory_space<vmem>> -> memref<64xi32, #tpu.memory_space<vmem>>
      %dma_start3A_45 = arith.constant 0 : i32
      %dma_start3A_46 = arith.constant 0 : i32
      %dma_start3A_47 = tpu.memref_slice %arg9[%dma_start3A_45, %dma_start3A_46] : memref<5120x16xf32, #tpu.memory_space<vmem_shared>> -> memref<5120x16xf32, #tpu.memory_space<vmem_shared>>
      tpu.enqueue_indirect_dma source(%arg13 : memref<64x16xf32, #tpu.memory_space<vmem>>) target(%dma_start3A_47 : memref<5120x16xf32, #tpu.memory_space<vmem_shared>>) offsets(%dma_start3A_44 : memref<64xi32, #tpu.memory_space<vmem>>) semaphore(%arg15 : memref<!tpu.dma_semaphore, #tpu.memory_space<semaphore_mem>>) {add = true}
      %mul3A_48 = arith.constant 8 : i32
      %mul3A_49 = arith.muli %scan3A_17, %mul3A_48 : i32
      %add3A_50 = arith.constant 2 : i32
      %add3A_51 = arith.addi %mul3A_49, %add3A_50 : i32
      %dma_start3A_52 = arith.constant 0 : i32
      %dma_start3A_53 = tpu.memref_slice %arg11[%add3A_51, %dma_start3A_52] : memref<152x64xi32, #tpu.memory_space<vmem>> -> memref<1x64xi32, #tpu.memory_space<vmem>>
      %dma_start3A_54 = tpu.memref_squeeze %dma_start3A_53 : memref<1x64xi32, #tpu.memory_space<vmem>> -> memref<64xi32, #tpu.memory_space<vmem>>
      %dma_start3A_55 = arith.constant 0 : i32
      %dma_start3A_56 = arith.constant 0 : i32
      %dma_start3A_57 = tpu.memref_slice %arg8[%dma_start3A_55, %dma_start3A_56] : memref<50048x16xf32, #tpu.memory_space<vmem_shared>> -> memref<50048x16xf32, #tpu.memory_space<vmem_shared>>
      tpu.enqueue_indirect_dma source(%arg13 : memref<64x16xf32, #tpu.memory_space<vmem>>) target(%dma_start3A_57 : memref<50048x16xf32, #tpu.memory_space<vmem_shared>>) offsets(%dma_start3A_54 : memref<64xi32, #tpu.memory_space<vmem>>) semaphore(%arg14 : memref<!tpu.dma_semaphore, #tpu.memory_space<semaphore_mem>>) {add = true}
      %dma_start3A_58 = arith.constant 0 : i32
      %dma_start3A_59 = tpu.memref_slice %arg12[%add3A_51, %dma_start3A_58] : memref<152x64xi32, #tpu.memory_space<vmem>> -> memref<1x64xi32, #tpu.memory_space<vmem>>
      %dma_start3A_60 = tpu.memref_squeeze %dma_start3A_59 : memref<1x64xi32, #tpu.memory_space<vmem>> -> memref<64xi32, #tpu.memory_space<vmem>>
      %dma_start3A_61 = arith.constant 0 : i32
      %dma_start3A_62 = arith.constant 0 : i32
      %dma_start3A_63 = tpu.memref_slice %arg9[%dma_start3A_61, %dma_start3A_62] : memref<5120x16xf32, #tpu.memory_space<vmem_shared>> -> memref<5120x16xf32, #tpu.memory_space<vmem_shared>>
      tpu.enqueue_indirect_dma source(%arg13 : memref<64x16xf32, #tpu.memory_space<vmem>>) target(%dma_start3A_63 : memref<5120x16xf32, #tpu.memory_space<vmem_shared>>) offsets(%dma_start3A_60 : memref<64xi32, #tpu.memory_space<vmem>>) semaphore(%arg15 : memref<!tpu.dma_semaphore, #tpu.memory_space<semaphore_mem>>) {add = true}
      %mul3A_64 = arith.constant 8 : i32
      %mul3A_65 = arith.muli %scan3A_17, %mul3A_64 : i32
      %add3A_66 = arith.constant 3 : i32
      %add3A_67 = arith.addi %mul3A_65, %add3A_66 : i32
      %dma_start3A_68 = arith.constant 0 : i32
      %dma_start3A_69 = tpu.memref_slice %arg11[%add3A_67, %dma_start3A_68] : memref<152x64xi32, #tpu.memory_space<vmem>> -> memref<1x64xi32, #tpu.memory_space<vmem>>
      %dma_start3A_70 = tpu.memref_squeeze %dma_start3A_69 : memref<1x64xi32, #tpu.memory_space<vmem>> -> memref<64xi32, #tpu.memory_space<vmem>>
      %dma_start3A_71 = arith.constant 0 : i32
      %dma_start3A_72 = arith.constant 0 : i32
      %dma_start3A_73 = tpu.memref_slice %arg8[%dma_start3A_71, %dma_start3A_72] : memref<50048x16xf32, #tpu.memory_space<vmem_shared>> -> memref<50048x16xf32, #tpu.memory_space<vmem_shared>>
      tpu.enqueue_indirect_dma source(%arg13 : memref<64x16xf32, #tpu.memory_space<vmem>>) target(%dma_start3A_73 : memref<50048x16xf32, #tpu.memory_space<vmem_shared>>) offsets(%dma_start3A_70 : memref<64xi32, #tpu.memory_space<vmem>>) semaphore(%arg14 : memref<!tpu.dma_semaphore, #tpu.memory_space<semaphore_mem>>) {add = true}
      %dma_start3A_74 = arith.constant 0 : i32
      %dma_start3A_75 = tpu.memref_slice %arg12[%add3A_67, %dma_start3A_74] : memref<152x64xi32, #tpu.memory_space<vmem>> -> memref<1x64xi32, #tpu.memory_space<vmem>>
      %dma_start3A_76 = tpu.memref_squeeze %dma_start3A_75 : memref<1x64xi32, #tpu.memory_space<vmem>> -> memref<64xi32, #tpu.memory_space<vmem>>
      %dma_start3A_77 = arith.constant 0 : i32
      %dma_start3A_78 = arith.constant 0 : i32
      %dma_start3A_79 = tpu.memref_slice %arg9[%dma_start3A_77, %dma_start3A_78] : memref<5120x16xf32, #tpu.memory_space<vmem_shared>> -> memref<5120x16xf32, #tpu.memory_space<vmem_shared>>
      tpu.enqueue_indirect_dma source(%arg13 : memref<64x16xf32, #tpu.memory_space<vmem>>) target(%dma_start3A_79 : memref<5120x16xf32, #tpu.memory_space<vmem_shared>>) offsets(%dma_start3A_76 : memref<64xi32, #tpu.memory_space<vmem>>) semaphore(%arg15 : memref<!tpu.dma_semaphore, #tpu.memory_space<semaphore_mem>>) {add = true}
      %mul3A_80 = arith.constant 8 : i32
      %mul3A_81 = arith.muli %scan3A_17, %mul3A_80 : i32
      %add3A_82 = arith.constant 4 : i32
      %add3A_83 = arith.addi %mul3A_81, %add3A_82 : i32
      %dma_start3A_84 = arith.constant 0 : i32
      %dma_start3A_85 = tpu.memref_slice %arg11[%add3A_83, %dma_start3A_84] : memref<152x64xi32, #tpu.memory_space<vmem>> -> memref<1x64xi32, #tpu.memory_space<vmem>>
      %dma_start3A_86 = tpu.memref_squeeze %dma_start3A_85 : memref<1x64xi32, #tpu.memory_space<vmem>> -> memref<64xi32, #tpu.memory_space<vmem>>
      %dma_start3A_87 = arith.constant 0 : i32
      %dma_start3A_88 = arith.constant 0 : i32
      %dma_start3A_89 = tpu.memref_slice %arg8[%dma_start3A_87, %dma_start3A_88] : memref<50048x16xf32, #tpu.memory_space<vmem_shared>> -> memref<50048x16xf32, #tpu.memory_space<vmem_shared>>
      tpu.enqueue_indirect_dma source(%arg13 : memref<64x16xf32, #tpu.memory_space<vmem>>) target(%dma_start3A_89 : memref<50048x16xf32, #tpu.memory_space<vmem_shared>>) offsets(%dma_start3A_86 : memref<64xi32, #tpu.memory_space<vmem>>) semaphore(%arg14 : memref<!tpu.dma_semaphore, #tpu.memory_space<semaphore_mem>>) {add = true}
      %dma_start3A_90 = arith.constant 0 : i32
      %dma_start3A_91 = tpu.memref_slice %arg12[%add3A_83, %dma_start3A_90] : memref<152x64xi32, #tpu.memory_space<vmem>> -> memref<1x64xi32, #tpu.memory_space<vmem>>
      %dma_start3A_92 = tpu.memref_squeeze %dma_start3A_91 : memref<1x64xi32, #tpu.memory_space<vmem>> -> memref<64xi32, #tpu.memory_space<vmem>>
      %dma_start3A_93 = arith.constant 0 : i32
      %dma_start3A_94 = arith.constant 0 : i32
      %dma_start3A_95 = tpu.memref_slice %arg9[%dma_start3A_93, %dma_start3A_94] : memref<5120x16xf32, #tpu.memory_space<vmem_shared>> -> memref<5120x16xf32, #tpu.memory_space<vmem_shared>>
      tpu.enqueue_indirect_dma source(%arg13 : memref<64x16xf32, #tpu.memory_space<vmem>>) target(%dma_start3A_95 : memref<5120x16xf32, #tpu.memory_space<vmem_shared>>) offsets(%dma_start3A_92 : memref<64xi32, #tpu.memory_space<vmem>>) semaphore(%arg15 : memref<!tpu.dma_semaphore, #tpu.memory_space<semaphore_mem>>) {add = true}
      %mul3A_96 = arith.constant 8 : i32
      %mul3A_97 = arith.muli %scan3A_17, %mul3A_96 : i32
      %add3A_98 = arith.constant 5 : i32
      %add3A_99 = arith.addi %mul3A_97, %add3A_98 : i32
      %dma_start3A_100 = arith.constant 0 : i32
      %dma_start3A_101 = tpu.memref_slice %arg11[%add3A_99, %dma_start3A_100] : memref<152x64xi32, #tpu.memory_space<vmem>> -> memref<1x64xi32, #tpu.memory_space<vmem>>
      %dma_start3A_102 = tpu.memref_squeeze %dma_start3A_101 : memref<1x64xi32, #tpu.memory_space<vmem>> -> memref<64xi32, #tpu.memory_space<vmem>>
      %dma_start3A_103 = arith.constant 0 : i32
      %dma_start3A_104 = arith.constant 0 : i32
      %dma_start3A_105 = tpu.memref_slice %arg8[%dma_start3A_103, %dma_start3A_104] : memref<50048x16xf32, #tpu.memory_space<vmem_shared>> -> memref<50048x16xf32, #tpu.memory_space<vmem_shared>>
      tpu.enqueue_indirect_dma source(%arg13 : memref<64x16xf32, #tpu.memory_space<vmem>>) target(%dma_start3A_105 : memref<50048x16xf32, #tpu.memory_space<vmem_shared>>) offsets(%dma_start3A_102 : memref<64xi32, #tpu.memory_space<vmem>>) semaphore(%arg14 : memref<!tpu.dma_semaphore, #tpu.memory_space<semaphore_mem>>) {add = true}
      %dma_start3A_106 = arith.constant 0 : i32
      %dma_start3A_107 = tpu.memref_slice %arg12[%add3A_99, %dma_start3A_106] : memref<152x64xi32, #tpu.memory_space<vmem>> -> memref<1x64xi32, #tpu.memory_space<vmem>>
      %dma_start3A_108 = tpu.memref_squeeze %dma_start3A_107 : memref<1x64xi32, #tpu.memory_space<vmem>> -> memref<64xi32, #tpu.memory_space<vmem>>
      %dma_start3A_109 = arith.constant 0 : i32
      %dma_start3A_110 = arith.constant 0 : i32
      %dma_start3A_111 = tpu.memref_slice %arg9[%dma_start3A_109, %dma_start3A_110] : memref<5120x16xf32, #tpu.memory_space<vmem_shared>> -> memref<5120x16xf32, #tpu.memory_space<vmem_shared>>
      tpu.enqueue_indirect_dma source(%arg13 : memref<64x16xf32, #tpu.memory_space<vmem>>) target(%dma_start3A_111 : memref<5120x16xf32, #tpu.memory_space<vmem_shared>>) offsets(%dma_start3A_108 : memref<64xi32, #tpu.memory_space<vmem>>) semaphore(%arg15 : memref<!tpu.dma_semaphore, #tpu.memory_space<semaphore_mem>>) {add = true}
      %mul3A_112 = arith.constant 8 : i32
      %mul3A_113 = arith.muli %scan3A_17, %mul3A_112 : i32
      %add3A_114 = arith.constant 6 : i32
      %add3A_115 = arith.addi %mul3A_113, %add3A_114 : i32
      %dma_start3A_116 = arith.constant 0 : i32
      %dma_start3A_117 = tpu.memref_slice %arg11[%add3A_115, %dma_start3A_116] : memref<152x64xi32, #tpu.memory_space<vmem>> -> memref<1x64xi32, #tpu.memory_space<vmem>>
      %dma_start3A_118 = tpu.memref_squeeze %dma_start3A_117 : memref<1x64xi32, #tpu.memory_space<vmem>> -> memref<64xi32, #tpu.memory_space<vmem>>
      %dma_start3A_119 = arith.constant 0 : i32
      %dma_start3A_120 = arith.constant 0 : i32
      %dma_start3A_121 = tpu.memref_slice %arg8[%dma_start3A_119, %dma_start3A_120] : memref<50048x16xf32, #tpu.memory_space<vmem_shared>> -> memref<50048x16xf32, #tpu.memory_space<vmem_shared>>
      tpu.enqueue_indirect_dma source(%arg13 : memref<64x16xf32, #tpu.memory_space<vmem>>) target(%dma_start3A_121 : memref<50048x16xf32, #tpu.memory_space<vmem_shared>>) offsets(%dma_start3A_118 : memref<64xi32, #tpu.memory_space<vmem>>) semaphore(%arg14 : memref<!tpu.dma_semaphore, #tpu.memory_space<semaphore_mem>>) {add = true}
      %dma_start3A_122 = arith.constant 0 : i32
      %dma_start3A_123 = tpu.memref_slice %arg12[%add3A_115, %dma_start3A_122] : memref<152x64xi32, #tpu.memory_space<vmem>> -> memref<1x64xi32, #tpu.memory_space<vmem>>
      %dma_start3A_124 = tpu.memref_squeeze %dma_start3A_123 : memref<1x64xi32, #tpu.memory_space<vmem>> -> memref<64xi32, #tpu.memory_space<vmem>>
      %dma_start3A_125 = arith.constant 0 : i32
      %dma_start3A_126 = arith.constant 0 : i32
      %dma_start3A_127 = tpu.memref_slice %arg9[%dma_start3A_125, %dma_start3A_126] : memref<5120x16xf32, #tpu.memory_space<vmem_shared>> -> memref<5120x16xf32, #tpu.memory_space<vmem_shared>>
      tpu.enqueue_indirect_dma source(%arg13 : memref<64x16xf32, #tpu.memory_space<vmem>>) target(%dma_start3A_127 : memref<5120x16xf32, #tpu.memory_space<vmem_shared>>) offsets(%dma_start3A_124 : memref<64xi32, #tpu.memory_space<vmem>>) semaphore(%arg15 : memref<!tpu.dma_semaphore, #tpu.memory_space<semaphore_mem>>) {add = true}
      %mul3A_128 = arith.constant 8 : i32
      %mul3A_129 = arith.muli %scan3A_17, %mul3A_128 : i32
      %add3A_130 = arith.constant 7 : i32
      %add3A_131 = arith.addi %mul3A_129, %add3A_130 : i32
      %dma_start3A_132 = arith.constant 0 : i32
      %dma_start3A_133 = tpu.memref_slice %arg11[%add3A_131, %dma_start3A_132] : memref<152x64xi32, #tpu.memory_space<vmem>> -> memref<1x64xi32, #tpu.memory_space<vmem>>
      %dma_start3A_134 = tpu.memref_squeeze %dma_start3A_133 : memref<1x64xi32, #tpu.memory_space<vmem>> -> memref<64xi32, #tpu.memory_space<vmem>>
      %dma_start3A_135 = arith.constant 0 : i32
      %dma_start3A_136 = arith.constant 0 : i32
      %dma_start3A_137 = tpu.memref_slice %arg8[%dma_start3A_135, %dma_start3A_136] : memref<50048x16xf32, #tpu.memory_space<vmem_shared>> -> memref<50048x16xf32, #tpu.memory_space<vmem_shared>>
      tpu.enqueue_indirect_dma source(%arg13 : memref<64x16xf32, #tpu.memory_space<vmem>>) target(%dma_start3A_137 : memref<50048x16xf32, #tpu.memory_space<vmem_shared>>) offsets(%dma_start3A_134 : memref<64xi32, #tpu.memory_space<vmem>>) semaphore(%arg14 : memref<!tpu.dma_semaphore, #tpu.memory_space<semaphore_mem>>) {add = true}
      %dma_start3A_138 = arith.constant 0 : i32
      %dma_start3A_139 = tpu.memref_slice %arg12[%add3A_131, %dma_start3A_138] : memref<152x64xi32, #tpu.memory_space<vmem>> -> memref<1x64xi32, #tpu.memory_space<vmem>>
      %dma_start3A_140 = tpu.memref_squeeze %dma_start3A_139 : memref<1x64xi32, #tpu.memory_space<vmem>> -> memref<64xi32, #tpu.memory_space<vmem>>
      %dma_start3A_141 = arith.constant 0 : i32
      %dma_start3A_142 = arith.constant 0 : i32
      %dma_start3A_143 = tpu.memref_slice %arg9[%dma_start3A_141, %dma_start3A_142] : memref<5120x16xf32, #tpu.memory_space<vmem_shared>> -> memref<5120x16xf32, #tpu.memory_space<vmem_shared>>
      tpu.enqueue_indirect_dma source(%arg13 : memref<64x16xf32, #tpu.memory_space<vmem>>) target(%dma_start3A_143 : memref<5120x16xf32, #tpu.memory_space<vmem_shared>>) offsets(%dma_start3A_140 : memref<64xi32, #tpu.memory_space<vmem>>) semaphore(%arg15 : memref<!tpu.dma_semaphore, #tpu.memory_space<semaphore_mem>>) {add = true}
      %dma_wait3A = arith.constant 0 : i32
      %dma_wait3A_144 = tpu.memref_slice %arg11[%add3A_20, %dma_wait3A] : memref<152x64xi32, #tpu.memory_space<vmem>> -> memref<1x64xi32, #tpu.memory_space<vmem>>
      %dma_wait3A_145 = tpu.memref_squeeze %dma_wait3A_144 : memref<1x64xi32, #tpu.memory_space<vmem>> -> memref<64xi32, #tpu.memory_space<vmem>>
      %dma_wait3A_146 = arith.constant 0 : i32
      %dma_wait3A_147 = arith.constant 0 : i32
      %dma_wait3A_148 = tpu.memref_slice %arg8[%dma_wait3A_146, %dma_wait3A_147] : memref<50048x16xf32, #tpu.memory_space<vmem_shared>> -> memref<50048x16xf32, #tpu.memory_space<vmem_shared>>
      tpu.wait_indirect_dma semaphore(%arg14 : memref<!tpu.dma_semaphore, #tpu.memory_space<semaphore_mem>>) src(%arg13 : memref<64x16xf32, #tpu.memory_space<vmem>>) dst(%dma_wait3A_148 : memref<50048x16xf32, #tpu.memory_space<vmem_shared>>)
      %dma_wait3A_149 = arith.constant 0 : i32
      %dma_wait3A_150 = tpu.memref_slice %arg12[%add3A_20, %dma_wait3A_149] : memref<152x64xi32, #tpu.memory_space<vmem>> -> memref<1x64xi32, #tpu.memory_space<vmem>>
      %dma_wait3A_151 = tpu.memref_squeeze %dma_wait3A_150 : memref<1x64xi32, #tpu.memory_space<vmem>> -> memref<64xi32, #tpu.memory_space<vmem>>
      %dma_wait3A_152 = arith.constant 0 : i32
      %dma_wait3A_153 = arith.constant 0 : i32
      %dma_wait3A_154 = tpu.memref_slice %arg9[%dma_wait3A_152, %dma_wait3A_153] : memref<5120x16xf32, #tpu.memory_space<vmem_shared>> -> memref<5120x16xf32, #tpu.memory_space<vmem_shared>>
      tpu.wait_indirect_dma semaphore(%arg15 : memref<!tpu.dma_semaphore, #tpu.memory_space<semaphore_mem>>) src(%arg13 : memref<64x16xf32, #tpu.memory_space<vmem>>) dst(%dma_wait3A_154 : memref<5120x16xf32, #tpu.memory_space<vmem_shared>>)
      %dma_wait3A_155 = arith.constant 0 : i32
      %dma_wait3A_156 = tpu.memref_slice %arg11[%add3A_35, %dma_wait3A_155] : memref<152x64xi32, #tpu.memory_space<vmem>> -> memref<1x64xi32, #tpu.memory_space<vmem>>
      %dma_wait3A_157 = tpu.memref_squeeze %dma_wait3A_156 : memref<1x64xi32, #tpu.memory_space<vmem>> -> memref<64xi32, #tpu.memory_space<vmem>>
      %dma_wait3A_158 = arith.constant 0 : i32
      %dma_wait3A_159 = arith.constant 0 : i32
      %dma_wait3A_160 = tpu.memref_slice %arg8[%dma_wait3A_158, %dma_wait3A_159] : memref<50048x16xf32, #tpu.memory_space<vmem_shared>> -> memref<50048x16xf32, #tpu.memory_space<vmem_shared>>
      tpu.wait_indirect_dma semaphore(%arg14 : memref<!tpu.dma_semaphore, #tpu.memory_space<semaphore_mem>>) src(%arg13 : memref<64x16xf32, #tpu.memory_space<vmem>>) dst(%dma_wait3A_160 : memref<50048x16xf32, #tpu.memory_space<vmem_shared>>)
      %dma_wait3A_161 = arith.constant 0 : i32
      %dma_wait3A_162 = tpu.memref_slice %arg12[%add3A_35, %dma_wait3A_161] : memref<152x64xi32, #tpu.memory_space<vmem>> -> memref<1x64xi32, #tpu.memory_space<vmem>>
      %dma_wait3A_163 = tpu.memref_squeeze %dma_wait3A_162 : memref<1x64xi32, #tpu.memory_space<vmem>> -> memref<64xi32, #tpu.memory_space<vmem>>
      %dma_wait3A_164 = arith.constant 0 : i32
      %dma_wait3A_165 = arith.constant 0 : i32
      %dma_wait3A_166 = tpu.memref_slice %arg9[%dma_wait3A_164, %dma_wait3A_165] : memref<5120x16xf32, #tpu.memory_space<vmem_shared>> -> memref<5120x16xf32, #tpu.memory_space<vmem_shared>>
      tpu.wait_indirect_dma semaphore(%arg15 : memref<!tpu.dma_semaphore, #tpu.memory_space<semaphore_mem>>) src(%arg13 : memref<64x16xf32, #tpu.memory_space<vmem>>) dst(%dma_wait3A_166 : memref<5120x16xf32, #tpu.memory_space<vmem_shared>>)
      %dma_wait3A_167 = arith.constant 0 : i32
      %dma_wait3A_168 = tpu.memref_slice %arg11[%add3A_51, %dma_wait3A_167] : memref<152x64xi32, #tpu.memory_space<vmem>> -> memref<1x64xi32, #tpu.memory_space<vmem>>
      %dma_wait3A_169 = tpu.memref_squeeze %dma_wait3A_168 : memref<1x64xi32, #tpu.memory_space<vmem>> -> memref<64xi32, #tpu.memory_space<vmem>>
      %dma_wait3A_170 = arith.constant 0 : i32
      %dma_wait3A_171 = arith.constant 0 : i32
      %dma_wait3A_172 = tpu.memref_slice %arg8[%dma_wait3A_170, %dma_wait3A_171] : memref<50048x16xf32, #tpu.memory_space<vmem_shared>> -> memref<50048x16xf32, #tpu.memory_space<vmem_shared>>
      tpu.wait_indirect_dma semaphore(%arg14 : memref<!tpu.dma_semaphore, #tpu.memory_space<semaphore_mem>>) src(%arg13 : memref<64x16xf32, #tpu.memory_space<vmem>>) dst(%dma_wait3A_172 : memref<50048x16xf32, #tpu.memory_space<vmem_shared>>)
      %dma_wait3A_173 = arith.constant 0 : i32
      %dma_wait3A_174 = tpu.memref_slice %arg12[%add3A_51, %dma_wait3A_173] : memref<152x64xi32, #tpu.memory_space<vmem>> -> memref<1x64xi32, #tpu.memory_space<vmem>>
      %dma_wait3A_175 = tpu.memref_squeeze %dma_wait3A_174 : memref<1x64xi32, #tpu.memory_space<vmem>> -> memref<64xi32, #tpu.memory_space<vmem>>
      %dma_wait3A_176 = arith.constant 0 : i32
      %dma_wait3A_177 = arith.constant 0 : i32
      %dma_wait3A_178 = tpu.memref_slice %arg9[%dma_wait3A_176, %dma_wait3A_177] : memref<5120x16xf32, #tpu.memory_space<vmem_shared>> -> memref<5120x16xf32, #tpu.memory_space<vmem_shared>>
      tpu.wait_indirect_dma semaphore(%arg15 : memref<!tpu.dma_semaphore, #tpu.memory_space<semaphore_mem>>) src(%arg13 : memref<64x16xf32, #tpu.memory_space<vmem>>) dst(%dma_wait3A_178 : memref<5120x16xf32, #tpu.memory_space<vmem_shared>>)
      %dma_wait3A_179 = arith.constant 0 : i32
      %dma_wait3A_180 = tpu.memref_slice %arg11[%add3A_67, %dma_wait3A_179] : memref<152x64xi32, #tpu.memory_space<vmem>> -> memref<1x64xi32, #tpu.memory_space<vmem>>
      %dma_wait3A_181 = tpu.memref_squeeze %dma_wait3A_180 : memref<1x64xi32, #tpu.memory_space<vmem>> -> memref<64xi32, #tpu.memory_space<vmem>>
      %dma_wait3A_182 = arith.constant 0 : i32
      %dma_wait3A_183 = arith.constant 0 : i32
      %dma_wait3A_184 = tpu.memref_slice %arg8[%dma_wait3A_182, %dma_wait3A_183] : memref<50048x16xf32, #tpu.memory_space<vmem_shared>> -> memref<50048x16xf32, #tpu.memory_space<vmem_shared>>
      tpu.wait_indirect_dma semaphore(%arg14 : memref<!tpu.dma_semaphore, #tpu.memory_space<semaphore_mem>>) src(%arg13 : memref<64x16xf32, #tpu.memory_space<vmem>>) dst(%dma_wait3A_184 : memref<50048x16xf32, #tpu.memory_space<vmem_shared>>)
      %dma_wait3A_185 = arith.constant 0 : i32
      %dma_wait3A_186 = tpu.memref_slice %arg12[%add3A_67, %dma_wait3A_185] : memref<152x64xi32, #tpu.memory_space<vmem>> -> memref<1x64xi32, #tpu.memory_space<vmem>>
      %dma_wait3A_187 = tpu.memref_squeeze %dma_wait3A_186 : memref<1x64xi32, #tpu.memory_space<vmem>> -> memref<64xi32, #tpu.memory_space<vmem>>
      %dma_wait3A_188 = arith.constant 0 : i32
      %dma_wait3A_189 = arith.constant 0 : i32
      %dma_wait3A_190 = tpu.memref_slice %arg9[%dma_wait3A_188, %dma_wait3A_189] : memref<5120x16xf32, #tpu.memory_space<vmem_shared>> -> memref<5120x16xf32, #tpu.memory_space<vmem_shared>>
      tpu.wait_indirect_dma semaphore(%arg15 : memref<!tpu.dma_semaphore, #tpu.memory_space<semaphore_mem>>) src(%arg13 : memref<64x16xf32, #tpu.memory_space<vmem>>) dst(%dma_wait3A_190 : memref<5120x16xf32, #tpu.memory_space<vmem_shared>>)
      %dma_wait3A_191 = arith.constant 0 : i32
      %dma_wait3A_192 = tpu.memref_slice %arg11[%add3A_83, %dma_wait3A_191] : memref<152x64xi32, #tpu.memory_space<vmem>> -> memref<1x64xi32, #tpu.memory_space<vmem>>
      %dma_wait3A_193 = tpu.memref_squeeze %dma_wait3A_192 : memref<1x64xi32, #tpu.memory_space<vmem>> -> memref<64xi32, #tpu.memory_space<vmem>>
      %dma_wait3A_194 = arith.constant 0 : i32
      %dma_wait3A_195 = arith.constant 0 : i32
      %dma_wait3A_196 = tpu.memref_slice %arg8[%dma_wait3A_194, %dma_wait3A_195] : memref<50048x16xf32, #tpu.memory_space<vmem_shared>> -> memref<50048x16xf32, #tpu.memory_space<vmem_shared>>
      tpu.wait_indirect_dma semaphore(%arg14 : memref<!tpu.dma_semaphore, #tpu.memory_space<semaphore_mem>>) src(%arg13 : memref<64x16xf32, #tpu.memory_space<vmem>>) dst(%dma_wait3A_196 : memref<50048x16xf32, #tpu.memory_space<vmem_shared>>)
      %dma_wait3A_197 = arith.constant 0 : i32
      %dma_wait3A_198 = tpu.memref_slice %arg12[%add3A_83, %dma_wait3A_197] : memref<152x64xi32, #tpu.memory_space<vmem>> -> memref<1x64xi32, #tpu.memory_space<vmem>>
      %dma_wait3A_199 = tpu.memref_squeeze %dma_wait3A_198 : memref<1x64xi32, #tpu.memory_space<vmem>> -> memref<64xi32, #tpu.memory_space<vmem>>
      %dma_wait3A_200 = arith.constant 0 : i32
      %dma_wait3A_201 = arith.constant 0 : i32
      %dma_wait3A_202 = tpu.memref_slice %arg9[%dma_wait3A_200, %dma_wait3A_201] : memref<5120x16xf32, #tpu.memory_space<vmem_shared>> -> memref<5120x16xf32, #tpu.memory_space<vmem_shared>>
      tpu.wait_indirect_dma semaphore(%arg15 : memref<!tpu.dma_semaphore, #tpu.memory_space<semaphore_mem>>) src(%arg13 : memref<64x16xf32, #tpu.memory_space<vmem>>) dst(%dma_wait3A_202 : memref<5120x16xf32, #tpu.memory_space<vmem_shared>>)
      %dma_wait3A_203 = arith.constant 0 : i32
      %dma_wait3A_204 = tpu.memref_slice %arg11[%add3A_99, %dma_wait3A_203] : memref<152x64xi32, #tpu.memory_space<vmem>> -> memref<1x64xi32, #tpu.memory_space<vmem>>
      %dma_wait3A_205 = tpu.memref_squeeze %dma_wait3A_204 : memref<1x64xi32, #tpu.memory_space<vmem>> -> memref<64xi32, #tpu.memory_space<vmem>>
      %dma_wait3A_206 = arith.constant 0 : i32
      %dma_wait3A_207 = arith.constant 0 : i32
      %dma_wait3A_208 = tpu.memref_slice %arg8[%dma_wait3A_206, %dma_wait3A_207] : memref<50048x16xf32, #tpu.memory_space<vmem_shared>> -> memref<50048x16xf32, #tpu.memory_space<vmem_shared>>
      tpu.wait_indirect_dma semaphore(%arg14 : memref<!tpu.dma_semaphore, #tpu.memory_space<semaphore_mem>>) src(%arg13 : memref<64x16xf32, #tpu.memory_space<vmem>>) dst(%dma_wait3A_208 : memref<50048x16xf32, #tpu.memory_space<vmem_shared>>)
      %dma_wait3A_209 = arith.constant 0 : i32
      %dma_wait3A_210 = tpu.memref_slice %arg12[%add3A_99, %dma_wait3A_209] : memref<152x64xi32, #tpu.memory_space<vmem>> -> memref<1x64xi32, #tpu.memory_space<vmem>>
      %dma_wait3A_211 = tpu.memref_squeeze %dma_wait3A_210 : memref<1x64xi32, #tpu.memory_space<vmem>> -> memref<64xi32, #tpu.memory_space<vmem>>
      %dma_wait3A_212 = arith.constant 0 : i32
      %dma_wait3A_213 = arith.constant 0 : i32
      %dma_wait3A_214 = tpu.memref_slice %arg9[%dma_wait3A_212, %dma_wait3A_213] : memref<5120x16xf32, #tpu.memory_space<vmem_shared>> -> memref<5120x16xf32, #tpu.memory_space<vmem_shared>>
      tpu.wait_indirect_dma semaphore(%arg15 : memref<!tpu.dma_semaphore, #tpu.memory_space<semaphore_mem>>) src(%arg13 : memref<64x16xf32, #tpu.memory_space<vmem>>) dst(%dma_wait3A_214 : memref<5120x16xf32, #tpu.memory_space<vmem_shared>>)
      %dma_wait3A_215 = arith.constant 0 : i32
      %dma_wait3A_216 = tpu.memref_slice %arg11[%add3A_115, %dma_wait3A_215] : memref<152x64xi32, #tpu.memory_space<vmem>> -> memref<1x64xi32, #tpu.memory_space<vmem>>
      %dma_wait3A_217 = tpu.memref_squeeze %dma_wait3A_216 : memref<1x64xi32, #tpu.memory_space<vmem>> -> memref<64xi32, #tpu.memory_space<vmem>>
      %dma_wait3A_218 = arith.constant 0 : i32
      %dma_wait3A_219 = arith.constant 0 : i32
      %dma_wait3A_220 = tpu.memref_slice %arg8[%dma_wait3A_218, %dma_wait3A_219] : memref<50048x16xf32, #tpu.memory_space<vmem_shared>> -> memref<50048x16xf32, #tpu.memory_space<vmem_shared>>
      tpu.wait_indirect_dma semaphore(%arg14 : memref<!tpu.dma_semaphore, #tpu.memory_space<semaphore_mem>>) src(%arg13 : memref<64x16xf32, #tpu.memory_space<vmem>>) dst(%dma_wait3A_220 : memref<50048x16xf32, #tpu.memory_space<vmem_shared>>)
      %dma_wait3A_221 = arith.constant 0 : i32
      %dma_wait3A_222 = tpu.memref_slice %arg12[%add3A_115, %dma_wait3A_221] : memref<152x64xi32, #tpu.memory_space<vmem>> -> memref<1x64xi32, #tpu.memory_space<vmem>>
      %dma_wait3A_223 = tpu.memref_squeeze %dma_wait3A_222 : memref<1x64xi32, #tpu.memory_space<vmem>> -> memref<64xi32, #tpu.memory_space<vmem>>
      %dma_wait3A_224 = arith.constant 0 : i32
      %dma_wait3A_225 = arith.constant 0 : i32
      %dma_wait3A_226 = tpu.memref_slice %arg9[%dma_wait3A_224, %dma_wait3A_225] : memref<5120x16xf32, #tpu.memory_space<vmem_shared>> -> memref<5120x16xf32, #tpu.memory_space<vmem_shared>>
      tpu.wait_indirect_dma semaphore(%arg15 : memref<!tpu.dma_semaphore, #tpu.memory_space<semaphore_mem>>) src(%arg13 : memref<64x16xf32, #tpu.memory_space<vmem>>) dst(%dma_wait3A_226 : memref<5120x16xf32, #tpu.memory_space<vmem_shared>>)
      %dma_wait3A_227 = arith.constant 0 : i32
      %dma_wait3A_228 = tpu.memref_slice %arg11[%add3A_131, %dma_wait3A_227] : memref<152x64xi32, #tpu.memory_space<vmem>> -> memref<1x64xi32, #tpu.memory_space<vmem>>
      %dma_wait3A_229 = tpu.memref_squeeze %dma_wait3A_228 : memref<1x64xi32, #tpu.memory_space<vmem>> -> memref<64xi32, #tpu.memory_space<vmem>>
      %dma_wait3A_230 = arith.constant 0 : i32
      %dma_wait3A_231 = arith.constant 0 : i32
      %dma_wait3A_232 = tpu.memref_slice %arg8[%dma_wait3A_230, %dma_wait3A_231] : memref<50048x16xf32, #tpu.memory_space<vmem_shared>> -> memref<50048x16xf32, #tpu.memory_space<vmem_shared>>
      tpu.wait_indirect_dma semaphore(%arg14 : memref<!tpu.dma_semaphore, #tpu.memory_space<semaphore_mem>>) src(%arg13 : memref<64x16xf32, #tpu.memory_space<vmem>>) dst(%dma_wait3A_232 : memref<50048x16xf32, #tpu.memory_space<vmem_shared>>)
      %dma_wait3A_233 = arith.constant 0 : i32
      %dma_wait3A_234 = tpu.memref_slice %arg12[%add3A_131, %dma_wait3A_233] : memref<152x64xi32, #tpu.memory_space<vmem>> -> memref<1x64xi32, #tpu.memory_space<vmem>>
      %dma_wait3A_235 = tpu.memref_squeeze %dma_wait3A_234 : memref<1x64xi32, #tpu.memory_space<vmem>> -> memref<64xi32, #tpu.memory_space<vmem>>
      %dma_wait3A_236 = arith.constant 0 : i32
      %dma_wait3A_237 = arith.constant 0 : i32
      %dma_wait3A_238 = tpu.memref_slice %arg9[%dma_wait3A_236, %dma_wait3A_237] : memref<5120x16xf32, #tpu.memory_space<vmem_shared>> -> memref<5120x16xf32, #tpu.memory_space<vmem_shared>>
      tpu.wait_indirect_dma semaphore(%arg15 : memref<!tpu.dma_semaphore, #tpu.memory_space<semaphore_mem>>) src(%arg13 : memref<64x16xf32, #tpu.memory_space<vmem>>) dst(%dma_wait3A_238 : memref<5120x16xf32, #tpu.memory_space<vmem_shared>>)
    }
    %scan3A_7 = arith.constant 19 : i32
    %barrier3A_8 = arith.constant 0 : index
    tpu.barrier barrier_id(%barrier3A_8)
    %mul3A_9 = arith.constant 3128 : i32
    %mul3A_10 = arith.muli %arg1, %mul3A_9 : i32
    "tpu.region"() ({
      %run_scoped3A = tpu.sem_alloc : memref<!tpu.dma_semaphore, #tpu.memory_space<semaphore_mem>>
      %dma_start3A = arith.constant 0 : i32
      %dma_start3A_17 = tpu.memref_slice %arg8[%mul3A_10, %dma_start3A] : memref<50048x16xf32, #tpu.memory_space<vmem_shared>> -> memref<3128x16xf32, #tpu.memory_space<vmem_shared>>
      %dma_start3A_18 = arith.constant 0 : i32
      %dma_start3A_19 = tpu.memref_slice %arg8[%mul3A_10, %dma_start3A_18] : memref<50048x16xf32, #tpu.memory_space<vmem_shared>> -> memref<3128x16xf32, #tpu.memory_space<vmem_shared>>
      tpu.enqueue_dma source(%dma_start3A_19 : memref<3128x16xf32, #tpu.memory_space<vmem_shared>>) target(%arg10 : memref<3128x16xf32, #tpu.memory_space<vmem>>) target_semaphore(%run_scoped3A : memref<!tpu.dma_semaphore, #tpu.memory_space<semaphore_mem>>)
      %dma_wait3A = arith.constant 0 : i32
      %dma_wait3A_20 = tpu.memref_slice %arg8[%mul3A_10, %dma_wait3A] : memref<50048x16xf32, #tpu.memory_space<vmem_shared>> -> memref<3128x16xf32, #tpu.memory_space<vmem_shared>>
      %dma_wait3A_21 = arith.constant 0 : i32
      %dma_wait3A_22 = tpu.memref_slice %arg8[%mul3A_10, %dma_wait3A_21] : memref<50048x16xf32, #tpu.memory_space<vmem_shared>> -> memref<3128x16xf32, #tpu.memory_space<vmem_shared>>
      tpu.wait_dma2 semaphore(%run_scoped3A : memref<!tpu.dma_semaphore, #tpu.memory_space<semaphore_mem>>) src(%dma_wait3A_22 : memref<3128x16xf32, #tpu.memory_space<vmem_shared>>) dst(%arg10 : memref<3128x16xf32, #tpu.memory_space<vmem>>)
      tpu.yield
    }) : () -> ()
    %mul3A_11 = arith.constant 3128 : i32
    %mul3A_12 = arith.muli %arg1, %mul3A_11 : i32
    "tpu.region"() ({
      %run_scoped3A = tpu.sem_alloc : memref<!tpu.dma_semaphore, #tpu.memory_space<semaphore_mem>>
      %dma_start3A = arith.constant 0 : i32
      %dma_start3A_17 = tpu.memref_slice %arg6[%arg0, %mul3A_12, %dma_start3A] : memref<2x50048x16xf32, #tpu.memory_space<hbm>> -> memref<1x3128x16xf32, #tpu.memory_space<hbm>>
      %dma_start3A_18 = tpu.memref_squeeze %dma_start3A_17 : memref<1x3128x16xf32, #tpu.memory_space<hbm>> -> memref<3128x16xf32, #tpu.memory_space<hbm>>
      %dma_start3A_19 = arith.constant 0 : i32
      %dma_start3A_20 = tpu.memref_slice %arg6[%arg0, %mul3A_12, %dma_start3A_19] : memref<2x50048x16xf32, #tpu.memory_space<hbm>> -> memref<1x3128x16xf32, #tpu.memory_space<hbm>>
      %dma_start3A_21 = tpu.memref_squeeze %dma_start3A_20 : memref<1x3128x16xf32, #tpu.memory_space<hbm>> -> memref<3128x16xf32, #tpu.memory_space<hbm>>
      tpu.enqueue_dma source(%arg10 : memref<3128x16xf32, #tpu.memory_space<vmem>>) target(%dma_start3A_21 : memref<3128x16xf32, #tpu.memory_space<hbm>>) target_semaphore(%run_scoped3A : memref<!tpu.dma_semaphore, #tpu.memory_space<semaphore_mem>>)
      %dma_wait3A = arith.constant 0 : i32
      %dma_wait3A_22 = tpu.memref_slice %arg6[%arg0, %mul3A_12, %dma_wait3A] : memref<2x50048x16xf32, #tpu.memory_space<hbm>> -> memref<1x3128x16xf32, #tpu.memory_space<hbm>>
      %dma_wait3A_23 = tpu.memref_squeeze %dma_wait3A_22 : memref<1x3128x16xf32, #tpu.memory_space<hbm>> -> memref<3128x16xf32, #tpu.memory_space<hbm>>
      %dma_wait3A_24 = arith.constant 0 : i32
      %dma_wait3A_25 = tpu.memref_slice %arg6[%arg0, %mul3A_12, %dma_wait3A_24] : memref<2x50048x16xf32, #tpu.memory_space<hbm>> -> memref<1x3128x16xf32, #tpu.memory_space<hbm>>
      %dma_wait3A_26 = tpu.memref_squeeze %dma_wait3A_25 : memref<1x3128x16xf32, #tpu.memory_space<hbm>> -> memref<3128x16xf32, #tpu.memory_space<hbm>>
      tpu.wait_dma2 semaphore(%run_scoped3A : memref<!tpu.dma_semaphore, #tpu.memory_space<semaphore_mem>>) src(%arg10 : memref<3128x16xf32, #tpu.memory_space<vmem>>) dst(%dma_wait3A_26 : memref<3128x16xf32, #tpu.memory_space<hbm>>)
      tpu.yield
    }) : () -> ()
    %mul3A_13 = arith.constant 320 : i32
    %mul3A_14 = arith.muli %arg1, %mul3A_13 : i32
    "tpu.region"() ({
      %run_scoped3A = tpu.sem_alloc : memref<!tpu.dma_semaphore, #tpu.memory_space<semaphore_mem>>
      %dma_start3A = arith.constant 0 : i32
      %dma_start3A_17 = arith.constant 0 : i32
      %dma_start3A_18 = tpu.memref_slice %arg10[%dma_start3A, %dma_start3A_17] : memref<3128x16xf32, #tpu.memory_space<vmem>> -> memref<320x16xf32, #tpu.memory_space<vmem>>
      %dma_start3A_19 = arith.constant 0 : i32
      %dma_start3A_20 = tpu.memref_slice %arg9[%mul3A_14, %dma_start3A_19] : memref<5120x16xf32, #tpu.memory_space<vmem_shared>> -> memref<320x16xf32, #tpu.memory_space<vmem_shared>>
      %dma_start3A_21 = arith.constant 0 : i32
      %dma_start3A_22 = arith.constant 0 : i32
      %dma_start3A_23 = tpu.memref_slice %arg10[%dma_start3A_21, %dma_start3A_22] : memref<3128x16xf32, #tpu.memory_space<vmem>> -> memref<320x16xf32, #tpu.memory_space<vmem>>
      %dma_start3A_24 = arith.constant 0 : i32
      %dma_start3A_25 = tpu.memref_slice %arg9[%mul3A_14, %dma_start3A_24] : memref<5120x16xf32, #tpu.memory_space<vmem_shared>> -> memref<320x16xf32, #tpu.memory_space<vmem_shared>>
      tpu.enqueue_dma source(%dma_start3A_25 : memref<320x16xf32, #tpu.memory_space<vmem_shared>>) target(%dma_start3A_23 : memref<320x16xf32, #tpu.memory_space<vmem>>) target_semaphore(%run_scoped3A : memref<!tpu.dma_semaphore, #tpu.memory_space<semaphore_mem>>)
      %dma_wait3A = arith.constant 0 : i32
      %dma_wait3A_26 = arith.constant 0 : i32
      %dma_wait3A_27 = tpu.memref_slice %arg10[%dma_wait3A, %dma_wait3A_26] : memref<3128x16xf32, #tpu.memory_space<vmem>> -> memref<320x16xf32, #tpu.memory_space<vmem>>
      %dma_wait3A_28 = arith.constant 0 : i32
      %dma_wait3A_29 = tpu.memref_slice %arg9[%mul3A_14, %dma_wait3A_28] : memref<5120x16xf32, #tpu.memory_space<vmem_shared>> -> memref<320x16xf32, #tpu.memory_space<vmem_shared>>
      %dma_wait3A_30 = arith.constant 0 : i32
      %dma_wait3A_31 = arith.constant 0 : i32
      %dma_wait3A_32 = tpu.memref_slice %arg10[%dma_wait3A_30, %dma_wait3A_31] : memref<3128x16xf32, #tpu.memory_space<vmem>> -> memref<320x16xf32, #tpu.memory_space<vmem>>
      %dma_wait3A_33 = arith.constant 0 : i32
      %dma_wait3A_34 = tpu.memref_slice %arg9[%mul3A_14, %dma_wait3A_33] : memref<5120x16xf32, #tpu.memory_space<vmem_shared>> -> memref<320x16xf32, #tpu.memory_space<vmem_shared>>
      tpu.wait_dma2 semaphore(%run_scoped3A : memref<!tpu.dma_semaphore, #tpu.memory_space<semaphore_mem>>) src(%dma_wait3A_34 : memref<320x16xf32, #tpu.memory_space<vmem_shared>>) dst(%dma_wait3A_32 : memref<320x16xf32, #tpu.memory_space<vmem>>)
      tpu.yield
    }) : () -> ()
    %mul3A_15 = arith.constant 320 : i32
    %mul3A_16 = arith.muli %arg1, %mul3A_15 : i32
    "tpu.region"() ({
      %run_scoped3A = tpu.sem_alloc : memref<!tpu.dma_semaphore, #tpu.memory_space<semaphore_mem>>
      %dma_start3A = arith.constant 0 : i32
      %dma_start3A_17 = arith.constant 0 : i32
      %dma_start3A_18 = tpu.memref_slice %arg10[%dma_start3A, %dma_start3A_17] : memref<3128x16xf32, #tpu.memory_space<vmem>> -> memref<320x16xf32, #tpu.memory_space<vmem>>
      %dma_start3A_19 = arith.constant 0 : i32
      %dma_start3A_20 = tpu.memref_slice %arg7[%arg0, %mul3A_16, %dma_start3A_19] : memref<2x5120x16xf32, #tpu.memory_space<hbm>> -> memref<1x320x16xf32, #tpu.memory_space<hbm>>
      %dma_start3A_21 = tpu.memref_squeeze %dma_start3A_20 : memref<1x320x16xf32, #tpu.memory_space<hbm>> -> memref<320x16xf32, #tpu.memory_space<hbm>>
      %dma_start3A_22 = arith.constant 0 : i32
      %dma_start3A_23 = tpu.memref_slice %arg7[%arg0, %mul3A_16, %dma_start3A_22] : memref<2x5120x16xf32, #tpu.memory_space<hbm>> -> memref<1x320x16xf32, #tpu.memory_space<hbm>>
      %dma_start3A_24 = tpu.memref_squeeze %dma_start3A_23 : memref<1x320x16xf32, #tpu.memory_space<hbm>> -> memref<320x16xf32, #tpu.memory_space<hbm>>
      %dma_start3A_25 = arith.constant 0 : i32
      %dma_start3A_26 = arith.constant 0 : i32
      %dma_start3A_27 = tpu.memref_slice %arg10[%dma_start3A_25, %dma_start3A_26] : memref<3128x16xf32, #tpu.memory_space<vmem>> -> memref<320x16xf32, #tpu.memory_space<vmem>>
      tpu.enqueue_dma source(%dma_start3A_27 : memref<320x16xf32, #tpu.memory_space<vmem>>) target(%dma_start3A_24 : memref<320x16xf32, #tpu.memory_space<hbm>>) target_semaphore(%run_scoped3A : memref<!tpu.dma_semaphore, #tpu.memory_space<semaphore_mem>>)
      %dma_wait3A = arith.constant 0 : i32
      %dma_wait3A_28 = arith.constant 0 : i32
      %dma_wait3A_29 = tpu.memref_slice %arg10[%dma_wait3A, %dma_wait3A_28] : memref<3128x16xf32, #tpu.memory_space<vmem>> -> memref<320x16xf32, #tpu.memory_space<vmem>>
      %dma_wait3A_30 = arith.constant 0 : i32
      %dma_wait3A_31 = tpu.memref_slice %arg7[%arg0, %mul3A_16, %dma_wait3A_30] : memref<2x5120x16xf32, #tpu.memory_space<hbm>> -> memref<1x320x16xf32, #tpu.memory_space<hbm>>
      %dma_wait3A_32 = tpu.memref_squeeze %dma_wait3A_31 : memref<1x320x16xf32, #tpu.memory_space<hbm>> -> memref<320x16xf32, #tpu.memory_space<hbm>>
      %dma_wait3A_33 = arith.constant 0 : i32
      %dma_wait3A_34 = tpu.memref_slice %arg7[%arg0, %mul3A_16, %dma_wait3A_33] : memref<2x5120x16xf32, #tpu.memory_space<hbm>> -> memref<1x320x16xf32, #tpu.memory_space<hbm>>
      %dma_wait3A_35 = tpu.memref_squeeze %dma_wait3A_34 : memref<1x320x16xf32, #tpu.memory_space<hbm>> -> memref<320x16xf32, #tpu.memory_space<hbm>>
      %dma_wait3A_36 = arith.constant 0 : i32
      %dma_wait3A_37 = arith.constant 0 : i32
      %dma_wait3A_38 = tpu.memref_slice %arg10[%dma_wait3A_36, %dma_wait3A_37] : memref<3128x16xf32, #tpu.memory_space<vmem>> -> memref<320x16xf32, #tpu.memory_space<vmem>>
      tpu.wait_dma2 semaphore(%run_scoped3A : memref<!tpu.dma_semaphore, #tpu.memory_space<semaphore_mem>>) src(%dma_wait3A_38 : memref<320x16xf32, #tpu.memory_space<vmem>>) dst(%dma_wait3A_35 : memref<320x16xf32, #tpu.memory_space<hbm>>)
      tpu.yield
    }) : () -> ()
    return
  }
}

#map = affine_map<(d0, d1) -> (0, 0)>
#map1 = affine_map<(d0, d1) -> (0, 0, 0, 0)>
module attributes {stable_mosaic.version = 14 : i64} {
  func.func @_agg_body(%arg0: i32, %arg1: i32, %arg2: memref<50048x128xf32, #tpu.memory_space<hbm>>, %arg3: memref<50048x128xf32, #tpu.memory_space<hbm>>, %arg4: memref<2x16x152x64xi32, #tpu.memory_space<hbm>>, %arg5: memref<2x16x152x64xi32, #tpu.memory_space<hbm>>, %arg6: memref<64x128xf32, #tpu.memory_space<hbm>>, %arg7: memref<5120x128xf32, #tpu.memory_space<hbm>>, %arg8: memref<5120x128xf32, #tpu.memory_space<hbm>>, %arg9: memref<5120x128xf32, #tpu.memory_space<vmem_shared>>, %arg10: memref<152x64xi32, #tpu.memory_space<vmem>>, %arg11: memref<152x64xi32, #tpu.memory_space<vmem>>, %arg12: memref<64x128xf32, #tpu.memory_space<vmem>>, %arg13: memref<64x128xf32, #tpu.memory_space<vmem>>, %arg14: memref<64x128xf32, #tpu.memory_space<vmem>>, %arg15: memref<64x128xf32, #tpu.memory_space<vmem>>, %arg16: memref<64x128xf32, #tpu.memory_space<vmem>>, %arg17: memref<64x128xf32, #tpu.memory_space<vmem>>, %arg18: memref<64x128xf32, #tpu.memory_space<vmem>>, %arg19: memref<64x128xf32, #tpu.memory_space<vmem>>, %arg20: memref<!tpu.dma_semaphore, #tpu.memory_space<semaphore_mem>>, %arg21: memref<!tpu.dma_semaphore, #tpu.memory_space<semaphore_mem>>, %arg22: memref<!tpu.dma_semaphore, #tpu.memory_space<semaphore_mem>>, %arg23: memref<!tpu.dma_semaphore, #tpu.memory_space<semaphore_mem>>, %arg24: memref<!tpu.dma_semaphore, #tpu.memory_space<semaphore_mem>>, %arg25: memref<!tpu.dma_semaphore, #tpu.memory_space<semaphore_mem>>, %arg26: memref<!tpu.dma_semaphore, #tpu.memory_space<semaphore_mem>>, %arg27: memref<!tpu.dma_semaphore, #tpu.memory_space<semaphore_mem>>, %arg28: memref<!tpu.dma_semaphore, #tpu.memory_space<semaphore_mem>>, %arg29: memref<!tpu.dma_semaphore, #tpu.memory_space<semaphore_mem>>, %arg30: memref<!tpu.dma_semaphore, #tpu.memory_space<semaphore_mem>>, %arg31: memref<!tpu.dma_semaphore, #tpu.memory_space<semaphore_mem>>, %arg32: memref<!tpu.dma_semaphore, #tpu.memory_space<semaphore_mem>>, %arg33: memref<!tpu.dma_semaphore, #tpu.memory_space<semaphore_mem>>, %arg34: memref<!tpu.dma_semaphore, #tpu.memory_space<semaphore_mem>>, %arg35: memref<!tpu.dma_semaphore, #tpu.memory_space<semaphore_mem>>) attributes {dimension_semantics = [#tpu.dimension_semantics<core_parallel>, #tpu.dimension_semantics<subcore_parallel>], iteration_bounds = array<i64: 2, 16>, scalar_prefetch = 0 : i64, scratch_operands = 27 : i64, tpu.core_type = #tpu.core_type<sc_vector_subcore>, window_params = [{transform_indices = #map}, {transform_indices = #map}, {transform_indices = #map1}, {transform_indices = #map1}, {transform_indices = #map}, {transform_indices = #map}, {transform_indices = #map}]} {
    "tpu.region"() ({
      %run_scoped3A = tpu.sem_alloc : memref<!tpu.dma_semaphore, #tpu.memory_space<semaphore_mem>>
      tpu.enqueue_dma source(%arg6 : memref<64x128xf32, #tpu.memory_space<hbm>>) target(%arg12 : memref<64x128xf32, #tpu.memory_space<vmem>>) target_semaphore(%run_scoped3A : memref<!tpu.dma_semaphore, #tpu.memory_space<semaphore_mem>>)
      tpu.wait_dma2 semaphore(%run_scoped3A : memref<!tpu.dma_semaphore, #tpu.memory_space<semaphore_mem>>) src(%arg6 : memref<64x128xf32, #tpu.memory_space<hbm>>) dst(%arg12 : memref<64x128xf32, #tpu.memory_space<vmem>>)
      tpu.yield
    }) : () -> ()
    %mul3A = arith.constant 320 : i32
    %mul3A_0 = arith.muli %arg1, %mul3A : i32
    %add3A = arith.constant 0 : i32
    %add3A_1 = arith.addi %mul3A_0, %add3A : i32
    "tpu.region"() ({
      %run_scoped3A = tpu.sem_alloc : memref<!tpu.dma_semaphore, #tpu.memory_space<semaphore_mem>>
      %dma_start3A = arith.constant 0 : i32
      %dma_start3A_36 = tpu.memref_slice %arg9[%add3A_1, %dma_start3A] : memref<5120x128xf32, #tpu.memory_space<vmem_shared>> -> memref<64x128xf32, #tpu.memory_space<vmem_shared>>
      %dma_start3A_37 = arith.constant 0 : i32
      %dma_start3A_38 = tpu.memref_slice %arg9[%add3A_1, %dma_start3A_37] : memref<5120x128xf32, #tpu.memory_space<vmem_shared>> -> memref<64x128xf32, #tpu.memory_space<vmem_shared>>
      tpu.enqueue_dma source(%arg12 : memref<64x128xf32, #tpu.memory_space<vmem>>) target(%dma_start3A_38 : memref<64x128xf32, #tpu.memory_space<vmem_shared>>) target_semaphore(%run_scoped3A : memref<!tpu.dma_semaphore, #tpu.memory_space<semaphore_mem>>)
      %dma_wait3A = arith.constant 0 : i32
      %dma_wait3A_39 = tpu.memref_slice %arg9[%add3A_1, %dma_wait3A] : memref<5120x128xf32, #tpu.memory_space<vmem_shared>> -> memref<64x128xf32, #tpu.memory_space<vmem_shared>>
      %dma_wait3A_40 = arith.constant 0 : i32
      %dma_wait3A_41 = tpu.memref_slice %arg9[%add3A_1, %dma_wait3A_40] : memref<5120x128xf32, #tpu.memory_space<vmem_shared>> -> memref<64x128xf32, #tpu.memory_space<vmem_shared>>
      tpu.wait_dma2 semaphore(%run_scoped3A : memref<!tpu.dma_semaphore, #tpu.memory_space<semaphore_mem>>) src(%arg12 : memref<64x128xf32, #tpu.memory_space<vmem>>) dst(%dma_wait3A_41 : memref<64x128xf32, #tpu.memory_space<vmem_shared>>)
      tpu.yield
    }) : () -> ()
    %mul3A_2 = arith.constant 320 : i32
    %mul3A_3 = arith.muli %arg1, %mul3A_2 : i32
    %add3A_4 = arith.constant 64 : i32
    %add3A_5 = arith.addi %mul3A_3, %add3A_4 : i32
    "tpu.region"() ({
      %run_scoped3A = tpu.sem_alloc : memref<!tpu.dma_semaphore, #tpu.memory_space<semaphore_mem>>
      %dma_start3A = arith.constant 0 : i32
      %dma_start3A_36 = tpu.memref_slice %arg9[%add3A_5, %dma_start3A] : memref<5120x128xf32, #tpu.memory_space<vmem_shared>> -> memref<64x128xf32, #tpu.memory_space<vmem_shared>>
      %dma_start3A_37 = arith.constant 0 : i32
      %dma_start3A_38 = tpu.memref_slice %arg9[%add3A_5, %dma_start3A_37] : memref<5120x128xf32, #tpu.memory_space<vmem_shared>> -> memref<64x128xf32, #tpu.memory_space<vmem_shared>>
      tpu.enqueue_dma source(%arg12 : memref<64x128xf32, #tpu.memory_space<vmem>>) target(%dma_start3A_38 : memref<64x128xf32, #tpu.memory_space<vmem_shared>>) target_semaphore(%run_scoped3A : memref<!tpu.dma_semaphore, #tpu.memory_space<semaphore_mem>>)
      %dma_wait3A = arith.constant 0 : i32
      %dma_wait3A_39 = tpu.memref_slice %arg9[%add3A_5, %dma_wait3A] : memref<5120x128xf32, #tpu.memory_space<vmem_shared>> -> memref<64x128xf32, #tpu.memory_space<vmem_shared>>
      %dma_wait3A_40 = arith.constant 0 : i32
      %dma_wait3A_41 = tpu.memref_slice %arg9[%add3A_5, %dma_wait3A_40] : memref<5120x128xf32, #tpu.memory_space<vmem_shared>> -> memref<64x128xf32, #tpu.memory_space<vmem_shared>>
      tpu.wait_dma2 semaphore(%run_scoped3A : memref<!tpu.dma_semaphore, #tpu.memory_space<semaphore_mem>>) src(%arg12 : memref<64x128xf32, #tpu.memory_space<vmem>>) dst(%dma_wait3A_41 : memref<64x128xf32, #tpu.memory_space<vmem_shared>>)
      tpu.yield
    }) : () -> ()
    %mul3A_6 = arith.constant 320 : i32
    %mul3A_7 = arith.muli %arg1, %mul3A_6 : i32
    %add3A_8 = arith.constant 128 : i32
    %add3A_9 = arith.addi %mul3A_7, %add3A_8 : i32
    "tpu.region"() ({
      %run_scoped3A = tpu.sem_alloc : memref<!tpu.dma_semaphore, #tpu.memory_space<semaphore_mem>>
      %dma_start3A = arith.constant 0 : i32
      %dma_start3A_36 = tpu.memref_slice %arg9[%add3A_9, %dma_start3A] : memref<5120x128xf32, #tpu.memory_space<vmem_shared>> -> memref<64x128xf32, #tpu.memory_space<vmem_shared>>
      %dma_start3A_37 = arith.constant 0 : i32
      %dma_start3A_38 = tpu.memref_slice %arg9[%add3A_9, %dma_start3A_37] : memref<5120x128xf32, #tpu.memory_space<vmem_shared>> -> memref<64x128xf32, #tpu.memory_space<vmem_shared>>
      tpu.enqueue_dma source(%arg12 : memref<64x128xf32, #tpu.memory_space<vmem>>) target(%dma_start3A_38 : memref<64x128xf32, #tpu.memory_space<vmem_shared>>) target_semaphore(%run_scoped3A : memref<!tpu.dma_semaphore, #tpu.memory_space<semaphore_mem>>)
      %dma_wait3A = arith.constant 0 : i32
      %dma_wait3A_39 = tpu.memref_slice %arg9[%add3A_9, %dma_wait3A] : memref<5120x128xf32, #tpu.memory_space<vmem_shared>> -> memref<64x128xf32, #tpu.memory_space<vmem_shared>>
      %dma_wait3A_40 = arith.constant 0 : i32
      %dma_wait3A_41 = tpu.memref_slice %arg9[%add3A_9, %dma_wait3A_40] : memref<5120x128xf32, #tpu.memory_space<vmem_shared>> -> memref<64x128xf32, #tpu.memory_space<vmem_shared>>
      tpu.wait_dma2 semaphore(%run_scoped3A : memref<!tpu.dma_semaphore, #tpu.memory_space<semaphore_mem>>) src(%arg12 : memref<64x128xf32, #tpu.memory_space<vmem>>) dst(%dma_wait3A_41 : memref<64x128xf32, #tpu.memory_space<vmem_shared>>)
      tpu.yield
    }) : () -> ()
    %mul3A_10 = arith.constant 320 : i32
    %mul3A_11 = arith.muli %arg1, %mul3A_10 : i32
    %add3A_12 = arith.constant 192 : i32
    %add3A_13 = arith.addi %mul3A_11, %add3A_12 : i32
    "tpu.region"() ({
      %run_scoped3A = tpu.sem_alloc : memref<!tpu.dma_semaphore, #tpu.memory_space<semaphore_mem>>
      %dma_start3A = arith.constant 0 : i32
      %dma_start3A_36 = tpu.memref_slice %arg9[%add3A_13, %dma_start3A] : memref<5120x128xf32, #tpu.memory_space<vmem_shared>> -> memref<64x128xf32, #tpu.memory_space<vmem_shared>>
      %dma_start3A_37 = arith.constant 0 : i32
      %dma_start3A_38 = tpu.memref_slice %arg9[%add3A_13, %dma_start3A_37] : memref<5120x128xf32, #tpu.memory_space<vmem_shared>> -> memref<64x128xf32, #tpu.memory_space<vmem_shared>>
      tpu.enqueue_dma source(%arg12 : memref<64x128xf32, #tpu.memory_space<vmem>>) target(%dma_start3A_38 : memref<64x128xf32, #tpu.memory_space<vmem_shared>>) target_semaphore(%run_scoped3A : memref<!tpu.dma_semaphore, #tpu.memory_space<semaphore_mem>>)
      %dma_wait3A = arith.constant 0 : i32
      %dma_wait3A_39 = tpu.memref_slice %arg9[%add3A_13, %dma_wait3A] : memref<5120x128xf32, #tpu.memory_space<vmem_shared>> -> memref<64x128xf32, #tpu.memory_space<vmem_shared>>
      %dma_wait3A_40 = arith.constant 0 : i32
      %dma_wait3A_41 = tpu.memref_slice %arg9[%add3A_13, %dma_wait3A_40] : memref<5120x128xf32, #tpu.memory_space<vmem_shared>> -> memref<64x128xf32, #tpu.memory_space<vmem_shared>>
      tpu.wait_dma2 semaphore(%run_scoped3A : memref<!tpu.dma_semaphore, #tpu.memory_space<semaphore_mem>>) src(%arg12 : memref<64x128xf32, #tpu.memory_space<vmem>>) dst(%dma_wait3A_41 : memref<64x128xf32, #tpu.memory_space<vmem_shared>>)
      tpu.yield
    }) : () -> ()
    %mul3A_14 = arith.constant 320 : i32
    %mul3A_15 = arith.muli %arg1, %mul3A_14 : i32
    %add3A_16 = arith.constant 256 : i32
    %add3A_17 = arith.addi %mul3A_15, %add3A_16 : i32
    "tpu.region"() ({
      %run_scoped3A = tpu.sem_alloc : memref<!tpu.dma_semaphore, #tpu.memory_space<semaphore_mem>>
      %dma_start3A = arith.constant 0 : i32
      %dma_start3A_36 = tpu.memref_slice %arg9[%add3A_17, %dma_start3A] : memref<5120x128xf32, #tpu.memory_space<vmem_shared>> -> memref<64x128xf32, #tpu.memory_space<vmem_shared>>
      %dma_start3A_37 = arith.constant 0 : i32
      %dma_start3A_38 = tpu.memref_slice %arg9[%add3A_17, %dma_start3A_37] : memref<5120x128xf32, #tpu.memory_space<vmem_shared>> -> memref<64x128xf32, #tpu.memory_space<vmem_shared>>
      tpu.enqueue_dma source(%arg12 : memref<64x128xf32, #tpu.memory_space<vmem>>) target(%dma_start3A_38 : memref<64x128xf32, #tpu.memory_space<vmem_shared>>) target_semaphore(%run_scoped3A : memref<!tpu.dma_semaphore, #tpu.memory_space<semaphore_mem>>)
      %dma_wait3A = arith.constant 0 : i32
      %dma_wait3A_39 = tpu.memref_slice %arg9[%add3A_17, %dma_wait3A] : memref<5120x128xf32, #tpu.memory_space<vmem_shared>> -> memref<64x128xf32, #tpu.memory_space<vmem_shared>>
      %dma_wait3A_40 = arith.constant 0 : i32
      %dma_wait3A_41 = tpu.memref_slice %arg9[%add3A_17, %dma_wait3A_40] : memref<5120x128xf32, #tpu.memory_space<vmem_shared>> -> memref<64x128xf32, #tpu.memory_space<vmem_shared>>
      tpu.wait_dma2 semaphore(%run_scoped3A : memref<!tpu.dma_semaphore, #tpu.memory_space<semaphore_mem>>) src(%arg12 : memref<64x128xf32, #tpu.memory_space<vmem>>) dst(%dma_wait3A_41 : memref<64x128xf32, #tpu.memory_space<vmem_shared>>)
      tpu.yield
    }) : () -> ()
    "tpu.region"() ({
      %run_scoped3A = tpu.sem_alloc : memref<!tpu.dma_semaphore, #tpu.memory_space<semaphore_mem>>
      %dma_start3A = arith.constant 0 : i32
      %dma_start3A_36 = arith.constant 0 : i32
      %dma_start3A_37 = tpu.memref_slice %arg4[%arg0, %arg1, %dma_start3A, %dma_start3A_36] : memref<2x16x152x64xi32, #tpu.memory_space<hbm>> -> memref<1x1x152x64xi32, #tpu.memory_space<hbm>>
      %dma_start3A_38 = tpu.memref_squeeze %dma_start3A_37 : memref<1x1x152x64xi32, #tpu.memory_space<hbm>> -> memref<152x64xi32, #tpu.memory_space<hbm>>
      %dma_start3A_39 = arith.constant 0 : i32
      %dma_start3A_40 = arith.constant 0 : i32
      %dma_start3A_41 = tpu.memref_slice %arg4[%arg0, %arg1, %dma_start3A_39, %dma_start3A_40] : memref<2x16x152x64xi32, #tpu.memory_space<hbm>> -> memref<1x1x152x64xi32, #tpu.memory_space<hbm>>
      %dma_start3A_42 = tpu.memref_squeeze %dma_start3A_41 : memref<1x1x152x64xi32, #tpu.memory_space<hbm>> -> memref<152x64xi32, #tpu.memory_space<hbm>>
      tpu.enqueue_dma source(%dma_start3A_42 : memref<152x64xi32, #tpu.memory_space<hbm>>) target(%arg10 : memref<152x64xi32, #tpu.memory_space<vmem>>) target_semaphore(%run_scoped3A : memref<!tpu.dma_semaphore, #tpu.memory_space<semaphore_mem>>)
      %dma_wait3A = arith.constant 0 : i32
      %dma_wait3A_43 = arith.constant 0 : i32
      %dma_wait3A_44 = tpu.memref_slice %arg4[%arg0, %arg1, %dma_wait3A, %dma_wait3A_43] : memref<2x16x152x64xi32, #tpu.memory_space<hbm>> -> memref<1x1x152x64xi32, #tpu.memory_space<hbm>>
      %dma_wait3A_45 = tpu.memref_squeeze %dma_wait3A_44 : memref<1x1x152x64xi32, #tpu.memory_space<hbm>> -> memref<152x64xi32, #tpu.memory_space<hbm>>
      %dma_wait3A_46 = arith.constant 0 : i32
      %dma_wait3A_47 = arith.constant 0 : i32
      %dma_wait3A_48 = tpu.memref_slice %arg4[%arg0, %arg1, %dma_wait3A_46, %dma_wait3A_47] : memref<2x16x152x64xi32, #tpu.memory_space<hbm>> -> memref<1x1x152x64xi32, #tpu.memory_space<hbm>>
      %dma_wait3A_49 = tpu.memref_squeeze %dma_wait3A_48 : memref<1x1x152x64xi32, #tpu.memory_space<hbm>> -> memref<152x64xi32, #tpu.memory_space<hbm>>
      tpu.wait_dma2 semaphore(%run_scoped3A : memref<!tpu.dma_semaphore, #tpu.memory_space<semaphore_mem>>) src(%dma_wait3A_49 : memref<152x64xi32, #tpu.memory_space<hbm>>) dst(%arg10 : memref<152x64xi32, #tpu.memory_space<vmem>>)
      tpu.yield
    }) : () -> ()
    "tpu.region"() ({
      %run_scoped3A = tpu.sem_alloc : memref<!tpu.dma_semaphore, #tpu.memory_space<semaphore_mem>>
      %dma_start3A = arith.constant 0 : i32
      %dma_start3A_36 = arith.constant 0 : i32
      %dma_start3A_37 = tpu.memref_slice %arg5[%arg0, %arg1, %dma_start3A, %dma_start3A_36] : memref<2x16x152x64xi32, #tpu.memory_space<hbm>> -> memref<1x1x152x64xi32, #tpu.memory_space<hbm>>
      %dma_start3A_38 = tpu.memref_squeeze %dma_start3A_37 : memref<1x1x152x64xi32, #tpu.memory_space<hbm>> -> memref<152x64xi32, #tpu.memory_space<hbm>>
      %dma_start3A_39 = arith.constant 0 : i32
      %dma_start3A_40 = arith.constant 0 : i32
      %dma_start3A_41 = tpu.memref_slice %arg5[%arg0, %arg1, %dma_start3A_39, %dma_start3A_40] : memref<2x16x152x64xi32, #tpu.memory_space<hbm>> -> memref<1x1x152x64xi32, #tpu.memory_space<hbm>>
      %dma_start3A_42 = tpu.memref_squeeze %dma_start3A_41 : memref<1x1x152x64xi32, #tpu.memory_space<hbm>> -> memref<152x64xi32, #tpu.memory_space<hbm>>
      tpu.enqueue_dma source(%dma_start3A_42 : memref<152x64xi32, #tpu.memory_space<hbm>>) target(%arg11 : memref<152x64xi32, #tpu.memory_space<vmem>>) target_semaphore(%run_scoped3A : memref<!tpu.dma_semaphore, #tpu.memory_space<semaphore_mem>>)
      %dma_wait3A = arith.constant 0 : i32
      %dma_wait3A_43 = arith.constant 0 : i32
      %dma_wait3A_44 = tpu.memref_slice %arg5[%arg0, %arg1, %dma_wait3A, %dma_wait3A_43] : memref<2x16x152x64xi32, #tpu.memory_space<hbm>> -> memref<1x1x152x64xi32, #tpu.memory_space<hbm>>
      %dma_wait3A_45 = tpu.memref_squeeze %dma_wait3A_44 : memref<1x1x152x64xi32, #tpu.memory_space<hbm>> -> memref<152x64xi32, #tpu.memory_space<hbm>>
      %dma_wait3A_46 = arith.constant 0 : i32
      %dma_wait3A_47 = arith.constant 0 : i32
      %dma_wait3A_48 = tpu.memref_slice %arg5[%arg0, %arg1, %dma_wait3A_46, %dma_wait3A_47] : memref<2x16x152x64xi32, #tpu.memory_space<hbm>> -> memref<1x1x152x64xi32, #tpu.memory_space<hbm>>
      %dma_wait3A_49 = tpu.memref_squeeze %dma_wait3A_48 : memref<1x1x152x64xi32, #tpu.memory_space<hbm>> -> memref<152x64xi32, #tpu.memory_space<hbm>>
      tpu.wait_dma2 semaphore(%run_scoped3A : memref<!tpu.dma_semaphore, #tpu.memory_space<semaphore_mem>>) src(%dma_wait3A_49 : memref<152x64xi32, #tpu.memory_space<hbm>>) dst(%arg11 : memref<152x64xi32, #tpu.memory_space<vmem>>)
      tpu.yield
    }) : () -> ()
    %barrier3A = arith.constant 0 : index
    tpu.barrier barrier_id(%barrier3A)
    %eq3A = arith.constant 0 : i32
    %eq3A_18 = arith.cmpi eq, %arg0, %eq3A : i32
    %convert_element_type3A = arith.extui %eq3A_18 : i1 to i32
    %cond3A = arith.constant 0 : i32
    %cond3A_19 = arith.cmpi ne, %convert_element_type3A, %cond3A : i32
    scf.if %cond3A_19 {
      %dma_start3A = arith.constant 0 : i32
      %dma_start3A_36 = arith.constant 0 : i32
      %dma_start3A_37 = tpu.memref_slice %arg10[%dma_start3A, %dma_start3A_36] : memref<152x64xi32, #tpu.memory_space<vmem>> -> memref<1x64xi32, #tpu.memory_space<vmem>>
      %dma_start3A_38 = tpu.memref_squeeze %dma_start3A_37 : memref<1x64xi32, #tpu.memory_space<vmem>> -> memref<64xi32, #tpu.memory_space<vmem>>
      %dma_start3A_39 = arith.constant 0 : i32
      %dma_start3A_40 = arith.constant 0 : i32
      %dma_start3A_41 = tpu.memref_slice %arg2[%dma_start3A_39, %dma_start3A_40] : memref<50048x128xf32, #tpu.memory_space<hbm>> -> memref<50048x128xf32, #tpu.memory_space<hbm>>
      tpu.enqueue_indirect_dma source(%dma_start3A_41 : memref<50048x128xf32, #tpu.memory_space<hbm>>) target(%arg12 : memref<64x128xf32, #tpu.memory_space<vmem>>) offsets(%dma_start3A_38 : memref<64xi32, #tpu.memory_space<vmem>>) semaphore(%arg20 : memref<!tpu.dma_semaphore, #tpu.memory_space<semaphore_mem>>)
      %dma_start3A_42 = arith.constant 1 : i32
      %dma_start3A_43 = arith.constant 0 : i32
      %dma_start3A_44 = tpu.memref_slice %arg10[%dma_start3A_42, %dma_start3A_43] : memref<152x64xi32, #tpu.memory_space<vmem>> -> memref<1x64xi32, #tpu.memory_space<vmem>>
      %dma_start3A_45 = tpu.memref_squeeze %dma_start3A_44 : memref<1x64xi32, #tpu.memory_space<vmem>> -> memref<64xi32, #tpu.memory_space<vmem>>
      %dma_start3A_46 = arith.constant 0 : i32
      %dma_start3A_47 = arith.constant 0 : i32
      %dma_start3A_48 = tpu.memref_slice %arg2[%dma_start3A_46, %dma_start3A_47] : memref<50048x128xf32, #tpu.memory_space<hbm>> -> memref<50048x128xf32, #tpu.memory_space<hbm>>
      tpu.enqueue_indirect_dma source(%dma_start3A_48 : memref<50048x128xf32, #tpu.memory_space<hbm>>) target(%arg13 : memref<64x128xf32, #tpu.memory_space<vmem>>) offsets(%dma_start3A_45 : memref<64xi32, #tpu.memory_space<vmem>>) semaphore(%arg21 : memref<!tpu.dma_semaphore, #tpu.memory_space<semaphore_mem>>)
      %dma_start3A_49 = arith.constant 2 : i32
      %dma_start3A_50 = arith.constant 0 : i32
      %dma_start3A_51 = tpu.memref_slice %arg10[%dma_start3A_49, %dma_start3A_50] : memref<152x64xi32, #tpu.memory_space<vmem>> -> memref<1x64xi32, #tpu.memory_space<vmem>>
      %dma_start3A_52 = tpu.memref_squeeze %dma_start3A_51 : memref<1x64xi32, #tpu.memory_space<vmem>> -> memref<64xi32, #tpu.memory_space<vmem>>
      %dma_start3A_53 = arith.constant 0 : i32
      %dma_start3A_54 = arith.constant 0 : i32
      %dma_start3A_55 = tpu.memref_slice %arg2[%dma_start3A_53, %dma_start3A_54] : memref<50048x128xf32, #tpu.memory_space<hbm>> -> memref<50048x128xf32, #tpu.memory_space<hbm>>
      tpu.enqueue_indirect_dma source(%dma_start3A_55 : memref<50048x128xf32, #tpu.memory_space<hbm>>) target(%arg14 : memref<64x128xf32, #tpu.memory_space<vmem>>) offsets(%dma_start3A_52 : memref<64xi32, #tpu.memory_space<vmem>>) semaphore(%arg22 : memref<!tpu.dma_semaphore, #tpu.memory_space<semaphore_mem>>)
      %dma_start3A_56 = arith.constant 3 : i32
      %dma_start3A_57 = arith.constant 0 : i32
      %dma_start3A_58 = tpu.memref_slice %arg10[%dma_start3A_56, %dma_start3A_57] : memref<152x64xi32, #tpu.memory_space<vmem>> -> memref<1x64xi32, #tpu.memory_space<vmem>>
      %dma_start3A_59 = tpu.memref_squeeze %dma_start3A_58 : memref<1x64xi32, #tpu.memory_space<vmem>> -> memref<64xi32, #tpu.memory_space<vmem>>
      %dma_start3A_60 = arith.constant 0 : i32
      %dma_start3A_61 = arith.constant 0 : i32
      %dma_start3A_62 = tpu.memref_slice %arg2[%dma_start3A_60, %dma_start3A_61] : memref<50048x128xf32, #tpu.memory_space<hbm>> -> memref<50048x128xf32, #tpu.memory_space<hbm>>
      tpu.enqueue_indirect_dma source(%dma_start3A_62 : memref<50048x128xf32, #tpu.memory_space<hbm>>) target(%arg15 : memref<64x128xf32, #tpu.memory_space<vmem>>) offsets(%dma_start3A_59 : memref<64xi32, #tpu.memory_space<vmem>>) semaphore(%arg23 : memref<!tpu.dma_semaphore, #tpu.memory_space<semaphore_mem>>)
      %dma_start3A_63 = arith.constant 4 : i32
      %dma_start3A_64 = arith.constant 0 : i32
      %dma_start3A_65 = tpu.memref_slice %arg10[%dma_start3A_63, %dma_start3A_64] : memref<152x64xi32, #tpu.memory_space<vmem>> -> memref<1x64xi32, #tpu.memory_space<vmem>>
      %dma_start3A_66 = tpu.memref_squeeze %dma_start3A_65 : memref<1x64xi32, #tpu.memory_space<vmem>> -> memref<64xi32, #tpu.memory_space<vmem>>
      %dma_start3A_67 = arith.constant 0 : i32
      %dma_start3A_68 = arith.constant 0 : i32
      %dma_start3A_69 = tpu.memref_slice %arg2[%dma_start3A_67, %dma_start3A_68] : memref<50048x128xf32, #tpu.memory_space<hbm>> -> memref<50048x128xf32, #tpu.memory_space<hbm>>
      tpu.enqueue_indirect_dma source(%dma_start3A_69 : memref<50048x128xf32, #tpu.memory_space<hbm>>) target(%arg16 : memref<64x128xf32, #tpu.memory_space<vmem>>) offsets(%dma_start3A_66 : memref<64xi32, #tpu.memory_space<vmem>>) semaphore(%arg24 : memref<!tpu.dma_semaphore, #tpu.memory_space<semaphore_mem>>)
      %dma_start3A_70 = arith.constant 5 : i32
      %dma_start3A_71 = arith.constant 0 : i32
      %dma_start3A_72 = tpu.memref_slice %arg10[%dma_start3A_70, %dma_start3A_71] : memref<152x64xi32, #tpu.memory_space<vmem>> -> memref<1x64xi32, #tpu.memory_space<vmem>>
      %dma_start3A_73 = tpu.memref_squeeze %dma_start3A_72 : memref<1x64xi32, #tpu.memory_space<vmem>> -> memref<64xi32, #tpu.memory_space<vmem>>
      %dma_start3A_74 = arith.constant 0 : i32
      %dma_start3A_75 = arith.constant 0 : i32
      %dma_start3A_76 = tpu.memref_slice %arg2[%dma_start3A_74, %dma_start3A_75] : memref<50048x128xf32, #tpu.memory_space<hbm>> -> memref<50048x128xf32, #tpu.memory_space<hbm>>
      tpu.enqueue_indirect_dma source(%dma_start3A_76 : memref<50048x128xf32, #tpu.memory_space<hbm>>) target(%arg17 : memref<64x128xf32, #tpu.memory_space<vmem>>) offsets(%dma_start3A_73 : memref<64xi32, #tpu.memory_space<vmem>>) semaphore(%arg25 : memref<!tpu.dma_semaphore, #tpu.memory_space<semaphore_mem>>)
      %dma_start3A_77 = arith.constant 6 : i32
      %dma_start3A_78 = arith.constant 0 : i32
      %dma_start3A_79 = tpu.memref_slice %arg10[%dma_start3A_77, %dma_start3A_78] : memref<152x64xi32, #tpu.memory_space<vmem>> -> memref<1x64xi32, #tpu.memory_space<vmem>>
      %dma_start3A_80 = tpu.memref_squeeze %dma_start3A_79 : memref<1x64xi32, #tpu.memory_space<vmem>> -> memref<64xi32, #tpu.memory_space<vmem>>
      %dma_start3A_81 = arith.constant 0 : i32
      %dma_start3A_82 = arith.constant 0 : i32
      %dma_start3A_83 = tpu.memref_slice %arg2[%dma_start3A_81, %dma_start3A_82] : memref<50048x128xf32, #tpu.memory_space<hbm>> -> memref<50048x128xf32, #tpu.memory_space<hbm>>
      tpu.enqueue_indirect_dma source(%dma_start3A_83 : memref<50048x128xf32, #tpu.memory_space<hbm>>) target(%arg18 : memref<64x128xf32, #tpu.memory_space<vmem>>) offsets(%dma_start3A_80 : memref<64xi32, #tpu.memory_space<vmem>>) semaphore(%arg26 : memref<!tpu.dma_semaphore, #tpu.memory_space<semaphore_mem>>)
      %dma_start3A_84 = arith.constant 7 : i32
      %dma_start3A_85 = arith.constant 0 : i32
      %dma_start3A_86 = tpu.memref_slice %arg10[%dma_start3A_84, %dma_start3A_85] : memref<152x64xi32, #tpu.memory_space<vmem>> -> memref<1x64xi32, #tpu.memory_space<vmem>>
      %dma_start3A_87 = tpu.memref_squeeze %dma_start3A_86 : memref<1x64xi32, #tpu.memory_space<vmem>> -> memref<64xi32, #tpu.memory_space<vmem>>
      %dma_start3A_88 = arith.constant 0 : i32
      %dma_start3A_89 = arith.constant 0 : i32
      %dma_start3A_90 = tpu.memref_slice %arg2[%dma_start3A_88, %dma_start3A_89] : memref<50048x128xf32, #tpu.memory_space<hbm>> -> memref<50048x128xf32, #tpu.memory_space<hbm>>
      tpu.enqueue_indirect_dma source(%dma_start3A_90 : memref<50048x128xf32, #tpu.memory_space<hbm>>) target(%arg19 : memref<64x128xf32, #tpu.memory_space<vmem>>) offsets(%dma_start3A_87 : memref<64xi32, #tpu.memory_space<vmem>>) semaphore(%arg27 : memref<!tpu.dma_semaphore, #tpu.memory_space<semaphore_mem>>)
      %scan3A = arith.constant 0 : i32
      %scan3A_91 = arith.constant 0 : i32
      %scan3A_92 = arith.constant 19 : i32
      %scan3A_93 = arith.addi %scan3A_91, %scan3A_92 : i32
      %scan3A_94 = arith.constant 1 : i32
      scf.for %scan3A_96 = %scan3A_91 to %scan3A_93 step %scan3A_94  : i32 {
        %mul3A_97 = arith.constant 8 : i32
        %mul3A_98 = arith.muli %scan3A_96, %mul3A_97 : i32
        %add3A_99 = arith.constant 0 : i32
        %add3A_100 = arith.addi %mul3A_98, %add3A_99 : i32
        %dma_wait3A = arith.constant 0 : i32
        %dma_wait3A_101 = arith.constant 0 : i32
        %dma_wait3A_102 = tpu.memref_slice %arg10[%dma_wait3A, %dma_wait3A_101] : memref<152x64xi32, #tpu.memory_space<vmem>> -> memref<1x64xi32, #tpu.memory_space<vmem>>
        %dma_wait3A_103 = tpu.memref_squeeze %dma_wait3A_102 : memref<1x64xi32, #tpu.memory_space<vmem>> -> memref<64xi32, #tpu.memory_space<vmem>>
        %dma_wait3A_104 = arith.constant 0 : i32
        %dma_wait3A_105 = arith.constant 0 : i32
        %dma_wait3A_106 = tpu.memref_slice %arg2[%dma_wait3A_104, %dma_wait3A_105] : memref<50048x128xf32, #tpu.memory_space<hbm>> -> memref<50048x128xf32, #tpu.memory_space<hbm>>
        tpu.wait_indirect_dma semaphore(%arg20 : memref<!tpu.dma_semaphore, #tpu.memory_space<semaphore_mem>>) src(%dma_wait3A_106 : memref<50048x128xf32, #tpu.memory_space<hbm>>) dst(%arg12 : memref<64x128xf32, #tpu.memory_space<vmem>>)
        %dma_start3A_107 = arith.constant 0 : i32
        %dma_start3A_108 = tpu.memref_slice %arg11[%add3A_100, %dma_start3A_107] : memref<152x64xi32, #tpu.memory_space<vmem>> -> memref<1x64xi32, #tpu.memory_space<vmem>>
        %dma_start3A_109 = tpu.memref_squeeze %dma_start3A_108 : memref<1x64xi32, #tpu.memory_space<vmem>> -> memref<64xi32, #tpu.memory_space<vmem>>
        %dma_start3A_110 = arith.constant 0 : i32
        %dma_start3A_111 = arith.constant 0 : i32
        %dma_start3A_112 = tpu.memref_slice %arg9[%dma_start3A_110, %dma_start3A_111] : memref<5120x128xf32, #tpu.memory_space<vmem_shared>> -> memref<5120x128xf32, #tpu.memory_space<vmem_shared>>
        tpu.enqueue_indirect_dma source(%arg12 : memref<64x128xf32, #tpu.memory_space<vmem>>) target(%dma_start3A_112 : memref<5120x128xf32, #tpu.memory_space<vmem_shared>>) offsets(%dma_start3A_109 : memref<64xi32, #tpu.memory_space<vmem>>) semaphore(%arg28 : memref<!tpu.dma_semaphore, #tpu.memory_space<semaphore_mem>>) {add = true}
        %mul3A_113 = arith.constant 8 : i32
        %mul3A_114 = arith.muli %scan3A_96, %mul3A_113 : i32
        %add3A_115 = arith.constant 1 : i32
        %add3A_116 = arith.addi %mul3A_114, %add3A_115 : i32
        %dma_wait3A_117 = arith.constant 0 : i32
        %dma_wait3A_118 = arith.constant 0 : i32
        %dma_wait3A_119 = tpu.memref_slice %arg10[%dma_wait3A_117, %dma_wait3A_118] : memref<152x64xi32, #tpu.memory_space<vmem>> -> memref<1x64xi32, #tpu.memory_space<vmem>>
        %dma_wait3A_120 = tpu.memref_squeeze %dma_wait3A_119 : memref<1x64xi32, #tpu.memory_space<vmem>> -> memref<64xi32, #tpu.memory_space<vmem>>
        %dma_wait3A_121 = arith.constant 0 : i32
        %dma_wait3A_122 = arith.constant 0 : i32
        %dma_wait3A_123 = tpu.memref_slice %arg2[%dma_wait3A_121, %dma_wait3A_122] : memref<50048x128xf32, #tpu.memory_space<hbm>> -> memref<50048x128xf32, #tpu.memory_space<hbm>>
        tpu.wait_indirect_dma semaphore(%arg21 : memref<!tpu.dma_semaphore, #tpu.memory_space<semaphore_mem>>) src(%dma_wait3A_123 : memref<50048x128xf32, #tpu.memory_space<hbm>>) dst(%arg13 : memref<64x128xf32, #tpu.memory_space<vmem>>)
        %dma_start3A_124 = arith.constant 0 : i32
        %dma_start3A_125 = tpu.memref_slice %arg11[%add3A_116, %dma_start3A_124] : memref<152x64xi32, #tpu.memory_space<vmem>> -> memref<1x64xi32, #tpu.memory_space<vmem>>
        %dma_start3A_126 = tpu.memref_squeeze %dma_start3A_125 : memref<1x64xi32, #tpu.memory_space<vmem>> -> memref<64xi32, #tpu.memory_space<vmem>>
        %dma_start3A_127 = arith.constant 0 : i32
        %dma_start3A_128 = arith.constant 0 : i32
        %dma_start3A_129 = tpu.memref_slice %arg9[%dma_start3A_127, %dma_start3A_128] : memref<5120x128xf32, #tpu.memory_space<vmem_shared>> -> memref<5120x128xf32, #tpu.memory_space<vmem_shared>>
        tpu.enqueue_indirect_dma source(%arg13 : memref<64x128xf32, #tpu.memory_space<vmem>>) target(%dma_start3A_129 : memref<5120x128xf32, #tpu.memory_space<vmem_shared>>) offsets(%dma_start3A_126 : memref<64xi32, #tpu.memory_space<vmem>>) semaphore(%arg29 : memref<!tpu.dma_semaphore, #tpu.memory_space<semaphore_mem>>) {add = true}
        %mul3A_130 = arith.constant 8 : i32
        %mul3A_131 = arith.muli %scan3A_96, %mul3A_130 : i32
        %add3A_132 = arith.constant 2 : i32
        %add3A_133 = arith.addi %mul3A_131, %add3A_132 : i32
        %dma_wait3A_134 = arith.constant 0 : i32
        %dma_wait3A_135 = arith.constant 0 : i32
        %dma_wait3A_136 = tpu.memref_slice %arg10[%dma_wait3A_134, %dma_wait3A_135] : memref<152x64xi32, #tpu.memory_space<vmem>> -> memref<1x64xi32, #tpu.memory_space<vmem>>
        %dma_wait3A_137 = tpu.memref_squeeze %dma_wait3A_136 : memref<1x64xi32, #tpu.memory_space<vmem>> -> memref<64xi32, #tpu.memory_space<vmem>>
        %dma_wait3A_138 = arith.constant 0 : i32
        %dma_wait3A_139 = arith.constant 0 : i32
        %dma_wait3A_140 = tpu.memref_slice %arg2[%dma_wait3A_138, %dma_wait3A_139] : memref<50048x128xf32, #tpu.memory_space<hbm>> -> memref<50048x128xf32, #tpu.memory_space<hbm>>
        tpu.wait_indirect_dma semaphore(%arg22 : memref<!tpu.dma_semaphore, #tpu.memory_space<semaphore_mem>>) src(%dma_wait3A_140 : memref<50048x128xf32, #tpu.memory_space<hbm>>) dst(%arg14 : memref<64x128xf32, #tpu.memory_space<vmem>>)
        %dma_start3A_141 = arith.constant 0 : i32
        %dma_start3A_142 = tpu.memref_slice %arg11[%add3A_133, %dma_start3A_141] : memref<152x64xi32, #tpu.memory_space<vmem>> -> memref<1x64xi32, #tpu.memory_space<vmem>>
        %dma_start3A_143 = tpu.memref_squeeze %dma_start3A_142 : memref<1x64xi32, #tpu.memory_space<vmem>> -> memref<64xi32, #tpu.memory_space<vmem>>
        %dma_start3A_144 = arith.constant 0 : i32
        %dma_start3A_145 = arith.constant 0 : i32
        %dma_start3A_146 = tpu.memref_slice %arg9[%dma_start3A_144, %dma_start3A_145] : memref<5120x128xf32, #tpu.memory_space<vmem_shared>> -> memref<5120x128xf32, #tpu.memory_space<vmem_shared>>
        tpu.enqueue_indirect_dma source(%arg14 : memref<64x128xf32, #tpu.memory_space<vmem>>) target(%dma_start3A_146 : memref<5120x128xf32, #tpu.memory_space<vmem_shared>>) offsets(%dma_start3A_143 : memref<64xi32, #tpu.memory_space<vmem>>) semaphore(%arg30 : memref<!tpu.dma_semaphore, #tpu.memory_space<semaphore_mem>>) {add = true}
        %mul3A_147 = arith.constant 8 : i32
        %mul3A_148 = arith.muli %scan3A_96, %mul3A_147 : i32
        %add3A_149 = arith.constant 3 : i32
        %add3A_150 = arith.addi %mul3A_148, %add3A_149 : i32
        %dma_wait3A_151 = arith.constant 0 : i32
        %dma_wait3A_152 = arith.constant 0 : i32
        %dma_wait3A_153 = tpu.memref_slice %arg10[%dma_wait3A_151, %dma_wait3A_152] : memref<152x64xi32, #tpu.memory_space<vmem>> -> memref<1x64xi32, #tpu.memory_space<vmem>>
        %dma_wait3A_154 = tpu.memref_squeeze %dma_wait3A_153 : memref<1x64xi32, #tpu.memory_space<vmem>> -> memref<64xi32, #tpu.memory_space<vmem>>
        %dma_wait3A_155 = arith.constant 0 : i32
        %dma_wait3A_156 = arith.constant 0 : i32
        %dma_wait3A_157 = tpu.memref_slice %arg2[%dma_wait3A_155, %dma_wait3A_156] : memref<50048x128xf32, #tpu.memory_space<hbm>> -> memref<50048x128xf32, #tpu.memory_space<hbm>>
        tpu.wait_indirect_dma semaphore(%arg23 : memref<!tpu.dma_semaphore, #tpu.memory_space<semaphore_mem>>) src(%dma_wait3A_157 : memref<50048x128xf32, #tpu.memory_space<hbm>>) dst(%arg15 : memref<64x128xf32, #tpu.memory_space<vmem>>)
        %dma_start3A_158 = arith.constant 0 : i32
        %dma_start3A_159 = tpu.memref_slice %arg11[%add3A_150, %dma_start3A_158] : memref<152x64xi32, #tpu.memory_space<vmem>> -> memref<1x64xi32, #tpu.memory_space<vmem>>
        %dma_start3A_160 = tpu.memref_squeeze %dma_start3A_159 : memref<1x64xi32, #tpu.memory_space<vmem>> -> memref<64xi32, #tpu.memory_space<vmem>>
        %dma_start3A_161 = arith.constant 0 : i32
        %dma_start3A_162 = arith.constant 0 : i32
        %dma_start3A_163 = tpu.memref_slice %arg9[%dma_start3A_161, %dma_start3A_162] : memref<5120x128xf32, #tpu.memory_space<vmem_shared>> -> memref<5120x128xf32, #tpu.memory_space<vmem_shared>>
        tpu.enqueue_indirect_dma source(%arg15 : memref<64x128xf32, #tpu.memory_space<vmem>>) target(%dma_start3A_163 : memref<5120x128xf32, #tpu.memory_space<vmem_shared>>) offsets(%dma_start3A_160 : memref<64xi32, #tpu.memory_space<vmem>>) semaphore(%arg31 : memref<!tpu.dma_semaphore, #tpu.memory_space<semaphore_mem>>) {add = true}
        %mul3A_164 = arith.constant 8 : i32
        %mul3A_165 = arith.muli %scan3A_96, %mul3A_164 : i32
        %add3A_166 = arith.constant 4 : i32
        %add3A_167 = arith.addi %mul3A_165, %add3A_166 : i32
        %dma_wait3A_168 = arith.constant 0 : i32
        %dma_wait3A_169 = arith.constant 0 : i32
        %dma_wait3A_170 = tpu.memref_slice %arg10[%dma_wait3A_168, %dma_wait3A_169] : memref<152x64xi32, #tpu.memory_space<vmem>> -> memref<1x64xi32, #tpu.memory_space<vmem>>
        %dma_wait3A_171 = tpu.memref_squeeze %dma_wait3A_170 : memref<1x64xi32, #tpu.memory_space<vmem>> -> memref<64xi32, #tpu.memory_space<vmem>>
        %dma_wait3A_172 = arith.constant 0 : i32
        %dma_wait3A_173 = arith.constant 0 : i32
        %dma_wait3A_174 = tpu.memref_slice %arg2[%dma_wait3A_172, %dma_wait3A_173] : memref<50048x128xf32, #tpu.memory_space<hbm>> -> memref<50048x128xf32, #tpu.memory_space<hbm>>
        tpu.wait_indirect_dma semaphore(%arg24 : memref<!tpu.dma_semaphore, #tpu.memory_space<semaphore_mem>>) src(%dma_wait3A_174 : memref<50048x128xf32, #tpu.memory_space<hbm>>) dst(%arg16 : memref<64x128xf32, #tpu.memory_space<vmem>>)
        %dma_start3A_175 = arith.constant 0 : i32
        %dma_start3A_176 = tpu.memref_slice %arg11[%add3A_167, %dma_start3A_175] : memref<152x64xi32, #tpu.memory_space<vmem>> -> memref<1x64xi32, #tpu.memory_space<vmem>>
        %dma_start3A_177 = tpu.memref_squeeze %dma_start3A_176 : memref<1x64xi32, #tpu.memory_space<vmem>> -> memref<64xi32, #tpu.memory_space<vmem>>
        %dma_start3A_178 = arith.constant 0 : i32
        %dma_start3A_179 = arith.constant 0 : i32
        %dma_start3A_180 = tpu.memref_slice %arg9[%dma_start3A_178, %dma_start3A_179] : memref<5120x128xf32, #tpu.memory_space<vmem_shared>> -> memref<5120x128xf32, #tpu.memory_space<vmem_shared>>
        tpu.enqueue_indirect_dma source(%arg16 : memref<64x128xf32, #tpu.memory_space<vmem>>) target(%dma_start3A_180 : memref<5120x128xf32, #tpu.memory_space<vmem_shared>>) offsets(%dma_start3A_177 : memref<64xi32, #tpu.memory_space<vmem>>) semaphore(%arg32 : memref<!tpu.dma_semaphore, #tpu.memory_space<semaphore_mem>>) {add = true}
        %mul3A_181 = arith.constant 8 : i32
        %mul3A_182 = arith.muli %scan3A_96, %mul3A_181 : i32
        %add3A_183 = arith.constant 5 : i32
        %add3A_184 = arith.addi %mul3A_182, %add3A_183 : i32
        %dma_wait3A_185 = arith.constant 0 : i32
        %dma_wait3A_186 = arith.constant 0 : i32
        %dma_wait3A_187 = tpu.memref_slice %arg10[%dma_wait3A_185, %dma_wait3A_186] : memref<152x64xi32, #tpu.memory_space<vmem>> -> memref<1x64xi32, #tpu.memory_space<vmem>>
        %dma_wait3A_188 = tpu.memref_squeeze %dma_wait3A_187 : memref<1x64xi32, #tpu.memory_space<vmem>> -> memref<64xi32, #tpu.memory_space<vmem>>
        %dma_wait3A_189 = arith.constant 0 : i32
        %dma_wait3A_190 = arith.constant 0 : i32
        %dma_wait3A_191 = tpu.memref_slice %arg2[%dma_wait3A_189, %dma_wait3A_190] : memref<50048x128xf32, #tpu.memory_space<hbm>> -> memref<50048x128xf32, #tpu.memory_space<hbm>>
        tpu.wait_indirect_dma semaphore(%arg25 : memref<!tpu.dma_semaphore, #tpu.memory_space<semaphore_mem>>) src(%dma_wait3A_191 : memref<50048x128xf32, #tpu.memory_space<hbm>>) dst(%arg17 : memref<64x128xf32, #tpu.memory_space<vmem>>)
        %dma_start3A_192 = arith.constant 0 : i32
        %dma_start3A_193 = tpu.memref_slice %arg11[%add3A_184, %dma_start3A_192] : memref<152x64xi32, #tpu.memory_space<vmem>> -> memref<1x64xi32, #tpu.memory_space<vmem>>
        %dma_start3A_194 = tpu.memref_squeeze %dma_start3A_193 : memref<1x64xi32, #tpu.memory_space<vmem>> -> memref<64xi32, #tpu.memory_space<vmem>>
        %dma_start3A_195 = arith.constant 0 : i32
        %dma_start3A_196 = arith.constant 0 : i32
        %dma_start3A_197 = tpu.memref_slice %arg9[%dma_start3A_195, %dma_start3A_196] : memref<5120x128xf32, #tpu.memory_space<vmem_shared>> -> memref<5120x128xf32, #tpu.memory_space<vmem_shared>>
        tpu.enqueue_indirect_dma source(%arg17 : memref<64x128xf32, #tpu.memory_space<vmem>>) target(%dma_start3A_197 : memref<5120x128xf32, #tpu.memory_space<vmem_shared>>) offsets(%dma_start3A_194 : memref<64xi32, #tpu.memory_space<vmem>>) semaphore(%arg33 : memref<!tpu.dma_semaphore, #tpu.memory_space<semaphore_mem>>) {add = true}
        %mul3A_198 = arith.constant 8 : i32
        %mul3A_199 = arith.muli %scan3A_96, %mul3A_198 : i32
        %add3A_200 = arith.constant 6 : i32
        %add3A_201 = arith.addi %mul3A_199, %add3A_200 : i32
        %dma_wait3A_202 = arith.constant 0 : i32
        %dma_wait3A_203 = arith.constant 0 : i32
        %dma_wait3A_204 = tpu.memref_slice %arg10[%dma_wait3A_202, %dma_wait3A_203] : memref<152x64xi32, #tpu.memory_space<vmem>> -> memref<1x64xi32, #tpu.memory_space<vmem>>
        %dma_wait3A_205 = tpu.memref_squeeze %dma_wait3A_204 : memref<1x64xi32, #tpu.memory_space<vmem>> -> memref<64xi32, #tpu.memory_space<vmem>>
        %dma_wait3A_206 = arith.constant 0 : i32
        %dma_wait3A_207 = arith.constant 0 : i32
        %dma_wait3A_208 = tpu.memref_slice %arg2[%dma_wait3A_206, %dma_wait3A_207] : memref<50048x128xf32, #tpu.memory_space<hbm>> -> memref<50048x128xf32, #tpu.memory_space<hbm>>
        tpu.wait_indirect_dma semaphore(%arg26 : memref<!tpu.dma_semaphore, #tpu.memory_space<semaphore_mem>>) src(%dma_wait3A_208 : memref<50048x128xf32, #tpu.memory_space<hbm>>) dst(%arg18 : memref<64x128xf32, #tpu.memory_space<vmem>>)
        %dma_start3A_209 = arith.constant 0 : i32
        %dma_start3A_210 = tpu.memref_slice %arg11[%add3A_201, %dma_start3A_209] : memref<152x64xi32, #tpu.memory_space<vmem>> -> memref<1x64xi32, #tpu.memory_space<vmem>>
        %dma_start3A_211 = tpu.memref_squeeze %dma_start3A_210 : memref<1x64xi32, #tpu.memory_space<vmem>> -> memref<64xi32, #tpu.memory_space<vmem>>
        %dma_start3A_212 = arith.constant 0 : i32
        %dma_start3A_213 = arith.constant 0 : i32
        %dma_start3A_214 = tpu.memref_slice %arg9[%dma_start3A_212, %dma_start3A_213] : memref<5120x128xf32, #tpu.memory_space<vmem_shared>> -> memref<5120x128xf32, #tpu.memory_space<vmem_shared>>
        tpu.enqueue_indirect_dma source(%arg18 : memref<64x128xf32, #tpu.memory_space<vmem>>) target(%dma_start3A_214 : memref<5120x128xf32, #tpu.memory_space<vmem_shared>>) offsets(%dma_start3A_211 : memref<64xi32, #tpu.memory_space<vmem>>) semaphore(%arg34 : memref<!tpu.dma_semaphore, #tpu.memory_space<semaphore_mem>>) {add = true}
        %mul3A_215 = arith.constant 8 : i32
        %mul3A_216 = arith.muli %scan3A_96, %mul3A_215 : i32
        %add3A_217 = arith.constant 7 : i32
        %add3A_218 = arith.addi %mul3A_216, %add3A_217 : i32
        %dma_wait3A_219 = arith.constant 0 : i32
        %dma_wait3A_220 = arith.constant 0 : i32
        %dma_wait3A_221 = tpu.memref_slice %arg10[%dma_wait3A_219, %dma_wait3A_220] : memref<152x64xi32, #tpu.memory_space<vmem>> -> memref<1x64xi32, #tpu.memory_space<vmem>>
        %dma_wait3A_222 = tpu.memref_squeeze %dma_wait3A_221 : memref<1x64xi32, #tpu.memory_space<vmem>> -> memref<64xi32, #tpu.memory_space<vmem>>
        %dma_wait3A_223 = arith.constant 0 : i32
        %dma_wait3A_224 = arith.constant 0 : i32
        %dma_wait3A_225 = tpu.memref_slice %arg2[%dma_wait3A_223, %dma_wait3A_224] : memref<50048x128xf32, #tpu.memory_space<hbm>> -> memref<50048x128xf32, #tpu.memory_space<hbm>>
        tpu.wait_indirect_dma semaphore(%arg27 : memref<!tpu.dma_semaphore, #tpu.memory_space<semaphore_mem>>) src(%dma_wait3A_225 : memref<50048x128xf32, #tpu.memory_space<hbm>>) dst(%arg19 : memref<64x128xf32, #tpu.memory_space<vmem>>)
        %dma_start3A_226 = arith.constant 0 : i32
        %dma_start3A_227 = tpu.memref_slice %arg11[%add3A_218, %dma_start3A_226] : memref<152x64xi32, #tpu.memory_space<vmem>> -> memref<1x64xi32, #tpu.memory_space<vmem>>
        %dma_start3A_228 = tpu.memref_squeeze %dma_start3A_227 : memref<1x64xi32, #tpu.memory_space<vmem>> -> memref<64xi32, #tpu.memory_space<vmem>>
        %dma_start3A_229 = arith.constant 0 : i32
        %dma_start3A_230 = arith.constant 0 : i32
        %dma_start3A_231 = tpu.memref_slice %arg9[%dma_start3A_229, %dma_start3A_230] : memref<5120x128xf32, #tpu.memory_space<vmem_shared>> -> memref<5120x128xf32, #tpu.memory_space<vmem_shared>>
        tpu.enqueue_indirect_dma source(%arg19 : memref<64x128xf32, #tpu.memory_space<vmem>>) target(%dma_start3A_231 : memref<5120x128xf32, #tpu.memory_space<vmem_shared>>) offsets(%dma_start3A_228 : memref<64xi32, #tpu.memory_space<vmem>>) semaphore(%arg35 : memref<!tpu.dma_semaphore, #tpu.memory_space<semaphore_mem>>) {add = true}
        %dma_wait3A_232 = arith.constant 0 : i32
        %dma_wait3A_233 = arith.constant 0 : i32
        %dma_wait3A_234 = tpu.memref_slice %arg11[%dma_wait3A_232, %dma_wait3A_233] : memref<152x64xi32, #tpu.memory_space<vmem>> -> memref<1x64xi32, #tpu.memory_space<vmem>>
        %dma_wait3A_235 = tpu.memref_squeeze %dma_wait3A_234 : memref<1x64xi32, #tpu.memory_space<vmem>> -> memref<64xi32, #tpu.memory_space<vmem>>
        %dma_wait3A_236 = arith.constant 0 : i32
        %dma_wait3A_237 = arith.constant 0 : i32
        %dma_wait3A_238 = tpu.memref_slice %arg9[%dma_wait3A_236, %dma_wait3A_237] : memref<5120x128xf32, #tpu.memory_space<vmem_shared>> -> memref<5120x128xf32, #tpu.memory_space<vmem_shared>>
        tpu.wait_indirect_dma semaphore(%arg28 : memref<!tpu.dma_semaphore, #tpu.memory_space<semaphore_mem>>) src(%arg12 : memref<64x128xf32, #tpu.memory_space<vmem>>) dst(%dma_wait3A_238 : memref<5120x128xf32, #tpu.memory_space<vmem_shared>>)
        %dma_wait3A_239 = arith.constant 0 : i32
        %dma_wait3A_240 = arith.constant 0 : i32
        %dma_wait3A_241 = tpu.memref_slice %arg11[%dma_wait3A_239, %dma_wait3A_240] : memref<152x64xi32, #tpu.memory_space<vmem>> -> memref<1x64xi32, #tpu.memory_space<vmem>>
        %dma_wait3A_242 = tpu.memref_squeeze %dma_wait3A_241 : memref<1x64xi32, #tpu.memory_space<vmem>> -> memref<64xi32, #tpu.memory_space<vmem>>
        %dma_wait3A_243 = arith.constant 0 : i32
        %dma_wait3A_244 = arith.constant 0 : i32
        %dma_wait3A_245 = tpu.memref_slice %arg9[%dma_wait3A_243, %dma_wait3A_244] : memref<5120x128xf32, #tpu.memory_space<vmem_shared>> -> memref<5120x128xf32, #tpu.memory_space<vmem_shared>>
        tpu.wait_indirect_dma semaphore(%arg29 : memref<!tpu.dma_semaphore, #tpu.memory_space<semaphore_mem>>) src(%arg13 : memref<64x128xf32, #tpu.memory_space<vmem>>) dst(%dma_wait3A_245 : memref<5120x128xf32, #tpu.memory_space<vmem_shared>>)
        %dma_wait3A_246 = arith.constant 0 : i32
        %dma_wait3A_247 = arith.constant 0 : i32
        %dma_wait3A_248 = tpu.memref_slice %arg11[%dma_wait3A_246, %dma_wait3A_247] : memref<152x64xi32, #tpu.memory_space<vmem>> -> memref<1x64xi32, #tpu.memory_space<vmem>>
        %dma_wait3A_249 = tpu.memref_squeeze %dma_wait3A_248 : memref<1x64xi32, #tpu.memory_space<vmem>> -> memref<64xi32, #tpu.memory_space<vmem>>
        %dma_wait3A_250 = arith.constant 0 : i32
        %dma_wait3A_251 = arith.constant 0 : i32
        %dma_wait3A_252 = tpu.memref_slice %arg9[%dma_wait3A_250, %dma_wait3A_251] : memref<5120x128xf32, #tpu.memory_space<vmem_shared>> -> memref<5120x128xf32, #tpu.memory_space<vmem_shared>>
        tpu.wait_indirect_dma semaphore(%arg30 : memref<!tpu.dma_semaphore, #tpu.memory_space<semaphore_mem>>) src(%arg14 : memref<64x128xf32, #tpu.memory_space<vmem>>) dst(%dma_wait3A_252 : memref<5120x128xf32, #tpu.memory_space<vmem_shared>>)
        %dma_wait3A_253 = arith.constant 0 : i32
        %dma_wait3A_254 = arith.constant 0 : i32
        %dma_wait3A_255 = tpu.memref_slice %arg11[%dma_wait3A_253, %dma_wait3A_254] : memref<152x64xi32, #tpu.memory_space<vmem>> -> memref<1x64xi32, #tpu.memory_space<vmem>>
        %dma_wait3A_256 = tpu.memref_squeeze %dma_wait3A_255 : memref<1x64xi32, #tpu.memory_space<vmem>> -> memref<64xi32, #tpu.memory_space<vmem>>
        %dma_wait3A_257 = arith.constant 0 : i32
        %dma_wait3A_258 = arith.constant 0 : i32
        %dma_wait3A_259 = tpu.memref_slice %arg9[%dma_wait3A_257, %dma_wait3A_258] : memref<5120x128xf32, #tpu.memory_space<vmem_shared>> -> memref<5120x128xf32, #tpu.memory_space<vmem_shared>>
        tpu.wait_indirect_dma semaphore(%arg31 : memref<!tpu.dma_semaphore, #tpu.memory_space<semaphore_mem>>) src(%arg15 : memref<64x128xf32, #tpu.memory_space<vmem>>) dst(%dma_wait3A_259 : memref<5120x128xf32, #tpu.memory_space<vmem_shared>>)
        %dma_wait3A_260 = arith.constant 0 : i32
        %dma_wait3A_261 = arith.constant 0 : i32
        %dma_wait3A_262 = tpu.memref_slice %arg11[%dma_wait3A_260, %dma_wait3A_261] : memref<152x64xi32, #tpu.memory_space<vmem>> -> memref<1x64xi32, #tpu.memory_space<vmem>>
        %dma_wait3A_263 = tpu.memref_squeeze %dma_wait3A_262 : memref<1x64xi32, #tpu.memory_space<vmem>> -> memref<64xi32, #tpu.memory_space<vmem>>
        %dma_wait3A_264 = arith.constant 0 : i32
        %dma_wait3A_265 = arith.constant 0 : i32
        %dma_wait3A_266 = tpu.memref_slice %arg9[%dma_wait3A_264, %dma_wait3A_265] : memref<5120x128xf32, #tpu.memory_space<vmem_shared>> -> memref<5120x128xf32, #tpu.memory_space<vmem_shared>>
        tpu.wait_indirect_dma semaphore(%arg32 : memref<!tpu.dma_semaphore, #tpu.memory_space<semaphore_mem>>) src(%arg16 : memref<64x128xf32, #tpu.memory_space<vmem>>) dst(%dma_wait3A_266 : memref<5120x128xf32, #tpu.memory_space<vmem_shared>>)
        %dma_wait3A_267 = arith.constant 0 : i32
        %dma_wait3A_268 = arith.constant 0 : i32
        %dma_wait3A_269 = tpu.memref_slice %arg11[%dma_wait3A_267, %dma_wait3A_268] : memref<152x64xi32, #tpu.memory_space<vmem>> -> memref<1x64xi32, #tpu.memory_space<vmem>>
        %dma_wait3A_270 = tpu.memref_squeeze %dma_wait3A_269 : memref<1x64xi32, #tpu.memory_space<vmem>> -> memref<64xi32, #tpu.memory_space<vmem>>
        %dma_wait3A_271 = arith.constant 0 : i32
        %dma_wait3A_272 = arith.constant 0 : i32
        %dma_wait3A_273 = tpu.memref_slice %arg9[%dma_wait3A_271, %dma_wait3A_272] : memref<5120x128xf32, #tpu.memory_space<vmem_shared>> -> memref<5120x128xf32, #tpu.memory_space<vmem_shared>>
        tpu.wait_indirect_dma semaphore(%arg33 : memref<!tpu.dma_semaphore, #tpu.memory_space<semaphore_mem>>) src(%arg17 : memref<64x128xf32, #tpu.memory_space<vmem>>) dst(%dma_wait3A_273 : memref<5120x128xf32, #tpu.memory_space<vmem_shared>>)
        %dma_wait3A_274 = arith.constant 0 : i32
        %dma_wait3A_275 = arith.constant 0 : i32
        %dma_wait3A_276 = tpu.memref_slice %arg11[%dma_wait3A_274, %dma_wait3A_275] : memref<152x64xi32, #tpu.memory_space<vmem>> -> memref<1x64xi32, #tpu.memory_space<vmem>>
        %dma_wait3A_277 = tpu.memref_squeeze %dma_wait3A_276 : memref<1x64xi32, #tpu.memory_space<vmem>> -> memref<64xi32, #tpu.memory_space<vmem>>
        %dma_wait3A_278 = arith.constant 0 : i32
        %dma_wait3A_279 = arith.constant 0 : i32
        %dma_wait3A_280 = tpu.memref_slice %arg9[%dma_wait3A_278, %dma_wait3A_279] : memref<5120x128xf32, #tpu.memory_space<vmem_shared>> -> memref<5120x128xf32, #tpu.memory_space<vmem_shared>>
        tpu.wait_indirect_dma semaphore(%arg34 : memref<!tpu.dma_semaphore, #tpu.memory_space<semaphore_mem>>) src(%arg18 : memref<64x128xf32, #tpu.memory_space<vmem>>) dst(%dma_wait3A_280 : memref<5120x128xf32, #tpu.memory_space<vmem_shared>>)
        %dma_wait3A_281 = arith.constant 0 : i32
        %dma_wait3A_282 = arith.constant 0 : i32
        %dma_wait3A_283 = tpu.memref_slice %arg11[%dma_wait3A_281, %dma_wait3A_282] : memref<152x64xi32, #tpu.memory_space<vmem>> -> memref<1x64xi32, #tpu.memory_space<vmem>>
        %dma_wait3A_284 = tpu.memref_squeeze %dma_wait3A_283 : memref<1x64xi32, #tpu.memory_space<vmem>> -> memref<64xi32, #tpu.memory_space<vmem>>
        %dma_wait3A_285 = arith.constant 0 : i32
        %dma_wait3A_286 = arith.constant 0 : i32
        %dma_wait3A_287 = tpu.memref_slice %arg9[%dma_wait3A_285, %dma_wait3A_286] : memref<5120x128xf32, #tpu.memory_space<vmem_shared>> -> memref<5120x128xf32, #tpu.memory_space<vmem_shared>>
        tpu.wait_indirect_dma semaphore(%arg35 : memref<!tpu.dma_semaphore, #tpu.memory_space<semaphore_mem>>) src(%arg19 : memref<64x128xf32, #tpu.memory_space<vmem>>) dst(%dma_wait3A_287 : memref<5120x128xf32, #tpu.memory_space<vmem_shared>>)
        %lt3A = arith.constant 18 : i32
        %lt3A_288 = arith.cmpi slt, %scan3A_96, %lt3A : i32
        %convert_element_type3A_289 = arith.extui %lt3A_288 : i1 to i32
        %cond3A_290 = arith.constant 0 : i32
        %cond3A_291 = arith.cmpi ne, %convert_element_type3A_289, %cond3A_290 : i32
        scf.if %cond3A_291 {
          %add3A_292 = arith.constant 1 : i32
          %add3A_293 = arith.addi %scan3A_96, %add3A_292 : i32
          %mul3A_294 = arith.constant 8 : i32
          %mul3A_295 = arith.muli %add3A_293, %mul3A_294 : i32
          %add3A_296 = arith.constant 0 : i32
          %add3A_297 = arith.addi %mul3A_295, %add3A_296 : i32
          %dma_start3A_298 = arith.constant 0 : i32
          %dma_start3A_299 = tpu.memref_slice %arg10[%add3A_297, %dma_start3A_298] : memref<152x64xi32, #tpu.memory_space<vmem>> -> memref<1x64xi32, #tpu.memory_space<vmem>>
          %dma_start3A_300 = tpu.memref_squeeze %dma_start3A_299 : memref<1x64xi32, #tpu.memory_space<vmem>> -> memref<64xi32, #tpu.memory_space<vmem>>
          %dma_start3A_301 = arith.constant 0 : i32
          %dma_start3A_302 = arith.constant 0 : i32
          %dma_start3A_303 = tpu.memref_slice %arg2[%dma_start3A_301, %dma_start3A_302] : memref<50048x128xf32, #tpu.memory_space<hbm>> -> memref<50048x128xf32, #tpu.memory_space<hbm>>
          tpu.enqueue_indirect_dma source(%dma_start3A_303 : memref<50048x128xf32, #tpu.memory_space<hbm>>) target(%arg12 : memref<64x128xf32, #tpu.memory_space<vmem>>) offsets(%dma_start3A_300 : memref<64xi32, #tpu.memory_space<vmem>>) semaphore(%arg20 : memref<!tpu.dma_semaphore, #tpu.memory_space<semaphore_mem>>)
          %add3A_304 = arith.constant 1 : i32
          %add3A_305 = arith.addi %scan3A_96, %add3A_304 : i32
          %mul3A_306 = arith.constant 8 : i32
          %mul3A_307 = arith.muli %add3A_305, %mul3A_306 : i32
          %add3A_308 = arith.constant 1 : i32
          %add3A_309 = arith.addi %mul3A_307, %add3A_308 : i32
          %dma_start3A_310 = arith.constant 0 : i32
          %dma_start3A_311 = tpu.memref_slice %arg10[%add3A_309, %dma_start3A_310] : memref<152x64xi32, #tpu.memory_space<vmem>> -> memref<1x64xi32, #tpu.memory_space<vmem>>
          %dma_start3A_312 = tpu.memref_squeeze %dma_start3A_311 : memref<1x64xi32, #tpu.memory_space<vmem>> -> memref<64xi32, #tpu.memory_space<vmem>>
          %dma_start3A_313 = arith.constant 0 : i32
          %dma_start3A_314 = arith.constant 0 : i32
          %dma_start3A_315 = tpu.memref_slice %arg2[%dma_start3A_313, %dma_start3A_314] : memref<50048x128xf32, #tpu.memory_space<hbm>> -> memref<50048x128xf32, #tpu.memory_space<hbm>>
          tpu.enqueue_indirect_dma source(%dma_start3A_315 : memref<50048x128xf32, #tpu.memory_space<hbm>>) target(%arg13 : memref<64x128xf32, #tpu.memory_space<vmem>>) offsets(%dma_start3A_312 : memref<64xi32, #tpu.memory_space<vmem>>) semaphore(%arg21 : memref<!tpu.dma_semaphore, #tpu.memory_space<semaphore_mem>>)
          %add3A_316 = arith.constant 1 : i32
          %add3A_317 = arith.addi %scan3A_96, %add3A_316 : i32
          %mul3A_318 = arith.constant 8 : i32
          %mul3A_319 = arith.muli %add3A_317, %mul3A_318 : i32
          %add3A_320 = arith.constant 2 : i32
          %add3A_321 = arith.addi %mul3A_319, %add3A_320 : i32
          %dma_start3A_322 = arith.constant 0 : i32
          %dma_start3A_323 = tpu.memref_slice %arg10[%add3A_321, %dma_start3A_322] : memref<152x64xi32, #tpu.memory_space<vmem>> -> memref<1x64xi32, #tpu.memory_space<vmem>>
          %dma_start3A_324 = tpu.memref_squeeze %dma_start3A_323 : memref<1x64xi32, #tpu.memory_space<vmem>> -> memref<64xi32, #tpu.memory_space<vmem>>
          %dma_start3A_325 = arith.constant 0 : i32
          %dma_start3A_326 = arith.constant 0 : i32
          %dma_start3A_327 = tpu.memref_slice %arg2[%dma_start3A_325, %dma_start3A_326] : memref<50048x128xf32, #tpu.memory_space<hbm>> -> memref<50048x128xf32, #tpu.memory_space<hbm>>
          tpu.enqueue_indirect_dma source(%dma_start3A_327 : memref<50048x128xf32, #tpu.memory_space<hbm>>) target(%arg14 : memref<64x128xf32, #tpu.memory_space<vmem>>) offsets(%dma_start3A_324 : memref<64xi32, #tpu.memory_space<vmem>>) semaphore(%arg22 : memref<!tpu.dma_semaphore, #tpu.memory_space<semaphore_mem>>)
          %add3A_328 = arith.constant 1 : i32
          %add3A_329 = arith.addi %scan3A_96, %add3A_328 : i32
          %mul3A_330 = arith.constant 8 : i32
          %mul3A_331 = arith.muli %add3A_329, %mul3A_330 : i32
          %add3A_332 = arith.constant 3 : i32
          %add3A_333 = arith.addi %mul3A_331, %add3A_332 : i32
          %dma_start3A_334 = arith.constant 0 : i32
          %dma_start3A_335 = tpu.memref_slice %arg10[%add3A_333, %dma_start3A_334] : memref<152x64xi32, #tpu.memory_space<vmem>> -> memref<1x64xi32, #tpu.memory_space<vmem>>
          %dma_start3A_336 = tpu.memref_squeeze %dma_start3A_335 : memref<1x64xi32, #tpu.memory_space<vmem>> -> memref<64xi32, #tpu.memory_space<vmem>>
          %dma_start3A_337 = arith.constant 0 : i32
          %dma_start3A_338 = arith.constant 0 : i32
          %dma_start3A_339 = tpu.memref_slice %arg2[%dma_start3A_337, %dma_start3A_338] : memref<50048x128xf32, #tpu.memory_space<hbm>> -> memref<50048x128xf32, #tpu.memory_space<hbm>>
          tpu.enqueue_indirect_dma source(%dma_start3A_339 : memref<50048x128xf32, #tpu.memory_space<hbm>>) target(%arg15 : memref<64x128xf32, #tpu.memory_space<vmem>>) offsets(%dma_start3A_336 : memref<64xi32, #tpu.memory_space<vmem>>) semaphore(%arg23 : memref<!tpu.dma_semaphore, #tpu.memory_space<semaphore_mem>>)
          %add3A_340 = arith.constant 1 : i32
          %add3A_341 = arith.addi %scan3A_96, %add3A_340 : i32
          %mul3A_342 = arith.constant 8 : i32
          %mul3A_343 = arith.muli %add3A_341, %mul3A_342 : i32
          %add3A_344 = arith.constant 4 : i32
          %add3A_345 = arith.addi %mul3A_343, %add3A_344 : i32
          %dma_start3A_346 = arith.constant 0 : i32
          %dma_start3A_347 = tpu.memref_slice %arg10[%add3A_345, %dma_start3A_346] : memref<152x64xi32, #tpu.memory_space<vmem>> -> memref<1x64xi32, #tpu.memory_space<vmem>>
          %dma_start3A_348 = tpu.memref_squeeze %dma_start3A_347 : memref<1x64xi32, #tpu.memory_space<vmem>> -> memref<64xi32, #tpu.memory_space<vmem>>
          %dma_start3A_349 = arith.constant 0 : i32
          %dma_start3A_350 = arith.constant 0 : i32
          %dma_start3A_351 = tpu.memref_slice %arg2[%dma_start3A_349, %dma_start3A_350] : memref<50048x128xf32, #tpu.memory_space<hbm>> -> memref<50048x128xf32, #tpu.memory_space<hbm>>
          tpu.enqueue_indirect_dma source(%dma_start3A_351 : memref<50048x128xf32, #tpu.memory_space<hbm>>) target(%arg16 : memref<64x128xf32, #tpu.memory_space<vmem>>) offsets(%dma_start3A_348 : memref<64xi32, #tpu.memory_space<vmem>>) semaphore(%arg24 : memref<!tpu.dma_semaphore, #tpu.memory_space<semaphore_mem>>)
          %add3A_352 = arith.constant 1 : i32
          %add3A_353 = arith.addi %scan3A_96, %add3A_352 : i32
          %mul3A_354 = arith.constant 8 : i32
          %mul3A_355 = arith.muli %add3A_353, %mul3A_354 : i32
          %add3A_356 = arith.constant 5 : i32
          %add3A_357 = arith.addi %mul3A_355, %add3A_356 : i32
          %dma_start3A_358 = arith.constant 0 : i32
          %dma_start3A_359 = tpu.memref_slice %arg10[%add3A_357, %dma_start3A_358] : memref<152x64xi32, #tpu.memory_space<vmem>> -> memref<1x64xi32, #tpu.memory_space<vmem>>
          %dma_start3A_360 = tpu.memref_squeeze %dma_start3A_359 : memref<1x64xi32, #tpu.memory_space<vmem>> -> memref<64xi32, #tpu.memory_space<vmem>>
          %dma_start3A_361 = arith.constant 0 : i32
          %dma_start3A_362 = arith.constant 0 : i32
          %dma_start3A_363 = tpu.memref_slice %arg2[%dma_start3A_361, %dma_start3A_362] : memref<50048x128xf32, #tpu.memory_space<hbm>> -> memref<50048x128xf32, #tpu.memory_space<hbm>>
          tpu.enqueue_indirect_dma source(%dma_start3A_363 : memref<50048x128xf32, #tpu.memory_space<hbm>>) target(%arg17 : memref<64x128xf32, #tpu.memory_space<vmem>>) offsets(%dma_start3A_360 : memref<64xi32, #tpu.memory_space<vmem>>) semaphore(%arg25 : memref<!tpu.dma_semaphore, #tpu.memory_space<semaphore_mem>>)
          %add3A_364 = arith.constant 1 : i32
          %add3A_365 = arith.addi %scan3A_96, %add3A_364 : i32
          %mul3A_366 = arith.constant 8 : i32
          %mul3A_367 = arith.muli %add3A_365, %mul3A_366 : i32
          %add3A_368 = arith.constant 6 : i32
          %add3A_369 = arith.addi %mul3A_367, %add3A_368 : i32
          %dma_start3A_370 = arith.constant 0 : i32
          %dma_start3A_371 = tpu.memref_slice %arg10[%add3A_369, %dma_start3A_370] : memref<152x64xi32, #tpu.memory_space<vmem>> -> memref<1x64xi32, #tpu.memory_space<vmem>>
          %dma_start3A_372 = tpu.memref_squeeze %dma_start3A_371 : memref<1x64xi32, #tpu.memory_space<vmem>> -> memref<64xi32, #tpu.memory_space<vmem>>
          %dma_start3A_373 = arith.constant 0 : i32
          %dma_start3A_374 = arith.constant 0 : i32
          %dma_start3A_375 = tpu.memref_slice %arg2[%dma_start3A_373, %dma_start3A_374] : memref<50048x128xf32, #tpu.memory_space<hbm>> -> memref<50048x128xf32, #tpu.memory_space<hbm>>
          tpu.enqueue_indirect_dma source(%dma_start3A_375 : memref<50048x128xf32, #tpu.memory_space<hbm>>) target(%arg18 : memref<64x128xf32, #tpu.memory_space<vmem>>) offsets(%dma_start3A_372 : memref<64xi32, #tpu.memory_space<vmem>>) semaphore(%arg26 : memref<!tpu.dma_semaphore, #tpu.memory_space<semaphore_mem>>)
          %add3A_376 = arith.constant 1 : i32
          %add3A_377 = arith.addi %scan3A_96, %add3A_376 : i32
          %mul3A_378 = arith.constant 8 : i32
          %mul3A_379 = arith.muli %add3A_377, %mul3A_378 : i32
          %add3A_380 = arith.constant 7 : i32
          %add3A_381 = arith.addi %mul3A_379, %add3A_380 : i32
          %dma_start3A_382 = arith.constant 0 : i32
          %dma_start3A_383 = tpu.memref_slice %arg10[%add3A_381, %dma_start3A_382] : memref<152x64xi32, #tpu.memory_space<vmem>> -> memref<1x64xi32, #tpu.memory_space<vmem>>
          %dma_start3A_384 = tpu.memref_squeeze %dma_start3A_383 : memref<1x64xi32, #tpu.memory_space<vmem>> -> memref<64xi32, #tpu.memory_space<vmem>>
          %dma_start3A_385 = arith.constant 0 : i32
          %dma_start3A_386 = arith.constant 0 : i32
          %dma_start3A_387 = tpu.memref_slice %arg2[%dma_start3A_385, %dma_start3A_386] : memref<50048x128xf32, #tpu.memory_space<hbm>> -> memref<50048x128xf32, #tpu.memory_space<hbm>>
          tpu.enqueue_indirect_dma source(%dma_start3A_387 : memref<50048x128xf32, #tpu.memory_space<hbm>>) target(%arg19 : memref<64x128xf32, #tpu.memory_space<vmem>>) offsets(%dma_start3A_384 : memref<64xi32, #tpu.memory_space<vmem>>) semaphore(%arg27 : memref<!tpu.dma_semaphore, #tpu.memory_space<semaphore_mem>>)
        } else {
        }
      }
      %scan3A_95 = arith.constant 19 : i32
    } else {
    }
    %eq3A_20 = arith.constant 1 : i32
    %eq3A_21 = arith.cmpi eq, %arg0, %eq3A_20 : i32
    %convert_element_type3A_22 = arith.extui %eq3A_21 : i1 to i32
    %cond3A_23 = arith.constant 0 : i32
    %cond3A_24 = arith.cmpi ne, %convert_element_type3A_22, %cond3A_23 : i32
    scf.if %cond3A_24 {
      %dma_start3A = arith.constant 0 : i32
      %dma_start3A_36 = arith.constant 0 : i32
      %dma_start3A_37 = tpu.memref_slice %arg10[%dma_start3A, %dma_start3A_36] : memref<152x64xi32, #tpu.memory_space<vmem>> -> memref<1x64xi32, #tpu.memory_space<vmem>>
      %dma_start3A_38 = tpu.memref_squeeze %dma_start3A_37 : memref<1x64xi32, #tpu.memory_space<vmem>> -> memref<64xi32, #tpu.memory_space<vmem>>
      %dma_start3A_39 = arith.constant 0 : i32
      %dma_start3A_40 = arith.constant 0 : i32
      %dma_start3A_41 = tpu.memref_slice %arg3[%dma_start3A_39, %dma_start3A_40] : memref<50048x128xf32, #tpu.memory_space<hbm>> -> memref<50048x128xf32, #tpu.memory_space<hbm>>
      tpu.enqueue_indirect_dma source(%dma_start3A_41 : memref<50048x128xf32, #tpu.memory_space<hbm>>) target(%arg12 : memref<64x128xf32, #tpu.memory_space<vmem>>) offsets(%dma_start3A_38 : memref<64xi32, #tpu.memory_space<vmem>>) semaphore(%arg20 : memref<!tpu.dma_semaphore, #tpu.memory_space<semaphore_mem>>)
      %dma_start3A_42 = arith.constant 1 : i32
      %dma_start3A_43 = arith.constant 0 : i32
      %dma_start3A_44 = tpu.memref_slice %arg10[%dma_start3A_42, %dma_start3A_43] : memref<152x64xi32, #tpu.memory_space<vmem>> -> memref<1x64xi32, #tpu.memory_space<vmem>>
      %dma_start3A_45 = tpu.memref_squeeze %dma_start3A_44 : memref<1x64xi32, #tpu.memory_space<vmem>> -> memref<64xi32, #tpu.memory_space<vmem>>
      %dma_start3A_46 = arith.constant 0 : i32
      %dma_start3A_47 = arith.constant 0 : i32
      %dma_start3A_48 = tpu.memref_slice %arg3[%dma_start3A_46, %dma_start3A_47] : memref<50048x128xf32, #tpu.memory_space<hbm>> -> memref<50048x128xf32, #tpu.memory_space<hbm>>
      tpu.enqueue_indirect_dma source(%dma_start3A_48 : memref<50048x128xf32, #tpu.memory_space<hbm>>) target(%arg13 : memref<64x128xf32, #tpu.memory_space<vmem>>) offsets(%dma_start3A_45 : memref<64xi32, #tpu.memory_space<vmem>>) semaphore(%arg21 : memref<!tpu.dma_semaphore, #tpu.memory_space<semaphore_mem>>)
      %dma_start3A_49 = arith.constant 2 : i32
      %dma_start3A_50 = arith.constant 0 : i32
      %dma_start3A_51 = tpu.memref_slice %arg10[%dma_start3A_49, %dma_start3A_50] : memref<152x64xi32, #tpu.memory_space<vmem>> -> memref<1x64xi32, #tpu.memory_space<vmem>>
      %dma_start3A_52 = tpu.memref_squeeze %dma_start3A_51 : memref<1x64xi32, #tpu.memory_space<vmem>> -> memref<64xi32, #tpu.memory_space<vmem>>
      %dma_start3A_53 = arith.constant 0 : i32
      %dma_start3A_54 = arith.constant 0 : i32
      %dma_start3A_55 = tpu.memref_slice %arg3[%dma_start3A_53, %dma_start3A_54] : memref<50048x128xf32, #tpu.memory_space<hbm>> -> memref<50048x128xf32, #tpu.memory_space<hbm>>
      tpu.enqueue_indirect_dma source(%dma_start3A_55 : memref<50048x128xf32, #tpu.memory_space<hbm>>) target(%arg14 : memref<64x128xf32, #tpu.memory_space<vmem>>) offsets(%dma_start3A_52 : memref<64xi32, #tpu.memory_space<vmem>>) semaphore(%arg22 : memref<!tpu.dma_semaphore, #tpu.memory_space<semaphore_mem>>)
      %dma_start3A_56 = arith.constant 3 : i32
      %dma_start3A_57 = arith.constant 0 : i32
      %dma_start3A_58 = tpu.memref_slice %arg10[%dma_start3A_56, %dma_start3A_57] : memref<152x64xi32, #tpu.memory_space<vmem>> -> memref<1x64xi32, #tpu.memory_space<vmem>>
      %dma_start3A_59 = tpu.memref_squeeze %dma_start3A_58 : memref<1x64xi32, #tpu.memory_space<vmem>> -> memref<64xi32, #tpu.memory_space<vmem>>
      %dma_start3A_60 = arith.constant 0 : i32
      %dma_start3A_61 = arith.constant 0 : i32
      %dma_start3A_62 = tpu.memref_slice %arg3[%dma_start3A_60, %dma_start3A_61] : memref<50048x128xf32, #tpu.memory_space<hbm>> -> memref<50048x128xf32, #tpu.memory_space<hbm>>
      tpu.enqueue_indirect_dma source(%dma_start3A_62 : memref<50048x128xf32, #tpu.memory_space<hbm>>) target(%arg15 : memref<64x128xf32, #tpu.memory_space<vmem>>) offsets(%dma_start3A_59 : memref<64xi32, #tpu.memory_space<vmem>>) semaphore(%arg23 : memref<!tpu.dma_semaphore, #tpu.memory_space<semaphore_mem>>)
      %dma_start3A_63 = arith.constant 4 : i32
      %dma_start3A_64 = arith.constant 0 : i32
      %dma_start3A_65 = tpu.memref_slice %arg10[%dma_start3A_63, %dma_start3A_64] : memref<152x64xi32, #tpu.memory_space<vmem>> -> memref<1x64xi32, #tpu.memory_space<vmem>>
      %dma_start3A_66 = tpu.memref_squeeze %dma_start3A_65 : memref<1x64xi32, #tpu.memory_space<vmem>> -> memref<64xi32, #tpu.memory_space<vmem>>
      %dma_start3A_67 = arith.constant 0 : i32
      %dma_start3A_68 = arith.constant 0 : i32
      %dma_start3A_69 = tpu.memref_slice %arg3[%dma_start3A_67, %dma_start3A_68] : memref<50048x128xf32, #tpu.memory_space<hbm>> -> memref<50048x128xf32, #tpu.memory_space<hbm>>
      tpu.enqueue_indirect_dma source(%dma_start3A_69 : memref<50048x128xf32, #tpu.memory_space<hbm>>) target(%arg16 : memref<64x128xf32, #tpu.memory_space<vmem>>) offsets(%dma_start3A_66 : memref<64xi32, #tpu.memory_space<vmem>>) semaphore(%arg24 : memref<!tpu.dma_semaphore, #tpu.memory_space<semaphore_mem>>)
      %dma_start3A_70 = arith.constant 5 : i32
      %dma_start3A_71 = arith.constant 0 : i32
      %dma_start3A_72 = tpu.memref_slice %arg10[%dma_start3A_70, %dma_start3A_71] : memref<152x64xi32, #tpu.memory_space<vmem>> -> memref<1x64xi32, #tpu.memory_space<vmem>>
      %dma_start3A_73 = tpu.memref_squeeze %dma_start3A_72 : memref<1x64xi32, #tpu.memory_space<vmem>> -> memref<64xi32, #tpu.memory_space<vmem>>
      %dma_start3A_74 = arith.constant 0 : i32
      %dma_start3A_75 = arith.constant 0 : i32
      %dma_start3A_76 = tpu.memref_slice %arg3[%dma_start3A_74, %dma_start3A_75] : memref<50048x128xf32, #tpu.memory_space<hbm>> -> memref<50048x128xf32, #tpu.memory_space<hbm>>
      tpu.enqueue_indirect_dma source(%dma_start3A_76 : memref<50048x128xf32, #tpu.memory_space<hbm>>) target(%arg17 : memref<64x128xf32, #tpu.memory_space<vmem>>) offsets(%dma_start3A_73 : memref<64xi32, #tpu.memory_space<vmem>>) semaphore(%arg25 : memref<!tpu.dma_semaphore, #tpu.memory_space<semaphore_mem>>)
      %dma_start3A_77 = arith.constant 6 : i32
      %dma_start3A_78 = arith.constant 0 : i32
      %dma_start3A_79 = tpu.memref_slice %arg10[%dma_start3A_77, %dma_start3A_78] : memref<152x64xi32, #tpu.memory_space<vmem>> -> memref<1x64xi32, #tpu.memory_space<vmem>>
      %dma_start3A_80 = tpu.memref_squeeze %dma_start3A_79 : memref<1x64xi32, #tpu.memory_space<vmem>> -> memref<64xi32, #tpu.memory_space<vmem>>
      %dma_start3A_81 = arith.constant 0 : i32
      %dma_start3A_82 = arith.constant 0 : i32
      %dma_start3A_83 = tpu.memref_slice %arg3[%dma_start3A_81, %dma_start3A_82] : memref<50048x128xf32, #tpu.memory_space<hbm>> -> memref<50048x128xf32, #tpu.memory_space<hbm>>
      tpu.enqueue_indirect_dma source(%dma_start3A_83 : memref<50048x128xf32, #tpu.memory_space<hbm>>) target(%arg18 : memref<64x128xf32, #tpu.memory_space<vmem>>) offsets(%dma_start3A_80 : memref<64xi32, #tpu.memory_space<vmem>>) semaphore(%arg26 : memref<!tpu.dma_semaphore, #tpu.memory_space<semaphore_mem>>)
      %dma_start3A_84 = arith.constant 7 : i32
      %dma_start3A_85 = arith.constant 0 : i32
      %dma_start3A_86 = tpu.memref_slice %arg10[%dma_start3A_84, %dma_start3A_85] : memref<152x64xi32, #tpu.memory_space<vmem>> -> memref<1x64xi32, #tpu.memory_space<vmem>>
      %dma_start3A_87 = tpu.memref_squeeze %dma_start3A_86 : memref<1x64xi32, #tpu.memory_space<vmem>> -> memref<64xi32, #tpu.memory_space<vmem>>
      %dma_start3A_88 = arith.constant 0 : i32
      %dma_start3A_89 = arith.constant 0 : i32
      %dma_start3A_90 = tpu.memref_slice %arg3[%dma_start3A_88, %dma_start3A_89] : memref<50048x128xf32, #tpu.memory_space<hbm>> -> memref<50048x128xf32, #tpu.memory_space<hbm>>
      tpu.enqueue_indirect_dma source(%dma_start3A_90 : memref<50048x128xf32, #tpu.memory_space<hbm>>) target(%arg19 : memref<64x128xf32, #tpu.memory_space<vmem>>) offsets(%dma_start3A_87 : memref<64xi32, #tpu.memory_space<vmem>>) semaphore(%arg27 : memref<!tpu.dma_semaphore, #tpu.memory_space<semaphore_mem>>)
      %scan3A = arith.constant 0 : i32
      %scan3A_91 = arith.constant 0 : i32
      %scan3A_92 = arith.constant 19 : i32
      %scan3A_93 = arith.addi %scan3A_91, %scan3A_92 : i32
      %scan3A_94 = arith.constant 1 : i32
      scf.for %scan3A_96 = %scan3A_91 to %scan3A_93 step %scan3A_94  : i32 {
        %mul3A_97 = arith.constant 8 : i32
        %mul3A_98 = arith.muli %scan3A_96, %mul3A_97 : i32
        %add3A_99 = arith.constant 0 : i32
        %add3A_100 = arith.addi %mul3A_98, %add3A_99 : i32
        %dma_wait3A = arith.constant 0 : i32
        %dma_wait3A_101 = arith.constant 0 : i32
        %dma_wait3A_102 = tpu.memref_slice %arg10[%dma_wait3A, %dma_wait3A_101] : memref<152x64xi32, #tpu.memory_space<vmem>> -> memref<1x64xi32, #tpu.memory_space<vmem>>
        %dma_wait3A_103 = tpu.memref_squeeze %dma_wait3A_102 : memref<1x64xi32, #tpu.memory_space<vmem>> -> memref<64xi32, #tpu.memory_space<vmem>>
        %dma_wait3A_104 = arith.constant 0 : i32
        %dma_wait3A_105 = arith.constant 0 : i32
        %dma_wait3A_106 = tpu.memref_slice %arg3[%dma_wait3A_104, %dma_wait3A_105] : memref<50048x128xf32, #tpu.memory_space<hbm>> -> memref<50048x128xf32, #tpu.memory_space<hbm>>
        tpu.wait_indirect_dma semaphore(%arg20 : memref<!tpu.dma_semaphore, #tpu.memory_space<semaphore_mem>>) src(%dma_wait3A_106 : memref<50048x128xf32, #tpu.memory_space<hbm>>) dst(%arg12 : memref<64x128xf32, #tpu.memory_space<vmem>>)
        %dma_start3A_107 = arith.constant 0 : i32
        %dma_start3A_108 = tpu.memref_slice %arg11[%add3A_100, %dma_start3A_107] : memref<152x64xi32, #tpu.memory_space<vmem>> -> memref<1x64xi32, #tpu.memory_space<vmem>>
        %dma_start3A_109 = tpu.memref_squeeze %dma_start3A_108 : memref<1x64xi32, #tpu.memory_space<vmem>> -> memref<64xi32, #tpu.memory_space<vmem>>
        %dma_start3A_110 = arith.constant 0 : i32
        %dma_start3A_111 = arith.constant 0 : i32
        %dma_start3A_112 = tpu.memref_slice %arg9[%dma_start3A_110, %dma_start3A_111] : memref<5120x128xf32, #tpu.memory_space<vmem_shared>> -> memref<5120x128xf32, #tpu.memory_space<vmem_shared>>
        tpu.enqueue_indirect_dma source(%arg12 : memref<64x128xf32, #tpu.memory_space<vmem>>) target(%dma_start3A_112 : memref<5120x128xf32, #tpu.memory_space<vmem_shared>>) offsets(%dma_start3A_109 : memref<64xi32, #tpu.memory_space<vmem>>) semaphore(%arg28 : memref<!tpu.dma_semaphore, #tpu.memory_space<semaphore_mem>>) {add = true}
        %mul3A_113 = arith.constant 8 : i32
        %mul3A_114 = arith.muli %scan3A_96, %mul3A_113 : i32
        %add3A_115 = arith.constant 1 : i32
        %add3A_116 = arith.addi %mul3A_114, %add3A_115 : i32
        %dma_wait3A_117 = arith.constant 0 : i32
        %dma_wait3A_118 = arith.constant 0 : i32
        %dma_wait3A_119 = tpu.memref_slice %arg10[%dma_wait3A_117, %dma_wait3A_118] : memref<152x64xi32, #tpu.memory_space<vmem>> -> memref<1x64xi32, #tpu.memory_space<vmem>>
        %dma_wait3A_120 = tpu.memref_squeeze %dma_wait3A_119 : memref<1x64xi32, #tpu.memory_space<vmem>> -> memref<64xi32, #tpu.memory_space<vmem>>
        %dma_wait3A_121 = arith.constant 0 : i32
        %dma_wait3A_122 = arith.constant 0 : i32
        %dma_wait3A_123 = tpu.memref_slice %arg3[%dma_wait3A_121, %dma_wait3A_122] : memref<50048x128xf32, #tpu.memory_space<hbm>> -> memref<50048x128xf32, #tpu.memory_space<hbm>>
        tpu.wait_indirect_dma semaphore(%arg21 : memref<!tpu.dma_semaphore, #tpu.memory_space<semaphore_mem>>) src(%dma_wait3A_123 : memref<50048x128xf32, #tpu.memory_space<hbm>>) dst(%arg13 : memref<64x128xf32, #tpu.memory_space<vmem>>)
        %dma_start3A_124 = arith.constant 0 : i32
        %dma_start3A_125 = tpu.memref_slice %arg11[%add3A_116, %dma_start3A_124] : memref<152x64xi32, #tpu.memory_space<vmem>> -> memref<1x64xi32, #tpu.memory_space<vmem>>
        %dma_start3A_126 = tpu.memref_squeeze %dma_start3A_125 : memref<1x64xi32, #tpu.memory_space<vmem>> -> memref<64xi32, #tpu.memory_space<vmem>>
        %dma_start3A_127 = arith.constant 0 : i32
        %dma_start3A_128 = arith.constant 0 : i32
        %dma_start3A_129 = tpu.memref_slice %arg9[%dma_start3A_127, %dma_start3A_128] : memref<5120x128xf32, #tpu.memory_space<vmem_shared>> -> memref<5120x128xf32, #tpu.memory_space<vmem_shared>>
        tpu.enqueue_indirect_dma source(%arg13 : memref<64x128xf32, #tpu.memory_space<vmem>>) target(%dma_start3A_129 : memref<5120x128xf32, #tpu.memory_space<vmem_shared>>) offsets(%dma_start3A_126 : memref<64xi32, #tpu.memory_space<vmem>>) semaphore(%arg29 : memref<!tpu.dma_semaphore, #tpu.memory_space<semaphore_mem>>) {add = true}
        %mul3A_130 = arith.constant 8 : i32
        %mul3A_131 = arith.muli %scan3A_96, %mul3A_130 : i32
        %add3A_132 = arith.constant 2 : i32
        %add3A_133 = arith.addi %mul3A_131, %add3A_132 : i32
        %dma_wait3A_134 = arith.constant 0 : i32
        %dma_wait3A_135 = arith.constant 0 : i32
        %dma_wait3A_136 = tpu.memref_slice %arg10[%dma_wait3A_134, %dma_wait3A_135] : memref<152x64xi32, #tpu.memory_space<vmem>> -> memref<1x64xi32, #tpu.memory_space<vmem>>
        %dma_wait3A_137 = tpu.memref_squeeze %dma_wait3A_136 : memref<1x64xi32, #tpu.memory_space<vmem>> -> memref<64xi32, #tpu.memory_space<vmem>>
        %dma_wait3A_138 = arith.constant 0 : i32
        %dma_wait3A_139 = arith.constant 0 : i32
        %dma_wait3A_140 = tpu.memref_slice %arg3[%dma_wait3A_138, %dma_wait3A_139] : memref<50048x128xf32, #tpu.memory_space<hbm>> -> memref<50048x128xf32, #tpu.memory_space<hbm>>
        tpu.wait_indirect_dma semaphore(%arg22 : memref<!tpu.dma_semaphore, #tpu.memory_space<semaphore_mem>>) src(%dma_wait3A_140 : memref<50048x128xf32, #tpu.memory_space<hbm>>) dst(%arg14 : memref<64x128xf32, #tpu.memory_space<vmem>>)
        %dma_start3A_141 = arith.constant 0 : i32
        %dma_start3A_142 = tpu.memref_slice %arg11[%add3A_133, %dma_start3A_141] : memref<152x64xi32, #tpu.memory_space<vmem>> -> memref<1x64xi32, #tpu.memory_space<vmem>>
        %dma_start3A_143 = tpu.memref_squeeze %dma_start3A_142 : memref<1x64xi32, #tpu.memory_space<vmem>> -> memref<64xi32, #tpu.memory_space<vmem>>
        %dma_start3A_144 = arith.constant 0 : i32
        %dma_start3A_145 = arith.constant 0 : i32
        %dma_start3A_146 = tpu.memref_slice %arg9[%dma_start3A_144, %dma_start3A_145] : memref<5120x128xf32, #tpu.memory_space<vmem_shared>> -> memref<5120x128xf32, #tpu.memory_space<vmem_shared>>
        tpu.enqueue_indirect_dma source(%arg14 : memref<64x128xf32, #tpu.memory_space<vmem>>) target(%dma_start3A_146 : memref<5120x128xf32, #tpu.memory_space<vmem_shared>>) offsets(%dma_start3A_143 : memref<64xi32, #tpu.memory_space<vmem>>) semaphore(%arg30 : memref<!tpu.dma_semaphore, #tpu.memory_space<semaphore_mem>>) {add = true}
        %mul3A_147 = arith.constant 8 : i32
        %mul3A_148 = arith.muli %scan3A_96, %mul3A_147 : i32
        %add3A_149 = arith.constant 3 : i32
        %add3A_150 = arith.addi %mul3A_148, %add3A_149 : i32
        %dma_wait3A_151 = arith.constant 0 : i32
        %dma_wait3A_152 = arith.constant 0 : i32
        %dma_wait3A_153 = tpu.memref_slice %arg10[%dma_wait3A_151, %dma_wait3A_152] : memref<152x64xi32, #tpu.memory_space<vmem>> -> memref<1x64xi32, #tpu.memory_space<vmem>>
        %dma_wait3A_154 = tpu.memref_squeeze %dma_wait3A_153 : memref<1x64xi32, #tpu.memory_space<vmem>> -> memref<64xi32, #tpu.memory_space<vmem>>
        %dma_wait3A_155 = arith.constant 0 : i32
        %dma_wait3A_156 = arith.constant 0 : i32
        %dma_wait3A_157 = tpu.memref_slice %arg3[%dma_wait3A_155, %dma_wait3A_156] : memref<50048x128xf32, #tpu.memory_space<hbm>> -> memref<50048x128xf32, #tpu.memory_space<hbm>>
        tpu.wait_indirect_dma semaphore(%arg23 : memref<!tpu.dma_semaphore, #tpu.memory_space<semaphore_mem>>) src(%dma_wait3A_157 : memref<50048x128xf32, #tpu.memory_space<hbm>>) dst(%arg15 : memref<64x128xf32, #tpu.memory_space<vmem>>)
        %dma_start3A_158 = arith.constant 0 : i32
        %dma_start3A_159 = tpu.memref_slice %arg11[%add3A_150, %dma_start3A_158] : memref<152x64xi32, #tpu.memory_space<vmem>> -> memref<1x64xi32, #tpu.memory_space<vmem>>
        %dma_start3A_160 = tpu.memref_squeeze %dma_start3A_159 : memref<1x64xi32, #tpu.memory_space<vmem>> -> memref<64xi32, #tpu.memory_space<vmem>>
        %dma_start3A_161 = arith.constant 0 : i32
        %dma_start3A_162 = arith.constant 0 : i32
        %dma_start3A_163 = tpu.memref_slice %arg9[%dma_start3A_161, %dma_start3A_162] : memref<5120x128xf32, #tpu.memory_space<vmem_shared>> -> memref<5120x128xf32, #tpu.memory_space<vmem_shared>>
        tpu.enqueue_indirect_dma source(%arg15 : memref<64x128xf32, #tpu.memory_space<vmem>>) target(%dma_start3A_163 : memref<5120x128xf32, #tpu.memory_space<vmem_shared>>) offsets(%dma_start3A_160 : memref<64xi32, #tpu.memory_space<vmem>>) semaphore(%arg31 : memref<!tpu.dma_semaphore, #tpu.memory_space<semaphore_mem>>) {add = true}
        %mul3A_164 = arith.constant 8 : i32
        %mul3A_165 = arith.muli %scan3A_96, %mul3A_164 : i32
        %add3A_166 = arith.constant 4 : i32
        %add3A_167 = arith.addi %mul3A_165, %add3A_166 : i32
        %dma_wait3A_168 = arith.constant 0 : i32
        %dma_wait3A_169 = arith.constant 0 : i32
        %dma_wait3A_170 = tpu.memref_slice %arg10[%dma_wait3A_168, %dma_wait3A_169] : memref<152x64xi32, #tpu.memory_space<vmem>> -> memref<1x64xi32, #tpu.memory_space<vmem>>
        %dma_wait3A_171 = tpu.memref_squeeze %dma_wait3A_170 : memref<1x64xi32, #tpu.memory_space<vmem>> -> memref<64xi32, #tpu.memory_space<vmem>>
        %dma_wait3A_172 = arith.constant 0 : i32
        %dma_wait3A_173 = arith.constant 0 : i32
        %dma_wait3A_174 = tpu.memref_slice %arg3[%dma_wait3A_172, %dma_wait3A_173] : memref<50048x128xf32, #tpu.memory_space<hbm>> -> memref<50048x128xf32, #tpu.memory_space<hbm>>
        tpu.wait_indirect_dma semaphore(%arg24 : memref<!tpu.dma_semaphore, #tpu.memory_space<semaphore_mem>>) src(%dma_wait3A_174 : memref<50048x128xf32, #tpu.memory_space<hbm>>) dst(%arg16 : memref<64x128xf32, #tpu.memory_space<vmem>>)
        %dma_start3A_175 = arith.constant 0 : i32
        %dma_start3A_176 = tpu.memref_slice %arg11[%add3A_167, %dma_start3A_175] : memref<152x64xi32, #tpu.memory_space<vmem>> -> memref<1x64xi32, #tpu.memory_space<vmem>>
        %dma_start3A_177 = tpu.memref_squeeze %dma_start3A_176 : memref<1x64xi32, #tpu.memory_space<vmem>> -> memref<64xi32, #tpu.memory_space<vmem>>
        %dma_start3A_178 = arith.constant 0 : i32
        %dma_start3A_179 = arith.constant 0 : i32
        %dma_start3A_180 = tpu.memref_slice %arg9[%dma_start3A_178, %dma_start3A_179] : memref<5120x128xf32, #tpu.memory_space<vmem_shared>> -> memref<5120x128xf32, #tpu.memory_space<vmem_shared>>
        tpu.enqueue_indirect_dma source(%arg16 : memref<64x128xf32, #tpu.memory_space<vmem>>) target(%dma_start3A_180 : memref<5120x128xf32, #tpu.memory_space<vmem_shared>>) offsets(%dma_start3A_177 : memref<64xi32, #tpu.memory_space<vmem>>) semaphore(%arg32 : memref<!tpu.dma_semaphore, #tpu.memory_space<semaphore_mem>>) {add = true}
        %mul3A_181 = arith.constant 8 : i32
        %mul3A_182 = arith.muli %scan3A_96, %mul3A_181 : i32
        %add3A_183 = arith.constant 5 : i32
        %add3A_184 = arith.addi %mul3A_182, %add3A_183 : i32
        %dma_wait3A_185 = arith.constant 0 : i32
        %dma_wait3A_186 = arith.constant 0 : i32
        %dma_wait3A_187 = tpu.memref_slice %arg10[%dma_wait3A_185, %dma_wait3A_186] : memref<152x64xi32, #tpu.memory_space<vmem>> -> memref<1x64xi32, #tpu.memory_space<vmem>>
        %dma_wait3A_188 = tpu.memref_squeeze %dma_wait3A_187 : memref<1x64xi32, #tpu.memory_space<vmem>> -> memref<64xi32, #tpu.memory_space<vmem>>
        %dma_wait3A_189 = arith.constant 0 : i32
        %dma_wait3A_190 = arith.constant 0 : i32
        %dma_wait3A_191 = tpu.memref_slice %arg3[%dma_wait3A_189, %dma_wait3A_190] : memref<50048x128xf32, #tpu.memory_space<hbm>> -> memref<50048x128xf32, #tpu.memory_space<hbm>>
        tpu.wait_indirect_dma semaphore(%arg25 : memref<!tpu.dma_semaphore, #tpu.memory_space<semaphore_mem>>) src(%dma_wait3A_191 : memref<50048x128xf32, #tpu.memory_space<hbm>>) dst(%arg17 : memref<64x128xf32, #tpu.memory_space<vmem>>)
        %dma_start3A_192 = arith.constant 0 : i32
        %dma_start3A_193 = tpu.memref_slice %arg11[%add3A_184, %dma_start3A_192] : memref<152x64xi32, #tpu.memory_space<vmem>> -> memref<1x64xi32, #tpu.memory_space<vmem>>
        %dma_start3A_194 = tpu.memref_squeeze %dma_start3A_193 : memref<1x64xi32, #tpu.memory_space<vmem>> -> memref<64xi32, #tpu.memory_space<vmem>>
        %dma_start3A_195 = arith.constant 0 : i32
        %dma_start3A_196 = arith.constant 0 : i32
        %dma_start3A_197 = tpu.memref_slice %arg9[%dma_start3A_195, %dma_start3A_196] : memref<5120x128xf32, #tpu.memory_space<vmem_shared>> -> memref<5120x128xf32, #tpu.memory_space<vmem_shared>>
        tpu.enqueue_indirect_dma source(%arg17 : memref<64x128xf32, #tpu.memory_space<vmem>>) target(%dma_start3A_197 : memref<5120x128xf32, #tpu.memory_space<vmem_shared>>) offsets(%dma_start3A_194 : memref<64xi32, #tpu.memory_space<vmem>>) semaphore(%arg33 : memref<!tpu.dma_semaphore, #tpu.memory_space<semaphore_mem>>) {add = true}
        %mul3A_198 = arith.constant 8 : i32
        %mul3A_199 = arith.muli %scan3A_96, %mul3A_198 : i32
        %add3A_200 = arith.constant 6 : i32
        %add3A_201 = arith.addi %mul3A_199, %add3A_200 : i32
        %dma_wait3A_202 = arith.constant 0 : i32
        %dma_wait3A_203 = arith.constant 0 : i32
        %dma_wait3A_204 = tpu.memref_slice %arg10[%dma_wait3A_202, %dma_wait3A_203] : memref<152x64xi32, #tpu.memory_space<vmem>> -> memref<1x64xi32, #tpu.memory_space<vmem>>
        %dma_wait3A_205 = tpu.memref_squeeze %dma_wait3A_204 : memref<1x64xi32, #tpu.memory_space<vmem>> -> memref<64xi32, #tpu.memory_space<vmem>>
        %dma_wait3A_206 = arith.constant 0 : i32
        %dma_wait3A_207 = arith.constant 0 : i32
        %dma_wait3A_208 = tpu.memref_slice %arg3[%dma_wait3A_206, %dma_wait3A_207] : memref<50048x128xf32, #tpu.memory_space<hbm>> -> memref<50048x128xf32, #tpu.memory_space<hbm>>
        tpu.wait_indirect_dma semaphore(%arg26 : memref<!tpu.dma_semaphore, #tpu.memory_space<semaphore_mem>>) src(%dma_wait3A_208 : memref<50048x128xf32, #tpu.memory_space<hbm>>) dst(%arg18 : memref<64x128xf32, #tpu.memory_space<vmem>>)
        %dma_start3A_209 = arith.constant 0 : i32
        %dma_start3A_210 = tpu.memref_slice %arg11[%add3A_201, %dma_start3A_209] : memref<152x64xi32, #tpu.memory_space<vmem>> -> memref<1x64xi32, #tpu.memory_space<vmem>>
        %dma_start3A_211 = tpu.memref_squeeze %dma_start3A_210 : memref<1x64xi32, #tpu.memory_space<vmem>> -> memref<64xi32, #tpu.memory_space<vmem>>
        %dma_start3A_212 = arith.constant 0 : i32
        %dma_start3A_213 = arith.constant 0 : i32
        %dma_start3A_214 = tpu.memref_slice %arg9[%dma_start3A_212, %dma_start3A_213] : memref<5120x128xf32, #tpu.memory_space<vmem_shared>> -> memref<5120x128xf32, #tpu.memory_space<vmem_shared>>
        tpu.enqueue_indirect_dma source(%arg18 : memref<64x128xf32, #tpu.memory_space<vmem>>) target(%dma_start3A_214 : memref<5120x128xf32, #tpu.memory_space<vmem_shared>>) offsets(%dma_start3A_211 : memref<64xi32, #tpu.memory_space<vmem>>) semaphore(%arg34 : memref<!tpu.dma_semaphore, #tpu.memory_space<semaphore_mem>>) {add = true}
        %mul3A_215 = arith.constant 8 : i32
        %mul3A_216 = arith.muli %scan3A_96, %mul3A_215 : i32
        %add3A_217 = arith.constant 7 : i32
        %add3A_218 = arith.addi %mul3A_216, %add3A_217 : i32
        %dma_wait3A_219 = arith.constant 0 : i32
        %dma_wait3A_220 = arith.constant 0 : i32
        %dma_wait3A_221 = tpu.memref_slice %arg10[%dma_wait3A_219, %dma_wait3A_220] : memref<152x64xi32, #tpu.memory_space<vmem>> -> memref<1x64xi32, #tpu.memory_space<vmem>>
        %dma_wait3A_222 = tpu.memref_squeeze %dma_wait3A_221 : memref<1x64xi32, #tpu.memory_space<vmem>> -> memref<64xi32, #tpu.memory_space<vmem>>
        %dma_wait3A_223 = arith.constant 0 : i32
        %dma_wait3A_224 = arith.constant 0 : i32
        %dma_wait3A_225 = tpu.memref_slice %arg3[%dma_wait3A_223, %dma_wait3A_224] : memref<50048x128xf32, #tpu.memory_space<hbm>> -> memref<50048x128xf32, #tpu.memory_space<hbm>>
        tpu.wait_indirect_dma semaphore(%arg27 : memref<!tpu.dma_semaphore, #tpu.memory_space<semaphore_mem>>) src(%dma_wait3A_225 : memref<50048x128xf32, #tpu.memory_space<hbm>>) dst(%arg19 : memref<64x128xf32, #tpu.memory_space<vmem>>)
        %dma_start3A_226 = arith.constant 0 : i32
        %dma_start3A_227 = tpu.memref_slice %arg11[%add3A_218, %dma_start3A_226] : memref<152x64xi32, #tpu.memory_space<vmem>> -> memref<1x64xi32, #tpu.memory_space<vmem>>
        %dma_start3A_228 = tpu.memref_squeeze %dma_start3A_227 : memref<1x64xi32, #tpu.memory_space<vmem>> -> memref<64xi32, #tpu.memory_space<vmem>>
        %dma_start3A_229 = arith.constant 0 : i32
        %dma_start3A_230 = arith.constant 0 : i32
        %dma_start3A_231 = tpu.memref_slice %arg9[%dma_start3A_229, %dma_start3A_230] : memref<5120x128xf32, #tpu.memory_space<vmem_shared>> -> memref<5120x128xf32, #tpu.memory_space<vmem_shared>>
        tpu.enqueue_indirect_dma source(%arg19 : memref<64x128xf32, #tpu.memory_space<vmem>>) target(%dma_start3A_231 : memref<5120x128xf32, #tpu.memory_space<vmem_shared>>) offsets(%dma_start3A_228 : memref<64xi32, #tpu.memory_space<vmem>>) semaphore(%arg35 : memref<!tpu.dma_semaphore, #tpu.memory_space<semaphore_mem>>) {add = true}
        %dma_wait3A_232 = arith.constant 0 : i32
        %dma_wait3A_233 = arith.constant 0 : i32
        %dma_wait3A_234 = tpu.memref_slice %arg11[%dma_wait3A_232, %dma_wait3A_233] : memref<152x64xi32, #tpu.memory_space<vmem>> -> memref<1x64xi32, #tpu.memory_space<vmem>>
        %dma_wait3A_235 = tpu.memref_squeeze %dma_wait3A_234 : memref<1x64xi32, #tpu.memory_space<vmem>> -> memref<64xi32, #tpu.memory_space<vmem>>
        %dma_wait3A_236 = arith.constant 0 : i32
        %dma_wait3A_237 = arith.constant 0 : i32
        %dma_wait3A_238 = tpu.memref_slice %arg9[%dma_wait3A_236, %dma_wait3A_237] : memref<5120x128xf32, #tpu.memory_space<vmem_shared>> -> memref<5120x128xf32, #tpu.memory_space<vmem_shared>>
        tpu.wait_indirect_dma semaphore(%arg28 : memref<!tpu.dma_semaphore, #tpu.memory_space<semaphore_mem>>) src(%arg12 : memref<64x128xf32, #tpu.memory_space<vmem>>) dst(%dma_wait3A_238 : memref<5120x128xf32, #tpu.memory_space<vmem_shared>>)
        %dma_wait3A_239 = arith.constant 0 : i32
        %dma_wait3A_240 = arith.constant 0 : i32
        %dma_wait3A_241 = tpu.memref_slice %arg11[%dma_wait3A_239, %dma_wait3A_240] : memref<152x64xi32, #tpu.memory_space<vmem>> -> memref<1x64xi32, #tpu.memory_space<vmem>>
        %dma_wait3A_242 = tpu.memref_squeeze %dma_wait3A_241 : memref<1x64xi32, #tpu.memory_space<vmem>> -> memref<64xi32, #tpu.memory_space<vmem>>
        %dma_wait3A_243 = arith.constant 0 : i32
        %dma_wait3A_244 = arith.constant 0 : i32
        %dma_wait3A_245 = tpu.memref_slice %arg9[%dma_wait3A_243, %dma_wait3A_244] : memref<5120x128xf32, #tpu.memory_space<vmem_shared>> -> memref<5120x128xf32, #tpu.memory_space<vmem_shared>>
        tpu.wait_indirect_dma semaphore(%arg29 : memref<!tpu.dma_semaphore, #tpu.memory_space<semaphore_mem>>) src(%arg13 : memref<64x128xf32, #tpu.memory_space<vmem>>) dst(%dma_wait3A_245 : memref<5120x128xf32, #tpu.memory_space<vmem_shared>>)
        %dma_wait3A_246 = arith.constant 0 : i32
        %dma_wait3A_247 = arith.constant 0 : i32
        %dma_wait3A_248 = tpu.memref_slice %arg11[%dma_wait3A_246, %dma_wait3A_247] : memref<152x64xi32, #tpu.memory_space<vmem>> -> memref<1x64xi32, #tpu.memory_space<vmem>>
        %dma_wait3A_249 = tpu.memref_squeeze %dma_wait3A_248 : memref<1x64xi32, #tpu.memory_space<vmem>> -> memref<64xi32, #tpu.memory_space<vmem>>
        %dma_wait3A_250 = arith.constant 0 : i32
        %dma_wait3A_251 = arith.constant 0 : i32
        %dma_wait3A_252 = tpu.memref_slice %arg9[%dma_wait3A_250, %dma_wait3A_251] : memref<5120x128xf32, #tpu.memory_space<vmem_shared>> -> memref<5120x128xf32, #tpu.memory_space<vmem_shared>>
        tpu.wait_indirect_dma semaphore(%arg30 : memref<!tpu.dma_semaphore, #tpu.memory_space<semaphore_mem>>) src(%arg14 : memref<64x128xf32, #tpu.memory_space<vmem>>) dst(%dma_wait3A_252 : memref<5120x128xf32, #tpu.memory_space<vmem_shared>>)
        %dma_wait3A_253 = arith.constant 0 : i32
        %dma_wait3A_254 = arith.constant 0 : i32
        %dma_wait3A_255 = tpu.memref_slice %arg11[%dma_wait3A_253, %dma_wait3A_254] : memref<152x64xi32, #tpu.memory_space<vmem>> -> memref<1x64xi32, #tpu.memory_space<vmem>>
        %dma_wait3A_256 = tpu.memref_squeeze %dma_wait3A_255 : memref<1x64xi32, #tpu.memory_space<vmem>> -> memref<64xi32, #tpu.memory_space<vmem>>
        %dma_wait3A_257 = arith.constant 0 : i32
        %dma_wait3A_258 = arith.constant 0 : i32
        %dma_wait3A_259 = tpu.memref_slice %arg9[%dma_wait3A_257, %dma_wait3A_258] : memref<5120x128xf32, #tpu.memory_space<vmem_shared>> -> memref<5120x128xf32, #tpu.memory_space<vmem_shared>>
        tpu.wait_indirect_dma semaphore(%arg31 : memref<!tpu.dma_semaphore, #tpu.memory_space<semaphore_mem>>) src(%arg15 : memref<64x128xf32, #tpu.memory_space<vmem>>) dst(%dma_wait3A_259 : memref<5120x128xf32, #tpu.memory_space<vmem_shared>>)
        %dma_wait3A_260 = arith.constant 0 : i32
        %dma_wait3A_261 = arith.constant 0 : i32
        %dma_wait3A_262 = tpu.memref_slice %arg11[%dma_wait3A_260, %dma_wait3A_261] : memref<152x64xi32, #tpu.memory_space<vmem>> -> memref<1x64xi32, #tpu.memory_space<vmem>>
        %dma_wait3A_263 = tpu.memref_squeeze %dma_wait3A_262 : memref<1x64xi32, #tpu.memory_space<vmem>> -> memref<64xi32, #tpu.memory_space<vmem>>
        %dma_wait3A_264 = arith.constant 0 : i32
        %dma_wait3A_265 = arith.constant 0 : i32
        %dma_wait3A_266 = tpu.memref_slice %arg9[%dma_wait3A_264, %dma_wait3A_265] : memref<5120x128xf32, #tpu.memory_space<vmem_shared>> -> memref<5120x128xf32, #tpu.memory_space<vmem_shared>>
        tpu.wait_indirect_dma semaphore(%arg32 : memref<!tpu.dma_semaphore, #tpu.memory_space<semaphore_mem>>) src(%arg16 : memref<64x128xf32, #tpu.memory_space<vmem>>) dst(%dma_wait3A_266 : memref<5120x128xf32, #tpu.memory_space<vmem_shared>>)
        %dma_wait3A_267 = arith.constant 0 : i32
        %dma_wait3A_268 = arith.constant 0 : i32
        %dma_wait3A_269 = tpu.memref_slice %arg11[%dma_wait3A_267, %dma_wait3A_268] : memref<152x64xi32, #tpu.memory_space<vmem>> -> memref<1x64xi32, #tpu.memory_space<vmem>>
        %dma_wait3A_270 = tpu.memref_squeeze %dma_wait3A_269 : memref<1x64xi32, #tpu.memory_space<vmem>> -> memref<64xi32, #tpu.memory_space<vmem>>
        %dma_wait3A_271 = arith.constant 0 : i32
        %dma_wait3A_272 = arith.constant 0 : i32
        %dma_wait3A_273 = tpu.memref_slice %arg9[%dma_wait3A_271, %dma_wait3A_272] : memref<5120x128xf32, #tpu.memory_space<vmem_shared>> -> memref<5120x128xf32, #tpu.memory_space<vmem_shared>>
        tpu.wait_indirect_dma semaphore(%arg33 : memref<!tpu.dma_semaphore, #tpu.memory_space<semaphore_mem>>) src(%arg17 : memref<64x128xf32, #tpu.memory_space<vmem>>) dst(%dma_wait3A_273 : memref<5120x128xf32, #tpu.memory_space<vmem_shared>>)
        %dma_wait3A_274 = arith.constant 0 : i32
        %dma_wait3A_275 = arith.constant 0 : i32
        %dma_wait3A_276 = tpu.memref_slice %arg11[%dma_wait3A_274, %dma_wait3A_275] : memref<152x64xi32, #tpu.memory_space<vmem>> -> memref<1x64xi32, #tpu.memory_space<vmem>>
        %dma_wait3A_277 = tpu.memref_squeeze %dma_wait3A_276 : memref<1x64xi32, #tpu.memory_space<vmem>> -> memref<64xi32, #tpu.memory_space<vmem>>
        %dma_wait3A_278 = arith.constant 0 : i32
        %dma_wait3A_279 = arith.constant 0 : i32
        %dma_wait3A_280 = tpu.memref_slice %arg9[%dma_wait3A_278, %dma_wait3A_279] : memref<5120x128xf32, #tpu.memory_space<vmem_shared>> -> memref<5120x128xf32, #tpu.memory_space<vmem_shared>>
        tpu.wait_indirect_dma semaphore(%arg34 : memref<!tpu.dma_semaphore, #tpu.memory_space<semaphore_mem>>) src(%arg18 : memref<64x128xf32, #tpu.memory_space<vmem>>) dst(%dma_wait3A_280 : memref<5120x128xf32, #tpu.memory_space<vmem_shared>>)
        %dma_wait3A_281 = arith.constant 0 : i32
        %dma_wait3A_282 = arith.constant 0 : i32
        %dma_wait3A_283 = tpu.memref_slice %arg11[%dma_wait3A_281, %dma_wait3A_282] : memref<152x64xi32, #tpu.memory_space<vmem>> -> memref<1x64xi32, #tpu.memory_space<vmem>>
        %dma_wait3A_284 = tpu.memref_squeeze %dma_wait3A_283 : memref<1x64xi32, #tpu.memory_space<vmem>> -> memref<64xi32, #tpu.memory_space<vmem>>
        %dma_wait3A_285 = arith.constant 0 : i32
        %dma_wait3A_286 = arith.constant 0 : i32
        %dma_wait3A_287 = tpu.memref_slice %arg9[%dma_wait3A_285, %dma_wait3A_286] : memref<5120x128xf32, #tpu.memory_space<vmem_shared>> -> memref<5120x128xf32, #tpu.memory_space<vmem_shared>>
        tpu.wait_indirect_dma semaphore(%arg35 : memref<!tpu.dma_semaphore, #tpu.memory_space<semaphore_mem>>) src(%arg19 : memref<64x128xf32, #tpu.memory_space<vmem>>) dst(%dma_wait3A_287 : memref<5120x128xf32, #tpu.memory_space<vmem_shared>>)
        %lt3A = arith.constant 18 : i32
        %lt3A_288 = arith.cmpi slt, %scan3A_96, %lt3A : i32
        %convert_element_type3A_289 = arith.extui %lt3A_288 : i1 to i32
        %cond3A_290 = arith.constant 0 : i32
        %cond3A_291 = arith.cmpi ne, %convert_element_type3A_289, %cond3A_290 : i32
        scf.if %cond3A_291 {
          %add3A_292 = arith.constant 1 : i32
          %add3A_293 = arith.addi %scan3A_96, %add3A_292 : i32
          %mul3A_294 = arith.constant 8 : i32
          %mul3A_295 = arith.muli %add3A_293, %mul3A_294 : i32
          %add3A_296 = arith.constant 0 : i32
          %add3A_297 = arith.addi %mul3A_295, %add3A_296 : i32
          %dma_start3A_298 = arith.constant 0 : i32
          %dma_start3A_299 = tpu.memref_slice %arg10[%add3A_297, %dma_start3A_298] : memref<152x64xi32, #tpu.memory_space<vmem>> -> memref<1x64xi32, #tpu.memory_space<vmem>>
          %dma_start3A_300 = tpu.memref_squeeze %dma_start3A_299 : memref<1x64xi32, #tpu.memory_space<vmem>> -> memref<64xi32, #tpu.memory_space<vmem>>
          %dma_start3A_301 = arith.constant 0 : i32
          %dma_start3A_302 = arith.constant 0 : i32
          %dma_start3A_303 = tpu.memref_slice %arg3[%dma_start3A_301, %dma_start3A_302] : memref<50048x128xf32, #tpu.memory_space<hbm>> -> memref<50048x128xf32, #tpu.memory_space<hbm>>
          tpu.enqueue_indirect_dma source(%dma_start3A_303 : memref<50048x128xf32, #tpu.memory_space<hbm>>) target(%arg12 : memref<64x128xf32, #tpu.memory_space<vmem>>) offsets(%dma_start3A_300 : memref<64xi32, #tpu.memory_space<vmem>>) semaphore(%arg20 : memref<!tpu.dma_semaphore, #tpu.memory_space<semaphore_mem>>)
          %add3A_304 = arith.constant 1 : i32
          %add3A_305 = arith.addi %scan3A_96, %add3A_304 : i32
          %mul3A_306 = arith.constant 8 : i32
          %mul3A_307 = arith.muli %add3A_305, %mul3A_306 : i32
          %add3A_308 = arith.constant 1 : i32
          %add3A_309 = arith.addi %mul3A_307, %add3A_308 : i32
          %dma_start3A_310 = arith.constant 0 : i32
          %dma_start3A_311 = tpu.memref_slice %arg10[%add3A_309, %dma_start3A_310] : memref<152x64xi32, #tpu.memory_space<vmem>> -> memref<1x64xi32, #tpu.memory_space<vmem>>
          %dma_start3A_312 = tpu.memref_squeeze %dma_start3A_311 : memref<1x64xi32, #tpu.memory_space<vmem>> -> memref<64xi32, #tpu.memory_space<vmem>>
          %dma_start3A_313 = arith.constant 0 : i32
          %dma_start3A_314 = arith.constant 0 : i32
          %dma_start3A_315 = tpu.memref_slice %arg3[%dma_start3A_313, %dma_start3A_314] : memref<50048x128xf32, #tpu.memory_space<hbm>> -> memref<50048x128xf32, #tpu.memory_space<hbm>>
          tpu.enqueue_indirect_dma source(%dma_start3A_315 : memref<50048x128xf32, #tpu.memory_space<hbm>>) target(%arg13 : memref<64x128xf32, #tpu.memory_space<vmem>>) offsets(%dma_start3A_312 : memref<64xi32, #tpu.memory_space<vmem>>) semaphore(%arg21 : memref<!tpu.dma_semaphore, #tpu.memory_space<semaphore_mem>>)
          %add3A_316 = arith.constant 1 : i32
          %add3A_317 = arith.addi %scan3A_96, %add3A_316 : i32
          %mul3A_318 = arith.constant 8 : i32
          %mul3A_319 = arith.muli %add3A_317, %mul3A_318 : i32
          %add3A_320 = arith.constant 2 : i32
          %add3A_321 = arith.addi %mul3A_319, %add3A_320 : i32
          %dma_start3A_322 = arith.constant 0 : i32
          %dma_start3A_323 = tpu.memref_slice %arg10[%add3A_321, %dma_start3A_322] : memref<152x64xi32, #tpu.memory_space<vmem>> -> memref<1x64xi32, #tpu.memory_space<vmem>>
          %dma_start3A_324 = tpu.memref_squeeze %dma_start3A_323 : memref<1x64xi32, #tpu.memory_space<vmem>> -> memref<64xi32, #tpu.memory_space<vmem>>
          %dma_start3A_325 = arith.constant 0 : i32
          %dma_start3A_326 = arith.constant 0 : i32
          %dma_start3A_327 = tpu.memref_slice %arg3[%dma_start3A_325, %dma_start3A_326] : memref<50048x128xf32, #tpu.memory_space<hbm>> -> memref<50048x128xf32, #tpu.memory_space<hbm>>
          tpu.enqueue_indirect_dma source(%dma_start3A_327 : memref<50048x128xf32, #tpu.memory_space<hbm>>) target(%arg14 : memref<64x128xf32, #tpu.memory_space<vmem>>) offsets(%dma_start3A_324 : memref<64xi32, #tpu.memory_space<vmem>>) semaphore(%arg22 : memref<!tpu.dma_semaphore, #tpu.memory_space<semaphore_mem>>)
          %add3A_328 = arith.constant 1 : i32
          %add3A_329 = arith.addi %scan3A_96, %add3A_328 : i32
          %mul3A_330 = arith.constant 8 : i32
          %mul3A_331 = arith.muli %add3A_329, %mul3A_330 : i32
          %add3A_332 = arith.constant 3 : i32
          %add3A_333 = arith.addi %mul3A_331, %add3A_332 : i32
          %dma_start3A_334 = arith.constant 0 : i32
          %dma_start3A_335 = tpu.memref_slice %arg10[%add3A_333, %dma_start3A_334] : memref<152x64xi32, #tpu.memory_space<vmem>> -> memref<1x64xi32, #tpu.memory_space<vmem>>
          %dma_start3A_336 = tpu.memref_squeeze %dma_start3A_335 : memref<1x64xi32, #tpu.memory_space<vmem>> -> memref<64xi32, #tpu.memory_space<vmem>>
          %dma_start3A_337 = arith.constant 0 : i32
          %dma_start3A_338 = arith.constant 0 : i32
          %dma_start3A_339 = tpu.memref_slice %arg3[%dma_start3A_337, %dma_start3A_338] : memref<50048x128xf32, #tpu.memory_space<hbm>> -> memref<50048x128xf32, #tpu.memory_space<hbm>>
          tpu.enqueue_indirect_dma source(%dma_start3A_339 : memref<50048x128xf32, #tpu.memory_space<hbm>>) target(%arg15 : memref<64x128xf32, #tpu.memory_space<vmem>>) offsets(%dma_start3A_336 : memref<64xi32, #tpu.memory_space<vmem>>) semaphore(%arg23 : memref<!tpu.dma_semaphore, #tpu.memory_space<semaphore_mem>>)
          %add3A_340 = arith.constant 1 : i32
          %add3A_341 = arith.addi %scan3A_96, %add3A_340 : i32
          %mul3A_342 = arith.constant 8 : i32
          %mul3A_343 = arith.muli %add3A_341, %mul3A_342 : i32
          %add3A_344 = arith.constant 4 : i32
          %add3A_345 = arith.addi %mul3A_343, %add3A_344 : i32
          %dma_start3A_346 = arith.constant 0 : i32
          %dma_start3A_347 = tpu.memref_slice %arg10[%add3A_345, %dma_start3A_346] : memref<152x64xi32, #tpu.memory_space<vmem>> -> memref<1x64xi32, #tpu.memory_space<vmem>>
          %dma_start3A_348 = tpu.memref_squeeze %dma_start3A_347 : memref<1x64xi32, #tpu.memory_space<vmem>> -> memref<64xi32, #tpu.memory_space<vmem>>
          %dma_start3A_349 = arith.constant 0 : i32
          %dma_start3A_350 = arith.constant 0 : i32
          %dma_start3A_351 = tpu.memref_slice %arg3[%dma_start3A_349, %dma_start3A_350] : memref<50048x128xf32, #tpu.memory_space<hbm>> -> memref<50048x128xf32, #tpu.memory_space<hbm>>
          tpu.enqueue_indirect_dma source(%dma_start3A_351 : memref<50048x128xf32, #tpu.memory_space<hbm>>) target(%arg16 : memref<64x128xf32, #tpu.memory_space<vmem>>) offsets(%dma_start3A_348 : memref<64xi32, #tpu.memory_space<vmem>>) semaphore(%arg24 : memref<!tpu.dma_semaphore, #tpu.memory_space<semaphore_mem>>)
          %add3A_352 = arith.constant 1 : i32
          %add3A_353 = arith.addi %scan3A_96, %add3A_352 : i32
          %mul3A_354 = arith.constant 8 : i32
          %mul3A_355 = arith.muli %add3A_353, %mul3A_354 : i32
          %add3A_356 = arith.constant 5 : i32
          %add3A_357 = arith.addi %mul3A_355, %add3A_356 : i32
          %dma_start3A_358 = arith.constant 0 : i32
          %dma_start3A_359 = tpu.memref_slice %arg10[%add3A_357, %dma_start3A_358] : memref<152x64xi32, #tpu.memory_space<vmem>> -> memref<1x64xi32, #tpu.memory_space<vmem>>
          %dma_start3A_360 = tpu.memref_squeeze %dma_start3A_359 : memref<1x64xi32, #tpu.memory_space<vmem>> -> memref<64xi32, #tpu.memory_space<vmem>>
          %dma_start3A_361 = arith.constant 0 : i32
          %dma_start3A_362 = arith.constant 0 : i32
          %dma_start3A_363 = tpu.memref_slice %arg3[%dma_start3A_361, %dma_start3A_362] : memref<50048x128xf32, #tpu.memory_space<hbm>> -> memref<50048x128xf32, #tpu.memory_space<hbm>>
          tpu.enqueue_indirect_dma source(%dma_start3A_363 : memref<50048x128xf32, #tpu.memory_space<hbm>>) target(%arg17 : memref<64x128xf32, #tpu.memory_space<vmem>>) offsets(%dma_start3A_360 : memref<64xi32, #tpu.memory_space<vmem>>) semaphore(%arg25 : memref<!tpu.dma_semaphore, #tpu.memory_space<semaphore_mem>>)
          %add3A_364 = arith.constant 1 : i32
          %add3A_365 = arith.addi %scan3A_96, %add3A_364 : i32
          %mul3A_366 = arith.constant 8 : i32
          %mul3A_367 = arith.muli %add3A_365, %mul3A_366 : i32
          %add3A_368 = arith.constant 6 : i32
          %add3A_369 = arith.addi %mul3A_367, %add3A_368 : i32
          %dma_start3A_370 = arith.constant 0 : i32
          %dma_start3A_371 = tpu.memref_slice %arg10[%add3A_369, %dma_start3A_370] : memref<152x64xi32, #tpu.memory_space<vmem>> -> memref<1x64xi32, #tpu.memory_space<vmem>>
          %dma_start3A_372 = tpu.memref_squeeze %dma_start3A_371 : memref<1x64xi32, #tpu.memory_space<vmem>> -> memref<64xi32, #tpu.memory_space<vmem>>
          %dma_start3A_373 = arith.constant 0 : i32
          %dma_start3A_374 = arith.constant 0 : i32
          %dma_start3A_375 = tpu.memref_slice %arg3[%dma_start3A_373, %dma_start3A_374] : memref<50048x128xf32, #tpu.memory_space<hbm>> -> memref<50048x128xf32, #tpu.memory_space<hbm>>
          tpu.enqueue_indirect_dma source(%dma_start3A_375 : memref<50048x128xf32, #tpu.memory_space<hbm>>) target(%arg18 : memref<64x128xf32, #tpu.memory_space<vmem>>) offsets(%dma_start3A_372 : memref<64xi32, #tpu.memory_space<vmem>>) semaphore(%arg26 : memref<!tpu.dma_semaphore, #tpu.memory_space<semaphore_mem>>)
          %add3A_376 = arith.constant 1 : i32
          %add3A_377 = arith.addi %scan3A_96, %add3A_376 : i32
          %mul3A_378 = arith.constant 8 : i32
          %mul3A_379 = arith.muli %add3A_377, %mul3A_378 : i32
          %add3A_380 = arith.constant 7 : i32
          %add3A_381 = arith.addi %mul3A_379, %add3A_380 : i32
          %dma_start3A_382 = arith.constant 0 : i32
          %dma_start3A_383 = tpu.memref_slice %arg10[%add3A_381, %dma_start3A_382] : memref<152x64xi32, #tpu.memory_space<vmem>> -> memref<1x64xi32, #tpu.memory_space<vmem>>
          %dma_start3A_384 = tpu.memref_squeeze %dma_start3A_383 : memref<1x64xi32, #tpu.memory_space<vmem>> -> memref<64xi32, #tpu.memory_space<vmem>>
          %dma_start3A_385 = arith.constant 0 : i32
          %dma_start3A_386 = arith.constant 0 : i32
          %dma_start3A_387 = tpu.memref_slice %arg3[%dma_start3A_385, %dma_start3A_386] : memref<50048x128xf32, #tpu.memory_space<hbm>> -> memref<50048x128xf32, #tpu.memory_space<hbm>>
          tpu.enqueue_indirect_dma source(%dma_start3A_387 : memref<50048x128xf32, #tpu.memory_space<hbm>>) target(%arg19 : memref<64x128xf32, #tpu.memory_space<vmem>>) offsets(%dma_start3A_384 : memref<64xi32, #tpu.memory_space<vmem>>) semaphore(%arg27 : memref<!tpu.dma_semaphore, #tpu.memory_space<semaphore_mem>>)
        } else {
        }
      }
      %scan3A_95 = arith.constant 19 : i32
    } else {
    }
    %barrier3A_25 = arith.constant 0 : index
    tpu.barrier barrier_id(%barrier3A_25)
    %eq3A_26 = arith.constant 0 : i32
    %eq3A_27 = arith.cmpi eq, %arg0, %eq3A_26 : i32
    %convert_element_type3A_28 = arith.extui %eq3A_27 : i1 to i32
    %cond3A_29 = arith.constant 0 : i32
    %cond3A_30 = arith.cmpi ne, %convert_element_type3A_28, %cond3A_29 : i32
    scf.if %cond3A_30 {
      %mul3A_36 = arith.constant 320 : i32
      %mul3A_37 = arith.muli %arg1, %mul3A_36 : i32
      %add3A_38 = arith.constant 0 : i32
      %add3A_39 = arith.addi %mul3A_37, %add3A_38 : i32
      "tpu.region"() ({
        %run_scoped3A = tpu.sem_alloc : memref<!tpu.dma_semaphore, #tpu.memory_space<semaphore_mem>>
        %dma_start3A = arith.constant 0 : i32
        %dma_start3A_76 = tpu.memref_slice %arg9[%add3A_39, %dma_start3A] : memref<5120x128xf32, #tpu.memory_space<vmem_shared>> -> memref<64x128xf32, #tpu.memory_space<vmem_shared>>
        %dma_start3A_77 = arith.constant 0 : i32
        %dma_start3A_78 = tpu.memref_slice %arg9[%add3A_39, %dma_start3A_77] : memref<5120x128xf32, #tpu.memory_space<vmem_shared>> -> memref<64x128xf32, #tpu.memory_space<vmem_shared>>
        tpu.enqueue_dma source(%dma_start3A_78 : memref<64x128xf32, #tpu.memory_space<vmem_shared>>) target(%arg12 : memref<64x128xf32, #tpu.memory_space<vmem>>) target_semaphore(%run_scoped3A : memref<!tpu.dma_semaphore, #tpu.memory_space<semaphore_mem>>)
        %dma_wait3A = arith.constant 0 : i32
        %dma_wait3A_79 = tpu.memref_slice %arg9[%add3A_39, %dma_wait3A] : memref<5120x128xf32, #tpu.memory_space<vmem_shared>> -> memref<64x128xf32, #tpu.memory_space<vmem_shared>>
        %dma_wait3A_80 = arith.constant 0 : i32
        %dma_wait3A_81 = tpu.memref_slice %arg9[%add3A_39, %dma_wait3A_80] : memref<5120x128xf32, #tpu.memory_space<vmem_shared>> -> memref<64x128xf32, #tpu.memory_space<vmem_shared>>
        tpu.wait_dma2 semaphore(%run_scoped3A : memref<!tpu.dma_semaphore, #tpu.memory_space<semaphore_mem>>) src(%dma_wait3A_81 : memref<64x128xf32, #tpu.memory_space<vmem_shared>>) dst(%arg12 : memref<64x128xf32, #tpu.memory_space<vmem>>)
        tpu.yield
      }) : () -> ()
      %mul3A_40 = arith.constant 320 : i32
      %mul3A_41 = arith.muli %arg1, %mul3A_40 : i32
      %add3A_42 = arith.constant 0 : i32
      %add3A_43 = arith.addi %mul3A_41, %add3A_42 : i32
      "tpu.region"() ({
        %run_scoped3A = tpu.sem_alloc : memref<!tpu.dma_semaphore, #tpu.memory_space<semaphore_mem>>
        %dma_start3A = arith.constant 0 : i32
        %dma_start3A_76 = tpu.memref_slice %arg7[%add3A_43, %dma_start3A] : memref<5120x128xf32, #tpu.memory_space<hbm>> -> memref<64x128xf32, #tpu.memory_space<hbm>>
        %dma_start3A_77 = arith.constant 0 : i32
        %dma_start3A_78 = tpu.memref_slice %arg7[%add3A_43, %dma_start3A_77] : memref<5120x128xf32, #tpu.memory_space<hbm>> -> memref<64x128xf32, #tpu.memory_space<hbm>>
        tpu.enqueue_dma source(%arg12 : memref<64x128xf32, #tpu.memory_space<vmem>>) target(%dma_start3A_78 : memref<64x128xf32, #tpu.memory_space<hbm>>) target_semaphore(%run_scoped3A : memref<!tpu.dma_semaphore, #tpu.memory_space<semaphore_mem>>)
        %dma_wait3A = arith.constant 0 : i32
        %dma_wait3A_79 = tpu.memref_slice %arg7[%add3A_43, %dma_wait3A] : memref<5120x128xf32, #tpu.memory_space<hbm>> -> memref<64x128xf32, #tpu.memory_space<hbm>>
        %dma_wait3A_80 = arith.constant 0 : i32
        %dma_wait3A_81 = tpu.memref_slice %arg7[%add3A_43, %dma_wait3A_80] : memref<5120x128xf32, #tpu.memory_space<hbm>> -> memref<64x128xf32, #tpu.memory_space<hbm>>
        tpu.wait_dma2 semaphore(%run_scoped3A : memref<!tpu.dma_semaphore, #tpu.memory_space<semaphore_mem>>) src(%arg12 : memref<64x128xf32, #tpu.memory_space<vmem>>) dst(%dma_wait3A_81 : memref<64x128xf32, #tpu.memory_space<hbm>>)
        tpu.yield
      }) : () -> ()
      %mul3A_44 = arith.constant 320 : i32
      %mul3A_45 = arith.muli %arg1, %mul3A_44 : i32
      %add3A_46 = arith.constant 64 : i32
      %add3A_47 = arith.addi %mul3A_45, %add3A_46 : i32
      "tpu.region"() ({
        %run_scoped3A = tpu.sem_alloc : memref<!tpu.dma_semaphore, #tpu.memory_space<semaphore_mem>>
        %dma_start3A = arith.constant 0 : i32
        %dma_start3A_76 = tpu.memref_slice %arg9[%add3A_47, %dma_start3A] : memref<5120x128xf32, #tpu.memory_space<vmem_shared>> -> memref<64x128xf32, #tpu.memory_space<vmem_shared>>
        %dma_start3A_77 = arith.constant 0 : i32
        %dma_start3A_78 = tpu.memref_slice %arg9[%add3A_47, %dma_start3A_77] : memref<5120x128xf32, #tpu.memory_space<vmem_shared>> -> memref<64x128xf32, #tpu.memory_space<vmem_shared>>
        tpu.enqueue_dma source(%dma_start3A_78 : memref<64x128xf32, #tpu.memory_space<vmem_shared>>) target(%arg12 : memref<64x128xf32, #tpu.memory_space<vmem>>) target_semaphore(%run_scoped3A : memref<!tpu.dma_semaphore, #tpu.memory_space<semaphore_mem>>)
        %dma_wait3A = arith.constant 0 : i32
        %dma_wait3A_79 = tpu.memref_slice %arg9[%add3A_47, %dma_wait3A] : memref<5120x128xf32, #tpu.memory_space<vmem_shared>> -> memref<64x128xf32, #tpu.memory_space<vmem_shared>>
        %dma_wait3A_80 = arith.constant 0 : i32
        %dma_wait3A_81 = tpu.memref_slice %arg9[%add3A_47, %dma_wait3A_80] : memref<5120x128xf32, #tpu.memory_space<vmem_shared>> -> memref<64x128xf32, #tpu.memory_space<vmem_shared>>
        tpu.wait_dma2 semaphore(%run_scoped3A : memref<!tpu.dma_semaphore, #tpu.memory_space<semaphore_mem>>) src(%dma_wait3A_81 : memref<64x128xf32, #tpu.memory_space<vmem_shared>>) dst(%arg12 : memref<64x128xf32, #tpu.memory_space<vmem>>)
        tpu.yield
      }) : () -> ()
      %mul3A_48 = arith.constant 320 : i32
      %mul3A_49 = arith.muli %arg1, %mul3A_48 : i32
      %add3A_50 = arith.constant 64 : i32
      %add3A_51 = arith.addi %mul3A_49, %add3A_50 : i32
      "tpu.region"() ({
        %run_scoped3A = tpu.sem_alloc : memref<!tpu.dma_semaphore, #tpu.memory_space<semaphore_mem>>
        %dma_start3A = arith.constant 0 : i32
        %dma_start3A_76 = tpu.memref_slice %arg7[%add3A_51, %dma_start3A] : memref<5120x128xf32, #tpu.memory_space<hbm>> -> memref<64x128xf32, #tpu.memory_space<hbm>>
        %dma_start3A_77 = arith.constant 0 : i32
        %dma_start3A_78 = tpu.memref_slice %arg7[%add3A_51, %dma_start3A_77] : memref<5120x128xf32, #tpu.memory_space<hbm>> -> memref<64x128xf32, #tpu.memory_space<hbm>>
        tpu.enqueue_dma source(%arg12 : memref<64x128xf32, #tpu.memory_space<vmem>>) target(%dma_start3A_78 : memref<64x128xf32, #tpu.memory_space<hbm>>) target_semaphore(%run_scoped3A : memref<!tpu.dma_semaphore, #tpu.memory_space<semaphore_mem>>)
        %dma_wait3A = arith.constant 0 : i32
        %dma_wait3A_79 = tpu.memref_slice %arg7[%add3A_51, %dma_wait3A] : memref<5120x128xf32, #tpu.memory_space<hbm>> -> memref<64x128xf32, #tpu.memory_space<hbm>>
        %dma_wait3A_80 = arith.constant 0 : i32
        %dma_wait3A_81 = tpu.memref_slice %arg7[%add3A_51, %dma_wait3A_80] : memref<5120x128xf32, #tpu.memory_space<hbm>> -> memref<64x128xf32, #tpu.memory_space<hbm>>
        tpu.wait_dma2 semaphore(%run_scoped3A : memref<!tpu.dma_semaphore, #tpu.memory_space<semaphore_mem>>) src(%arg12 : memref<64x128xf32, #tpu.memory_space<vmem>>) dst(%dma_wait3A_81 : memref<64x128xf32, #tpu.memory_space<hbm>>)
        tpu.yield
      }) : () -> ()
      %mul3A_52 = arith.constant 320 : i32
      %mul3A_53 = arith.muli %arg1, %mul3A_52 : i32
      %add3A_54 = arith.constant 128 : i32
      %add3A_55 = arith.addi %mul3A_53, %add3A_54 : i32
      "tpu.region"() ({
        %run_scoped3A = tpu.sem_alloc : memref<!tpu.dma_semaphore, #tpu.memory_space<semaphore_mem>>
        %dma_start3A = arith.constant 0 : i32
        %dma_start3A_76 = tpu.memref_slice %arg9[%add3A_55, %dma_start3A] : memref<5120x128xf32, #tpu.memory_space<vmem_shared>> -> memref<64x128xf32, #tpu.memory_space<vmem_shared>>
        %dma_start3A_77 = arith.constant 0 : i32
        %dma_start3A_78 = tpu.memref_slice %arg9[%add3A_55, %dma_start3A_77] : memref<5120x128xf32, #tpu.memory_space<vmem_shared>> -> memref<64x128xf32, #tpu.memory_space<vmem_shared>>
        tpu.enqueue_dma source(%dma_start3A_78 : memref<64x128xf32, #tpu.memory_space<vmem_shared>>) target(%arg12 : memref<64x128xf32, #tpu.memory_space<vmem>>) target_semaphore(%run_scoped3A : memref<!tpu.dma_semaphore, #tpu.memory_space<semaphore_mem>>)
        %dma_wait3A = arith.constant 0 : i32
        %dma_wait3A_79 = tpu.memref_slice %arg9[%add3A_55, %dma_wait3A] : memref<5120x128xf32, #tpu.memory_space<vmem_shared>> -> memref<64x128xf32, #tpu.memory_space<vmem_shared>>
        %dma_wait3A_80 = arith.constant 0 : i32
        %dma_wait3A_81 = tpu.memref_slice %arg9[%add3A_55, %dma_wait3A_80] : memref<5120x128xf32, #tpu.memory_space<vmem_shared>> -> memref<64x128xf32, #tpu.memory_space<vmem_shared>>
        tpu.wait_dma2 semaphore(%run_scoped3A : memref<!tpu.dma_semaphore, #tpu.memory_space<semaphore_mem>>) src(%dma_wait3A_81 : memref<64x128xf32, #tpu.memory_space<vmem_shared>>) dst(%arg12 : memref<64x128xf32, #tpu.memory_space<vmem>>)
        tpu.yield
      }) : () -> ()
      %mul3A_56 = arith.constant 320 : i32
      %mul3A_57 = arith.muli %arg1, %mul3A_56 : i32
      %add3A_58 = arith.constant 128 : i32
      %add3A_59 = arith.addi %mul3A_57, %add3A_58 : i32
      "tpu.region"() ({
        %run_scoped3A = tpu.sem_alloc : memref<!tpu.dma_semaphore, #tpu.memory_space<semaphore_mem>>
        %dma_start3A = arith.constant 0 : i32
        %dma_start3A_76 = tpu.memref_slice %arg7[%add3A_59, %dma_start3A] : memref<5120x128xf32, #tpu.memory_space<hbm>> -> memref<64x128xf32, #tpu.memory_space<hbm>>
        %dma_start3A_77 = arith.constant 0 : i32
        %dma_start3A_78 = tpu.memref_slice %arg7[%add3A_59, %dma_start3A_77] : memref<5120x128xf32, #tpu.memory_space<hbm>> -> memref<64x128xf32, #tpu.memory_space<hbm>>
        tpu.enqueue_dma source(%arg12 : memref<64x128xf32, #tpu.memory_space<vmem>>) target(%dma_start3A_78 : memref<64x128xf32, #tpu.memory_space<hbm>>) target_semaphore(%run_scoped3A : memref<!tpu.dma_semaphore, #tpu.memory_space<semaphore_mem>>)
        %dma_wait3A = arith.constant 0 : i32
        %dma_wait3A_79 = tpu.memref_slice %arg7[%add3A_59, %dma_wait3A] : memref<5120x128xf32, #tpu.memory_space<hbm>> -> memref<64x128xf32, #tpu.memory_space<hbm>>
        %dma_wait3A_80 = arith.constant 0 : i32
        %dma_wait3A_81 = tpu.memref_slice %arg7[%add3A_59, %dma_wait3A_80] : memref<5120x128xf32, #tpu.memory_space<hbm>> -> memref<64x128xf32, #tpu.memory_space<hbm>>
        tpu.wait_dma2 semaphore(%run_scoped3A : memref<!tpu.dma_semaphore, #tpu.memory_space<semaphore_mem>>) src(%arg12 : memref<64x128xf32, #tpu.memory_space<vmem>>) dst(%dma_wait3A_81 : memref<64x128xf32, #tpu.memory_space<hbm>>)
        tpu.yield
      }) : () -> ()
      %mul3A_60 = arith.constant 320 : i32
      %mul3A_61 = arith.muli %arg1, %mul3A_60 : i32
      %add3A_62 = arith.constant 192 : i32
      %add3A_63 = arith.addi %mul3A_61, %add3A_62 : i32
      "tpu.region"() ({
        %run_scoped3A = tpu.sem_alloc : memref<!tpu.dma_semaphore, #tpu.memory_space<semaphore_mem>>
        %dma_start3A = arith.constant 0 : i32
        %dma_start3A_76 = tpu.memref_slice %arg9[%add3A_63, %dma_start3A] : memref<5120x128xf32, #tpu.memory_space<vmem_shared>> -> memref<64x128xf32, #tpu.memory_space<vmem_shared>>
        %dma_start3A_77 = arith.constant 0 : i32
        %dma_start3A_78 = tpu.memref_slice %arg9[%add3A_63, %dma_start3A_77] : memref<5120x128xf32, #tpu.memory_space<vmem_shared>> -> memref<64x128xf32, #tpu.memory_space<vmem_shared>>
        tpu.enqueue_dma source(%dma_start3A_78 : memref<64x128xf32, #tpu.memory_space<vmem_shared>>) target(%arg12 : memref<64x128xf32, #tpu.memory_space<vmem>>) target_semaphore(%run_scoped3A : memref<!tpu.dma_semaphore, #tpu.memory_space<semaphore_mem>>)
        %dma_wait3A = arith.constant 0 : i32
        %dma_wait3A_79 = tpu.memref_slice %arg9[%add3A_63, %dma_wait3A] : memref<5120x128xf32, #tpu.memory_space<vmem_shared>> -> memref<64x128xf32, #tpu.memory_space<vmem_shared>>
        %dma_wait3A_80 = arith.constant 0 : i32
        %dma_wait3A_81 = tpu.memref_slice %arg9[%add3A_63, %dma_wait3A_80] : memref<5120x128xf32, #tpu.memory_space<vmem_shared>> -> memref<64x128xf32, #tpu.memory_space<vmem_shared>>
        tpu.wait_dma2 semaphore(%run_scoped3A : memref<!tpu.dma_semaphore, #tpu.memory_space<semaphore_mem>>) src(%dma_wait3A_81 : memref<64x128xf32, #tpu.memory_space<vmem_shared>>) dst(%arg12 : memref<64x128xf32, #tpu.memory_space<vmem>>)
        tpu.yield
      }) : () -> ()
      %mul3A_64 = arith.constant 320 : i32
      %mul3A_65 = arith.muli %arg1, %mul3A_64 : i32
      %add3A_66 = arith.constant 192 : i32
      %add3A_67 = arith.addi %mul3A_65, %add3A_66 : i32
      "tpu.region"() ({
        %run_scoped3A = tpu.sem_alloc : memref<!tpu.dma_semaphore, #tpu.memory_space<semaphore_mem>>
        %dma_start3A = arith.constant 0 : i32
        %dma_start3A_76 = tpu.memref_slice %arg7[%add3A_67, %dma_start3A] : memref<5120x128xf32, #tpu.memory_space<hbm>> -> memref<64x128xf32, #tpu.memory_space<hbm>>
        %dma_start3A_77 = arith.constant 0 : i32
        %dma_start3A_78 = tpu.memref_slice %arg7[%add3A_67, %dma_start3A_77] : memref<5120x128xf32, #tpu.memory_space<hbm>> -> memref<64x128xf32, #tpu.memory_space<hbm>>
        tpu.enqueue_dma source(%arg12 : memref<64x128xf32, #tpu.memory_space<vmem>>) target(%dma_start3A_78 : memref<64x128xf32, #tpu.memory_space<hbm>>) target_semaphore(%run_scoped3A : memref<!tpu.dma_semaphore, #tpu.memory_space<semaphore_mem>>)
        %dma_wait3A = arith.constant 0 : i32
        %dma_wait3A_79 = tpu.memref_slice %arg7[%add3A_67, %dma_wait3A] : memref<5120x128xf32, #tpu.memory_space<hbm>> -> memref<64x128xf32, #tpu.memory_space<hbm>>
        %dma_wait3A_80 = arith.constant 0 : i32
        %dma_wait3A_81 = tpu.memref_slice %arg7[%add3A_67, %dma_wait3A_80] : memref<5120x128xf32, #tpu.memory_space<hbm>> -> memref<64x128xf32, #tpu.memory_space<hbm>>
        tpu.wait_dma2 semaphore(%run_scoped3A : memref<!tpu.dma_semaphore, #tpu.memory_space<semaphore_mem>>) src(%arg12 : memref<64x128xf32, #tpu.memory_space<vmem>>) dst(%dma_wait3A_81 : memref<64x128xf32, #tpu.memory_space<hbm>>)
        tpu.yield
      }) : () -> ()
      %mul3A_68 = arith.constant 320 : i32
      %mul3A_69 = arith.muli %arg1, %mul3A_68 : i32
      %add3A_70 = arith.constant 256 : i32
      %add3A_71 = arith.addi %mul3A_69, %add3A_70 : i32
      "tpu.region"() ({
        %run_scoped3A = tpu.sem_alloc : memref<!tpu.dma_semaphore, #tpu.memory_space<semaphore_mem>>
        %dma_start3A = arith.constant 0 : i32
        %dma_start3A_76 = tpu.memref_slice %arg9[%add3A_71, %dma_start3A] : memref<5120x128xf32, #tpu.memory_space<vmem_shared>> -> memref<64x128xf32, #tpu.memory_space<vmem_shared>>
        %dma_start3A_77 = arith.constant 0 : i32
        %dma_start3A_78 = tpu.memref_slice %arg9[%add3A_71, %dma_start3A_77] : memref<5120x128xf32, #tpu.memory_space<vmem_shared>> -> memref<64x128xf32, #tpu.memory_space<vmem_shared>>
        tpu.enqueue_dma source(%dma_start3A_78 : memref<64x128xf32, #tpu.memory_space<vmem_shared>>) target(%arg12 : memref<64x128xf32, #tpu.memory_space<vmem>>) target_semaphore(%run_scoped3A : memref<!tpu.dma_semaphore, #tpu.memory_space<semaphore_mem>>)
        %dma_wait3A = arith.constant 0 : i32
        %dma_wait3A_79 = tpu.memref_slice %arg9[%add3A_71, %dma_wait3A] : memref<5120x128xf32, #tpu.memory_space<vmem_shared>> -> memref<64x128xf32, #tpu.memory_space<vmem_shared>>
        %dma_wait3A_80 = arith.constant 0 : i32
        %dma_wait3A_81 = tpu.memref_slice %arg9[%add3A_71, %dma_wait3A_80] : memref<5120x128xf32, #tpu.memory_space<vmem_shared>> -> memref<64x128xf32, #tpu.memory_space<vmem_shared>>
        tpu.wait_dma2 semaphore(%run_scoped3A : memref<!tpu.dma_semaphore, #tpu.memory_space<semaphore_mem>>) src(%dma_wait3A_81 : memref<64x128xf32, #tpu.memory_space<vmem_shared>>) dst(%arg12 : memref<64x128xf32, #tpu.memory_space<vmem>>)
        tpu.yield
      }) : () -> ()
      %mul3A_72 = arith.constant 320 : i32
      %mul3A_73 = arith.muli %arg1, %mul3A_72 : i32
      %add3A_74 = arith.constant 256 : i32
      %add3A_75 = arith.addi %mul3A_73, %add3A_74 : i32
      "tpu.region"() ({
        %run_scoped3A = tpu.sem_alloc : memref<!tpu.dma_semaphore, #tpu.memory_space<semaphore_mem>>
        %dma_start3A = arith.constant 0 : i32
        %dma_start3A_76 = tpu.memref_slice %arg7[%add3A_75, %dma_start3A] : memref<5120x128xf32, #tpu.memory_space<hbm>> -> memref<64x128xf32, #tpu.memory_space<hbm>>
        %dma_start3A_77 = arith.constant 0 : i32
        %dma_start3A_78 = tpu.memref_slice %arg7[%add3A_75, %dma_start3A_77] : memref<5120x128xf32, #tpu.memory_space<hbm>> -> memref<64x128xf32, #tpu.memory_space<hbm>>
        tpu.enqueue_dma source(%arg12 : memref<64x128xf32, #tpu.memory_space<vmem>>) target(%dma_start3A_78 : memref<64x128xf32, #tpu.memory_space<hbm>>) target_semaphore(%run_scoped3A : memref<!tpu.dma_semaphore, #tpu.memory_space<semaphore_mem>>)
        %dma_wait3A = arith.constant 0 : i32
        %dma_wait3A_79 = tpu.memref_slice %arg7[%add3A_75, %dma_wait3A] : memref<5120x128xf32, #tpu.memory_space<hbm>> -> memref<64x128xf32, #tpu.memory_space<hbm>>
        %dma_wait3A_80 = arith.constant 0 : i32
        %dma_wait3A_81 = tpu.memref_slice %arg7[%add3A_75, %dma_wait3A_80] : memref<5120x128xf32, #tpu.memory_space<hbm>> -> memref<64x128xf32, #tpu.memory_space<hbm>>
        tpu.wait_dma2 semaphore(%run_scoped3A : memref<!tpu.dma_semaphore, #tpu.memory_space<semaphore_mem>>) src(%arg12 : memref<64x128xf32, #tpu.memory_space<vmem>>) dst(%dma_wait3A_81 : memref<64x128xf32, #tpu.memory_space<hbm>>)
        tpu.yield
      }) : () -> ()
    } else {
    }
    %eq3A_31 = arith.constant 1 : i32
    %eq3A_32 = arith.cmpi eq, %arg0, %eq3A_31 : i32
    %convert_element_type3A_33 = arith.extui %eq3A_32 : i1 to i32
    %cond3A_34 = arith.constant 0 : i32
    %cond3A_35 = arith.cmpi ne, %convert_element_type3A_33, %cond3A_34 : i32
    scf.if %cond3A_35 {
      %mul3A_36 = arith.constant 320 : i32
      %mul3A_37 = arith.muli %arg1, %mul3A_36 : i32
      %add3A_38 = arith.constant 0 : i32
      %add3A_39 = arith.addi %mul3A_37, %add3A_38 : i32
      "tpu.region"() ({
        %run_scoped3A = tpu.sem_alloc : memref<!tpu.dma_semaphore, #tpu.memory_space<semaphore_mem>>
        %dma_start3A = arith.constant 0 : i32
        %dma_start3A_76 = tpu.memref_slice %arg9[%add3A_39, %dma_start3A] : memref<5120x128xf32, #tpu.memory_space<vmem_shared>> -> memref<64x128xf32, #tpu.memory_space<vmem_shared>>
        %dma_start3A_77 = arith.constant 0 : i32
        %dma_start3A_78 = tpu.memref_slice %arg9[%add3A_39, %dma_start3A_77] : memref<5120x128xf32, #tpu.memory_space<vmem_shared>> -> memref<64x128xf32, #tpu.memory_space<vmem_shared>>
        tpu.enqueue_dma source(%dma_start3A_78 : memref<64x128xf32, #tpu.memory_space<vmem_shared>>) target(%arg12 : memref<64x128xf32, #tpu.memory_space<vmem>>) target_semaphore(%run_scoped3A : memref<!tpu.dma_semaphore, #tpu.memory_space<semaphore_mem>>)
        %dma_wait3A = arith.constant 0 : i32
        %dma_wait3A_79 = tpu.memref_slice %arg9[%add3A_39, %dma_wait3A] : memref<5120x128xf32, #tpu.memory_space<vmem_shared>> -> memref<64x128xf32, #tpu.memory_space<vmem_shared>>
        %dma_wait3A_80 = arith.constant 0 : i32
        %dma_wait3A_81 = tpu.memref_slice %arg9[%add3A_39, %dma_wait3A_80] : memref<5120x128xf32, #tpu.memory_space<vmem_shared>> -> memref<64x128xf32, #tpu.memory_space<vmem_shared>>
        tpu.wait_dma2 semaphore(%run_scoped3A : memref<!tpu.dma_semaphore, #tpu.memory_space<semaphore_mem>>) src(%dma_wait3A_81 : memref<64x128xf32, #tpu.memory_space<vmem_shared>>) dst(%arg12 : memref<64x128xf32, #tpu.memory_space<vmem>>)
        tpu.yield
      }) : () -> ()
      %mul3A_40 = arith.constant 320 : i32
      %mul3A_41 = arith.muli %arg1, %mul3A_40 : i32
      %add3A_42 = arith.constant 0 : i32
      %add3A_43 = arith.addi %mul3A_41, %add3A_42 : i32
      "tpu.region"() ({
        %run_scoped3A = tpu.sem_alloc : memref<!tpu.dma_semaphore, #tpu.memory_space<semaphore_mem>>
        %dma_start3A = arith.constant 0 : i32
        %dma_start3A_76 = tpu.memref_slice %arg8[%add3A_43, %dma_start3A] : memref<5120x128xf32, #tpu.memory_space<hbm>> -> memref<64x128xf32, #tpu.memory_space<hbm>>
        %dma_start3A_77 = arith.constant 0 : i32
        %dma_start3A_78 = tpu.memref_slice %arg8[%add3A_43, %dma_start3A_77] : memref<5120x128xf32, #tpu.memory_space<hbm>> -> memref<64x128xf32, #tpu.memory_space<hbm>>
        tpu.enqueue_dma source(%arg12 : memref<64x128xf32, #tpu.memory_space<vmem>>) target(%dma_start3A_78 : memref<64x128xf32, #tpu.memory_space<hbm>>) target_semaphore(%run_scoped3A : memref<!tpu.dma_semaphore, #tpu.memory_space<semaphore_mem>>)
        %dma_wait3A = arith.constant 0 : i32
        %dma_wait3A_79 = tpu.memref_slice %arg8[%add3A_43, %dma_wait3A] : memref<5120x128xf32, #tpu.memory_space<hbm>> -> memref<64x128xf32, #tpu.memory_space<hbm>>
        %dma_wait3A_80 = arith.constant 0 : i32
        %dma_wait3A_81 = tpu.memref_slice %arg8[%add3A_43, %dma_wait3A_80] : memref<5120x128xf32, #tpu.memory_space<hbm>> -> memref<64x128xf32, #tpu.memory_space<hbm>>
        tpu.wait_dma2 semaphore(%run_scoped3A : memref<!tpu.dma_semaphore, #tpu.memory_space<semaphore_mem>>) src(%arg12 : memref<64x128xf32, #tpu.memory_space<vmem>>) dst(%dma_wait3A_81 : memref<64x128xf32, #tpu.memory_space<hbm>>)
        tpu.yield
      }) : () -> ()
      %mul3A_44 = arith.constant 320 : i32
      %mul3A_45 = arith.muli %arg1, %mul3A_44 : i32
      %add3A_46 = arith.constant 64 : i32
      %add3A_47 = arith.addi %mul3A_45, %add3A_46 : i32
      "tpu.region"() ({
        %run_scoped3A = tpu.sem_alloc : memref<!tpu.dma_semaphore, #tpu.memory_space<semaphore_mem>>
        %dma_start3A = arith.constant 0 : i32
        %dma_start3A_76 = tpu.memref_slice %arg9[%add3A_47, %dma_start3A] : memref<5120x128xf32, #tpu.memory_space<vmem_shared>> -> memref<64x128xf32, #tpu.memory_space<vmem_shared>>
        %dma_start3A_77 = arith.constant 0 : i32
        %dma_start3A_78 = tpu.memref_slice %arg9[%add3A_47, %dma_start3A_77] : memref<5120x128xf32, #tpu.memory_space<vmem_shared>> -> memref<64x128xf32, #tpu.memory_space<vmem_shared>>
        tpu.enqueue_dma source(%dma_start3A_78 : memref<64x128xf32, #tpu.memory_space<vmem_shared>>) target(%arg12 : memref<64x128xf32, #tpu.memory_space<vmem>>) target_semaphore(%run_scoped3A : memref<!tpu.dma_semaphore, #tpu.memory_space<semaphore_mem>>)
        %dma_wait3A = arith.constant 0 : i32
        %dma_wait3A_79 = tpu.memref_slice %arg9[%add3A_47, %dma_wait3A] : memref<5120x128xf32, #tpu.memory_space<vmem_shared>> -> memref<64x128xf32, #tpu.memory_space<vmem_shared>>
        %dma_wait3A_80 = arith.constant 0 : i32
        %dma_wait3A_81 = tpu.memref_slice %arg9[%add3A_47, %dma_wait3A_80] : memref<5120x128xf32, #tpu.memory_space<vmem_shared>> -> memref<64x128xf32, #tpu.memory_space<vmem_shared>>
        tpu.wait_dma2 semaphore(%run_scoped3A : memref<!tpu.dma_semaphore, #tpu.memory_space<semaphore_mem>>) src(%dma_wait3A_81 : memref<64x128xf32, #tpu.memory_space<vmem_shared>>) dst(%arg12 : memref<64x128xf32, #tpu.memory_space<vmem>>)
        tpu.yield
      }) : () -> ()
      %mul3A_48 = arith.constant 320 : i32
      %mul3A_49 = arith.muli %arg1, %mul3A_48 : i32
      %add3A_50 = arith.constant 64 : i32
      %add3A_51 = arith.addi %mul3A_49, %add3A_50 : i32
      "tpu.region"() ({
        %run_scoped3A = tpu.sem_alloc : memref<!tpu.dma_semaphore, #tpu.memory_space<semaphore_mem>>
        %dma_start3A = arith.constant 0 : i32
        %dma_start3A_76 = tpu.memref_slice %arg8[%add3A_51, %dma_start3A] : memref<5120x128xf32, #tpu.memory_space<hbm>> -> memref<64x128xf32, #tpu.memory_space<hbm>>
        %dma_start3A_77 = arith.constant 0 : i32
        %dma_start3A_78 = tpu.memref_slice %arg8[%add3A_51, %dma_start3A_77] : memref<5120x128xf32, #tpu.memory_space<hbm>> -> memref<64x128xf32, #tpu.memory_space<hbm>>
        tpu.enqueue_dma source(%arg12 : memref<64x128xf32, #tpu.memory_space<vmem>>) target(%dma_start3A_78 : memref<64x128xf32, #tpu.memory_space<hbm>>) target_semaphore(%run_scoped3A : memref<!tpu.dma_semaphore, #tpu.memory_space<semaphore_mem>>)
        %dma_wait3A = arith.constant 0 : i32
        %dma_wait3A_79 = tpu.memref_slice %arg8[%add3A_51, %dma_wait3A] : memref<5120x128xf32, #tpu.memory_space<hbm>> -> memref<64x128xf32, #tpu.memory_space<hbm>>
        %dma_wait3A_80 = arith.constant 0 : i32
        %dma_wait3A_81 = tpu.memref_slice %arg8[%add3A_51, %dma_wait3A_80] : memref<5120x128xf32, #tpu.memory_space<hbm>> -> memref<64x128xf32, #tpu.memory_space<hbm>>
        tpu.wait_dma2 semaphore(%run_scoped3A : memref<!tpu.dma_semaphore, #tpu.memory_space<semaphore_mem>>) src(%arg12 : memref<64x128xf32, #tpu.memory_space<vmem>>) dst(%dma_wait3A_81 : memref<64x128xf32, #tpu.memory_space<hbm>>)
        tpu.yield
      }) : () -> ()
      %mul3A_52 = arith.constant 320 : i32
      %mul3A_53 = arith.muli %arg1, %mul3A_52 : i32
      %add3A_54 = arith.constant 128 : i32
      %add3A_55 = arith.addi %mul3A_53, %add3A_54 : i32
      "tpu.region"() ({
        %run_scoped3A = tpu.sem_alloc : memref<!tpu.dma_semaphore, #tpu.memory_space<semaphore_mem>>
        %dma_start3A = arith.constant 0 : i32
        %dma_start3A_76 = tpu.memref_slice %arg9[%add3A_55, %dma_start3A] : memref<5120x128xf32, #tpu.memory_space<vmem_shared>> -> memref<64x128xf32, #tpu.memory_space<vmem_shared>>
        %dma_start3A_77 = arith.constant 0 : i32
        %dma_start3A_78 = tpu.memref_slice %arg9[%add3A_55, %dma_start3A_77] : memref<5120x128xf32, #tpu.memory_space<vmem_shared>> -> memref<64x128xf32, #tpu.memory_space<vmem_shared>>
        tpu.enqueue_dma source(%dma_start3A_78 : memref<64x128xf32, #tpu.memory_space<vmem_shared>>) target(%arg12 : memref<64x128xf32, #tpu.memory_space<vmem>>) target_semaphore(%run_scoped3A : memref<!tpu.dma_semaphore, #tpu.memory_space<semaphore_mem>>)
        %dma_wait3A = arith.constant 0 : i32
        %dma_wait3A_79 = tpu.memref_slice %arg9[%add3A_55, %dma_wait3A] : memref<5120x128xf32, #tpu.memory_space<vmem_shared>> -> memref<64x128xf32, #tpu.memory_space<vmem_shared>>
        %dma_wait3A_80 = arith.constant 0 : i32
        %dma_wait3A_81 = tpu.memref_slice %arg9[%add3A_55, %dma_wait3A_80] : memref<5120x128xf32, #tpu.memory_space<vmem_shared>> -> memref<64x128xf32, #tpu.memory_space<vmem_shared>>
        tpu.wait_dma2 semaphore(%run_scoped3A : memref<!tpu.dma_semaphore, #tpu.memory_space<semaphore_mem>>) src(%dma_wait3A_81 : memref<64x128xf32, #tpu.memory_space<vmem_shared>>) dst(%arg12 : memref<64x128xf32, #tpu.memory_space<vmem>>)
        tpu.yield
      }) : () -> ()
      %mul3A_56 = arith.constant 320 : i32
      %mul3A_57 = arith.muli %arg1, %mul3A_56 : i32
      %add3A_58 = arith.constant 128 : i32
      %add3A_59 = arith.addi %mul3A_57, %add3A_58 : i32
      "tpu.region"() ({
        %run_scoped3A = tpu.sem_alloc : memref<!tpu.dma_semaphore, #tpu.memory_space<semaphore_mem>>
        %dma_start3A = arith.constant 0 : i32
        %dma_start3A_76 = tpu.memref_slice %arg8[%add3A_59, %dma_start3A] : memref<5120x128xf32, #tpu.memory_space<hbm>> -> memref<64x128xf32, #tpu.memory_space<hbm>>
        %dma_start3A_77 = arith.constant 0 : i32
        %dma_start3A_78 = tpu.memref_slice %arg8[%add3A_59, %dma_start3A_77] : memref<5120x128xf32, #tpu.memory_space<hbm>> -> memref<64x128xf32, #tpu.memory_space<hbm>>
        tpu.enqueue_dma source(%arg12 : memref<64x128xf32, #tpu.memory_space<vmem>>) target(%dma_start3A_78 : memref<64x128xf32, #tpu.memory_space<hbm>>) target_semaphore(%run_scoped3A : memref<!tpu.dma_semaphore, #tpu.memory_space<semaphore_mem>>)
        %dma_wait3A = arith.constant 0 : i32
        %dma_wait3A_79 = tpu.memref_slice %arg8[%add3A_59, %dma_wait3A] : memref<5120x128xf32, #tpu.memory_space<hbm>> -> memref<64x128xf32, #tpu.memory_space<hbm>>
        %dma_wait3A_80 = arith.constant 0 : i32
        %dma_wait3A_81 = tpu.memref_slice %arg8[%add3A_59, %dma_wait3A_80] : memref<5120x128xf32, #tpu.memory_space<hbm>> -> memref<64x128xf32, #tpu.memory_space<hbm>>
        tpu.wait_dma2 semaphore(%run_scoped3A : memref<!tpu.dma_semaphore, #tpu.memory_space<semaphore_mem>>) src(%arg12 : memref<64x128xf32, #tpu.memory_space<vmem>>) dst(%dma_wait3A_81 : memref<64x128xf32, #tpu.memory_space<hbm>>)
        tpu.yield
      }) : () -> ()
      %mul3A_60 = arith.constant 320 : i32
      %mul3A_61 = arith.muli %arg1, %mul3A_60 : i32
      %add3A_62 = arith.constant 192 : i32
      %add3A_63 = arith.addi %mul3A_61, %add3A_62 : i32
      "tpu.region"() ({
        %run_scoped3A = tpu.sem_alloc : memref<!tpu.dma_semaphore, #tpu.memory_space<semaphore_mem>>
        %dma_start3A = arith.constant 0 : i32
        %dma_start3A_76 = tpu.memref_slice %arg9[%add3A_63, %dma_start3A] : memref<5120x128xf32, #tpu.memory_space<vmem_shared>> -> memref<64x128xf32, #tpu.memory_space<vmem_shared>>
        %dma_start3A_77 = arith.constant 0 : i32
        %dma_start3A_78 = tpu.memref_slice %arg9[%add3A_63, %dma_start3A_77] : memref<5120x128xf32, #tpu.memory_space<vmem_shared>> -> memref<64x128xf32, #tpu.memory_space<vmem_shared>>
        tpu.enqueue_dma source(%dma_start3A_78 : memref<64x128xf32, #tpu.memory_space<vmem_shared>>) target(%arg12 : memref<64x128xf32, #tpu.memory_space<vmem>>) target_semaphore(%run_scoped3A : memref<!tpu.dma_semaphore, #tpu.memory_space<semaphore_mem>>)
        %dma_wait3A = arith.constant 0 : i32
        %dma_wait3A_79 = tpu.memref_slice %arg9[%add3A_63, %dma_wait3A] : memref<5120x128xf32, #tpu.memory_space<vmem_shared>> -> memref<64x128xf32, #tpu.memory_space<vmem_shared>>
        %dma_wait3A_80 = arith.constant 0 : i32
        %dma_wait3A_81 = tpu.memref_slice %arg9[%add3A_63, %dma_wait3A_80] : memref<5120x128xf32, #tpu.memory_space<vmem_shared>> -> memref<64x128xf32, #tpu.memory_space<vmem_shared>>
        tpu.wait_dma2 semaphore(%run_scoped3A : memref<!tpu.dma_semaphore, #tpu.memory_space<semaphore_mem>>) src(%dma_wait3A_81 : memref<64x128xf32, #tpu.memory_space<vmem_shared>>) dst(%arg12 : memref<64x128xf32, #tpu.memory_space<vmem>>)
        tpu.yield
      }) : () -> ()
      %mul3A_64 = arith.constant 320 : i32
      %mul3A_65 = arith.muli %arg1, %mul3A_64 : i32
      %add3A_66 = arith.constant 192 : i32
      %add3A_67 = arith.addi %mul3A_65, %add3A_66 : i32
      "tpu.region"() ({
        %run_scoped3A = tpu.sem_alloc : memref<!tpu.dma_semaphore, #tpu.memory_space<semaphore_mem>>
        %dma_start3A = arith.constant 0 : i32
        %dma_start3A_76 = tpu.memref_slice %arg8[%add3A_67, %dma_start3A] : memref<5120x128xf32, #tpu.memory_space<hbm>> -> memref<64x128xf32, #tpu.memory_space<hbm>>
        %dma_start3A_77 = arith.constant 0 : i32
        %dma_start3A_78 = tpu.memref_slice %arg8[%add3A_67, %dma_start3A_77] : memref<5120x128xf32, #tpu.memory_space<hbm>> -> memref<64x128xf32, #tpu.memory_space<hbm>>
        tpu.enqueue_dma source(%arg12 : memref<64x128xf32, #tpu.memory_space<vmem>>) target(%dma_start3A_78 : memref<64x128xf32, #tpu.memory_space<hbm>>) target_semaphore(%run_scoped3A : memref<!tpu.dma_semaphore, #tpu.memory_space<semaphore_mem>>)
        %dma_wait3A = arith.constant 0 : i32
        %dma_wait3A_79 = tpu.memref_slice %arg8[%add3A_67, %dma_wait3A] : memref<5120x128xf32, #tpu.memory_space<hbm>> -> memref<64x128xf32, #tpu.memory_space<hbm>>
        %dma_wait3A_80 = arith.constant 0 : i32
        %dma_wait3A_81 = tpu.memref_slice %arg8[%add3A_67, %dma_wait3A_80] : memref<5120x128xf32, #tpu.memory_space<hbm>> -> memref<64x128xf32, #tpu.memory_space<hbm>>
        tpu.wait_dma2 semaphore(%run_scoped3A : memref<!tpu.dma_semaphore, #tpu.memory_space<semaphore_mem>>) src(%arg12 : memref<64x128xf32, #tpu.memory_space<vmem>>) dst(%dma_wait3A_81 : memref<64x128xf32, #tpu.memory_space<hbm>>)
        tpu.yield
      }) : () -> ()
      %mul3A_68 = arith.constant 320 : i32
      %mul3A_69 = arith.muli %arg1, %mul3A_68 : i32
      %add3A_70 = arith.constant 256 : i32
      %add3A_71 = arith.addi %mul3A_69, %add3A_70 : i32
      "tpu.region"() ({
        %run_scoped3A = tpu.sem_alloc : memref<!tpu.dma_semaphore, #tpu.memory_space<semaphore_mem>>
        %dma_start3A = arith.constant 0 : i32
        %dma_start3A_76 = tpu.memref_slice %arg9[%add3A_71, %dma_start3A] : memref<5120x128xf32, #tpu.memory_space<vmem_shared>> -> memref<64x128xf32, #tpu.memory_space<vmem_shared>>
        %dma_start3A_77 = arith.constant 0 : i32
        %dma_start3A_78 = tpu.memref_slice %arg9[%add3A_71, %dma_start3A_77] : memref<5120x128xf32, #tpu.memory_space<vmem_shared>> -> memref<64x128xf32, #tpu.memory_space<vmem_shared>>
        tpu.enqueue_dma source(%dma_start3A_78 : memref<64x128xf32, #tpu.memory_space<vmem_shared>>) target(%arg12 : memref<64x128xf32, #tpu.memory_space<vmem>>) target_semaphore(%run_scoped3A : memref<!tpu.dma_semaphore, #tpu.memory_space<semaphore_mem>>)
        %dma_wait3A = arith.constant 0 : i32
        %dma_wait3A_79 = tpu.memref_slice %arg9[%add3A_71, %dma_wait3A] : memref<5120x128xf32, #tpu.memory_space<vmem_shared>> -> memref<64x128xf32, #tpu.memory_space<vmem_shared>>
        %dma_wait3A_80 = arith.constant 0 : i32
        %dma_wait3A_81 = tpu.memref_slice %arg9[%add3A_71, %dma_wait3A_80] : memref<5120x128xf32, #tpu.memory_space<vmem_shared>> -> memref<64x128xf32, #tpu.memory_space<vmem_shared>>
        tpu.wait_dma2 semaphore(%run_scoped3A : memref<!tpu.dma_semaphore, #tpu.memory_space<semaphore_mem>>) src(%dma_wait3A_81 : memref<64x128xf32, #tpu.memory_space<vmem_shared>>) dst(%arg12 : memref<64x128xf32, #tpu.memory_space<vmem>>)
        tpu.yield
      }) : () -> ()
      %mul3A_72 = arith.constant 320 : i32
      %mul3A_73 = arith.muli %arg1, %mul3A_72 : i32
      %add3A_74 = arith.constant 256 : i32
      %add3A_75 = arith.addi %mul3A_73, %add3A_74 : i32
      "tpu.region"() ({
        %run_scoped3A = tpu.sem_alloc : memref<!tpu.dma_semaphore, #tpu.memory_space<semaphore_mem>>
        %dma_start3A = arith.constant 0 : i32
        %dma_start3A_76 = tpu.memref_slice %arg8[%add3A_75, %dma_start3A] : memref<5120x128xf32, #tpu.memory_space<hbm>> -> memref<64x128xf32, #tpu.memory_space<hbm>>
        %dma_start3A_77 = arith.constant 0 : i32
        %dma_start3A_78 = tpu.memref_slice %arg8[%add3A_75, %dma_start3A_77] : memref<5120x128xf32, #tpu.memory_space<hbm>> -> memref<64x128xf32, #tpu.memory_space<hbm>>
        tpu.enqueue_dma source(%arg12 : memref<64x128xf32, #tpu.memory_space<vmem>>) target(%dma_start3A_78 : memref<64x128xf32, #tpu.memory_space<hbm>>) target_semaphore(%run_scoped3A : memref<!tpu.dma_semaphore, #tpu.memory_space<semaphore_mem>>)
        %dma_wait3A = arith.constant 0 : i32
        %dma_wait3A_79 = tpu.memref_slice %arg8[%add3A_75, %dma_wait3A] : memref<5120x128xf32, #tpu.memory_space<hbm>> -> memref<64x128xf32, #tpu.memory_space<hbm>>
        %dma_wait3A_80 = arith.constant 0 : i32
        %dma_wait3A_81 = tpu.memref_slice %arg8[%add3A_75, %dma_wait3A_80] : memref<5120x128xf32, #tpu.memory_space<hbm>> -> memref<64x128xf32, #tpu.memory_space<hbm>>
        tpu.wait_dma2 semaphore(%run_scoped3A : memref<!tpu.dma_semaphore, #tpu.memory_space<semaphore_mem>>) src(%arg12 : memref<64x128xf32, #tpu.memory_space<vmem>>) dst(%dma_wait3A_81 : memref<64x128xf32, #tpu.memory_space<hbm>>)
        tpu.yield
      }) : () -> ()
    } else {
    }
    return
  }
}

module attributes {stable_mosaic.version = 14 : i64} {
  func.func @_h_kernel(%arg0: i32, %arg1: memref<6256x128xf32, #tpu.memory_space<vmem>>, %arg2: memref<128x128xf32, #tpu.memory_space<vmem>>, %arg3: memref<6256x16xf32, #tpu.memory_space<vmem>>, %arg4: memref<6256x128xf32, #tpu.memory_space<vmem>>) attributes {dimension_semantics = [#tpu.dimension_semantics<arbitrary>], iteration_bounds = array<i64: 8>, scalar_prefetch = 0 : i64, scratch_operands = 0 : i64, tpu.core_type = #tpu.core_type<tc>, window_params = [{transform_indices = @transform_0, window_bounds = array<i64: 6256, 128>}, {pipeline_mode = #tpu.pipeline_mode<synchronous>, transform_indices = @transform_1, window_bounds = array<i64: 128, 128>}, {transform_indices = @transform_2, window_bounds = array<i64: 6256, 16>}, {transform_indices = @transform_3, window_bounds = array<i64: 6256, 128>}]} {
    %get3A = arith.constant 0 : index
    %get3A_0 = arith.constant 0 : index
    %get3A_1 = vector.load %arg3[%get3A, %get3A_0] : memref<6256x16xf32, #tpu.memory_space<vmem>>, vector<6256x16xf32>
    %slice3A = vector.extract_strided_slice %get3A_1 {offsets = [0, 0], sizes = [6256, 1], strides = [1, 1]} : vector<6256x16xf32> to vector<6256x1xf32>
    %max3A = arith.constant 1.000000e+00 : f32
    %max3A_2 = vector.broadcast %max3A : f32 to vector<6256x1xf32>
    %max3A_3 = arith.maximumf %slice3A, %max3A_2 : vector<6256x1xf32>
    %rsqrt3A = math.rsqrt %max3A_3 : vector<6256x1xf32>
    %get3A_4 = arith.constant 0 : index
    %get3A_5 = arith.constant 0 : index
    %get3A_6 = vector.load %arg1[%get3A_4, %get3A_5] : memref<6256x128xf32, #tpu.memory_space<vmem>>, vector<6256x128xf32>
    %get3A_7 = arith.constant 0 : index
    %get3A_8 = arith.constant 0 : index
    %get3A_9 = vector.load %arg2[%get3A_7, %get3A_8] : memref<128x128xf32, #tpu.memory_space<vmem>>, vector<128x128xf32>
    %dot_general3A = arith.constant dense<0.000000e+00> : vector<6256x128xf32>
    %dot_general3A_10 = tpu.matmul %get3A_6, %get3A_9, %dot_general3A {dimension_numbers = #tpu.dot_dimension_numbers<[1], [0], [0], [1], [0, 0, 1, 1], [], []>, transpose_lhs_hint = false} : vector<6256x128xf32>, vector<128x128xf32>, vector<6256x128xf32> -> vector<6256x128xf32>
    %mul3A = vector.broadcast %rsqrt3A : vector<6256x1xf32> to vector<6256x128xf32>
    %mul3A_11 = arith.mulf %dot_general3A_10, %mul3A : vector<6256x128xf32>
    %swap3A = arith.constant 0 : index
    %swap3A_12 = arith.constant 0 : index
    %swap3A_13 = vector.load %arg4[%swap3A, %swap3A_12] : memref<6256x128xf32, #tpu.memory_space<vmem>>, vector<6256x128xf32>
    tpu.vector_store %arg4[%swap3A, %swap3A_12], %mul3A_11 {strides = array<i32>} : memref<6256x128xf32, #tpu.memory_space<vmem>>, vector<6256x128xf32>,
    return
  }
  func.func @transform_0(%arg0: i32) -> (i32, i32) {
    %c0_i32 = arith.constant 0 : i32
    %c0_i32_0 = arith.constant 0 : i32
    return %arg0, %c0_i32 : i32, i32
  }
  func.func @transform_1(%arg0: i32) -> (i32, i32) {
    %c0_i32 = arith.constant 0 : i32
    %c0_i32_0 = arith.constant 0 : i32
    %c0_i32_1 = arith.constant 0 : i32
    return %c0_i32, %c0_i32_0 : i32, i32
  }
  func.func @transform_2(%arg0: i32) -> (i32, i32) {
    %c0_i32 = arith.constant 0 : i32
    %c0_i32_0 = arith.constant 0 : i32
    return %arg0, %c0_i32 : i32, i32
  }
  func.func @transform_3(%arg0: i32) -> (i32, i32) {
    %c0_i32 = arith.constant 0 : i32
    %c0_i32_0 = arith.constant 0 : i32
    return %arg0, %c0_i32 : i32, i32
  }
}

module attributes {stable_mosaic.version = 14 : i64} {
  func.func @_head_kernel(%arg0: memref<5120x128xf32, #tpu.memory_space<vmem>>, %arg1: memref<5120x128xf32, #tpu.memory_space<vmem>>, %arg2: memref<5120x16xf32, #tpu.memory_space<vmem>>, %arg3: memref<5120x16xf32, #tpu.memory_space<vmem>>, %arg4: memref<1x128xf32, #tpu.memory_space<vmem>>, %arg5: memref<1x128xf32, #tpu.memory_space<vmem>>, %arg6: memref<128x512xf32, #tpu.memory_space<vmem>>, %arg7: memref<1x512xf32, #tpu.memory_space<vmem>>, %arg8: memref<1x512xf32, #tpu.memory_space<vmem>>, %arg9: memref<256x1536xf32, #tpu.memory_space<vmem>>, %arg10: memref<1x512xf32, #tpu.memory_space<vmem>>, %arg11: memref<1x512xf32, #tpu.memory_space<vmem>>, %arg12: memref<1x128xf32, #tpu.memory_space<vmem>>, %arg13: memref<5120x512xf32, #tpu.memory_space<vmem>>) attributes {dimension_semantics = [], scalar_prefetch = 0 : i64, scratch_operands = 1 : i64, tpu.core_type = #tpu.core_type<tc>} {
    %get3A = arith.constant 0 : index
    %get3A_0 = arith.constant 0 : index
    %get3A_1 = vector.load %arg2[%get3A, %get3A_0] : memref<5120x16xf32, #tpu.memory_space<vmem>>, vector<5120x16xf32>
    %slice3A = vector.extract_strided_slice %get3A_1 {offsets = [0, 0], sizes = [5120, 1], strides = [1, 1]} : vector<5120x16xf32> to vector<5120x1xf32>
    %max3A = arith.constant 1.000000e+00 : f32
    %max3A_2 = vector.broadcast %max3A : f32 to vector<5120x1xf32>
    %max3A_3 = arith.maximumf %slice3A, %max3A_2 : vector<5120x1xf32>
    %rsqrt3A = math.rsqrt %max3A_3 : vector<5120x1xf32>
    %get3A_4 = arith.constant 0 : index
    %get3A_5 = arith.constant 0 : index
    %get3A_6 = vector.load %arg3[%get3A_4, %get3A_5] : memref<5120x16xf32, #tpu.memory_space<vmem>>, vector<5120x16xf32>
    %slice3A_7 = vector.extract_strided_slice %get3A_6 {offsets = [0, 0], sizes = [5120, 1], strides = [1, 1]} : vector<5120x16xf32> to vector<5120x1xf32>
    %max3A_8 = arith.constant 1.000000e+00 : f32
    %max3A_9 = vector.broadcast %max3A_8 : f32 to vector<5120x1xf32>
    %max3A_10 = arith.maximumf %slice3A_7, %max3A_9 : vector<5120x1xf32>
    %rsqrt3A_11 = math.rsqrt %max3A_10 : vector<5120x1xf32>
    %get3A_12 = arith.constant 0 : index
    %get3A_13 = arith.constant 0 : index
    %get3A_14 = vector.load %arg0[%get3A_12, %get3A_13] : memref<5120x128xf32, #tpu.memory_space<vmem>>, vector<5120x128xf32>
    %mul3A = vector.broadcast %rsqrt3A : vector<5120x1xf32> to vector<5120x128xf32>
    %mul3A_15 = arith.mulf %get3A_14, %mul3A : vector<5120x128xf32>
    %get3A_16 = arith.constant 0 : index
    %get3A_17 = arith.constant 0 : index
    %get3A_18 = vector.load %arg4[%get3A_16, %get3A_17] : memref<1x128xf32, #tpu.memory_space<vmem>>, vector<1x128xf32>
    %add3A = vector.broadcast %get3A_18 : vector<1x128xf32> to vector<5120x128xf32>
    %add3A_19 = arith.addf %mul3A_15, %add3A : vector<5120x128xf32>
    %get3A_20 = arith.constant 0 : index
    %get3A_21 = arith.constant 0 : index
    %get3A_22 = vector.load %arg1[%get3A_20, %get3A_21] : memref<5120x128xf32, #tpu.memory_space<vmem>>, vector<5120x128xf32>
    %mul3A_23 = vector.broadcast %rsqrt3A_11 : vector<5120x1xf32> to vector<5120x128xf32>
    %mul3A_24 = arith.mulf %get3A_22, %mul3A_23 : vector<5120x128xf32>
    %get3A_25 = arith.constant 0 : index
    %get3A_26 = arith.constant 0 : index
    %get3A_27 = vector.load %arg5[%get3A_25, %get3A_26] : memref<1x128xf32, #tpu.memory_space<vmem>>, vector<1x128xf32>
    %add3A_28 = vector.broadcast %get3A_27 : vector<1x128xf32> to vector<5120x128xf32>
    %add3A_29 = arith.addf %mul3A_24, %add3A_28 : vector<5120x128xf32>
    %add3A_30 = arith.addf %add3A_19, %add3A_29 : vector<5120x128xf32>
    %get3A_31 = arith.constant 0 : index
    %get3A_32 = arith.constant 0 : index
    %get3A_33 = vector.load %arg6[%get3A_31, %get3A_32] : memref<128x512xf32, #tpu.memory_space<vmem>>, vector<128x512xf32>
    %dot_general3A = arith.constant dense<0.000000e+00> : vector<5120x512xf32>
    %dot_general3A_34 = tpu.matmul %add3A_30, %get3A_33, %dot_general3A {dimension_numbers = #tpu.dot_dimension_numbers<[1], [0], [0], [1], [0, 0, 1, 1], [], []>, transpose_lhs_hint = false} : vector<5120x128xf32>, vector<128x512xf32>, vector<5120x512xf32> -> vector<5120x512xf32>
    %get3A_35 = arith.constant 0 : index
    %get3A_36 = arith.constant 0 : index
    %get3A_37 = vector.load %arg7[%get3A_35, %get3A_36] : memref<1x512xf32, #tpu.memory_space<vmem>>, vector<1x512xf32>
    %add3A_38 = vector.broadcast %get3A_37 : vector<1x512xf32> to vector<5120x512xf32>
    %add3A_39 = arith.addf %dot_general3A_34, %add3A_38 : vector<5120x512xf32>
    %swap3A = arith.constant 0 : index
    %swap3A_40 = arith.constant 0 : index
    %swap3A_41 = vector.load %arg13[%swap3A, %swap3A_40] : memref<5120x512xf32, #tpu.memory_space<vmem>>, vector<5120x512xf32>
    tpu.vector_store %arg13[%swap3A, %swap3A_40], %add3A_39 {strides = array<i32>} : memref<5120x512xf32, #tpu.memory_space<vmem>>, vector<5120x512xf32>,
    %get3A_42 = arith.constant 0 : index
    %get3A_43 = arith.constant 0 : index
    %get3A_44 = vector.load %arg9[%get3A_42, %get3A_43] : memref<256x1536xf32, #tpu.memory_space<vmem>>, vector<256x1536xf32>
    %get3A_45 = arith.constant 0 : index
    %get3A_46 = arith.constant 0 : index
    %get3A_47 = vector.load %arg8[%get3A_45, %get3A_46] : memref<1x512xf32, #tpu.memory_space<vmem>>, vector<1x512xf32>
    %get3A_48 = arith.constant 0 : index
    %get3A_49 = arith.constant 0 : index
    %get3A_50 = vector.load %arg10[%get3A_48, %get3A_49] : memref<1x512xf32, #tpu.memory_space<vmem>>, vector<1x512xf32>
    %get3A_51 = arith.constant 0 : index
    %get3A_52 = arith.constant 0 : index
    %get3A_53 = vector.load %arg11[%get3A_51, %get3A_52] : memref<1x512xf32, #tpu.memory_space<vmem>>, vector<1x512xf32>
    %get3A_54 = arith.constant 0 : index
    %get3A_55 = arith.constant 0 : index
    %get3A_56 = vector.load %arg13[%get3A_54, %get3A_55] : memref<5120x512xf32, #tpu.memory_space<vmem>>, vector<1x512xf32>
    %add3A_57 = arith.addf %get3A_56, %get3A_47 : vector<1x512xf32>
    %broadcast_in_dim3A = arith.constant 0.000000e+00 : f32
    %broadcast_in_dim3A_58 = vector.broadcast %broadcast_in_dim3A : f32 to vector<1x128xf32>
    %slice3A_59 = vector.extract_strided_slice %add3A_57 {offsets = [0, 0], sizes = [1, 384], strides = [1, 1]} : vector<1x512xf32> to vector<1x384xf32>
    %logistic3A = arith.negf %slice3A_59 : vector<1x384xf32>
    %logistic3A_60 = math.exp %logistic3A : vector<1x384xf32>
    %logistic3A_61 = arith.constant 1.000000e+00 : f32
    %logistic3A_62 = vector.broadcast %logistic3A_61 : f32 to vector<1x384xf32>
    %logistic3A_63 = arith.addf %logistic3A_62, %logistic3A_60 : vector<1x384xf32>
    %logistic3A_64 = arith.divf %logistic3A_62, %logistic3A_63 : vector<1x384xf32>
    %slice3A_65 = vector.extract_strided_slice %add3A_57 {offsets = [0, 384], sizes = [1, 128], strides = [1, 1]} : vector<1x512xf32> to vector<1x128xf32>
    %tanh3A = math.tanh %slice3A_65 : vector<1x128xf32>
    %slice3A_66 = vector.extract_strided_slice %logistic3A_64 {offsets = [0, 0], sizes = [1, 128], strides = [1, 1]} : vector<1x384xf32> to vector<1x128xf32>
    %slice3A_67 = vector.extract_strided_slice %logistic3A_64 {offsets = [0, 128], sizes = [1, 128], strides = [1, 1]} : vector<1x384xf32> to vector<1x128xf32>
    %slice3A_68 = vector.extract_strided_slice %logistic3A_64 {offsets = [0, 256], sizes = [1, 128], strides = [1, 1]} : vector<1x384xf32> to vector<1x128xf32>
    %mul3A_69 = arith.mulf %slice3A_67, %broadcast_in_dim3A_58 : vector<1x128xf32>
    %mul3A_70 = arith.mulf %slice3A_66, %tanh3A : vector<1x128xf32>
    %add3A_71 = arith.addf %mul3A_69, %mul3A_70 : vector<1x128xf32>
    %tanh3A_72 = math.tanh %add3A_71 : vector<1x128xf32>
    %mul3A_73 = arith.mulf %slice3A_68, %tanh3A_72 : vector<1x128xf32>
    %broadcast_in_dim3A_74 = arith.constant 0.000000e+00 : f32
    %broadcast_in_dim3A_75 = vector.broadcast %broadcast_in_dim3A_74 : f32 to vector<1x128xf32>
    %broadcast_in_dim3A_76 = arith.constant 0.000000e+00 : f32
    %broadcast_in_dim3A_77 = vector.broadcast %broadcast_in_dim3A_76 : f32 to vector<1x128xf32>
    %scan3A = arith.constant 0 : i32
    %scan3A_78 = arith.constant 2500 : i32
    %scan3A_79 = arith.addi %scan3A, %scan3A_78 : i32
    %scan3A_80 = arith.constant 1 : i32
    %scan3A_81:4 = scf.for %scan3A_86 = %scan3A to %scan3A_79 step %scan3A_80 iter_args(%scan3A_87 = %mul3A_73, %scan3A_88 = %add3A_71, %scan3A_89 = %broadcast_in_dim3A_75, %scan3A_90 = %broadcast_in_dim3A_77) -> (vector<1x128xf32>, vector<1x128xf32>, vector<1x128xf32>, vector<1x128xf32>)  : i32 {
      %mul3A_91 = arith.constant 2 : i32
      %mul3A_92 = arith.muli %mul3A_91, %scan3A_86 : i32
      %add3A_93 = arith.constant 1 : i32
      %add3A_94 = arith.addi %mul3A_92, %add3A_93 : i32
      %concatenate3A = tpu.concatenate %scan3A_87, %scan3A_89 in 1 : vector<1x128xf32>, vector<1x128xf32> -> vector<1x256xf32>
      %dot_general3A_95 = arith.constant dense<0.000000e+00> : vector<1x1536xf32>
      %dot_general3A_96 = tpu.matmul %concatenate3A, %get3A_44, %dot_general3A_95 {dimension_numbers = #tpu.dot_dimension_numbers<[1], [0], [0], [1], [0, 0, 1, 1], [], []>, transpose_lhs_hint = false} : vector<1x256xf32>, vector<256x1536xf32>, vector<1x1536xf32> -> vector<1x1536xf32>
      %get3A_97 = arith.index_cast %add3A_94 : i32 to index
      %get3A_98 = arith.constant 0 : index
      %get3A_99 = vector.load %arg13[%get3A_97, %get3A_98] : memref<5120x512xf32, #tpu.memory_space<vmem>>, vector<1x512xf32>
      %slice3A_100 = vector.extract_strided_slice %dot_general3A_96 {offsets = [0, 0], sizes = [1, 512], strides = [1, 1]} : vector<1x1536xf32> to vector<1x512xf32>
      %add3A_101 = arith.addf %get3A_99, %slice3A_100 : vector<1x512xf32>
      %add3A_102 = arith.addf %add3A_101, %get3A_47 : vector<1x512xf32>
      %slice3A_103 = vector.extract_strided_slice %add3A_102 {offsets = [0, 0], sizes = [1, 384], strides = [1, 1]} : vector<1x512xf32> to vector<1x384xf32>
      %logistic3A_104 = arith.negf %slice3A_103 : vector<1x384xf32>
      %logistic3A_105 = math.exp %logistic3A_104 : vector<1x384xf32>
      %logistic3A_106 = arith.constant 1.000000e+00 : f32
      %logistic3A_107 = vector.broadcast %logistic3A_106 : f32 to vector<1x384xf32>
      %logistic3A_108 = arith.addf %logistic3A_107, %logistic3A_105 : vector<1x384xf32>
      %logistic3A_109 = arith.divf %logistic3A_107, %logistic3A_108 : vector<1x384xf32>
      %slice3A_110 = vector.extract_strided_slice %add3A_102 {offsets = [0, 384], sizes = [1, 128], strides = [1, 1]} : vector<1x512xf32> to vector<1x128xf32>
      %tanh3A_111 = math.tanh %slice3A_110 : vector<1x128xf32>
      %slice3A_112 = vector.extract_strided_slice %logistic3A_109 {offsets = [0, 0], sizes = [1, 128], strides = [1, 1]} : vector<1x384xf32> to vector<1x128xf32>
      %slice3A_113 = vector.extract_strided_slice %logistic3A_109 {offsets = [0, 128], sizes = [1, 128], strides = [1, 1]} : vector<1x384xf32> to vector<1x128xf32>
      %slice3A_114 = vector.extract_strided_slice %logistic3A_109 {offsets = [0, 256], sizes = [1, 128], strides = [1, 1]} : vector<1x384xf32> to vector<1x128xf32>
      %mul3A_115 = arith.mulf %slice3A_113, %scan3A_88 : vector<1x128xf32>
      %mul3A_116 = arith.mulf %slice3A_112, %tanh3A_111 : vector<1x128xf32>
      %add3A_117 = arith.addf %mul3A_115, %mul3A_116 : vector<1x128xf32>
      %tanh3A_118 = math.tanh %add3A_117 : vector<1x128xf32>
      %mul3A_119 = arith.mulf %slice3A_114, %tanh3A_118 : vector<1x128xf32>
      %slice3A_120 = vector.extract_strided_slice %dot_general3A_96 {offsets = [0, 512], sizes = [1, 512], strides = [1, 1]} : vector<1x1536xf32> to vector<1x512xf32>
      %add3A_121 = arith.addf %slice3A_120, %get3A_50 : vector<1x512xf32>
      %slice3A_122 = vector.extract_strided_slice %dot_general3A_96 {offsets = [0, 1024], sizes = [1, 512], strides = [1, 1]} : vector<1x1536xf32> to vector<1x512xf32>
      %add3A_123 = arith.addf %add3A_121, %slice3A_122 : vector<1x512xf32>
      %add3A_124 = arith.addf %add3A_123, %get3A_53 : vector<1x512xf32>
      %slice3A_125 = vector.extract_strided_slice %add3A_124 {offsets = [0, 0], sizes = [1, 384], strides = [1, 1]} : vector<1x512xf32> to vector<1x384xf32>
      %logistic3A_126 = arith.negf %slice3A_125 : vector<1x384xf32>
      %logistic3A_127 = math.exp %logistic3A_126 : vector<1x384xf32>
      %logistic3A_128 = arith.constant 1.000000e+00 : f32
      %logistic3A_129 = vector.broadcast %logistic3A_128 : f32 to vector<1x384xf32>
      %logistic3A_130 = arith.addf %logistic3A_129, %logistic3A_127 : vector<1x384xf32>
      %logistic3A_131 = arith.divf %logistic3A_129, %logistic3A_130 : vector<1x384xf32>
      %slice3A_132 = vector.extract_strided_slice %add3A_124 {offsets = [0, 384], sizes = [1, 128], strides = [1, 1]} : vector<1x512xf32> to vector<1x128xf32>
      %tanh3A_133 = math.tanh %slice3A_132 : vector<1x128xf32>
      %slice3A_134 = vector.extract_strided_slice %logistic3A_131 {offsets = [0, 0], sizes = [1, 128], strides = [1, 1]} : vector<1x384xf32> to vector<1x128xf32>
      %slice3A_135 = vector.extract_strided_slice %logistic3A_131 {offsets = [0, 128], sizes = [1, 128], strides = [1, 1]} : vector<1x384xf32> to vector<1x128xf32>
      %slice3A_136 = vector.extract_strided_slice %logistic3A_131 {offsets = [0, 256], sizes = [1, 128], strides = [1, 1]} : vector<1x384xf32> to vector<1x128xf32>
      %mul3A_137 = arith.mulf %slice3A_135, %scan3A_90 : vector<1x128xf32>
      %mul3A_138 = arith.mulf %slice3A_134, %tanh3A_133 : vector<1x128xf32>
      %add3A_139 = arith.addf %mul3A_137, %mul3A_138 : vector<1x128xf32>
      %tanh3A_140 = math.tanh %add3A_139 : vector<1x128xf32>
      %mul3A_141 = arith.mulf %slice3A_136, %tanh3A_140 : vector<1x128xf32>
      %add3A_142 = arith.constant 1 : i32
      %add3A_143 = arith.addi %add3A_94, %add3A_142 : i32
      %concatenate3A_144 = tpu.concatenate %mul3A_119, %mul3A_141 in 1 : vector<1x128xf32>, vector<1x128xf32> -> vector<1x256xf32>
      %dot_general3A_145 = arith.constant dense<0.000000e+00> : vector<1x1536xf32>
      %dot_general3A_146 = tpu.matmul %concatenate3A_144, %get3A_44, %dot_general3A_145 {dimension_numbers = #tpu.dot_dimension_numbers<[1], [0], [0], [1], [0, 0, 1, 1], [], []>, transpose_lhs_hint = false} : vector<1x256xf32>, vector<256x1536xf32>, vector<1x1536xf32> -> vector<1x1536xf32>
      %get3A_147 = arith.index_cast %add3A_143 : i32 to index
      %get3A_148 = arith.constant 0 : index
      %get3A_149 = vector.load %arg13[%get3A_147, %get3A_148] : memref<5120x512xf32, #tpu.memory_space<vmem>>, vector<1x512xf32>
      %slice3A_150 = vector.extract_strided_slice %dot_general3A_146 {offsets = [0, 0], sizes = [1, 512], strides = [1, 1]} : vector<1x1536xf32> to vector<1x512xf32>
      %add3A_151 = arith.addf %get3A_149, %slice3A_150 : vector<1x512xf32>
      %add3A_152 = arith.addf %add3A_151, %get3A_47 : vector<1x512xf32>
      %slice3A_153 = vector.extract_strided_slice %add3A_152 {offsets = [0, 0], sizes = [1, 384], strides = [1, 1]} : vector<1x512xf32> to vector<1x384xf32>
      %logistic3A_154 = arith.negf %slice3A_153 : vector<1x384xf32>
      %logistic3A_155 = math.exp %logistic3A_154 : vector<1x384xf32>
      %logistic3A_156 = arith.constant 1.000000e+00 : f32
      %logistic3A_157 = vector.broadcast %logistic3A_156 : f32 to vector<1x384xf32>
      %logistic3A_158 = arith.addf %logistic3A_157, %logistic3A_155 : vector<1x384xf32>
      %logistic3A_159 = arith.divf %logistic3A_157, %logistic3A_158 : vector<1x384xf32>
      %slice3A_160 = vector.extract_strided_slice %add3A_152 {offsets = [0, 384], sizes = [1, 128], strides = [1, 1]} : vector<1x512xf32> to vector<1x128xf32>
      %tanh3A_161 = math.tanh %slice3A_160 : vector<1x128xf32>
      %slice3A_162 = vector.extract_strided_slice %logistic3A_159 {offsets = [0, 0], sizes = [1, 128], strides = [1, 1]} : vector<1x384xf32> to vector<1x128xf32>
      %slice3A_163 = vector.extract_strided_slice %logistic3A_159 {offsets = [0, 128], sizes = [1, 128], strides = [1, 1]} : vector<1x384xf32> to vector<1x128xf32>
      %slice3A_164 = vector.extract_strided_slice %logistic3A_159 {offsets = [0, 256], sizes = [1, 128], strides = [1, 1]} : vector<1x384xf32> to vector<1x128xf32>
      %mul3A_165 = arith.mulf %slice3A_163, %add3A_117 : vector<1x128xf32>
      %mul3A_166 = arith.mulf %slice3A_162, %tanh3A_161 : vector<1x128xf32>
      %add3A_167 = arith.addf %mul3A_165, %mul3A_166 : vector<1x128xf32>
      %tanh3A_168 = math.tanh %add3A_167 : vector<1x128xf32>
      %mul3A_169 = arith.mulf %slice3A_164, %tanh3A_168 : vector<1x128xf32>
      %slice3A_170 = vector.extract_strided_slice %dot_general3A_146 {offsets = [0, 512], sizes = [1, 512], strides = [1, 1]} : vector<1x1536xf32> to vector<1x512xf32>
      %add3A_171 = arith.addf %slice3A_170, %get3A_50 : vector<1x512xf32>
      %slice3A_172 = vector.extract_strided_slice %dot_general3A_146 {offsets = [0, 1024], sizes = [1, 512], strides = [1, 1]} : vector<1x1536xf32> to vector<1x512xf32>
      %add3A_173 = arith.addf %add3A_171, %slice3A_172 : vector<1x512xf32>
      %add3A_174 = arith.addf %add3A_173, %get3A_53 : vector<1x512xf32>
      %slice3A_175 = vector.extract_strided_slice %add3A_174 {offsets = [0, 0], sizes = [1, 384], strides = [1, 1]} : vector<1x512xf32> to vector<1x384xf32>
      %logistic3A_176 = arith.negf %slice3A_175 : vector<1x384xf32>
      %logistic3A_177 = math.exp %logistic3A_176 : vector<1x384xf32>
      %logistic3A_178 = arith.constant 1.000000e+00 : f32
      %logistic3A_179 = vector.broadcast %logistic3A_178 : f32 to vector<1x384xf32>
      %logistic3A_180 = arith.addf %logistic3A_179, %logistic3A_177 : vector<1x384xf32>
      %logistic3A_181 = arith.divf %logistic3A_179, %logistic3A_180 : vector<1x384xf32>
      %slice3A_182 = vector.extract_strided_slice %add3A_174 {offsets = [0, 384], sizes = [1, 128], strides = [1, 1]} : vector<1x512xf32> to vector<1x128xf32>
      %tanh3A_183 = math.tanh %slice3A_182 : vector<1x128xf32>
      %slice3A_184 = vector.extract_strided_slice %logistic3A_181 {offsets = [0, 0], sizes = [1, 128], strides = [1, 1]} : vector<1x384xf32> to vector<1x128xf32>
      %slice3A_185 = vector.extract_strided_slice %logistic3A_181 {offsets = [0, 128], sizes = [1, 128], strides = [1, 1]} : vector<1x384xf32> to vector<1x128xf32>
      %slice3A_186 = vector.extract_strided_slice %logistic3A_181 {offsets = [0, 256], sizes = [1, 128], strides = [1, 1]} : vector<1x384xf32> to vector<1x128xf32>
      %mul3A_187 = arith.mulf %slice3A_185, %add3A_139 : vector<1x128xf32>
      %mul3A_188 = arith.mulf %slice3A_184, %tanh3A_183 : vector<1x128xf32>
      %add3A_189 = arith.addf %mul3A_187, %mul3A_188 : vector<1x128xf32>
      %tanh3A_190 = math.tanh %add3A_189 : vector<1x128xf32>
      %mul3A_191 = arith.mulf %slice3A_186, %tanh3A_190 : vector<1x128xf32>
      scf.yield %mul3A_169, %add3A_167, %mul3A_191, %add3A_189 : vector<1x128xf32>, vector<1x128xf32>, vector<1x128xf32>, vector<1x128xf32>
    }
    %scan3A_82 = arith.constant 2500 : i32
    %swap3A_83 = arith.constant 0 : index
    %swap3A_84 = arith.constant 0 : index
    %swap3A_85 = vector.load %arg12[%swap3A_83, %swap3A_84] : memref<1x128xf32, #tpu.memory_space<vmem>>, vector<1x128xf32>
    tpu.vector_store %arg12[%swap3A_83, %swap3A_84], %scan3A_81#2 {strides = array<i32>} : memref<1x128xf32, #tpu.memory_space<vmem>>, vector<1x128xf32>,
    return
  }
}

</mosaic_0001>

<sc_bundles>
// kernel: kernel.10.cloned.1.call-start
scs
__scs_entry_jumppad:
0x0: {  	(pc) =	sbr.rel $0x88, $3  }
0x1: {  	(tag) =	ssettag $0x0;
	lr =	simm.s32 $0x1  }
0x2: {  	[smem:$0x3F8B] =	sst lr;
	_ =	strace $0xD0000000  }
0x3: {  	_ = 	snop  }
0x4: {  	_ = 	snop  }
0x5: {  	_ = 	snop  }
0x6: {  	_ = 	snop  }
0x7: {  	_ = 	snop  }
__scs_overlays_trampoline_lowered:
0x8: {  	[smem:$0x3F9A] =	sst s0  }
0x9: {  	[smem:$0x3F9B] =	sst s1  }
0xa: {  	[smem:$0x3F9C] =	sst s2  }
0xb: {  	[smem:$0x3F9D] =	sst s3  }
0xc: {  	[smem:$0x3F9E] =	sst s4  }
0xd: {  	[smem:$0x3F9F] =	sst s5  }
0xe: {  	[smem:$0x3FA0] =	sst s6  }
0xf: {  	[smem:$0x3FA1] =	sst s7  }
0x10: {  	[smem:$0x3FA2] =	sst s8  }
0x11: {  	[smem:$0x3FA3] =	sst s9;
	s0 =	simm.s32 @!p0 $0x0  }
0x12: {  	s1 =	sld [smem:$0x3F89];
	s0 =	simm.s32 @p0 $0x1  }
0x13: {  	[smem:$0x3FA4] =	sst s0;
	s0 =	simm.s32 @!p1 $0x0  }
0x14: {  	s2 =	sld [smem:$0x3F88];
	s0 =	simm.s32 @p1 $0x1  }
0x15: {  	[smem:$0x3FA5] =	sst s0;
	s0 =	simm.s32 @!p2 $0x0  }
0x16: {  	s3 =	sld [smem:$0x3FDB];
	s0 =	simm.s32 @p2 $0x1  }
0x17: {  	s4 =	simm.s32 $0x1BF5;
	[smem:$0x3FA7] =	sst s0  }
0x18: {  	s0 =	sld [smem:$0x3F8A];
	_ =	swait.ge [sflag:s4], $0x0  }
0x19: {  	s7 =	sld [smem:$0x3F8B]  }
0x1a: {  	s8 =	sadd.s32 $0xFFFFE003, lr  }
0x1b: {  	s9 =	sadd.s32 $0xFFFFFEF7, lr;
	s5 =	simm.s32 $0xFFFFFFFF;
	p2 =	slt.u32 s8, $0xFFFFF086  }
0x1c: {  	p1 =	slt.u32 s9, $0xF7A;
	s5 =	simm.s32 @!p2 $0x0  }
0x1d: {  	s5 =	simm.s32 @p1 $0x1;
	p0 =	seq.s32 s7, s2  }
0x1e: {  	s7 =	smul.u32 @!p0 $0xF7A, s2;
	p2 =	seq.s32 @!p0 s5, $0x0  }
0x1f: {  	s9 =	smul.u32 $0xF7A, s1;
	s8 =	simm.s32 @!p0 $0x1BF5;
	p2 =	por !p2, p0  }
0x20: {  	[sflag:s8] =	ssyncset.s32 @!p0 $0xFFFFF086;
	s6 =	sadd.s32 @!p0 s3, s7;
	s7 =	simm.s32 @!p0 $0x108  }
0x21: {  	s3 =	sadd.s32 s3, s9;
	s6 =	sadd.s32 @!p0 $0x88, s6;
	s7 =	simm.s32 @p2 $0x1082  }
0x22: {  	[simem:s7], [sflag:s8] =	dma.local @!p0 [hbm:s6], $0xF7A  }
0x23: {  	s9 =	sor.u32 $0xD0000000, s2;
	s6 =	simm.s32 $0x108;
	_ =	swait.ge @!p0 [sflag:s8], $0x0  }
0x24: {  	s3 =	sadd.s32 $0x88, s3;
	s6 =	simm.s32 @!p1 $0x1082;
	[sflag:s4] =	ssyncset.s32 $0xFFFFF086  }
0x25: {  	[simem:s6], [sflag:s4] =	dma.local [hbm:s3], $0xF7A  }
0x26: {  	[smem:$0x3F8B] =	sst s1;
	(tag) =	ssettag s2;
	_ =	strace s9  }
0x27: {  	s1 =	sld [smem:$0x3F9B]  }
0x28: {  	s2 =	sld [smem:$0x3F9C]  }
0x29: {  	s4 =	sld [smem:$0x3F9E]  }
0x2a: {  	p0 =	seq.s32 s5, $0x0;
	s5 =	sld [smem:$0x3F9F]  }
0x2b: {  	s6 =	sld [smem:$0x3FA0]  }
0x2c: {  	s7 =	sld [smem:$0x3FA1]  }
0x2d: {  	s3 =	simm.s32 $0x108;
	s8 =	sld [smem:$0x3FA2]  }
0x2e: {  	s3 =	simm.s32 @!p0 $0x1082;
	s9 =	sld [smem:$0x3FA3]  }
0x2f: {  	lr =	sadd.s32 s0, s3;
	s0 =	sld [smem:$0x3F9A]  }
0x30: {  	s3 =	sld [smem:$0x3F9D]  }
0x31: {  	[smem:$0x3FA6] =	sst s10  }
0x32: {  	s10 =	sld [smem:$0x3FA4];
	_ =	sdelay $0x3  }
0x33: {  	p0 =	seq.s32 s10, $0x1;
	s10 =	sld [smem:$0x3FA6];
	_ =	sdelay $0x3  }
0x34: {  	[smem:$0x3FA6] =	sst s10  }
0x35: {  	s10 =	sld [smem:$0x3FA5];
	_ =	sdelay $0x3  }
0x36: {  	p1 =	seq.s32 s10, $0x1;
	s10 =	sld [smem:$0x3FA6];
	_ =	sdelay $0x3  }
0x37: {  	[smem:$0x3FA6] =	sst s10  }
0x38: {  	s10 =	sld [smem:$0x3FA7]  }
0x39: {  	_ = 	snop;
	(pc) =	sbr.ind lr, $3  }
0x3a: {  	_ = 	snop  }
0x3b: {  	_ = 	snop  }
0x3c: {  	p2 =	seq.s32 s10, $0x1;
	s10 =	sld [smem:$0x3FA6]  }
0x3d: {  	_ =	shalt  }
0x3e: {  	_ =	shalt  }
0x3f: {  	_ =	shalt  }
0x40: {  	_ =	shalt  }
0x41: {  	_ =	shalt  }
0x42: {  	_ =	shalt  }
0x43: {  	_ =	shalt  }
0x44: {  	_ =	shalt  }
0x45: {  	_ =	shalt  }
0x46: {  	_ =	shalt  }
0x47: {  	_ =	shalt  }
0x48: {  	_ =	shalt  }
0x49: {  	_ =	shalt  }
0x4a: {  	_ =	shalt  }
0x4b: {  	_ =	shalt  }
0x4c: {  	_ =	shalt  }
0x4d: {  	_ =	shalt  }
0x4e: {  	_ =	shalt  }
0x4f: {  	_ =	shalt  }
0x50: {  	_ =	shalt  }
0x51: {  	_ =	shalt  }
0x52: {  	_ =	shalt  }
0x53: {  	_ =	shalt  }
0x54: {  	_ =	shalt  }
0x55: {  	_ =	shalt  }
0x56: {  	_ =	shalt  }
0x57: {  	_ =	shalt  }
0x58: {  	_ =	shalt  }
0x59: {  	_ =	shalt  }
0x5a: {  	_ =	shalt  }
0x5b: {  	_ =	shalt  }
0x5c: {  	_ =	shalt  }
0x5d: {  	_ =	shalt  }
0x5e: {  	_ =	shalt  }
0x5f: {  	_ =	shalt  }
0x60: {  	_ =	shalt  }
0x61: {  	_ =	shalt  }
0x62: {  	_ =	shalt  }
0x63: {  	_ =	shalt  }
0x64: {  	_ =	shalt  }
0x65: {  	_ =	shalt  }
0x66: {  	_ =	shalt  }
0x67: {  	_ =	shalt  }
0x68: {  	_ =	shalt  }
0x69: {  	_ =	shalt  }
0x6a: {  	_ =	shalt  }
0x6b: {  	_ =	shalt  }
0x6c: {  	_ =	shalt  }
0x6d: {  	_ =	shalt  }
0x6e: {  	_ =	shalt  }
0x6f: {  	_ =	shalt  }
0x70: {  	_ =	shalt  }
0x71: {  	_ =	shalt  }
0x72: {  	_ =	shalt  }
0x73: {  	_ =	shalt  }
0x74: {  	_ =	shalt  }
0x75: {  	_ =	shalt  }
0x76: {  	_ =	shalt  }
0x77: {  	_ =	shalt  }
0x78: {  	_ =	shalt  }
0x79: {  	_ =	shalt  }
0x7a: {  	_ =	shalt  }
0x7b: {  	_ =	shalt  }
0x7c: {  	_ =	shalt  }
0x7d: {  	_ =	shalt  }
0x7e: {  	_ =	shalt  }
0x7f: {  	_ =	shalt  }
0x80: {  	_ =	shalt  }
0x81: {  	_ =	shalt  }
0x82: {  	_ =	shalt  }
0x83: {  	_ =	shalt  }
0x84: {  	_ =	shalt  }
0x85: {  	_ =	shalt  }
0x86: {  	_ =	shalt  }
0x87: {  	_ =	shalt  }
.Lfunc_end0:
.L_simem_size_0:
called_computation.1_lowered:
.L_overlay_start_0:
0x88: {  	s2 =	sld [smem:$0x3FD9]  }
0x89: {  	s3 =	sld [smem:$0x3FFE];
	_ =	sdelay $0x1  }
0x8a: {  	s1 =	srdreg.scid  }
0x8b: {  	s0 =	sand.u32 $0x1, s1  }
0x8c: {  	s16 =	sshll.u32 s0, $0xA;
	s2 =	sadd.s32 s3, s2  }
0x8d: {  	s2 =	sadd.s32 s2, s16  }
0x8e: {  	[smem:$0x3FB2] =	sst s2  }
0x8f: {  	_ = 	snop  }
0x90: {  	(tm) =	ssettm $0x1  }
0x91: {  	s17 =	sld [smem:$0x3FFB];
	_ =	sdelay $0x3  }
0x92: {  	_ =	strace s17  }
0x93: {  	s2 =	sld [smem:$0x3FFC];
	_ =	sdelay $0x3  }
0x94: {  	_ =	strace s2  }
0x95: {  	s2 =	sld [smem:$0x3FFD];
	_ =	sdelay $0x3  }
0x96: {  	_ =	strace s2  }
0x97: {  	_ =	strace $0x8FFFFFFF  }
0x98: {  	s18 =	sld [smem:$0x3FDB];
	_ =	sdelay $0x1  }
0x99: {  	s19 =	simm.s32 $_scs_section_size  }
0x9a: {  	s4 =	simm.s32 $_size__tile_overlayer_lowered;
	s5 =	simm.s32 $_tile_overlayer_lowered  }
0x9b: {  	s22 =	simm.s32 $0x1BFF;
	s21 =	sshll.u32 s5, $0x1;
	s2 =	sadd.s32 s19, s18  }
0x9c: {  	s6 =	simm.s32 $0x0;
	s20 =	sshll.u32 s4, $0x1;
	s4 =	sadd.s32 s21, s2  }
0x9d: {  	[timem:s6], [sflag:s22] =	dma.local [hbm:s4], s20  }
0x9e: {  	_ =	swait.ge [sflag:s22], s20  }
0x9f: {  	s3 =	ssub.s32 $0x0, s20;
	[sflag:s22] =	ssyncset.done $0x0  }
0xa0: {  	[sflag:s22] =	ssyncadd.s32 s3;
	_ =	sdelay $0x1  }
0xa1: {  	s23 =	simm.s32 $0x1B8B  }
0xa2: {  	_ =	swait.ge [sflag:s23], $0x1  }
0xa3: {  	[sflag:s23] =	ssyncset.done $0x0  }
0xa4: {  	s25 =	simm.s32 $0x1B8E;
	s24 =	sld [smem:$0x3FFE];
	[sflag:s23] =	ssyncadd.s32 $0xFFFFFFFF  }
0xa5: {  	s26 =	simm.s32 $execute0_lowered;
	[smem:$0x3FD2] =	sst s25  }
0xa6: {  	s4 =	sshll.u32 s26, $0x1;
	_ =	strace $0x80000049;
	[dreg:$0x1] =	wrdreg $0xFFFFFFFF  }
0xa7: {  	s28 =	simm.s32 $_size_execute0_lowered;
	s2 =	sadd.s32 s2, s4;
	[dreg:$0x0] =	wrdreg $0x0  }
0xa8: {  	s4 =	sshll.u32 s28, $0x1;
	[dreg:$0x2] =	wrdreg s2  }
0xa9: {  	[dreg:$0x3] =	wrdreg s4  }
0xaa: {  	[dreg:$0x4] =	wrdreg $0xC0  }
0xab: {  	_ =	task [dreg:s6], $0x5FFFF  }
0xac: {  	[dreg:$0x1] =	wrdreg $0xFFFFFFFF  }
0xad: {  	[dreg:$0x0] =	wrdreg $0x60  }
0xae: {  	[dreg:$0x2] =	wrdreg s24  }
0xaf: {  	[dreg:$0x3] =	wrdreg $0x0  }
0xb0: {  	[dreg:$0x4] =	wrdreg $0x9  }
0xb1: {  	_ =	task.clear_ibuf [dreg:s6], $0x5FFFF;
	_ =	strace $0x90000049  }
0xb2: {  	s29 =	simm.s32 $0x9;
	_ =	strace $0x8000004B  }
0xb3: {  	_ =	swait.ge [sflag:s29], $0x1  }
0xb4: {  	[sflag:s29] =	ssyncadd.s32 $0xFFFFFFFF  }
0xb5: {  	_ =	strace $0x9000004B  }
0xb6: {  	_ =	sfence  }
0xb7: {  	s30 =	sld [smem:$0x0];
	_ =	sdelay $0x2  }
0xb8: {  	s31 =	sshll.u32 s1, $0xD;
	s1 =	sshrl.u32 s1, $0x2  }
0xb9: {  	s3 =	sand.u32 $0x4000, s31;
	s1 =	sadd.s32 s1, s30  }
0xba: {  	s0 =	sor.u32 s3, s0;
	s1 =	sshll.u32 s1, $0x11  }
0xbb: {  	s0 =	sor.u32 s1, s0  }
0xbc: {  	s0 =	sadd.s32 $0x8F2B, s0  }
0xbd: {  	[sflag:s0] =	ssyncadd.remote.s32 $0x1  }
0xbe: {  	_ =	sfence.sel $0xFFFF  }
0xbf: {  	[dreg:$0x0] =	wrdreg $0xFFFFFFFF;
	(pc) =	sbr.abs _section_cstart, $3  }
0xc0: {  	[dreg:$0x1] =	wrdreg $0xFFFFFFFF  }
0xc1: {  	_ =	task.clear_ibuf [dreg:s6], $0x2FFFF;
	_ =	strace $0x9FFFFFFF  }
0xc2: {  	(tm) =	ssettm $0x7FFFFFFF  }
0xc3: {  	_ =	shalt  }
tec
execute0_lowered:
.L_overlay_start_1:
0x0: {  	(tag) =	ssettag $0x1  }
0x1: {  	s0 =	srdreg.scid;
	s1 =	rddreg [dreg:$0x0]  }
0x2: {  	s7 =	stileid.u32;
	s2 =	rddreg [dreg:$0x1];
	s5 =	simm.s32 $0x0  }
0x3: {  	s29 =	simm.s32 $0x10C00;
	s31 =	simm.s32 $0x12C00;
	s28 =	simm.s32 $0x16C00  }
0x4: {  	s30 =	simm.s32 $0x18C00;
	s12 =	simm.s32 $0x10;
	s0 =	sand.u32 $0x1, s0  }
0x5: {  	s4 =	smul.u32 $0x2600, s7;
	[smem:$0x7FF] =	sst s5;
	s5 =	sadd.s32 $0x1D5200, s1  }
0x6: {  	s6 =	sadd.s32 $0x16800, s1;
	s7 =	smul.u32 $0xA000, s7;
	s8 =	sadd.s32 $0x16C00, s1  }
0x7: {  	s3 =	smul.u32 $0x26000, s0;
	_ =	strace $0x8000004A;
	[dreg:$0x3] =	wrdreg s6  }
0x8: {  	s13 =	ssub.s32 $0x2, s0;
	[dreg:$0x4] =	wrdreg s8;
	p0 =	sne.s32 s0, $0x0  }
0x9: {  	s0 =	simm.s32 $0x14C00;
	s8 =	simm.s32 $0x1;
	s6 =	simm.s32 $0x3  }
0xa: {  	s14 =	sshrl.u32 s13, $0x1;
	s15 =	sadd.s32 s7, s2;
	s16 =	sadd.s32 $0x2000, s7  }
0xb: {  	s18 =	sadd.s32 $0x4000, s7;
	s9 =	sadd.s32 $0x6000, s7;
	s20 =	sadd.s32 $0x8000, s7  }
0xc: {  	s22 =	sshrl.u32 s7, $0x3;
	s7 =	simm.s32 $0x1CC00;
	[dreg:$0x6] =	wrdreg s15  }
0xd: {  	s3 =	sadd.s32 s4, s3;
	s17 =	sadd.s32 s16, s2;
	[dreg:$0xd] =	wrdreg s22  }
0xe: {  	s4 =	sadd.s32 $0x4E200, s1;
	s10 =	sadd.s32 s18, s2;
	[dreg:$0x7] =	wrdreg s17  }
0xf: {  	s19 =	sadd.s32 s9, s2;
	s11 =	sadd.s32 s20, s2;
	[dreg:$0x8] =	wrdreg s10  }
0x10: {  	s23 =	sshrl.u32 s16, $0x3;
	s24 =	sshrl.u32 s18, $0x3;
	[dreg:$0x9] =	wrdreg s19  }
0x11: {  	s25 =	sshrl.u32 s9, $0x3;
	s26 =	sshrl.u32 s20, $0x3;
	[dreg:$0xa] =	wrdreg s11  }
0x12: {  	s22 =	simm.s32 $0xEC00;
	s15 =	simm.s32 $0x6;
	[dreg:$0xe] =	wrdreg s23  }
0x13: {  	s16 =	simm.s32 $0x7;
	s18 =	simm.s32 $0x9;
	[dreg:$0xf] =	wrdreg s24  }
0x14: {  	s20 =	simm.s32 $0xB;
	s9 =	simm.s32 $0xD;
	[dreg:$0x10] =	wrdreg s25  }
0x15: {  	s3 =	sshrl.u32 s3, $0x3;
	[dreg:$0x11] =	wrdreg s26;
	s26 =	simm.s32 $0x40  }
0x16: {  	s25 =	simm.s32 $0x2;
	s24 =	simm.s32 $0x5;
	s17 =	simm.s32 $0x8  }
0x17: {  	s19 =	simm.s32 $0xA;
	s10 =	simm.s32 $0xE;
	s11 =	simm.s32 $0xF  }
.Ltmp0:
0x18: {  	s3 =	sadd.s32 s3, s1;
	s1 =	sadd.s32 $0x2AC00, s1;
	(pc) =	sbr.rel .LBB2_1-.Ltmp0, $4  }
0x19: {  	[dreg:$0x5] =	wrdreg s1;
	s1 =	ssub.s32 s13, s14;
	s21 =	sadd.s32 $0xD000, s3  }
0x1a: {  	s3 =	sadd.s32 $0x3800, s3;
	s14 =	simm.s32 $0x4;
	[dreg:$0xb] =	wrdreg s21  }
0x1b: {  	[dreg:$0xc] =	wrdreg s3;
	s1 =	smax.u32 s1, $0x1;
	s21 =	simm.s32 $0xC  }
0x1c: {  	s3 =	simm.s32 $0x0;
	[dreg:$0x12] =	wrdreg s1;
	s1 =	simm.s32 $0x1AC00  }
.LBB2_7:
0x1d: {  	[tilespmem:s7], [sflag:$0x8] =	stream.indirect.gather [hbm4b:s5+s26], $0x80, s13, s26, $0xb8;
	[tilespmem:$0x1EC00] =	vst v63  }
0x1e: {  	s3 =	rddreg [dreg:$0x5]  }
0x1f: {  	[dreg:$0x14] =	wrdreg s3  }
.LBB2_8:
0x20: {  	_ =	swait.ge [sflag:s8], $0x2000  }
0x21: {  	[sflag:s8] =	ssyncset.done $0x0  }
0x22: {  	s3 =	simm.s32 $0xEA00;
	[sflag:s8] =	ssyncadd.s32 $0xFFFFE000  }
0x23: {  	[spmem:s2] =	stream.indirect.scatter.add.f32 [tilespmem:s22], [sflag:$0x9], $0x80, s3, s26, $0xb8;
	[tilespmem:$0x1EC00] =	vst v63  }
0x24: {  	_ =	swait.ge [sflag:s25], $0x2000  }
0x25: {  	[sflag:s25] =	ssyncset.done $0x0  }
0x26: {  	s23 =	simm.s32 $0xEA40;
	[sflag:s25] =	ssyncadd.s32 $0xFFFFE000  }
0x27: {  	[spmem:s2] =	stream.indirect.scatter.add.f32 [tilespmem:s29], [sflag:$0xA], $0x80, s23, s26, $0xb8;
	[tilespmem:$0x1EC00] =	vst v63  }
0x28: {  	_ =	swait.ge [sflag:s6], $0x2000  }
0x29: {  	[sflag:s6] =	ssyncset.done $0x0  }
0x2a: {  	s13 =	simm.s32 $0xEA80;
	[sflag:s6] =	ssyncadd.s32 $0xFFFFE000  }
0x2b: {  	[spmem:s2] =	stream.indirect.scatter.add.f32 [tilespmem:s31], [sflag:$0xB], $0x80, s13, s26, $0xb8;
	[tilespmem:$0x1EC00] =	vst v63  }
0x2c: {  	_ =	swait.ge [sflag:s14], $0x2000  }
0x2d: {  	[sflag:s14] =	ssyncset.done $0x0  }
0x2e: {  	s23 =	simm.s32 $0xEAC0;
	[sflag:s14] =	ssyncadd.s32 $0xFFFFE000  }
0x2f: {  	[spmem:s2] =	stream.indirect.scatter.add.f32 [tilespmem:s0], [sflag:$0xC], $0x80, s23, s26, $0xb8;
	[tilespmem:$0x1EC00] =	vst v63  }
0x30: {  	_ =	swait.ge [sflag:s24], $0x2000  }
0x31: {  	[sflag:s24] =	ssyncset.done $0x0  }
0x32: {  	s13 =	simm.s32 $0xEB00;
	[sflag:s24] =	ssyncadd.s32 $0xFFFFE000  }
0x33: {  	[spmem:s2] =	stream.indirect.scatter.add.f32 [tilespmem:s28], [sflag:$0xD], $0x80, s13, s26, $0xb8;
	[tilespmem:$0x1EC00] =	vst v63  }
0x34: {  	_ =	swait.ge [sflag:s15], $0x2000  }
0x35: {  	[sflag:s15] =	ssyncset.done $0x0  }
0x36: {  	s23 =	simm.s32 $0xEB40;
	[sflag:s15] =	ssyncadd.s32 $0xFFFFE000  }
0x37: {  	[spmem:s2] =	stream.indirect.scatter.add.f32 [tilespmem:s30], [sflag:$0xE], $0x80, s23, s26, $0xb8;
	[tilespmem:$0x1EC00] =	vst v63  }
0x38: {  	_ =	swait.ge [sflag:s16], $0x2000  }
0x39: {  	[sflag:s16] =	ssyncset.done $0x0  }
0x3a: {  	s13 =	simm.s32 $0xEB80;
	[sflag:s16] =	ssyncadd.s32 $0xFFFFE000  }
0x3b: {  	[spmem:s2] =	stream.indirect.scatter.add.f32 [tilespmem:s1], [sflag:$0xF], $0x80, s13, s26, $0xb8;
	[tilespmem:$0x1EC00] =	vst v63  }
0x3c: {  	_ =	swait.ge [sflag:s17], $0x2000  }
0x3d: {  	[sflag:s17] =	ssyncset.done $0x0  }
0x3e: {  	s23 =	simm.s32 $0xEBC0;
	[sflag:s17] =	ssyncadd.s32 $0xFFFFE000  }
0x3f: {  	[spmem:s2] =	stream.indirect.scatter.add.f32 [tilespmem:s7], [sflag:$0x10], $0x80, s23, s26, $0xb8;
	[tilespmem:$0x1EC00] =	vst v63  }
0x40: {  	_ =	swait.ge [sflag:s18], $0x2000  }
0x41: {  	[sflag:s18] =	ssyncset.done $0x0  }
0x42: {  	[sflag:s18] =	ssyncadd.s32 $0xFFFFE000  }
0x43: {  	_ =	swait.ge [sflag:s19], $0x2000  }
0x44: {  	[sflag:s19] =	ssyncset.done $0x0  }
0x45: {  	[sflag:s19] =	ssyncadd.s32 $0xFFFFE000  }
0x46: {  	_ =	swait.ge [sflag:s20], $0x2000  }
0x47: {  	[sflag:s20] =	ssyncset.done $0x0  }
0x48: {  	[sflag:s20] =	ssyncadd.s32 $0xFFFFE000  }
0x49: {  	_ =	swait.ge [sflag:s21], $0x2000  }
0x4a: {  	[sflag:s21] =	ssyncset.done $0x0  }
0x4b: {  	[sflag:s21] =	ssyncadd.s32 $0xFFFFE000  }
0x4c: {  	_ =	swait.ge [sflag:s9], $0x2000  }
0x4d: {  	[sflag:s9] =	ssyncset.done $0x0  }
0x4e: {  	[sflag:s9] =	ssyncadd.s32 $0xFFFFE000  }
0x4f: {  	_ =	swait.ge [sflag:s10], $0x2000  }
0x50: {  	[sflag:s10] =	ssyncset.done $0x0  }
0x51: {  	[sflag:s10] =	ssyncadd.s32 $0xFFFFE000  }
0x52: {  	_ =	swait.ge [sflag:s11], $0x2000  }
0x53: {  	[sflag:s11] =	ssyncset.done $0x0  }
0x54: {  	[sflag:s11] =	ssyncadd.s32 $0xFFFFE000  }
0x55: {  	_ =	swait.ge [sflag:s12], $0x2000  }
0x56: {  	[sflag:s12] =	ssyncset.done $0x0  }
0x57: {  	[sflag:s12] =	ssyncadd.s32 $0xFFFFE000  }
0x58: {  	[bflag:$0x0] =	sbarrier.arrive $0xFFFF  }
0x59: {  	s3 =	simm.s32 $0x11;
	s13 =	rddreg [dreg:$0x6]  }
0x5a: {  	[tilespmem:s22], [sflag:$0x11] =	stream.linear.gather [spmem:s13], $0x2000, $0x38;
	[tilespmem:$0x1EC00] =	vst v63  }
0x5b: {  	_ =	swait.ge [sflag:s3], $0x2000  }
0x5c: {  	s13 =	rddreg [dreg:$0xd]  }
0x5d: {  	s23 =	rddreg [dreg:$0x14]  }
0x5e: {  	s13 =	sadd.s32 s23, s13  }
0x5f: {  	[sflag:s3] =	ssyncset.done $0x0;
	[dreg:$0x17] =	wrdreg s13  }
0x60: {  	[sflag:s3] =	ssyncadd.s32 $0xFFFFE000;
	s13 =	simm.s32 $0x0;
	s3 =	rddreg [dreg:$0x17]  }
0x61: {  	[hbm4b:s3+s13] =	stream.linear.scatter [tilespmem:s22], [sflag:$0x11], $0x2000, $0x38;
	[tilespmem:$0x1EC00] =	vst v63  }
0x62: {  	[dreg:$0x14] =	wrdreg s23;
	s3 =	simm.s32 $0x11  }
0x63: {  	_ =	swait.ge [sflag:s3], $0x2000  }
0x64: {  	[sflag:s3] =	ssyncset.done $0x0  }
0x65: {  	s13 =	rddreg [dreg:$0x7];
	[sflag:s3] =	ssyncadd.s32 $0xFFFFE000  }
0x66: {  	[tilespmem:s22], [sflag:$0x11] =	stream.linear.gather [spmem:s13], $0x2000, $0x38;
	[tilespmem:$0x1EC00] =	vst v63  }
0x67: {  	_ =	swait.ge [sflag:s3], $0x2000  }
0x68: {  	s13 =	rddreg [dreg:$0xe]  }
0x69: {  	s13 =	sadd.s32 s23, s13  }
0x6a: {  	[sflag:s3] =	ssyncset.done $0x0;
	[dreg:$0x16] =	wrdreg s13  }
0x6b: {  	[sflag:s3] =	ssyncadd.s32 $0xFFFFE000;
	s13 =	simm.s32 $0x0;
	s23 =	rddreg [dreg:$0x16]  }
0x6c: {  	[hbm4b:s23+s13] =	stream.linear.scatter [tilespmem:s22], [sflag:$0x11], $0x2000, $0x38;
	[tilespmem:$0x1EC00] =	vst v63  }
0x6d: {  	_ =	swait.ge [sflag:s3], $0x2000  }
0x6e: {  	[sflag:s3] =	ssyncset.done $0x0  }
0x6f: {  	s23 =	rddreg [dreg:$0x8];
	[sflag:s3] =	ssyncadd.s32 $0xFFFFE000  }
0x70: {  	[tilespmem:s22], [sflag:$0x11] =	stream.linear.gather [spmem:s23], $0x2000, $0x38;
	[tilespmem:$0x1EC00] =	vst v63  }
0x71: {  	_ =	swait.ge [sflag:s3], $0x2000  }
0x72: {  	s13 =	rddreg [dreg:$0xf]  }
0x73: {  	s23 =	rddreg [dreg:$0x14]  }
0x74: {  	s13 =	sadd.s32 s23, s13  }
0x75: {  	[sflag:s3] =	ssyncset.done $0x0;
	s3 =	simm.s32 $0x11;
	[dreg:$0x15] =	wrdreg s13  }
0x76: {  	[sflag:s3] =	ssyncadd.s32 $0xFFFFE000;
	s23 =	simm.s32 $0x0;
	s3 =	rddreg [dreg:$0x15]  }
0x77: {  	[hbm4b:s3+s23] =	stream.linear.scatter [tilespmem:s22], [sflag:$0x11], $0x2000, $0x38;
	[tilespmem:$0x1EC00] =	vst v63  }
0x78: {  	s23 =	simm.s32 $0x11  }
0x79: {  	_ =	swait.ge [sflag:s23], $0x2000  }
0x7a: {  	[sflag:s23] =	ssyncset.done $0x0  }
0x7b: {  	s3 =	rddreg [dreg:$0x9];
	[sflag:s23] =	ssyncadd.s32 $0xFFFFE000  }
0x7c: {  	[tilespmem:s22], [sflag:$0x11] =	stream.linear.gather [spmem:s3], $0x2000, $0x38;
	[tilespmem:$0x1EC00] =	vst v63  }
0x7d: {  	_ =	swait.ge [sflag:s23], $0x2000  }
0x7e: {  	s13 =	rddreg [dreg:$0x10]  }
0x7f: {  	[sflag:s23] =	ssyncset.done $0x0;
	s3 =	rddreg [dreg:$0x14]  }
0x80: {  	s13 =	sadd.s32 s3, s13;
	[sflag:s23] =	ssyncadd.s32 $0xFFFFE000;
	s3 =	simm.s32 $0x0  }
0x81: {  	[hbm4b:s13+s3] =	stream.linear.scatter [tilespmem:s22], [sflag:$0x11], $0x2000, $0x38;
	[tilespmem:$0x1EC00] =	vst v63  }
0x82: {  	_ =	swait.ge [sflag:s23], $0x2000  }
0x83: {  	[sflag:s23] =	ssyncset.done $0x0  }
0x84: {  	s13 =	rddreg [dreg:$0xa];
	[sflag:s23] =	ssyncadd.s32 $0xFFFFE000  }
0x85: {  	[tilespmem:s22], [sflag:$0x11] =	stream.linear.gather [spmem:s13], $0x2000, $0x38;
	[tilespmem:$0x1EC00] =	vst v63  }
0x86: {  	_ =	swait.ge [sflag:s23], $0x2000  }
0x87: {  	s3 =	rddreg [dreg:$0x11]  }
0x88: {  	[sflag:s23] =	ssyncset.done $0x0;
	s13 =	rddreg [dreg:$0x14]  }
0x89: {  	s3 =	sadd.s32 s13, s3;
	[sflag:s23] =	ssyncadd.s32 $0xFFFFE000;
	s13 =	simm.s32 $0x0  }
0x8a: {  	[hbm4b:s3+s13] =	stream.linear.scatter [tilespmem:s22], [sflag:$0x11], $0x2000, $0x38;
	[tilespmem:$0x1EC00] =	vst v63  }
0x8b: {  	_ =	swait.ge [sflag:s23], $0x2000  }
0x8c: {  	s23 =	rddreg [dreg:$0x13]  }
0x8d: {  	s13 =	sadd.s32 $0x1, s23;
	s23 =	rddreg [dreg:$0x12]  }
0x8e: {  	p1 =	sne.s32 s13, s23  }
.Ltmp1:
0x8f: {  	_ = 	snop;
	(pc) =	sbr.rel @!p1 .LBB2_9-.Ltmp1, $4  }
0x90: {  	_ = 	snop  }
0x91: {  	s3 =	simm.s32 $0x11  }
0x92: {  	[sflag:s3] =	ssyncset.done $0x0;
	s23 =	simm.s32 $0x11  }
0x93: {  	s3 =	smov.u32 s13;
	[sflag:s23] =	ssyncadd.s32 $0xFFFFE000  }
.LBB2_1:
0x94: {  	s13 =	rddreg [dreg:$0x3];
	s23 =	simm.s32 $0x0  }
0x95: {  	[tilespmem:s22], [sflag:$0x11] =	stream.linear.gather [hbm4b:s13+s23], $0x2000, $0x38;
	[tilespmem:$0x1EC00] =	vst v63  }
0x96: {  	[dreg:$0x13] =	wrdreg s3;
	s13 =	simm.s32 $0x11  }
0x97: {  	_ =	swait.ge [sflag:s13], $0x2000  }
0x98: {  	[sflag:s13] =	ssyncset.done $0x0  }
0x99: {  	s23 =	rddreg [dreg:$0x6];
	[sflag:s13] =	ssyncadd.s32 $0xFFFFE000  }
0x9a: {  	[spmem:s23] =	stream.linear.scatter [tilespmem:s22], [sflag:$0x11], $0x2000, $0x38;
	[tilespmem:$0x1EC00] =	vst v63  }
0x9b: {  	_ =	swait.ge [sflag:s13], $0x2000  }
0x9c: {  	[sflag:s13] =	ssyncset.done $0x0  }
0x9d: {  	s23 =	rddreg [dreg:$0x7];
	[sflag:s13] =	ssyncadd.s32 $0xFFFFE000  }
0x9e: {  	[spmem:s23] =	stream.linear.scatter [tilespmem:s22], [sflag:$0x11], $0x2000, $0x38;
	[tilespmem:$0x1EC00] =	vst v63  }
0x9f: {  	_ =	swait.ge [sflag:s13], $0x2000  }
0xa0: {  	[sflag:s13] =	ssyncset.done $0x0  }
0xa1: {  	s23 =	rddreg [dreg:$0x8];
	[sflag:s13] =	ssyncadd.s32 $0xFFFFE000  }
0xa2: {  	[spmem:s23] =	stream.linear.scatter [tilespmem:s22], [sflag:$0x11], $0x2000, $0x38;
	[tilespmem:$0x1EC00] =	vst v63  }
0xa3: {  	_ =	swait.ge [sflag:s13], $0x2000  }
0xa4: {  	[sflag:s13] =	ssyncset.done $0x0  }
0xa5: {  	s23 =	rddreg [dreg:$0x9];
	[sflag:s13] =	ssyncadd.s32 $0xFFFFE000  }
0xa6: {  	[spmem:s23] =	stream.linear.scatter [tilespmem:s22], [sflag:$0x11], $0x2000, $0x38;
	[tilespmem:$0x1EC00] =	vst v63  }
0xa7: {  	_ =	swait.ge [sflag:s13], $0x2000  }
0xa8: {  	[sflag:s13] =	ssyncset.done $0x0  }
0xa9: {  	s23 =	rddreg [dreg:$0xa];
	[sflag:s13] =	ssyncadd.s32 $0xFFFFE000  }
0xaa: {  	[spmem:s23] =	stream.linear.scatter [tilespmem:s22], [sflag:$0x11], $0x2000, $0x38;
	[tilespmem:$0x1EC00] =	vst v63  }
0xab: {  	_ =	swait.ge [sflag:s13], $0x2000  }
0xac: {  	s23 =	simm.s32 $0xA000;
	[sflag:s13] =	ssyncset.done $0x0  }
0xad: {  	s3 =	rddreg [dreg:$0xb];
	[sflag:s13] =	ssyncadd.s32 $0xFFFFE000;
	s13 =	simm.s32 $0x0  }
0xae: {  	[tilespmem:s23], [sflag:$0x11] =	stream.linear.gather [hbm4b:s3+s13], $0x2600, $0x38;
	[tilespmem:$0x1EC00] =	vst v63  }
0xaf: {  	s13 =	simm.s32 $0x11  }
0xb0: {  	_ =	swait.ge [sflag:s13], $0x2600  }
0xb1: {  	s23 =	simm.s32 $0xC600;
	[sflag:s13] =	ssyncset.done $0x0  }
0xb2: {  	s3 =	rddreg [dreg:$0xc];
	[sflag:s13] =	ssyncadd.s32 $0xFFFFDA00;
	s13 =	simm.s32 $0x0  }
0xb3: {  	[tilespmem:s23], [sflag:$0x11] =	stream.linear.gather [hbm4b:s3+s13], $0x2600, $0x38;
	[tilespmem:$0x1EC00] =	vst v63  }
0xb4: {  	s23 =	simm.s32 $0x11  }
.Ltmp2:
0xb5: {  	_ =	swait.ge [sflag:s23], $0x2600;
	(pc) =	sbr.rel @p0 .LBB2_5-.Ltmp2, $4  }
0xb6: {  	[sflag:s23] =	ssyncset.done $0x0  }
0xb7: {  	[sflag:s23] =	ssyncadd.s32 $0xFFFFDA00  }
0xb8: {  	[bflag:$0x0] =	sbarrier.arrive $0xFFFF  }
0xb9: {  	s3 =	simm.s32 $0xA000  }
0xba: {  	[tilespmem:s22], [sflag:$0x1] =	stream.indirect.gather [hbm4b:s4+s26], $0x80, s3, s26, $0xb8;
	[tilespmem:$0x1EC00] =	vst v63  }
0xbb: {  	s13 =	simm.s32 $0xA040  }
0xbc: {  	[tilespmem:s29], [sflag:$0x2] =	stream.indirect.gather [hbm4b:s4+s26], $0x80, s13, s26, $0xb8;
	[tilespmem:$0x1EC00] =	vst v63  }
0xbd: {  	s23 =	simm.s32 $0xA080  }
0xbe: {  	[tilespmem:s31], [sflag:$0x3] =	stream.indirect.gather [hbm4b:s4+s26], $0x80, s23, s26, $0xb8;
	[tilespmem:$0x1EC00] =	vst v63  }
0xbf: {  	s13 =	simm.s32 $0xA0C0  }
0xc0: {  	[tilespmem:s0], [sflag:$0x4] =	stream.indirect.gather [hbm4b:s4+s26], $0x80, s13, s26, $0xb8;
	[tilespmem:$0x1EC00] =	vst v63  }
0xc1: {  	s23 =	simm.s32 $0xA100  }
0xc2: {  	[tilespmem:s28], [sflag:$0x5] =	stream.indirect.gather [hbm4b:s4+s26], $0x80, s23, s26, $0xb8;
	[tilespmem:$0x1EC00] =	vst v63  }
0xc3: {  	s13 =	simm.s32 $0xA140  }
0xc4: {  	[tilespmem:s30], [sflag:$0x6] =	stream.indirect.gather [hbm4b:s4+s26], $0x80, s13, s26, $0xb8;
	[tilespmem:$0x1EC00] =	vst v63  }
0xc5: {  	s23 =	simm.s32 $0xA180  }
0xc6: {  	[tilespmem:s1], [sflag:$0x7] =	stream.indirect.gather [hbm4b:s4+s26], $0x80, s23, s26, $0xb8;
	[tilespmem:$0x1EC00] =	vst v63  }
0xc7: {  	s13 =	simm.s32 $0xA1C0  }
0xc8: {  	[tilespmem:s7], [sflag:$0x8] =	stream.indirect.gather [hbm4b:s4+s26], $0x80, s13, s26, $0xb8;
	[tilespmem:$0x1EC00] =	vst v63  }
0xc9: {  	_ =	swait.ge [sflag:s8], $0x2000  }
0xca: {  	[sflag:s8] =	ssyncset.done $0x0  }
0xcb: {  	s23 =	simm.s32 $0xC600;
	[sflag:s8] =	ssyncadd.s32 $0xFFFFE000  }
0xcc: {  	[spmem:s2] =	stream.indirect.scatter.add.f32 [tilespmem:s22], [sflag:$0x9], $0x80, s23, s26, $0xb8;
	[tilespmem:$0x1EC00] =	vst v63  }
0xcd: {  	_ =	swait.ge [sflag:s25], $0x2000  }
0xce: {  	[sflag:s25] =	ssyncset.done $0x0  }
0xcf: {  	s13 =	simm.s32 $0xC640;
	[sflag:s25] =	ssyncadd.s32 $0xFFFFE000  }
0xd0: {  	[spmem:s2] =	stream.indirect.scatter.add.f32 [tilespmem:s29], [sflag:$0xA], $0x80, s13, s26, $0xb8;
	[tilespmem:$0x1EC00] =	vst v63  }
0xd1: {  	_ =	swait.ge [sflag:s6], $0x2000  }
0xd2: {  	[sflag:s6] =	ssyncset.done $0x0  }
0xd3: {  	s23 =	simm.s32 $0xC680;
	[sflag:s6] =	ssyncadd.s32 $0xFFFFE000  }
0xd4: {  	[spmem:s2] =	stream.indirect.scatter.add.f32 [tilespmem:s31], [sflag:$0xB], $0x80, s23, s26, $0xb8;
	[tilespmem:$0x1EC00] =	vst v63  }
0xd5: {  	_ =	swait.ge [sflag:s14], $0x2000  }
0xd6: {  	[sflag:s14] =	ssyncset.done $0x0  }
0xd7: {  	s13 =	simm.s32 $0xC6C0;
	[sflag:s14] =	ssyncadd.s32 $0xFFFFE000  }
0xd8: {  	[spmem:s2] =	stream.indirect.scatter.add.f32 [tilespmem:s0], [sflag:$0xC], $0x80, s13, s26, $0xb8;
	[tilespmem:$0x1EC00] =	vst v63  }
0xd9: {  	_ =	swait.ge [sflag:s24], $0x2000  }
0xda: {  	[sflag:s24] =	ssyncset.done $0x0  }
0xdb: {  	s23 =	simm.s32 $0xC700;
	[sflag:s24] =	ssyncadd.s32 $0xFFFFE000  }
0xdc: {  	[spmem:s2] =	stream.indirect.scatter.add.f32 [tilespmem:s28], [sflag:$0xD], $0x80, s23, s26, $0xb8;
	[tilespmem:$0x1EC00] =	vst v63  }
0xdd: {  	_ =	swait.ge [sflag:s15], $0x2000  }
0xde: {  	[sflag:s15] =	ssyncset.done $0x0  }
0xdf: {  	s13 =	simm.s32 $0xC740;
	[sflag:s15] =	ssyncadd.s32 $0xFFFFE000  }
0xe0: {  	[spmem:s2] =	stream.indirect.scatter.add.f32 [tilespmem:s30], [sflag:$0xE], $0x80, s13, s26, $0xb8;
	[tilespmem:$0x1EC00] =	vst v63  }
0xe1: {  	_ =	swait.ge [sflag:s16], $0x2000  }
0xe2: {  	[sflag:s16] =	ssyncset.done $0x0  }
0xe3: {  	s23 =	simm.s32 $0xC780;
	[sflag:s16] =	ssyncadd.s32 $0xFFFFE000  }
0xe4: {  	[spmem:s2] =	stream.indirect.scatter.add.f32 [tilespmem:s1], [sflag:$0xF], $0x80, s23, s26, $0xb8;
	[tilespmem:$0x1EC00] =	vst v63  }
0xe5: {  	_ =	swait.ge [sflag:s17], $0x2000  }
0xe6: {  	[sflag:s17] =	ssyncset.done $0x0  }
0xe7: {  	s13 =	simm.s32 $0xC7C0;
	[sflag:s17] =	ssyncadd.s32 $0xFFFFE000  }
0xe8: {  	[spmem:s2] =	stream.indirect.scatter.add.f32 [tilespmem:s7], [sflag:$0x10], $0x80, s13, s26, $0xb8;
	[tilespmem:$0x1EC00] =	vst v63  }
0xe9: {  	_ =	swait.ge [sflag:s18], $0x2000  }
0xea: {  	[sflag:s18] =	ssyncset.done $0x0  }
0xeb: {  	[sflag:s18] =	ssyncadd.s32 $0xFFFFE000  }
0xec: {  	_ =	swait.ge [sflag:s19], $0x2000  }
0xed: {  	[sflag:s19] =	ssyncset.done $0x0  }
0xee: {  	[sflag:s19] =	ssyncadd.s32 $0xFFFFE000  }
0xef: {  	_ =	swait.ge [sflag:s20], $0x2000  }
0xf0: {  	[sflag:s20] =	ssyncset.done $0x0  }
0xf1: {  	[sflag:s20] =	ssyncadd.s32 $0xFFFFE000  }
0xf2: {  	_ =	swait.ge [sflag:s21], $0x2000  }
0xf3: {  	[sflag:s21] =	ssyncset.done $0x0  }
0xf4: {  	[sflag:s21] =	ssyncadd.s32 $0xFFFFE000  }
0xf5: {  	_ =	swait.ge [sflag:s9], $0x2000  }
0xf6: {  	[sflag:s9] =	ssyncset.done $0x0  }
0xf7: {  	[sflag:s9] =	ssyncadd.s32 $0xFFFFE000  }
0xf8: {  	_ =	swait.ge [sflag:s10], $0x2000  }
0xf9: {  	[sflag:s10] =	ssyncset.done $0x0  }
0xfa: {  	[sflag:s10] =	ssyncadd.s32 $0xFFFFE000  }
0xfb: {  	_ =	swait.ge [sflag:s11], $0x2000  }
0xfc: {  	[sflag:s11] =	ssyncset.done $0x0  }
0xfd: {  	[sflag:s11] =	ssyncadd.s32 $0xFFFFE000  }
0xfe: {  	_ =	swait.ge [sflag:s12], $0x2000  }
0xff: {  	[sflag:s12] =	ssyncset.done $0x0  }
0x100: {  	s23 =	simm.s32 $0xA200;
	[sflag:s12] =	ssyncadd.s32 $0xFFFFE000  }
0x101: {  	[tilespmem:s22], [sflag:$0x1] =	stream.indirect.gather [hbm4b:s4+s26], $0x80, s23, s26, $0xb8;
	[tilespmem:$0x1EC00] =	vst v63  }
0x102: {  	s13 =	simm.s32 $0xA240  }
0x103: {  	[tilespmem:s29], [sflag:$0x2] =	stream.indirect.gather [hbm4b:s4+s26], $0x80, s13, s26, $0xb8;
	[tilespmem:$0x1EC00] =	vst v63  }
0x104: {  	s23 =	simm.s32 $0xA280  }
0x105: {  	[tilespmem:s31], [sflag:$0x3] =	stream.indirect.gather [hbm4b:s4+s26], $0x80, s23, s26, $0xb8;
	[tilespmem:$0x1EC00] =	vst v63  }
0x106: {  	s13 =	simm.s32 $0xA2C0  }
0x107: {  	[tilespmem:s0], [sflag:$0x4] =	stream.indirect.gather [hbm4b:s4+s26], $0x80, s13, s26, $0xb8;
	[tilespmem:$0x1EC00] =	vst v63  }
0x108: {  	s23 =	simm.s32 $0xA300  }
0x109: {  	[tilespmem:s28], [sflag:$0x5] =	stream.indirect.gather [hbm4b:s4+s26], $0x80, s23, s26, $0xb8;
	[tilespmem:$0x1EC00] =	vst v63  }
0x10a: {  	s13 =	simm.s32 $0xA340  }
0x10b: {  	[tilespmem:s30], [sflag:$0x6] =	stream.indirect.gather [hbm4b:s4+s26], $0x80, s13, s26, $0xb8;
	[tilespmem:$0x1EC00] =	vst v63  }
0x10c: {  	s3 =	simm.s32 $0x800;
	s23 =	simm.s32 $0xA380;
	s13 =	simm.s32 $0xA3C0  }
0x10d: {  	[tilespmem:s1], [sflag:$0x7] =	stream.indirect.gather [hbm4b:s4+s26], $0x80, s23, s26, $0xb8;
	[tilespmem:$0x1EC00] =	vst v63  }
.LBB2_3:
0x10e: {  	[tilespmem:s7], [sflag:$0x8] =	stream.indirect.gather [hbm4b:s4+s26], $0x80, s13, s26, $0xb8;
	[tilespmem:$0x1EC00] =	vst v63  }
0x10f: {  	s13 =	smov.u32 s3  }
0x110: {  	p1 =	seq.s32 s3, $0x8800;
	s3 =	sadd.s32 $0x800, s3;
	_ =	swait.ge [sflag:s8], $0x2000  }
0x111: {  	s13 =	sshra.s32 s13, $0x2;
	[sflag:s8] =	ssyncset.done $0x0  }
0x112: {  	s23 =	sadd.s32 $0xC600, s13;
	[sflag:s8] =	ssyncadd.s32 $0xFFFFE000  }
0x113: {  	[spmem:s2] =	stream.indirect.scatter.add.f32 [tilespmem:s22], [sflag:$0x9], $0x80, s23, s26, $0xb8;
	[tilespmem:$0x1EC00] =	vst v63  }
0x114: {  	_ =	swait.ge [sflag:s25], $0x2000  }
0x115: {  	[sflag:s25] =	ssyncset.done $0x0  }
0x116: {  	s23 =	sadd.s32 $0xC640, s13;
	[sflag:s25] =	ssyncadd.s32 $0xFFFFE000  }
0x117: {  	[spmem:s2] =	stream.indirect.scatter.add.f32 [tilespmem:s29], [sflag:$0xA], $0x80, s23, s26, $0xb8;
	[tilespmem:$0x1EC00] =	vst v63  }
0x118: {  	_ =	swait.ge [sflag:s6], $0x2000  }
0x119: {  	[sflag:s6] =	ssyncset.done $0x0  }
0x11a: {  	s23 =	sadd.s32 $0xC680, s13;
	[sflag:s6] =	ssyncadd.s32 $0xFFFFE000  }
0x11b: {  	[spmem:s2] =	stream.indirect.scatter.add.f32 [tilespmem:s31], [sflag:$0xB], $0x80, s23, s26, $0xb8;
	[tilespmem:$0x1EC00] =	vst v63  }
0x11c: {  	_ =	swait.ge [sflag:s14], $0x2000  }
0x11d: {  	[sflag:s14] =	ssyncset.done $0x0  }
0x11e: {  	s23 =	sadd.s32 $0xC6C0, s13;
	[sflag:s14] =	ssyncadd.s32 $0xFFFFE000  }
0x11f: {  	[spmem:s2] =	stream.indirect.scatter.add.f32 [tilespmem:s0], [sflag:$0xC], $0x80, s23, s26, $0xb8;
	[tilespmem:$0x1EC00] =	vst v63  }
0x120: {  	_ =	swait.ge [sflag:s24], $0x2000  }
0x121: {  	[sflag:s24] =	ssyncset.done $0x0  }
0x122: {  	s23 =	sadd.s32 $0xC700, s13;
	[sflag:s24] =	ssyncadd.s32 $0xFFFFE000  }
0x123: {  	[spmem:s2] =	stream.indirect.scatter.add.f32 [tilespmem:s28], [sflag:$0xD], $0x80, s23, s26, $0xb8;
	[tilespmem:$0x1EC00] =	vst v63  }
0x124: {  	_ =	swait.ge [sflag:s15], $0x2000  }
0x125: {  	[sflag:s15] =	ssyncset.done $0x0  }
0x126: {  	s23 =	sadd.s32 $0xC740, s13;
	[sflag:s15] =	ssyncadd.s32 $0xFFFFE000  }
0x127: {  	[spmem:s2] =	stream.indirect.scatter.add.f32 [tilespmem:s30], [sflag:$0xE], $0x80, s23, s26, $0xb8;
	[tilespmem:$0x1EC00] =	vst v63  }
0x128: {  	_ =	swait.ge [sflag:s16], $0x2000  }
0x129: {  	[sflag:s16] =	ssyncset.done $0x0  }
0x12a: {  	s23 =	sadd.s32 $0xC780, s13;
	[sflag:s16] =	ssyncadd.s32 $0xFFFFE000  }
0x12b: {  	[spmem:s2] =	stream.indirect.scatter.add.f32 [tilespmem:s1], [sflag:$0xF], $0x80, s23, s26, $0xb8;
	[tilespmem:$0x1EC00] =	vst v63  }
0x12c: {  	_ =	swait.ge [sflag:s17], $0x2000  }
0x12d: {  	[sflag:s17] =	ssyncset.done $0x0  }
0x12e: {  	s23 =	sadd.s32 $0xC7C0, s13;
	[sflag:s17] =	ssyncadd.s32 $0xFFFFE000  }
0x12f: {  	[spmem:s2] =	stream.indirect.scatter.add.f32 [tilespmem:s7], [sflag:$0x10], $0x80, s23, s26, $0xb8;
	[tilespmem:$0x1EC00] =	vst v63  }
0x130: {  	_ =	swait.ge [sflag:s18], $0x2000  }
0x131: {  	[sflag:s18] =	ssyncset.done $0x0  }
0x132: {  	[sflag:s18] =	ssyncadd.s32 $0xFFFFE000  }
0x133: {  	_ =	swait.ge [sflag:s19], $0x2000  }
0x134: {  	[sflag:s19] =	ssyncset.done $0x0  }
0x135: {  	[sflag:s19] =	ssyncadd.s32 $0xFFFFE000  }
0x136: {  	_ =	swait.ge [sflag:s20], $0x2000  }
0x137: {  	[sflag:s20] =	ssyncset.done $0x0  }
0x138: {  	[sflag:s20] =	ssyncadd.s32 $0xFFFFE000  }
0x139: {  	_ =	swait.ge [sflag:s21], $0x2000  }
0x13a: {  	[sflag:s21] =	ssyncset.done $0x0  }
0x13b: {  	[sflag:s21] =	ssyncadd.s32 $0xFFFFE000  }
0x13c: {  	_ =	swait.ge [sflag:s9], $0x2000  }
0x13d: {  	[sflag:s9] =	ssyncset.done $0x0  }
0x13e: {  	[sflag:s9] =	ssyncadd.s32 $0xFFFFE000  }
0x13f: {  	_ =	swait.ge [sflag:s10], $0x2000  }
0x140: {  	[sflag:s10] =	ssyncset.done $0x0  }
0x141: {  	[sflag:s10] =	ssyncadd.s32 $0xFFFFE000  }
0x142: {  	_ =	swait.ge [sflag:s11], $0x2000  }
0x143: {  	[sflag:s11] =	ssyncset.done $0x0  }
0x144: {  	[sflag:s11] =	ssyncadd.s32 $0xFFFFE000  }
0x145: {  	_ =	swait.ge [sflag:s12], $0x2000  }
0x146: {  	[sflag:s12] =	ssyncset.done $0x0  }
0x147: {  	s23 =	sadd.s32 $0xA200, s13;
	[sflag:s12] =	ssyncadd.s32 $0xFFFFE000  }
0x148: {  	[tilespmem:s22], [sflag:$0x1] =	stream.indirect.gather [hbm4b:s4+s26], $0x80, s23, s26, $0xb8;
	[tilespmem:$0x1EC00] =	vst v63  }
0x149: {  	s23 =	sadd.s32 $0xA240, s13  }
0x14a: {  	[tilespmem:s29], [sflag:$0x2] =	stream.indirect.gather [hbm4b:s4+s26], $0x80, s23, s26, $0xb8;
	[tilespmem:$0x1EC00] =	vst v63  }
0x14b: {  	s23 =	sadd.s32 $0xA280, s13  }
0x14c: {  	[tilespmem:s31], [sflag:$0x3] =	stream.indirect.gather [hbm4b:s4+s26], $0x80, s23, s26, $0xb8;
	[tilespmem:$0x1EC00] =	vst v63  }
0x14d: {  	s23 =	sadd.s32 $0xA2C0, s13  }
0x14e: {  	[tilespmem:s0], [sflag:$0x4] =	stream.indirect.gather [hbm4b:s4+s26], $0x80, s23, s26, $0xb8;
	[tilespmem:$0x1EC00] =	vst v63  }
0x14f: {  	s23 =	sadd.s32 $0xA300, s13  }
0x150: {  	[tilespmem:s28], [sflag:$0x5] =	stream.indirect.gather [hbm4b:s4+s26], $0x80, s23, s26, $0xb8;
	[tilespmem:$0x1EC00] =	vst v63  }
.Ltmp3:
0x151: {  	s23 =	sadd.s32 $0xA340, s13;
	(pc) =	sbr.rel @!p1 .LBB2_3-.Ltmp3, $4  }
0x152: {  	[tilespmem:s30], [sflag:$0x6] =	stream.indirect.gather [hbm4b:s4+s26], $0x80, s23, s26, $0xb8;
	[tilespmem:$0x1EC00] =	vst v63  }
0x153: {  	s23 =	sadd.s32 $0xA380, s13  }
0x154: {  	[tilespmem:s1], [sflag:$0x7] =	stream.indirect.gather [hbm4b:s4+s26], $0x80, s23, s26, $0xb8;
	[tilespmem:$0x1EC00] =	vst v63  }
0x155: {  	s13 =	sadd.s32 $0xA3C0, s13  }
.Ltmp4:
0x156: {  	(pc) =	sbr.rel .LBB2_8-.Ltmp4, $4  }
0x157: {  	_ = 	snop  }
0x158: {  	[tilespmem:s7], [sflag:$0x8] =	stream.indirect.gather [hbm4b:s4+s26], $0x80, s13, s26, $0xb8;
	[tilespmem:$0x1EC00] =	vst v63  }
0x159: {  	s3 =	rddreg [dreg:$0x4]  }
0x15a: {  	[dreg:$0x14] =	wrdreg s3  }
.LBB2_5:
0x15b: {  	[tilespmem:s22], [sflag:$0x1] =	stream.indirect.gather [hbm4b:s5+s26], $0x80, s3, s26, $0xb8;
	[tilespmem:$0x1EC00] =	vst v63  }
0x15c: {  	s13 =	simm.s32 $0xA040  }
0x15d: {  	[tilespmem:s29], [sflag:$0x2] =	stream.indirect.gather [hbm4b:s5+s26], $0x80, s13, s26, $0xb8;
	[tilespmem:$0x1EC00] =	vst v63  }
0x15e: {  	s23 =	simm.s32 $0xA080  }
0x15f: {  	[tilespmem:s31], [sflag:$0x3] =	stream.indirect.gather [hbm4b:s5+s26], $0x80, s23, s26, $0xb8;
	[tilespmem:$0x1EC00] =	vst v63  }
0x160: {  	s13 =	simm.s32 $0xA0C0  }
0x161: {  	[tilespmem:s0], [sflag:$0x4] =	stream.indirect.gather [hbm4b:s5+s26], $0x80, s13, s26, $0xb8;
	[tilespmem:$0x1EC00] =	vst v63  }
0x162: {  	s23 =	simm.s32 $0xA100  }
0x163: {  	[tilespmem:s28], [sflag:$0x5] =	stream.indirect.gather [hbm4b:s5+s26], $0x80, s23, s26, $0xb8;
	[tilespmem:$0x1EC00] =	vst v63  }
0x164: {  	s13 =	simm.s32 $0xA140  }
0x165: {  	[tilespmem:s30], [sflag:$0x6] =	stream.indirect.gather [hbm4b:s5+s26], $0x80, s13, s26, $0xb8;
	[tilespmem:$0x1EC00] =	vst v63  }
0x166: {  	s23 =	simm.s32 $0xA180  }
0x167: {  	[tilespmem:s1], [sflag:$0x7] =	stream.indirect.gather [hbm4b:s5+s26], $0x80, s23, s26, $0xb8;
	[tilespmem:$0x1EC00] =	vst v63  }
0x168: {  	s13 =	simm.s32 $0xA1C0  }
0x169: {  	[tilespmem:s7], [sflag:$0x8] =	stream.indirect.gather [hbm4b:s5+s26], $0x80, s13, s26, $0xb8;
	[tilespmem:$0x1EC00] =	vst v63  }
0x16a: {  	_ =	swait.ge [sflag:s8], $0x2000  }
0x16b: {  	[sflag:s8] =	ssyncset.done $0x0  }
0x16c: {  	s23 =	simm.s32 $0xC600;
	[sflag:s8] =	ssyncadd.s32 $0xFFFFE000  }
0x16d: {  	[spmem:s2] =	stream.indirect.scatter.add.f32 [tilespmem:s22], [sflag:$0x9], $0x80, s23, s26, $0xb8;
	[tilespmem:$0x1EC00] =	vst v63  }
0x16e: {  	_ =	swait.ge [sflag:s25], $0x2000  }
0x16f: {  	[sflag:s25] =	ssyncset.done $0x0  }
0x170: {  	s13 =	simm.s32 $0xC640;
	[sflag:s25] =	ssyncadd.s32 $0xFFFFE000  }
0x171: {  	[spmem:s2] =	stream.indirect.scatter.add.f32 [tilespmem:s29], [sflag:$0xA], $0x80, s13, s26, $0xb8;
	[tilespmem:$0x1EC00] =	vst v63  }
0x172: {  	_ =	swait.ge [sflag:s6], $0x2000  }
0x173: {  	[sflag:s6] =	ssyncset.done $0x0  }
0x174: {  	s23 =	simm.s32 $0xC680;
	[sflag:s6] =	ssyncadd.s32 $0xFFFFE000  }
0x175: {  	[spmem:s2] =	stream.indirect.scatter.add.f32 [tilespmem:s31], [sflag:$0xB], $0x80, s23, s26, $0xb8;
	[tilespmem:$0x1EC00] =	vst v63  }
0x176: {  	_ =	swait.ge [sflag:s14], $0x2000  }
0x177: {  	[sflag:s14] =	ssyncset.done $0x0  }
0x178: {  	s13 =	simm.s32 $0xC6C0;
	[sflag:s14] =	ssyncadd.s32 $0xFFFFE000  }
0x179: {  	[spmem:s2] =	stream.indirect.scatter.add.f32 [tilespmem:s0], [sflag:$0xC], $0x80, s13, s26, $0xb8;
	[tilespmem:$0x1EC00] =	vst v63  }
0x17a: {  	_ =	swait.ge [sflag:s24], $0x2000  }
0x17b: {  	[sflag:s24] =	ssyncset.done $0x0  }
0x17c: {  	s23 =	simm.s32 $0xC700;
	[sflag:s24] =	ssyncadd.s32 $0xFFFFE000  }
0x17d: {  	[spmem:s2] =	stream.indirect.scatter.add.f32 [tilespmem:s28], [sflag:$0xD], $0x80, s23, s26, $0xb8;
	[tilespmem:$0x1EC00] =	vst v63  }
0x17e: {  	_ =	swait.ge [sflag:s15], $0x2000  }
0x17f: {  	[sflag:s15] =	ssyncset.done $0x0  }
0x180: {  	s13 =	simm.s32 $0xC740;
	[sflag:s15] =	ssyncadd.s32 $0xFFFFE000  }
0x181: {  	[spmem:s2] =	stream.indirect.scatter.add.f32 [tilespmem:s30], [sflag:$0xE], $0x80, s13, s26, $0xb8;
	[tilespmem:$0x1EC00] =	vst v63  }
0x182: {  	_ =	swait.ge [sflag:s16], $0x2000  }
0x183: {  	[sflag:s16] =	ssyncset.done $0x0  }
0x184: {  	s23 =	simm.s32 $0xC780;
	[sflag:s16] =	ssyncadd.s32 $0xFFFFE000  }
0x185: {  	[spmem:s2] =	stream.indirect.scatter.add.f32 [tilespmem:s1], [sflag:$0xF], $0x80, s23, s26, $0xb8;
	[tilespmem:$0x1EC00] =	vst v63  }
0x186: {  	_ =	swait.ge [sflag:s17], $0x2000  }
0x187: {  	[sflag:s17] =	ssyncset.done $0x0  }
0x188: {  	s13 =	simm.s32 $0xC7C0;
	[sflag:s17] =	ssyncadd.s32 $0xFFFFE000  }
0x189: {  	[spmem:s2] =	stream.indirect.scatter.add.f32 [tilespmem:s7], [sflag:$0x10], $0x80, s13, s26, $0xb8;
	[tilespmem:$0x1EC00] =	vst v63  }
0x18a: {  	_ =	swait.ge [sflag:s18], $0x2000  }
0x18b: {  	[sflag:s18] =	ssyncset.done $0x0  }
0x18c: {  	[sflag:s18] =	ssyncadd.s32 $0xFFFFE000  }
0x18d: {  	_ =	swait.ge [sflag:s19], $0x2000  }
0x18e: {  	[sflag:s19] =	ssyncset.done $0x0  }
0x18f: {  	[sflag:s19] =	ssyncadd.s32 $0xFFFFE000  }
0x190: {  	_ =	swait.ge [sflag:s20], $0x2000  }
0x191: {  	[sflag:s20] =	ssyncset.done $0x0  }
0x192: {  	[sflag:s20] =	ssyncadd.s32 $0xFFFFE000  }
0x193: {  	_ =	swait.ge [sflag:s21], $0x2000  }
0x194: {  	[sflag:s21] =	ssyncset.done $0x0  }
0x195: {  	[sflag:s21] =	ssyncadd.s32 $0xFFFFE000  }
0x196: {  	_ =	swait.ge [sflag:s9], $0x2000  }
0x197: {  	[sflag:s9] =	ssyncset.done $0x0  }
0x198: {  	[sflag:s9] =	ssyncadd.s32 $0xFFFFE000  }
0x199: {  	_ =	swait.ge [sflag:s10], $0x2000  }
0x19a: {  	[sflag:s10] =	ssyncset.done $0x0  }
0x19b: {  	[sflag:s10] =	ssyncadd.s32 $0xFFFFE000  }
0x19c: {  	_ =	swait.ge [sflag:s11], $0x2000  }
0x19d: {  	[sflag:s11] =	ssyncset.done $0x0  }
0x19e: {  	[sflag:s11] =	ssyncadd.s32 $0xFFFFE000  }
0x19f: {  	_ =	swait.ge [sflag:s12], $0x2000  }
0x1a0: {  	[sflag:s12] =	ssyncset.done $0x0  }
0x1a1: {  	s23 =	simm.s32 $0xA200;
	[sflag:s12] =	ssyncadd.s32 $0xFFFFE000  }
0x1a2: {  	[tilespmem:s22], [sflag:$0x1] =	stream.indirect.gather [hbm4b:s5+s26], $0x80, s23, s26, $0xb8;
	[tilespmem:$0x1EC00] =	vst v63  }
0x1a3: {  	s13 =	simm.s32 $0xA240  }
0x1a4: {  	[tilespmem:s29], [sflag:$0x2] =	stream.indirect.gather [hbm4b:s5+s26], $0x80, s13, s26, $0xb8;
	[tilespmem:$0x1EC00] =	vst v63  }
0x1a5: {  	s23 =	simm.s32 $0xA280  }
0x1a6: {  	[tilespmem:s31], [sflag:$0x3] =	stream.indirect.gather [hbm4b:s5+s26], $0x80, s23, s26, $0xb8;
	[tilespmem:$0x1EC00] =	vst v63  }
0x1a7: {  	s13 =	simm.s32 $0xA2C0  }
0x1a8: {  	[tilespmem:s0], [sflag:$0x4] =	stream.indirect.gather [hbm4b:s5+s26], $0x80, s13, s26, $0xb8;
	[tilespmem:$0x1EC00] =	vst v63  }
0x1a9: {  	s23 =	simm.s32 $0xA300  }
0x1aa: {  	[tilespmem:s28], [sflag:$0x5] =	stream.indirect.gather [hbm4b:s5+s26], $0x80, s23, s26, $0xb8;
	[tilespmem:$0x1EC00] =	vst v63  }
0x1ab: {  	s13 =	simm.s32 $0xA340  }
0x1ac: {  	[tilespmem:s30], [sflag:$0x6] =	stream.indirect.gather [hbm4b:s5+s26], $0x80, s13, s26, $0xb8;
	[tilespmem:$0x1EC00] =	vst v63  }
0x1ad: {  	s3 =	simm.s32 $0x800;
	s23 =	simm.s32 $0xA380;
	s13 =	simm.s32 $0xA3C0  }
0x1ae: {  	[tilespmem:s1], [sflag:$0x7] =	stream.indirect.gather [hbm4b:s5+s26], $0x80, s23, s26, $0xb8;
	[tilespmem:$0x1EC00] =	vst v63  }
.LBB2_6:
0x1af: {  	[tilespmem:s7], [sflag:$0x8] =	stream.indirect.gather [hbm4b:s5+s26], $0x80, s13, s26, $0xb8;
	[tilespmem:$0x1EC00] =	vst v63  }
0x1b0: {  	s13 =	smov.u32 s3  }
0x1b1: {  	p1 =	sne.s32 s3, $0x8800;
	s3 =	sadd.s32 $0x800, s3;
	_ =	swait.ge [sflag:s8], $0x2000  }
0x1b2: {  	s13 =	sshra.s32 s13, $0x2;
	[sflag:s8] =	ssyncset.done $0x0  }
0x1b3: {  	s23 =	sadd.s32 $0xC600, s13;
	[sflag:s8] =	ssyncadd.s32 $0xFFFFE000  }
0x1b4: {  	[spmem:s2] =	stream.indirect.scatter.add.f32 [tilespmem:s22], [sflag:$0x9], $0x80, s23, s26, $0xb8;
	[tilespmem:$0x1EC00] =	vst v63  }
0x1b5: {  	_ =	swait.ge [sflag:s25], $0x2000  }
0x1b6: {  	[sflag:s25] =	ssyncset.done $0x0  }
0x1b7: {  	s23 =	sadd.s32 $0xC640, s13;
	[sflag:s25] =	ssyncadd.s32 $0xFFFFE000  }
0x1b8: {  	[spmem:s2] =	stream.indirect.scatter.add.f32 [tilespmem:s29], [sflag:$0xA], $0x80, s23, s26, $0xb8;
	[tilespmem:$0x1EC00] =	vst v63  }
0x1b9: {  	_ =	swait.ge [sflag:s6], $0x2000  }
0x1ba: {  	[sflag:s6] =	ssyncset.done $0x0  }
0x1bb: {  	s23 =	sadd.s32 $0xC680, s13;
	[sflag:s6] =	ssyncadd.s32 $0xFFFFE000  }
0x1bc: {  	[spmem:s2] =	stream.indirect.scatter.add.f32 [tilespmem:s31], [sflag:$0xB], $0x80, s23, s26, $0xb8;
	[tilespmem:$0x1EC00] =	vst v63  }
0x1bd: {  	_ =	swait.ge [sflag:s14], $0x2000  }
0x1be: {  	[sflag:s14] =	ssyncset.done $0x0  }
0x1bf: {  	s23 =	sadd.s32 $0xC6C0, s13;
	[sflag:s14] =	ssyncadd.s32 $0xFFFFE000  }
0x1c0: {  	[spmem:s2] =	stream.indirect.scatter.add.f32 [tilespmem:s0], [sflag:$0xC], $0x80, s23, s26, $0xb8;
	[tilespmem:$0x1EC00] =	vst v63  }
0x1c1: {  	_ =	swait.ge [sflag:s24], $0x2000  }
0x1c2: {  	[sflag:s24] =	ssyncset.done $0x0  }
0x1c3: {  	s23 =	sadd.s32 $0xC700, s13;
	[sflag:s24] =	ssyncadd.s32 $0xFFFFE000  }
0x1c4: {  	[spmem:s2] =	stream.indirect.scatter.add.f32 [tilespmem:s28], [sflag:$0xD], $0x80, s23, s26, $0xb8;
	[tilespmem:$0x1EC00] =	vst v63  }
0x1c5: {  	_ =	swait.ge [sflag:s15], $0x2000  }
0x1c6: {  	[sflag:s15] =	ssyncset.done $0x0  }
0x1c7: {  	s23 =	sadd.s32 $0xC740, s13;
	[sflag:s15] =	ssyncadd.s32 $0xFFFFE000  }
0x1c8: {  	[spmem:s2] =	stream.indirect.scatter.add.f32 [tilespmem:s30], [sflag:$0xE], $0x80, s23, s26, $0xb8;
	[tilespmem:$0x1EC00] =	vst v63  }
0x1c9: {  	_ =	swait.ge [sflag:s16], $0x2000  }
0x1ca: {  	[sflag:s16] =	ssyncset.done $0x0  }
0x1cb: {  	s23 =	sadd.s32 $0xC780, s13;
	[sflag:s16] =	ssyncadd.s32 $0xFFFFE000  }
0x1cc: {  	[spmem:s2] =	stream.indirect.scatter.add.f32 [tilespmem:s1], [sflag:$0xF], $0x80, s23, s26, $0xb8;
	[tilespmem:$0x1EC00] =	vst v63  }
0x1cd: {  	_ =	swait.ge [sflag:s17], $0x2000  }
0x1ce: {  	[sflag:s17] =	ssyncset.done $0x0  }
0x1cf: {  	s23 =	sadd.s32 $0xC7C0, s13;
	[sflag:s17] =	ssyncadd.s32 $0xFFFFE000  }
0x1d0: {  	[spmem:s2] =	stream.indirect.scatter.add.f32 [tilespmem:s7], [sflag:$0x10], $0x80, s23, s26, $0xb8;
	[tilespmem:$0x1EC00] =	vst v63  }
0x1d1: {  	_ =	swait.ge [sflag:s18], $0x2000  }
0x1d2: {  	[sflag:s18] =	ssyncset.done $0x0  }
0x1d3: {  	[sflag:s18] =	ssyncadd.s32 $0xFFFFE000  }
0x1d4: {  	_ =	swait.ge [sflag:s19], $0x2000  }
0x1d5: {  	[sflag:s19] =	ssyncset.done $0x0  }
0x1d6: {  	[sflag:s19] =	ssyncadd.s32 $0xFFFFE000  }
0x1d7: {  	_ =	swait.ge [sflag:s20], $0x2000  }
0x1d8: {  	[sflag:s20] =	ssyncset.done $0x0  }
0x1d9: {  	[sflag:s20] =	ssyncadd.s32 $0xFFFFE000  }
0x1da: {  	_ =	swait.ge [sflag:s21], $0x2000  }
0x1db: {  	[sflag:s21] =	ssyncset.done $0x0  }
0x1dc: {  	[sflag:s21] =	ssyncadd.s32 $0xFFFFE000  }
0x1dd: {  	_ =	swait.ge [sflag:s9], $0x2000  }
0x1de: {  	[sflag:s9] =	ssyncset.done $0x0  }
0x1df: {  	[sflag:s9] =	ssyncadd.s32 $0xFFFFE000  }
0x1e0: {  	_ =	swait.ge [sflag:s10], $0x2000  }
0x1e1: {  	[sflag:s10] =	ssyncset.done $0x0  }
0x1e2: {  	[sflag:s10] =	ssyncadd.s32 $0xFFFFE000  }
0x1e3: {  	_ =	swait.ge [sflag:s11], $0x2000  }
0x1e4: {  	[sflag:s11] =	ssyncset.done $0x0  }
0x1e5: {  	[sflag:s11] =	ssyncadd.s32 $0xFFFFE000  }
0x1e6: {  	_ =	swait.ge [sflag:s12], $0x2000  }
0x1e7: {  	[sflag:s12] =	ssyncset.done $0x0  }
0x1e8: {  	s23 =	sadd.s32 $0xA200, s13;
	[sflag:s12] =	ssyncadd.s32 $0xFFFFE000  }
0x1e9: {  	[tilespmem:s22], [sflag:$0x1] =	stream.indirect.gather [hbm4b:s5+s26], $0x80, s23, s26, $0xb8;
	[tilespmem:$0x1EC00] =	vst v63  }
0x1ea: {  	s23 =	sadd.s32 $0xA240, s13  }
0x1eb: {  	[tilespmem:s29], [sflag:$0x2] =	stream.indirect.gather [hbm4b:s5+s26], $0x80, s23, s26, $0xb8;
	[tilespmem:$0x1EC00] =	vst v63  }
0x1ec: {  	s23 =	sadd.s32 $0xA280, s13  }
0x1ed: {  	[tilespmem:s31], [sflag:$0x3] =	stream.indirect.gather [hbm4b:s5+s26], $0x80, s23, s26, $0xb8;
	[tilespmem:$0x1EC00] =	vst v63  }
0x1ee: {  	s23 =	sadd.s32 $0xA2C0, s13  }
0x1ef: {  	[tilespmem:s0], [sflag:$0x4] =	stream.indirect.gather [hbm4b:s5+s26], $0x80, s23, s26, $0xb8;
	[tilespmem:$0x1EC00] =	vst v63  }
0x1f0: {  	s23 =	sadd.s32 $0xA300, s13  }
0x1f1: {  	[tilespmem:s28], [sflag:$0x5] =	stream.indirect.gather [hbm4b:s5+s26], $0x80, s23, s26, $0xb8;
	[tilespmem:$0x1EC00] =	vst v63  }
.Ltmp5:
0x1f2: {  	s23 =	sadd.s32 $0xA340, s13;
	(pc) =	sbr.rel @p1 .LBB2_6-.Ltmp5, $4  }
0x1f3: {  	[tilespmem:s30], [sflag:$0x6] =	stream.indirect.gather [hbm4b:s5+s26], $0x80, s23, s26, $0xb8;
	[tilespmem:$0x1EC00] =	vst v63  }
0x1f4: {  	s23 =	sadd.s32 $0xA380, s13  }
0x1f5: {  	[tilespmem:s1], [sflag:$0x7] =	stream.indirect.gather [hbm4b:s5+s26], $0x80, s23, s26, $0xb8;
	[tilespmem:$0x1EC00] =	vst v63  }
0x1f6: {  	s13 =	sadd.s32 $0xA3C0, s13  }
.Ltmp6:
0x1f7: {  	_ = 	snop;
	(pc) =	sbr.rel .LBB2_7-.Ltmp6, $1  }
0x1f8: {  	_ =	sdelay $0x3  }
.LBB2_9:
0x1f9: {  	_ =	sfence.sel $0x180000  }
0x1fa: {  	[bflag:$0x0] =	sbarrier.arrive $0xFFFF  }
0x1fb: {  	_ =	strace $0x9000004A  }
0x1fc: {  	s0 =	stileid.u32;
	[bflag:$0x2] =	sbarrier.arrive $0xFFFF  }
0x1fd: {  	p0 =	sne.s32 s0, $0x0;
	s0 =	rddreg [dreg:$0x2]  }
0x1fe: {  	s0 =	sadd.s32 @!p0 $0x100000, s0  }
0x1ff: {  	[sflag:s0] =	ssyncadd.tile.s32 @!p0 $0x1;
	_ =	shalt  }
.Lfunc_end2:
_tile_overlayer_lowered:
.L_overlay_start_2:
0x200: {  	(tag) =	ssettag $0x2  }
0x201: {  	s0 =	rddreg [dreg:$0x0];
	s2 =	stileid.u32  }
0x202: {  	s1 =	rddreg [dreg:$0x1];
	p0 =	sne.s32 s2, $0x0  }
0x203: {  	s3 =	rddreg [dreg:$0x2];
	[bflag:$0x3] =	sbarrier.arrive $0xFFFF;
	s2 =	simm.s32 @!p0 $0x1C11  }
0x204: {  	[timem:s3], [sflag:s2] =	dma.local @!p0 [hbm:s0], s1  }
0x205: {  	s0 =	simm.s32 @!p0 $0x11  }
0x206: {  	_ =	swait.ge @!p0 [sflag:s0], s1  }
0x207: {  	s1 =	ssub.s32 @!p0 $0x0, s1;
	[sflag:s0] =	ssyncset.done @!p0 $0x0  }
0x208: {  	[sflag:s0] =	ssyncadd.s32 @!p0 s1  }
0x209: {  	[bflag:$0x3] =	sbarrier.arrive $0xFFFF  }
0x20a: {  	_ =	shalt  }

// kernel: kernel.7.cloned.1.call-start
scs
__scs_entry_jumppad:
0x0: {  	(pc) =	sbr.rel $0x88, $3  }
0x1: {  	(tag) =	ssettag $0x0;
	lr =	simm.s32 $0x1  }
0x2: {  	[smem:$0x3F8B] =	sst lr;
	_ =	strace $0xD0000000  }
0x3: {  	_ = 	snop  }
0x4: {  	_ = 	snop  }
0x5: {  	_ = 	snop  }
0x6: {  	_ = 	snop  }
0x7: {  	_ = 	snop  }
__scs_overlays_trampoline_lowered:
0x8: {  	[smem:$0x3F9A] =	sst s0  }
0x9: {  	[smem:$0x3F9B] =	sst s1  }
0xa: {  	[smem:$0x3F9C] =	sst s2  }
0xb: {  	[smem:$0x3F9D] =	sst s3  }
0xc: {  	[smem:$0x3F9E] =	sst s4  }
0xd: {  	[smem:$0x3F9F] =	sst s5  }
0xe: {  	[smem:$0x3FA0] =	sst s6  }
0xf: {  	[smem:$0x3FA1] =	sst s7  }
0x10: {  	[smem:$0x3FA2] =	sst s8  }
0x11: {  	[smem:$0x3FA3] =	sst s9;
	s0 =	simm.s32 @!p0 $0x0  }
0x12: {  	s1 =	sld [smem:$0x3F89];
	s0 =	simm.s32 @p0 $0x1  }
0x13: {  	[smem:$0x3FA4] =	sst s0;
	s0 =	simm.s32 @!p1 $0x0  }
0x14: {  	s2 =	sld [smem:$0x3F88];
	s0 =	simm.s32 @p1 $0x1  }
0x15: {  	[smem:$0x3FA5] =	sst s0;
	s0 =	simm.s32 @!p2 $0x0  }
0x16: {  	s3 =	sld [smem:$0x3FDB];
	s0 =	simm.s32 @p2 $0x1  }
0x17: {  	s4 =	simm.s32 $0x1BF5;
	[smem:$0x3FA7] =	sst s0  }
0x18: {  	s0 =	sld [smem:$0x3F8A];
	_ =	swait.ge [sflag:s4], $0x0  }
0x19: {  	s7 =	sld [smem:$0x3F8B]  }
0x1a: {  	s8 =	sadd.s32 $0xFFFFE003, lr  }
0x1b: {  	s9 =	sadd.s32 $0xFFFFFEF7, lr;
	s5 =	simm.s32 $0xFFFFFFFF;
	p2 =	slt.u32 s8, $0xFFFFF086  }
0x1c: {  	p1 =	slt.u32 s9, $0xF7A;
	s5 =	simm.s32 @!p2 $0x0  }
0x1d: {  	s5 =	simm.s32 @p1 $0x1;
	p0 =	seq.s32 s7, s2  }
0x1e: {  	s7 =	smul.u32 @!p0 $0xF7A, s2;
	p2 =	seq.s32 @!p0 s5, $0x0  }
0x1f: {  	s9 =	smul.u32 $0xF7A, s1;
	s8 =	simm.s32 @!p0 $0x1BF5;
	p2 =	por !p2, p0  }
0x20: {  	[sflag:s8] =	ssyncset.s32 @!p0 $0xFFFFF086;
	s6 =	sadd.s32 @!p0 s3, s7;
	s7 =	simm.s32 @!p0 $0x108  }
0x21: {  	s3 =	sadd.s32 s3, s9;
	s6 =	sadd.s32 @!p0 $0x88, s6;
	s7 =	simm.s32 @p2 $0x1082  }
0x22: {  	[simem:s7], [sflag:s8] =	dma.local @!p0 [hbm:s6], $0xF7A  }
0x23: {  	s9 =	sor.u32 $0xD0000000, s2;
	s6 =	simm.s32 $0x108;
	_ =	swait.ge @!p0 [sflag:s8], $0x0  }
0x24: {  	s3 =	sadd.s32 $0x88, s3;
	s6 =	simm.s32 @!p1 $0x1082;
	[sflag:s4] =	ssyncset.s32 $0xFFFFF086  }
0x25: {  	[simem:s6], [sflag:s4] =	dma.local [hbm:s3], $0xF7A  }
0x26: {  	[smem:$0x3F8B] =	sst s1;
	(tag) =	ssettag s2;
	_ =	strace s9  }
0x27: {  	s1 =	sld [smem:$0x3F9B]  }
0x28: {  	s2 =	sld [smem:$0x3F9C]  }
0x29: {  	s4 =	sld [smem:$0x3F9E]  }
0x2a: {  	p0 =	seq.s32 s5, $0x0;
	s5 =	sld [smem:$0x3F9F]  }
0x2b: {  	s6 =	sld [smem:$0x3FA0]  }
0x2c: {  	s7 =	sld [smem:$0x3FA1]  }
0x2d: {  	s3 =	simm.s32 $0x108;
	s8 =	sld [smem:$0x3FA2]  }
0x2e: {  	s3 =	simm.s32 @!p0 $0x1082;
	s9 =	sld [smem:$0x3FA3]  }
0x2f: {  	lr =	sadd.s32 s0, s3;
	s0 =	sld [smem:$0x3F9A]  }
0x30: {  	s3 =	sld [smem:$0x3F9D]  }
0x31: {  	[smem:$0x3FA6] =	sst s10  }
0x32: {  	s10 =	sld [smem:$0x3FA4];
	_ =	sdelay $0x3  }
0x33: {  	p0 =	seq.s32 s10, $0x1;
	s10 =	sld [smem:$0x3FA6];
	_ =	sdelay $0x3  }
0x34: {  	[smem:$0x3FA6] =	sst s10  }
0x35: {  	s10 =	sld [smem:$0x3FA5];
	_ =	sdelay $0x3  }
0x36: {  	p1 =	seq.s32 s10, $0x1;
	s10 =	sld [smem:$0x3FA6];
	_ =	sdelay $0x3  }
0x37: {  	[smem:$0x3FA6] =	sst s10  }
0x38: {  	s10 =	sld [smem:$0x3FA7]  }
0x39: {  	_ = 	snop;
	(pc) =	sbr.ind lr, $3  }
0x3a: {  	_ = 	snop  }
0x3b: {  	_ = 	snop  }
0x3c: {  	p2 =	seq.s32 s10, $0x1;
	s10 =	sld [smem:$0x3FA6]  }
0x3d: {  	_ =	shalt  }
0x3e: {  	_ =	shalt  }
0x3f: {  	_ =	shalt  }
0x40: {  	_ =	shalt  }
0x41: {  	_ =	shalt  }
0x42: {  	_ =	shalt  }
0x43: {  	_ =	shalt  }
0x44: {  	_ =	shalt  }
0x45: {  	_ =	shalt  }
0x46: {  	_ =	shalt  }
0x47: {  	_ =	shalt  }
0x48: {  	_ =	shalt  }
0x49: {  	_ =	shalt  }
0x4a: {  	_ =	shalt  }
0x4b: {  	_ =	shalt  }
0x4c: {  	_ =	shalt  }
0x4d: {  	_ =	shalt  }
0x4e: {  	_ =	shalt  }
0x4f: {  	_ =	shalt  }
0x50: {  	_ =	shalt  }
0x51: {  	_ =	shalt  }
0x52: {  	_ =	shalt  }
0x53: {  	_ =	shalt  }
0x54: {  	_ =	shalt  }
0x55: {  	_ =	shalt  }
0x56: {  	_ =	shalt  }
0x57: {  	_ =	shalt  }
0x58: {  	_ =	shalt  }
0x59: {  	_ =	shalt  }
0x5a: {  	_ =	shalt  }
0x5b: {  	_ =	shalt  }
0x5c: {  	_ =	shalt  }
0x5d: {  	_ =	shalt  }
0x5e: {  	_ =	shalt  }
0x5f: {  	_ =	shalt  }
0x60: {  	_ =	shalt  }
0x61: {  	_ =	shalt  }
0x62: {  	_ =	shalt  }
0x63: {  	_ =	shalt  }
0x64: {  	_ =	shalt  }
0x65: {  	_ =	shalt  }
0x66: {  	_ =	shalt  }
0x67: {  	_ =	shalt  }
0x68: {  	_ =	shalt  }
0x69: {  	_ =	shalt  }
0x6a: {  	_ =	shalt  }
0x6b: {  	_ =	shalt  }
0x6c: {  	_ =	shalt  }
0x6d: {  	_ =	shalt  }
0x6e: {  	_ =	shalt  }
0x6f: {  	_ =	shalt  }
0x70: {  	_ =	shalt  }
0x71: {  	_ =	shalt  }
0x72: {  	_ =	shalt  }
0x73: {  	_ =	shalt  }
0x74: {  	_ =	shalt  }
0x75: {  	_ =	shalt  }
0x76: {  	_ =	shalt  }
0x77: {  	_ =	shalt  }
0x78: {  	_ =	shalt  }
0x79: {  	_ =	shalt  }
0x7a: {  	_ =	shalt  }
0x7b: {  	_ =	shalt  }
0x7c: {  	_ =	shalt  }
0x7d: {  	_ =	shalt  }
0x7e: {  	_ =	shalt  }
0x7f: {  	_ =	shalt  }
0x80: {  	_ =	shalt  }
0x81: {  	_ =	shalt  }
0x82: {  	_ =	shalt  }
0x83: {  	_ =	shalt  }
0x84: {  	_ =	shalt  }
0x85: {  	_ =	shalt  }
0x86: {  	_ =	shalt  }
0x87: {  	_ =	shalt  }
.Lfunc_end0:
.L_simem_size_0:
called_computation_lowered:
.L_overlay_start_0:
0x88: {  	s2 =	sld [smem:$0x3FD9]  }
0x89: {  	s3 =	sld [smem:$0x3FFE];
	_ =	sdelay $0x1  }
0x8a: {  	s1 =	srdreg.scid  }
0x8b: {  	s0 =	sand.u32 $0x1, s1  }
0x8c: {  	s16 =	sshll.u32 s0, $0xA;
	s2 =	sadd.s32 s3, s2  }
0x8d: {  	s2 =	sadd.s32 s2, s16  }
0x8e: {  	[smem:$0x3FB2] =	sst s2  }
0x8f: {  	_ = 	snop  }
0x90: {  	(tm) =	ssettm $0x1  }
0x91: {  	s17 =	sld [smem:$0x3FFB];
	_ =	sdelay $0x3  }
0x92: {  	_ =	strace s17  }
0x93: {  	s2 =	sld [smem:$0x3FFC];
	_ =	sdelay $0x3  }
0x94: {  	_ =	strace s2  }
0x95: {  	s2 =	sld [smem:$0x3FFD];
	_ =	sdelay $0x3  }
0x96: {  	_ =	strace s2  }
0x97: {  	_ =	strace $0x8FFFFFFF  }
0x98: {  	s18 =	sld [smem:$0x3FDB];
	_ =	sdelay $0x1  }
0x99: {  	s19 =	simm.s32 $_scs_section_size  }
0x9a: {  	s4 =	simm.s32 $_size__tile_overlayer_lowered;
	s5 =	simm.s32 $_tile_overlayer_lowered  }
0x9b: {  	s22 =	simm.s32 $0x1BFF;
	s21 =	sshll.u32 s5, $0x1;
	s2 =	sadd.s32 s19, s18  }
0x9c: {  	s6 =	simm.s32 $0x0;
	s20 =	sshll.u32 s4, $0x1;
	s4 =	sadd.s32 s21, s2  }
0x9d: {  	[timem:s6], [sflag:s22] =	dma.local [hbm:s4], s20  }
0x9e: {  	_ =	swait.ge [sflag:s22], s20  }
0x9f: {  	s3 =	ssub.s32 $0x0, s20;
	[sflag:s22] =	ssyncset.done $0x0  }
0xa0: {  	[sflag:s22] =	ssyncadd.s32 s3;
	_ =	sdelay $0x1  }
0xa1: {  	s23 =	simm.s32 $0x1B8B  }
0xa2: {  	_ =	swait.ge [sflag:s23], $0x1  }
0xa3: {  	[sflag:s23] =	ssyncset.done $0x0  }
0xa4: {  	s25 =	simm.s32 $0x1B8E;
	s24 =	sld [smem:$0x3FFE];
	[sflag:s23] =	ssyncadd.s32 $0xFFFFFFFF  }
0xa5: {  	s26 =	simm.s32 $execute0_lowered;
	[smem:$0x3FD2] =	sst s25  }
0xa6: {  	s4 =	sshll.u32 s26, $0x1;
	_ =	strace $0x80000046;
	[dreg:$0x1] =	wrdreg $0xFFFFFFFF  }
0xa7: {  	s28 =	simm.s32 $_size_execute0_lowered;
	s2 =	sadd.s32 s2, s4;
	[dreg:$0x0] =	wrdreg $0x0  }
0xa8: {  	s4 =	sshll.u32 s28, $0x1;
	[dreg:$0x2] =	wrdreg s2  }
0xa9: {  	[dreg:$0x3] =	wrdreg s4  }
0xaa: {  	[dreg:$0x4] =	wrdreg $0xC0  }
0xab: {  	_ =	task [dreg:s6], $0x5FFFF  }
0xac: {  	[dreg:$0x1] =	wrdreg $0xFFFFFFFF  }
0xad: {  	[dreg:$0x0] =	wrdreg $0x60  }
0xae: {  	[dreg:$0x2] =	wrdreg s24  }
0xaf: {  	[dreg:$0x3] =	wrdreg $0x0  }
0xb0: {  	[dreg:$0x4] =	wrdreg $0xC3800  }
0xb1: {  	[dreg:$0x5] =	wrdreg $0x9  }
0xb2: {  	_ =	task.clear_ibuf [dreg:s6], $0x6FFFF;
	_ =	strace $0x90000046  }
0xb3: {  	s29 =	simm.s32 $0x9;
	_ =	strace $0x80000048  }
0xb4: {  	_ =	swait.ge [sflag:s29], $0x1  }
0xb5: {  	[sflag:s29] =	ssyncadd.s32 $0xFFFFFFFF  }
0xb6: {  	_ =	strace $0x90000048  }
0xb7: {  	_ =	sfence  }
0xb8: {  	s30 =	sld [smem:$0x0];
	_ =	sdelay $0x2  }
0xb9: {  	s31 =	sshll.u32 s1, $0xD;
	s1 =	sshrl.u32 s1, $0x2  }
0xba: {  	s3 =	sand.u32 $0x4000, s31;
	s1 =	sadd.s32 s1, s30  }
0xbb: {  	s0 =	sor.u32 s3, s0;
	s1 =	sshll.u32 s1, $0x11  }
0xbc: {  	s0 =	sor.u32 s1, s0  }
0xbd: {  	s0 =	sadd.s32 $0x8F2B, s0  }
0xbe: {  	[sflag:s0] =	ssyncadd.remote.s32 $0x1  }
0xbf: {  	_ =	sfence.sel $0xFFFF  }
0xc0: {  	[dreg:$0x0] =	wrdreg $0xFFFFFFFF;
	(pc) =	sbr.abs _section_cstart, $3  }
0xc1: {  	[dreg:$0x1] =	wrdreg $0xFFFFFFFF  }
0xc2: {  	_ =	task.clear_ibuf [dreg:s6], $0x2FFFF;
	_ =	strace $0x9FFFFFFF  }
0xc3: {  	(tm) =	ssettm $0x7FFFFFFF  }
tec
execute0_lowered:
.L_overlay_start_1:
0x0: {  	(tag) =	ssettag $0x1  }
0x1: {  	s7 =	rddreg [dreg:$0x0]  }
0x2: {  	s2 =	rddreg [dreg:$0x1]  }
0x3: {  	s0 =	srdreg.scid;
	s3 =	rddreg [dreg:$0x2]  }
0x4: {  	s1 =	rddreg [dreg:$0x3];
	s4 =	simm.s32 $0x0;
	s8 =	sand.u32 $0x1, s0  }
0x5: {  	s16 =	simm.s32 $0x1E700;
	s0 =	stileid.u32;
	s5 =	smul.u32 $0x26000, s8  }
0x6: {  	s17 =	simm.s32 $0x19B00;
	s18 =	simm.s32 $0x1C100;
	s6 =	smul.u32 $0x2600, s0  }
0x7: {  	s19 =	simm.s32 $0x40;
	s20 =	simm.s32 $0x1;
	s9 =	smul.u32 $0xC380, s0  }
0x8: {  	s21 =	simm.s32 $0x2;
	s22 =	simm.s32 $0x0;
	s10 =	smul.u32 $0xC3800, s8  }
0x9: {  	[smem:$0x7FF] =	sst s4;
	s13 =	smul.u32 $0x14000, s8;
	s8 =	ssub.s32 $0x2, s8  }
0xa: {  	s11 =	smul.u32 $0x1400, s0;
	_ =	strace $0x80000047;
	s31 =	sshrl.u32 s8, $0x1  }
0xb: {  	s5 =	sadd.s32 s6, s5;
	s6 =	sadd.s32 $0x16800, s7;
	s10 =	sadd.s32 s9, s10  }
0xc: {  	s13 =	sadd.s32 s11, s13;
	s5 =	sshrl.u32 s5, $0x3;
	s10 =	sshrl.u32 s10, $0x3  }
0xd: {  	s30 =	sshrl.u32 s13, $0x3;
	s13 =	ssub.s32 s8, s31;
	s8 =	sadd.s32 s11, s3  }
0xe: {  	s12 =	sadd.s32 s5, s7;
	s5 =	sadd.s32 $0x16A00, s7;
	s14 =	sadd.s32 s10, s7  }
0xf: {  	s15 =	sadd.s32 s30, s7;
	s7 =	sadd.s32 s9, s2;
	s13 =	smax.u32 s13, $0x1  }
0x10: {  	s9 =	sadd.s32 $0xD000, s12;
	s10 =	sadd.s32 $0x3800, s12;
	s11 =	sadd.s32 $0x18400, s14  }
0x11: {  	s12 =	sadd.s32 $0x49200, s15;
	s14 =	simm.s32 $0xD780;
	s15 =	simm.s32 $0x3  }
.LBB2_1:
0x12: {  	[tilespmem:s14], [sflag:$0x3] =	stream.linear.gather [hbm4b:s5+s4], $0xC380, $0x38;
	[tilespmem:$0x1EB00] =	vst v63  }
0x13: {  	_ =	swait.ge [sflag:s15], $0xC380  }
0x14: {  	[sflag:s15] =	ssyncset.done $0x0  }
0x15: {  	[sflag:s15] =	ssyncadd.s32 $0xFFFF3C80  }
0x16: {  	[spmem:s7] =	stream.linear.scatter [tilespmem:s14], [sflag:$0x3], $0xC380, $0x38;
	[tilespmem:$0x1EB00] =	vst v63  }
0x17: {  	_ =	swait.ge [sflag:s15], $0xC380  }
0x18: {  	[sflag:s15] =	ssyncset.done $0x0  }
0x19: {  	[sflag:s15] =	ssyncadd.s32 $0xFFFF3C80  }
0x1a: {  	[spmem:s8] =	stream.linear.scatter [tilespmem:s14], [sflag:$0x3], $0x1400, $0x38;
	[tilespmem:$0x1EB00] =	vst v63  }
0x1b: {  	_ =	swait.ge [sflag:s15], $0x1400  }
0x1c: {  	[sflag:s15] =	ssyncset.done $0x0  }
0x1d: {  	[sflag:s15] =	ssyncadd.s32 $0xFFFFEC00  }
0x1e: {  	[tilespmem:s16], [sflag:$0x3] =	stream.linear.gather [hbm4b:s6+s4], $0x400, $0x38;
	[tilespmem:$0x1EB00] =	vst v63  }
0x1f: {  	_ =	swait.ge [sflag:s15], $0x400  }
0x20: {  	[sflag:s15] =	ssyncset.done $0x0  }
0x21: {  	[sflag:s15] =	ssyncadd.s32 $0xFFFFFC00  }
0x22: {  	[tilespmem:s17], [sflag:$0x3] =	stream.linear.gather [hbm4b:s9+s4], $0x2600, $0x38;
	[tilespmem:$0x1EB00] =	vst v63  }
0x23: {  	_ =	swait.ge [sflag:s15], $0x2600  }
0x24: {  	[sflag:s15] =	ssyncset.done $0x0  }
0x25: {  	[sflag:s15] =	ssyncadd.s32 $0xFFFFDA00  }
0x26: {  	[tilespmem:s18], [sflag:$0x3] =	stream.linear.gather [hbm4b:s10+s4], $0x2600, $0x38;
	[tilespmem:$0x1EB00] =	vst v63  }
0x27: {  	_ =	swait.ge [sflag:s15], $0x2600  }
0x28: {  	[sflag:s15] =	ssyncset.done $0x0  }
0x29: {  	[sflag:s15] =	ssyncadd.s32 $0xFFFFDA00  }
0x2a: {  	s23 =	simm.s32 $0x19B00;
	[bflag:$0x0] =	sbarrier.arrive $0xFFFF  }
0x2b: {  	[spmem:s2] =	stream.indirect.scatter.add.f32 [tilespmem:s16], [sflag:$0x1], $0x10, s23, s19, $0xb8;
	[tilespmem:$0x1EB00] =	vst v63  }
0x2c: {  	s31 =	simm.s32 $0x1C100  }
0x2d: {  	[spmem:s3] =	stream.indirect.scatter.add.f32 [tilespmem:s16], [sflag:$0x2], $0x10, s31, s19, $0xb8;
	[tilespmem:$0x1EB00] =	vst v63  }
0x2e: {  	s24 =	simm.s32 $0x19B40  }
0x2f: {  	[spmem:s2] =	stream.indirect.scatter.add.f32 [tilespmem:s16], [sflag:$0x1], $0x10, s24, s19, $0xb8;
	[tilespmem:$0x1EB00] =	vst v63  }
0x30: {  	s25 =	simm.s32 $0x1C140  }
0x31: {  	[spmem:s3] =	stream.indirect.scatter.add.f32 [tilespmem:s16], [sflag:$0x2], $0x10, s25, s19, $0xb8;
	[tilespmem:$0x1EB00] =	vst v63  }
0x32: {  	s26 =	simm.s32 $0x19B80  }
0x33: {  	[spmem:s2] =	stream.indirect.scatter.add.f32 [tilespmem:s16], [sflag:$0x1], $0x10, s26, s19, $0xb8;
	[tilespmem:$0x1EB00] =	vst v63  }
0x34: {  	s28 =	simm.s32 $0x1C180  }
0x35: {  	[spmem:s3] =	stream.indirect.scatter.add.f32 [tilespmem:s16], [sflag:$0x2], $0x10, s28, s19, $0xb8;
	[tilespmem:$0x1EB00] =	vst v63  }
0x36: {  	s29 =	simm.s32 $0x19BC0  }
0x37: {  	[spmem:s2] =	stream.indirect.scatter.add.f32 [tilespmem:s16], [sflag:$0x1], $0x10, s29, s19, $0xb8;
	[tilespmem:$0x1EB00] =	vst v63  }
0x38: {  	s30 =	simm.s32 $0x1C1C0  }
0x39: {  	[spmem:s3] =	stream.indirect.scatter.add.f32 [tilespmem:s16], [sflag:$0x2], $0x10, s30, s19, $0xb8;
	[tilespmem:$0x1EB00] =	vst v63  }
0x3a: {  	s31 =	simm.s32 $0x19C00  }
0x3b: {  	[spmem:s2] =	stream.indirect.scatter.add.f32 [tilespmem:s16], [sflag:$0x1], $0x10, s31, s19, $0xb8;
	[tilespmem:$0x1EB00] =	vst v63  }
0x3c: {  	s24 =	simm.s32 $0x1C200  }
0x3d: {  	[spmem:s3] =	stream.indirect.scatter.add.f32 [tilespmem:s16], [sflag:$0x2], $0x10, s24, s19, $0xb8;
	[tilespmem:$0x1EB00] =	vst v63  }
0x3e: {  	s25 =	simm.s32 $0x19C40  }
0x3f: {  	[spmem:s2] =	stream.indirect.scatter.add.f32 [tilespmem:s16], [sflag:$0x1], $0x10, s25, s19, $0xb8;
	[tilespmem:$0x1EB00] =	vst v63  }
0x40: {  	s26 =	simm.s32 $0x1C240  }
0x41: {  	[spmem:s3] =	stream.indirect.scatter.add.f32 [tilespmem:s16], [sflag:$0x2], $0x10, s26, s19, $0xb8;
	[tilespmem:$0x1EB00] =	vst v63  }
0x42: {  	s28 =	simm.s32 $0x19C80  }
0x43: {  	[spmem:s2] =	stream.indirect.scatter.add.f32 [tilespmem:s16], [sflag:$0x1], $0x10, s28, s19, $0xb8;
	[tilespmem:$0x1EB00] =	vst v63  }
0x44: {  	s29 =	simm.s32 $0x1C280  }
0x45: {  	[spmem:s3] =	stream.indirect.scatter.add.f32 [tilespmem:s16], [sflag:$0x2], $0x10, s29, s19, $0xb8;
	[tilespmem:$0x1EB00] =	vst v63  }
0x46: {  	s30 =	simm.s32 $0x19CC0  }
0x47: {  	[spmem:s2] =	stream.indirect.scatter.add.f32 [tilespmem:s16], [sflag:$0x1], $0x10, s30, s19, $0xb8;
	[tilespmem:$0x1EB00] =	vst v63  }
0x48: {  	s31 =	simm.s32 $0x1C2C0  }
0x49: {  	[spmem:s3] =	stream.indirect.scatter.add.f32 [tilespmem:s16], [sflag:$0x2], $0x10, s31, s19, $0xb8;
	[tilespmem:$0x1EB00] =	vst v63  }
0x4a: {  	_ =	swait.ge [sflag:s20], $0x400  }
0x4b: {  	[sflag:s20] =	ssyncset.done $0x0  }
0x4c: {  	[sflag:s20] =	ssyncadd.s32 $0xFFFFFC00  }
0x4d: {  	_ =	swait.ge [sflag:s21], $0x400  }
0x4e: {  	[sflag:s21] =	ssyncset.done $0x0  }
0x4f: {  	[sflag:s21] =	ssyncadd.s32 $0xFFFFFC00  }
0x50: {  	_ =	swait.ge [sflag:s20], $0x400  }
0x51: {  	[sflag:s20] =	ssyncset.done $0x0  }
0x52: {  	[sflag:s20] =	ssyncadd.s32 $0xFFFFFC00  }
0x53: {  	_ =	swait.ge [sflag:s21], $0x400  }
0x54: {  	[sflag:s21] =	ssyncset.done $0x0  }
0x55: {  	[sflag:s21] =	ssyncadd.s32 $0xFFFFFC00  }
0x56: {  	_ =	swait.ge [sflag:s20], $0x400  }
0x57: {  	[sflag:s20] =	ssyncset.done $0x0  }
0x58: {  	[sflag:s20] =	ssyncadd.s32 $0xFFFFFC00  }
0x59: {  	_ =	swait.ge [sflag:s21], $0x400  }
0x5a: {  	[sflag:s21] =	ssyncset.done $0x0  }
0x5b: {  	[sflag:s21] =	ssyncadd.s32 $0xFFFFFC00  }
0x5c: {  	_ =	swait.ge [sflag:s20], $0x400  }
0x5d: {  	[sflag:s20] =	ssyncset.done $0x0  }
0x5e: {  	[sflag:s20] =	ssyncadd.s32 $0xFFFFFC00  }
0x5f: {  	_ =	swait.ge [sflag:s21], $0x400  }
0x60: {  	[sflag:s21] =	ssyncset.done $0x0  }
0x61: {  	[sflag:s21] =	ssyncadd.s32 $0xFFFFFC00  }
0x62: {  	_ =	swait.ge [sflag:s20], $0x400  }
0x63: {  	[sflag:s20] =	ssyncset.done $0x0  }
0x64: {  	[sflag:s20] =	ssyncadd.s32 $0xFFFFFC00  }
0x65: {  	_ =	swait.ge [sflag:s21], $0x400  }
0x66: {  	[sflag:s21] =	ssyncset.done $0x0  }
0x67: {  	[sflag:s21] =	ssyncadd.s32 $0xFFFFFC00  }
0x68: {  	_ =	swait.ge [sflag:s20], $0x400  }
0x69: {  	[sflag:s20] =	ssyncset.done $0x0  }
0x6a: {  	[sflag:s20] =	ssyncadd.s32 $0xFFFFFC00  }
0x6b: {  	_ =	swait.ge [sflag:s21], $0x400  }
0x6c: {  	[sflag:s21] =	ssyncset.done $0x0  }
0x6d: {  	[sflag:s21] =	ssyncadd.s32 $0xFFFFFC00  }
0x6e: {  	_ =	swait.ge [sflag:s20], $0x400  }
0x6f: {  	[sflag:s20] =	ssyncset.done $0x0  }
0x70: {  	[sflag:s20] =	ssyncadd.s32 $0xFFFFFC00  }
0x71: {  	_ =	swait.ge [sflag:s21], $0x400  }
0x72: {  	[sflag:s21] =	ssyncset.done $0x0  }
0x73: {  	[sflag:s21] =	ssyncadd.s32 $0xFFFFFC00  }
0x74: {  	_ =	swait.ge [sflag:s20], $0x400  }
0x75: {  	[sflag:s20] =	ssyncset.done $0x0  }
0x76: {  	[sflag:s20] =	ssyncadd.s32 $0xFFFFFC00  }
0x77: {  	_ =	swait.ge [sflag:s21], $0x400  }
0x78: {  	s25 =	simm.s32 $0x200;
	s26 =	simm.s32 $0x1000;
	[sflag:s21] =	ssyncset.done $0x0  }
.LBB2_2:
0x79: {  	s28 =	sadd.s32 $0x19B00, s25  }
0x7a: {  	[sflag:s21] =	ssyncadd.s32 $0xFFFFFC00;
	s24 =	smov.u32 s26;
	s23 =	sadd.s32 $0x800, s26  }
0x7b: {  	[spmem:s2] =	stream.indirect.scatter.add.f32 [tilespmem:s16], [sflag:$0x1], $0x10, s28, s19, $0xb8;
	[tilespmem:$0x1EB00] =	vst v63  }
0x7c: {  	p0 =	sne.s32 s26, $0x9000;
	s26 =	sadd.s32 $0x1C100, s25  }
0x7d: {  	[spmem:s3] =	stream.indirect.scatter.add.f32 [tilespmem:s16], [sflag:$0x2], $0x10, s26, s19, $0xb8;
	[tilespmem:$0x1EB00] =	vst v63  }
0x7e: {  	s26 =	sadd.s32 $0x19B40, s25  }
0x7f: {  	[spmem:s2] =	stream.indirect.scatter.add.f32 [tilespmem:s16], [sflag:$0x1], $0x10, s26, s19, $0xb8;
	[tilespmem:$0x1EB00] =	vst v63  }
0x80: {  	s26 =	sadd.s32 $0x1C140, s25  }
0x81: {  	[spmem:s3] =	stream.indirect.scatter.add.f32 [tilespmem:s16], [sflag:$0x2], $0x10, s26, s19, $0xb8;
	[tilespmem:$0x1EB00] =	vst v63  }
0x82: {  	s26 =	sadd.s32 $0x19B80, s25  }
0x83: {  	[spmem:s2] =	stream.indirect.scatter.add.f32 [tilespmem:s16], [sflag:$0x1], $0x10, s26, s19, $0xb8;
	[tilespmem:$0x1EB00] =	vst v63  }
0x84: {  	s26 =	sadd.s32 $0x1C180, s25  }
0x85: {  	[spmem:s3] =	stream.indirect.scatter.add.f32 [tilespmem:s16], [sflag:$0x2], $0x10, s26, s19, $0xb8;
	[tilespmem:$0x1EB00] =	vst v63  }
0x86: {  	s26 =	sadd.s32 $0x19BC0, s25  }
0x87: {  	[spmem:s2] =	stream.indirect.scatter.add.f32 [tilespmem:s16], [sflag:$0x1], $0x10, s26, s19, $0xb8;
	[tilespmem:$0x1EB00] =	vst v63  }
0x88: {  	s26 =	sadd.s32 $0x1C1C0, s25  }
0x89: {  	[spmem:s3] =	stream.indirect.scatter.add.f32 [tilespmem:s16], [sflag:$0x2], $0x10, s26, s19, $0xb8;
	[tilespmem:$0x1EB00] =	vst v63  }
0x8a: {  	s26 =	sadd.s32 $0x19C00, s25  }
0x8b: {  	[spmem:s2] =	stream.indirect.scatter.add.f32 [tilespmem:s16], [sflag:$0x1], $0x10, s26, s19, $0xb8;
	[tilespmem:$0x1EB00] =	vst v63  }
0x8c: {  	s26 =	sadd.s32 $0x1C200, s25  }
0x8d: {  	[spmem:s3] =	stream.indirect.scatter.add.f32 [tilespmem:s16], [sflag:$0x2], $0x10, s26, s19, $0xb8;
	[tilespmem:$0x1EB00] =	vst v63  }
0x8e: {  	s26 =	sadd.s32 $0x19C40, s25  }
0x8f: {  	[spmem:s2] =	stream.indirect.scatter.add.f32 [tilespmem:s16], [sflag:$0x1], $0x10, s26, s19, $0xb8;
	[tilespmem:$0x1EB00] =	vst v63  }
0x90: {  	s26 =	sadd.s32 $0x1C240, s25  }
0x91: {  	[spmem:s3] =	stream.indirect.scatter.add.f32 [tilespmem:s16], [sflag:$0x2], $0x10, s26, s19, $0xb8;
	[tilespmem:$0x1EB00] =	vst v63  }
0x92: {  	s26 =	sadd.s32 $0x19C80, s25  }
0x93: {  	[spmem:s2] =	stream.indirect.scatter.add.f32 [tilespmem:s16], [sflag:$0x1], $0x10, s26, s19, $0xb8;
	[tilespmem:$0x1EB00] =	vst v63  }
0x94: {  	s26 =	sadd.s32 $0x1C280, s25  }
0x95: {  	[spmem:s3] =	stream.indirect.scatter.add.f32 [tilespmem:s16], [sflag:$0x2], $0x10, s26, s19, $0xb8;
	[tilespmem:$0x1EB00] =	vst v63  }
0x96: {  	s26 =	sadd.s32 $0x19CC0, s25  }
0x97: {  	[spmem:s2] =	stream.indirect.scatter.add.f32 [tilespmem:s16], [sflag:$0x1], $0x10, s26, s19, $0xb8;
	[tilespmem:$0x1EB00] =	vst v63  }
0x98: {  	s25 =	sadd.s32 $0x1C2C0, s25  }
0x99: {  	[spmem:s3] =	stream.indirect.scatter.add.f32 [tilespmem:s16], [sflag:$0x2], $0x10, s25, s19, $0xb8;
	[tilespmem:$0x1EB00] =	vst v63  }
0x9a: {  	_ =	swait.ge [sflag:s20], $0x400  }
0x9b: {  	[sflag:s20] =	ssyncset.done $0x0  }
0x9c: {  	[sflag:s20] =	ssyncadd.s32 $0xFFFFFC00  }
0x9d: {  	_ =	swait.ge [sflag:s21], $0x400  }
0x9e: {  	[sflag:s21] =	ssyncset.done $0x0  }
0x9f: {  	[sflag:s21] =	ssyncadd.s32 $0xFFFFFC00  }
0xa0: {  	_ =	swait.ge [sflag:s20], $0x400  }
0xa1: {  	[sflag:s20] =	ssyncset.done $0x0  }
0xa2: {  	[sflag:s20] =	ssyncadd.s32 $0xFFFFFC00  }
0xa3: {  	_ =	swait.ge [sflag:s21], $0x400  }
0xa4: {  	[sflag:s21] =	ssyncset.done $0x0  }
0xa5: {  	[sflag:s21] =	ssyncadd.s32 $0xFFFFFC00  }
0xa6: {  	_ =	swait.ge [sflag:s20], $0x400  }
0xa7: {  	[sflag:s20] =	ssyncset.done $0x0  }
0xa8: {  	[sflag:s20] =	ssyncadd.s32 $0xFFFFFC00  }
0xa9: {  	_ =	swait.ge [sflag:s21], $0x400  }
0xaa: {  	[sflag:s21] =	ssyncset.done $0x0  }
0xab: {  	[sflag:s21] =	ssyncadd.s32 $0xFFFFFC00  }
0xac: {  	_ =	swait.ge [sflag:s20], $0x400  }
0xad: {  	[sflag:s20] =	ssyncset.done $0x0  }
0xae: {  	[sflag:s20] =	ssyncadd.s32 $0xFFFFFC00  }
0xaf: {  	_ =	swait.ge [sflag:s21], $0x400  }
0xb0: {  	[sflag:s21] =	ssyncset.done $0x0  }
0xb1: {  	[sflag:s21] =	ssyncadd.s32 $0xFFFFFC00  }
0xb2: {  	_ =	swait.ge [sflag:s20], $0x400  }
0xb3: {  	[sflag:s20] =	ssyncset.done $0x0  }
0xb4: {  	[sflag:s20] =	ssyncadd.s32 $0xFFFFFC00  }
0xb5: {  	_ =	swait.ge [sflag:s21], $0x400  }
0xb6: {  	[sflag:s21] =	ssyncset.done $0x0  }
0xb7: {  	[sflag:s21] =	ssyncadd.s32 $0xFFFFFC00  }
0xb8: {  	_ =	swait.ge [sflag:s20], $0x400  }
0xb9: {  	[sflag:s20] =	ssyncset.done $0x0  }
0xba: {  	[sflag:s20] =	ssyncadd.s32 $0xFFFFFC00  }
0xbb: {  	_ =	swait.ge [sflag:s21], $0x400  }
0xbc: {  	[sflag:s21] =	ssyncset.done $0x0  }
0xbd: {  	[sflag:s21] =	ssyncadd.s32 $0xFFFFFC00  }
0xbe: {  	_ =	swait.ge [sflag:s20], $0x400  }
0xbf: {  	[sflag:s20] =	ssyncset.done $0x0  }
0xc0: {  	[sflag:s20] =	ssyncadd.s32 $0xFFFFFC00  }
0xc1: {  	_ =	swait.ge [sflag:s21], $0x400  }
0xc2: {  	[sflag:s21] =	ssyncset.done $0x0  }
0xc3: {  	[sflag:s21] =	ssyncadd.s32 $0xFFFFFC00  }
.Ltmp0:
0xc4: {  	_ =	swait.ge [sflag:s20], $0x400;
	(pc) =	sbr.rel @p0 .LBB2_2-.Ltmp0, $4  }
0xc5: {  	[sflag:s20] =	ssyncset.done $0x0  }
0xc6: {  	[sflag:s20] =	ssyncadd.s32 $0xFFFFFC00  }
0xc7: {  	_ =	swait.ge [sflag:s21], $0x400  }
0xc8: {  	s26 =	smov.u32 s23;
	s25 =	sshra.s32 s24, $0x2;
	[sflag:s21] =	ssyncset.done $0x0  }
0xc9: {  	s23 =	sadd.s32 $0x19B00, s25;
	[sflag:s21] =	ssyncadd.s32 $0xFFFFFC00  }
0xca: {  	[spmem:s2] =	stream.indirect.scatter.add.f32 [tilespmem:s16], [sflag:$0x1], $0x10, s23, s19, $0xb8;
	[tilespmem:$0x1EB00] =	vst v63  }
0xcb: {  	s29 =	sadd.s32 $0x1C100, s25  }
0xcc: {  	[spmem:s3] =	stream.indirect.scatter.add.f32 [tilespmem:s16], [sflag:$0x2], $0x10, s29, s19, $0xb8;
	[tilespmem:$0x1EB00] =	vst v63  }
0xcd: {  	s30 =	sadd.s32 $0x19B40, s25  }
0xce: {  	[spmem:s2] =	stream.indirect.scatter.add.f32 [tilespmem:s16], [sflag:$0x1], $0x10, s30, s19, $0xb8;
	[tilespmem:$0x1EB00] =	vst v63  }
0xcf: {  	s31 =	sadd.s32 $0x1C140, s25  }
0xd0: {  	[spmem:s3] =	stream.indirect.scatter.add.f32 [tilespmem:s16], [sflag:$0x2], $0x10, s31, s19, $0xb8;
	[tilespmem:$0x1EB00] =	vst v63  }
0xd1: {  	s24 =	sadd.s32 $0x19B80, s25  }
0xd2: {  	[spmem:s2] =	stream.indirect.scatter.add.f32 [tilespmem:s16], [sflag:$0x1], $0x10, s24, s19, $0xb8;
	[tilespmem:$0x1EB00] =	vst v63  }
0xd3: {  	s26 =	sadd.s32 $0x1C180, s25  }
0xd4: {  	[spmem:s3] =	stream.indirect.scatter.add.f32 [tilespmem:s16], [sflag:$0x2], $0x10, s26, s19, $0xb8;
	[tilespmem:$0x1EB00] =	vst v63  }
0xd5: {  	s28 =	sadd.s32 $0x19BC0, s25  }
0xd6: {  	[spmem:s2] =	stream.indirect.scatter.add.f32 [tilespmem:s16], [sflag:$0x1], $0x10, s28, s19, $0xb8;
	[tilespmem:$0x1EB00] =	vst v63  }
0xd7: {  	s29 =	sadd.s32 $0x1C1C0, s25  }
0xd8: {  	[spmem:s3] =	stream.indirect.scatter.add.f32 [tilespmem:s16], [sflag:$0x2], $0x10, s29, s19, $0xb8;
	[tilespmem:$0x1EB00] =	vst v63  }
0xd9: {  	s30 =	sadd.s32 $0x19C00, s25  }
0xda: {  	[spmem:s2] =	stream.indirect.scatter.add.f32 [tilespmem:s16], [sflag:$0x1], $0x10, s30, s19, $0xb8;
	[tilespmem:$0x1EB00] =	vst v63  }
0xdb: {  	s31 =	sadd.s32 $0x1C200, s25  }
0xdc: {  	[spmem:s3] =	stream.indirect.scatter.add.f32 [tilespmem:s16], [sflag:$0x2], $0x10, s31, s19, $0xb8;
	[tilespmem:$0x1EB00] =	vst v63  }
0xdd: {  	s24 =	sadd.s32 $0x19C40, s25  }
0xde: {  	[spmem:s2] =	stream.indirect.scatter.add.f32 [tilespmem:s16], [sflag:$0x1], $0x10, s24, s19, $0xb8;
	[tilespmem:$0x1EB00] =	vst v63  }
0xdf: {  	s26 =	sadd.s32 $0x1C240, s25  }
0xe0: {  	[spmem:s3] =	stream.indirect.scatter.add.f32 [tilespmem:s16], [sflag:$0x2], $0x10, s26, s19, $0xb8;
	[tilespmem:$0x1EB00] =	vst v63  }
0xe1: {  	s28 =	sadd.s32 $0x19C80, s25  }
0xe2: {  	[spmem:s2] =	stream.indirect.scatter.add.f32 [tilespmem:s16], [sflag:$0x1], $0x10, s28, s19, $0xb8;
	[tilespmem:$0x1EB00] =	vst v63  }
0xe3: {  	s29 =	sadd.s32 $0x1C280, s25  }
0xe4: {  	[spmem:s3] =	stream.indirect.scatter.add.f32 [tilespmem:s16], [sflag:$0x2], $0x10, s29, s19, $0xb8;
	[tilespmem:$0x1EB00] =	vst v63  }
0xe5: {  	s30 =	sadd.s32 $0x19CC0, s25  }
0xe6: {  	[spmem:s2] =	stream.indirect.scatter.add.f32 [tilespmem:s16], [sflag:$0x1], $0x10, s30, s19, $0xb8;
	[tilespmem:$0x1EB00] =	vst v63  }
0xe7: {  	s31 =	sadd.s32 $0x1C2C0, s25  }
0xe8: {  	[spmem:s3] =	stream.indirect.scatter.add.f32 [tilespmem:s16], [sflag:$0x2], $0x10, s31, s19, $0xb8;
	[tilespmem:$0x1EB00] =	vst v63  }
0xe9: {  	_ =	swait.ge [sflag:s20], $0x400  }
0xea: {  	[sflag:s20] =	ssyncset.done $0x0  }
0xeb: {  	[sflag:s20] =	ssyncadd.s32 $0xFFFFFC00  }
0xec: {  	_ =	swait.ge [sflag:s21], $0x400  }
0xed: {  	[sflag:s21] =	ssyncset.done $0x0  }
0xee: {  	[sflag:s21] =	ssyncadd.s32 $0xFFFFFC00  }
0xef: {  	_ =	swait.ge [sflag:s20], $0x400  }
0xf0: {  	[sflag:s20] =	ssyncset.done $0x0  }
0xf1: {  	[sflag:s20] =	ssyncadd.s32 $0xFFFFFC00  }
0xf2: {  	_ =	swait.ge [sflag:s21], $0x400  }
0xf3: {  	[sflag:s21] =	ssyncset.done $0x0  }
0xf4: {  	[sflag:s21] =	ssyncadd.s32 $0xFFFFFC00  }
0xf5: {  	_ =	swait.ge [sflag:s20], $0x400  }
0xf6: {  	[sflag:s20] =	ssyncset.done $0x0  }
0xf7: {  	[sflag:s20] =	ssyncadd.s32 $0xFFFFFC00  }
0xf8: {  	_ =	swait.ge [sflag:s21], $0x400  }
0xf9: {  	[sflag:s21] =	ssyncset.done $0x0  }
0xfa: {  	[sflag:s21] =	ssyncadd.s32 $0xFFFFFC00  }
0xfb: {  	_ =	swait.ge [sflag:s20], $0x400  }
0xfc: {  	[sflag:s20] =	ssyncset.done $0x0  }
0xfd: {  	[sflag:s20] =	ssyncadd.s32 $0xFFFFFC00  }
0xfe: {  	_ =	swait.ge [sflag:s21], $0x400  }
0xff: {  	[sflag:s21] =	ssyncset.done $0x0  }
0x100: {  	[sflag:s21] =	ssyncadd.s32 $0xFFFFFC00  }
0x101: {  	_ =	swait.ge [sflag:s20], $0x400  }
0x102: {  	[sflag:s20] =	ssyncset.done $0x0  }
0x103: {  	[sflag:s20] =	ssyncadd.s32 $0xFFFFFC00  }
0x104: {  	_ =	swait.ge [sflag:s21], $0x400  }
0x105: {  	[sflag:s21] =	ssyncset.done $0x0  }
0x106: {  	[sflag:s21] =	ssyncadd.s32 $0xFFFFFC00  }
0x107: {  	_ =	swait.ge [sflag:s20], $0x400  }
0x108: {  	[sflag:s20] =	ssyncset.done $0x0  }
0x109: {  	[sflag:s20] =	ssyncadd.s32 $0xFFFFFC00  }
0x10a: {  	_ =	swait.ge [sflag:s21], $0x400  }
0x10b: {  	[sflag:s21] =	ssyncset.done $0x0  }
0x10c: {  	[sflag:s21] =	ssyncadd.s32 $0xFFFFFC00  }
0x10d: {  	_ =	swait.ge [sflag:s20], $0x400  }
0x10e: {  	[sflag:s20] =	ssyncset.done $0x0  }
0x10f: {  	[sflag:s20] =	ssyncadd.s32 $0xFFFFFC00  }
0x110: {  	_ =	swait.ge [sflag:s21], $0x400  }
0x111: {  	[sflag:s21] =	ssyncset.done $0x0  }
0x112: {  	[sflag:s21] =	ssyncadd.s32 $0xFFFFFC00  }
0x113: {  	_ =	swait.ge [sflag:s20], $0x400  }
0x114: {  	[sflag:s20] =	ssyncset.done $0x0  }
0x115: {  	[sflag:s20] =	ssyncadd.s32 $0xFFFFFC00  }
0x116: {  	_ =	swait.ge [sflag:s21], $0x400  }
0x117: {  	[sflag:s21] =	ssyncset.done $0x0  }
0x118: {  	[sflag:s21] =	ssyncadd.s32 $0xFFFFFC00  }
0x119: {  	[bflag:$0x0] =	sbarrier.arrive $0xFFFF  }
0x11a: {  	[tilespmem:s14], [sflag:$0x3] =	stream.linear.gather [spmem:s7], $0xC380, $0x38;
	[tilespmem:$0x1EB00] =	vst v63  }
0x11b: {  	_ =	swait.ge [sflag:s15], $0xC380  }
0x11c: {  	[sflag:s15] =	ssyncset.done $0x0  }
0x11d: {  	[sflag:s15] =	ssyncadd.s32 $0xFFFF3C80  }
0x11e: {  	[hbm4b:s11+s4] =	stream.linear.scatter [tilespmem:s14], [sflag:$0x3], $0xC380, $0x38;
	[tilespmem:$0x1EB00] =	vst v63  }
0x11f: {  	_ =	swait.ge [sflag:s15], $0xC380  }
0x120: {  	[sflag:s15] =	ssyncset.done $0x0  }
0x121: {  	[sflag:s15] =	ssyncadd.s32 $0xFFFF3C80  }
0x122: {  	[tilespmem:s14], [sflag:$0x3] =	stream.linear.gather [spmem:s8], $0x1400, $0x38;
	[tilespmem:$0x1EB00] =	vst v63  }
0x123: {  	s22 =	sadd.s32 $0x1, s22;
	_ =	swait.ge [sflag:s15], $0x1400  }
0x124: {  	p0 =	sne.s32 s22, s13;
	[sflag:s15] =	ssyncset.done $0x0  }
.Ltmp1:
0x125: {  	[sflag:s15] =	ssyncadd.s32 $0xFFFFEC00;
	(pc) =	sbr.rel @p0 .LBB2_1-.Ltmp1, $4  }
0x126: {  	[hbm4b:s12+s4] =	stream.linear.scatter [tilespmem:s14], [sflag:$0x3], $0x1400, $0x38;
	[tilespmem:$0x1EB00] =	vst v63  }
0x127: {  	_ =	swait.ge [sflag:s15], $0x1400  }
0x128: {  	[sflag:s15] =	ssyncset.done $0x0  }
0x129: {  	[sflag:s15] =	ssyncadd.s32 $0xFFFFEC00  }
0x12a: {  	_ =	sfence.sel $0x180000  }
0x12b: {  	[bflag:$0x0] =	sbarrier.arrive $0xFFFF  }
0x12c: {  	p0 =	sne.s32 s0, $0x0;
	_ =	strace $0x90000047  }
0x12d: {  	s0 =	sadd.s32 @!p0 $0x100000, s1;
	[bflag:$0x2] =	sbarrier.arrive $0xFFFF  }
0x12e: {  	[sflag:s0] =	ssyncadd.tile.s32 @!p0 $0x1;
	_ =	shalt  }
.Lfunc_end2:
_tile_overlayer_lowered:
.L_overlay_start_2:
0x12f: {  	(tag) =	ssettag $0x2  }
0x130: {  	s0 =	rddreg [dreg:$0x0];
	s2 =	stileid.u32  }
0x131: {  	s1 =	rddreg [dreg:$0x1];
	p0 =	sne.s32 s2, $0x0  }
0x132: {  	s3 =	rddreg [dreg:$0x2];
	[bflag:$0x3] =	sbarrier.arrive $0xFFFF;
	s2 =	simm.s32 @!p0 $0x1C03  }
0x133: {  	[timem:s3], [sflag:s2] =	dma.local @!p0 [hbm:s0], s1  }
0x134: {  	s0 =	simm.s32 @!p0 $0x3  }
0x135: {  	_ =	swait.ge @!p0 [sflag:s0], s1  }
0x136: {  	s1 =	ssub.s32 @!p0 $0x0, s1;
	[sflag:s0] =	ssyncset.done @!p0 $0x0  }
0x137: {  	[sflag:s0] =	ssyncadd.s32 @!p0 s1  }
0x138: {  	[bflag:$0x3] =	sbarrier.arrive $0xFFFF  }
0x139: {  	_ =	shalt  }

</sc_bundles>
